<compile_context>
chip_gen: v7x
topology: tpu7x:2x2x1
jax: 0.10.2.dev20260603
libtpu: 0.0.44.dev20260713+nightly
codegen_flags: <defaults>
</compile_context>

<pallas_src>
import functools

import jax
import jax.numpy as jnp
from jax import lax
from jax.experimental import pallas as pl
from jax.experimental.pallas import tpu as pltpu
from jax.experimental.pallas import tpu_sc as plsc

N = 10000
E = 320000
NP = 10240
EP = 327680
B = 128
K = 8
NC = 20
R = 512
NBLK = NP // R
SL = NP // 16


def _mesh():
    return plsc.VectorSubcoreMesh(core_axis_name="c", subcore_axis_name="s")


def _sc_degree(dst4, ones128, dumpidx, zeros128):
    nb = EP // 32 // B

    @functools.partial(
        pl.kernel,
        out_type=jax.ShapeDtypeStruct((2, NP, 128), jnp.float32),
        mesh=_mesh(),
        scratch_types=[
            pltpu.VMEM((nb, B), jnp.int32),
            pltpu.VMEM((B, 128), jnp.float32),
            pltpu.VMEM((B,), jnp.int32),
            pltpu.VMEM_SHARED((NP, 128), jnp.float32),
            pltpu.SemaphoreType.DMA,
            pltpu.SemaphoreType.DMA,
        ],
    )
    def k(dst_hbm, ones_hbm, dump_hbm, zeros_hbm, cnt_hbm,
          dst_all, ones_v, dump, acc, sems0, sems1):
        c = lax.axis_index("c")
        s = lax.axis_index("s")
        sems = (sems0, sems1)
        pltpu.sync_copy(ones_hbm, ones_v)
        pltpu.sync_copy(dump_hbm, dump)
        pltpu.sync_copy(dst_hbm.at[c, s], dst_all)
        pltpu.sync_copy(zeros_hbm.at[pl.ds(s * SL, SL)], acc.at[pl.ds(s * SL, SL)])
        plsc.subcore_barrier()
        pltpu.async_copy(ones_v, acc.at[dump], sems[0], add=True)
        pltpu.async_copy(ones_v, acc.at[dump], sems[1], add=True)

        def s_wait(rp):
            pltpu.make_async_copy(ones_v, acc.at[dump], sems[rp]).wait()

        def body(i, carry):
            b = 2 * i
            s_wait(0)
            pltpu.async_copy(ones_v, acc.at[dst_all.at[b]], sems[0], add=True)
            s_wait(1)
            pltpu.async_copy(ones_v, acc.at[dst_all.at[b + 1]], sems[1], add=True)
            return carry

        lax.fori_loop(0, nb // 2, body, 0)
        s_wait(0)
        s_wait(1)
        plsc.subcore_barrier()
        pltpu.sync_copy(acc.at[pl.ds(s * SL, SL)],
                        cnt_hbm.at[c, pl.ds(s * SL, SL)])

    return k(dst4, ones128, dumpidx, zeros128)


def _sc_aggregate(gcat, src5, dst4a, zeros128):
    @functools.partial(
        pl.kernel,
        out_type=jax.ShapeDtypeStruct((2, NP, 128), jnp.float32),
        mesh=_mesh(),
        scratch_types=[
            pltpu.VMEM((2, K, B), jnp.int32),
            pltpu.VMEM((2, K, B), jnp.int32),
            pltpu.VMEM((2, B, 128), jnp.float32),
            pltpu.VMEM_SHARED((NP, 128), jnp.float32),
            pltpu.SemaphoreType.DMA,
            pltpu.SemaphoreType.DMA,
            pltpu.SemaphoreType.DMA,
            pltpu.SemaphoreType.DMA,
        ],
    )
    def k(g_hbm, src_hbm, dst_hbm, z_hbm, out_hbm,
          srcc, dstc, rows, acc,
          semi0, semi1, semg0, semg1):
        c = lax.axis_index("c")
        s = lax.axis_index("s")
        semi = (semi0, semi1)
        semg = (semg0, semg1)

        def idx_load(ci, p):
            pltpu.async_copy(src_hbm.at[c, s, ci], srcc.at[p], semi[p])
            pltpu.async_copy(dst_hbm.at[s, ci], dstc.at[p], semi[p])

        def idx_wait(ci, p):
            pltpu.make_async_copy(src_hbm.at[c, s, ci], srcc.at[p], semi[p]).wait()
            pltpu.make_async_copy(dst_hbm.at[s, ci], dstc.at[p], semi[p]).wait()

        def g_fire(p, j, rp):
            pltpu.async_copy(g_hbm.at[srcc.at[p, j]], rows.at[rp], semg[rp])

        def g_wait(rp):
            pltpu.make_async_copy(g_hbm.at[srcc.at[0, 0]],
                                  rows.at[rp], semg[rp]).wait()

        def do_chunk(ci, p):
            idx_wait(ci, p)
            pltpu.async_copy(g_hbm.at[srcc.at[p, 0]], rows.at[0], semg[0])
            for j in range(K):
                rp = j % 2
                if j + 1 < K:
                    g_fire(p, j + 1, 1 - rp)
                g_wait(rp)
                pltpu.sync_copy(rows.at[rp], acc.at[dstc.at[p, j]], add=True)

        pltpu.sync_copy(z_hbm.at[pl.ds(s * SL, SL)], acc.at[pl.ds(s * SL, SL)])
        idx_load(0, 0)
        idx_load(1, 1)
        plsc.subcore_barrier()

        def body(i, carry):
            a = 2 * i
            do_chunk(a, 0)

            @pl.when(a + 2 < NC)
            def _():
                idx_load(a + 2, 0)

            do_chunk(a + 1, 1)

            @pl.when(a + 3 < NC)
            def _():
                idx_load(a + 3, 1)

            return carry

        lax.fori_loop(0, NC // 2, body, 0)
        plsc.subcore_barrier()
        pltpu.sync_copy(acc.at[pl.ds(s * SL, SL)],
                        out_hbm.at[c, pl.ds(s * SL, SL)])

    return k(gcat, src5, dst4a, zeros128)


def _dot_t(a, w):
    return lax.dot_general(a, w, (((1,), (1,)), ((), ())),
                           preferred_element_type=jnp.float32)


def _tc_layer1(x_pad, W1, c0, c1):
    def body(x_ref, w_ref, c0_ref, c1_ref, g_ref, dis_ref):
        deg = c0_ref[...] + c1_ref[...] + 1.0
        dis = lax.rsqrt(deg)
        h = _dot_t(x_ref[...], w_ref[...])
        g_ref[...] = dis * h
        dis_ref[...] = dis

    return pl.pallas_call(
        body,
        grid=(2, NBLK),
        in_specs=[
            pl.BlockSpec((R, 128), lambda i, j: (j, 0)),
            pl.BlockSpec((128, 128), lambda i, j: (i, 0)),
            pl.BlockSpec((R, 1), lambda i, j: (j, 0)),
            pl.BlockSpec((R, 1), lambda i, j: (j, 0)),
        ],
        out_specs=[
            pl.BlockSpec((R, 128), lambda i, j: (i * NBLK + j, 0)),
            pl.BlockSpec((R, 1), lambda i, j: (j, 0)),
        ],
        out_shape=[
            jax.ShapeDtypeStruct((2 * NP, 128), jnp.float32),
            jax.ShapeDtypeStruct((NP, 1), jnp.float32),
        ],
    )(x_pad, W1, c0, c1)


def _tc_mid(a0, a1, g0, g1, dis, W):
    def body(a0_ref, a1_ref, g0_ref, g1_ref, dis_ref, w_ref, out_ref):
        dis = dis_ref[...]
        t0 = jnp.maximum(dis * (a0_ref[...] + g0_ref[...]), 0.0)
        t1 = jnp.maximum(dis * (a1_ref[...] + g1_ref[...]), 0.0)
        t = jnp.concatenate([t0, t1], axis=1)
        h = _dot_t(t, w_ref[...])
        out_ref[...] = dis * h

    return pl.pallas_call(
        body,
        grid=(2, NBLK),
        in_specs=[
            pl.BlockSpec((R, 128), lambda i, j: (j, 0)),
            pl.BlockSpec((R, 128), lambda i, j: (j, 0)),
            pl.BlockSpec((R, 128), lambda i, j: (j, 0)),
            pl.BlockSpec((R, 128), lambda i, j: (j, 0)),
            pl.BlockSpec((R, 1), lambda i, j: (j, 0)),
            pl.BlockSpec((128, 256), lambda i, j: (i, 0)),
        ],
        out_specs=pl.BlockSpec((R, 128), lambda i, j: (i * NBLK + j, 0)),
        out_shape=jax.ShapeDtypeStruct((2 * NP, 128), jnp.float32),
    )(a0, a1, g0, g1, dis, W)


def _tc_final(a0, a1, g0, g1, dis):
    def body(a0_ref, a1_ref, g0_ref, g1_ref, dis_ref, out_ref):
        dis = dis_ref[...]
        o0 = dis * (a0_ref[...] + g0_ref[...])
        o1 = dis * (a1_ref[...] + g1_ref[...])
        out_ref[...] = jnp.concatenate([o0, o1], axis=1)

    return pl.pallas_call(
        body,
        grid=(NBLK,),
        in_specs=[
            pl.BlockSpec((R, 128), lambda j: (j, 0)),
            pl.BlockSpec((R, 128), lambda j: (j, 0)),
            pl.BlockSpec((R, 128), lambda j: (j, 0)),
            pl.BlockSpec((R, 128), lambda j: (j, 0)),
            pl.BlockSpec((R, 1), lambda j: (j, 0)),
        ],
        out_specs=pl.BlockSpec((R, 256), lambda j: (j, 0)),
        out_shape=jax.ShapeDtypeStruct((NP, 256), jnp.float32),
    )(a0, a1, g0, g1, dis)


def kernel(x, edge_index, W1, W2, W3):
    nbd = EP // 32 // B
    src = edge_index[0].astype(jnp.int32)
    dst = edge_index[1].astype(jnp.int32)
    pad = jnp.full((EP - E,), N, jnp.int32)
    src_p = jnp.concatenate([src, pad])
    src5 = jnp.stack([src_p, src_p + NP]).reshape(2, 16, NC, K, B)
    dst_p = jnp.concatenate([dst, pad])
    dst4a = dst_p.reshape(16, NC, K, B)
    dst4 = dst_p.reshape(2, 16, nbd, B)
    x_pad = jnp.zeros((NP, 128), jnp.float32).at[:N].set(x)
    zeros128 = jnp.zeros((NP, 128), jnp.float32)
    ones128 = jnp.ones((B, 128), jnp.float32)
    dumpidx = jnp.full((B,), N, jnp.int32)

    cnt = _sc_degree(dst4, ones128, dumpidx, zeros128)
    c0 = cnt[0, :, 0:1]
    c1 = cnt[1, :, 0:1]

    gcat1, dis = _tc_layer1(x_pad, W1, c0, c1)
    agg1 = _sc_aggregate(gcat1, src5, dst4a, zeros128)
    gcat2 = _tc_mid(agg1[0], agg1[1], gcat1[:NP], gcat1[NP:], dis, W2)
    agg2 = _sc_aggregate(gcat2, src5, dst4a, zeros128)
    gcat3 = _tc_mid(agg2[0], agg2[1], gcat2[:NP], gcat2[NP:], dis, W3)
    agg3 = _sc_aggregate(gcat3, src5, dst4a, zeros128)
    out = _tc_final(agg3[0], agg3[1], gcat3[:NP], gcat3[NP:], dis)
    return out[:N]

# --- scband reference (transcript-rebuilt; emitter-appended) ---
"""Pipeline reference for scband-gnn-4569845203242 (READ-ONLY COPY).

The authoritative reference and input builder live on the scoring server;
editing this copy changes nothing except your own understanding.
"""

import jax, jax.numpy as jnp
import numpy as np

N_NODES = 10000
N_EDGES = 320000


def gcn_conv(x, edge_index, W):
    # Faithful GCNConv (PyG defaults): add self-loops, symmetric normalization,
    # linear transform (no bias), scatter-add aggregation src -> dst.
    N = x.shape[0]
    src = edge_index[0]
    dst = edge_index[1]
    loop = jnp.arange(N, dtype=edge_index.dtype)
    src = jnp.concatenate([src, loop])
    dst = jnp.concatenate([dst, loop])
    ones = jnp.ones(src.shape[0], dtype=x.dtype)
    deg = jax.ops.segment_sum(ones, dst, num_segments=N)
    deg_inv_sqrt = jnp.where(deg > 0, deg ** -0.5, 0.0)
    norm = deg_inv_sqrt[src] * deg_inv_sqrt[dst]
    h = x @ W.T  # PyG Linear: weight shape [out, in]
    msg = h[src] * norm[:, None]
    out = jax.ops.segment_sum(msg, dst, num_segments=N)
    return out


def setup_inputs(seed: int = 0) -> dict:
    key = jax.random.key(seed)
    k1, k2, k3, k4, k5 = jax.random.split(key, 5)
    x = jax.random.normal(k1, (N_NODES, 128), dtype=jnp.float32)
    edge_index = jax.random.randint(k2, (2, N_EDGES), 0, N_NODES, dtype=jnp.int64)
    # Glorot-like init for the three GCN layers (bias=False)
    W1 = jax.random.normal(k3, (256, 128), dtype=jnp.float32) * (2.0 / (128 + 256)) ** 0.5
    W2 = jax.random.normal(k4, (256, 256), dtype=jnp.float32) * (2.0 / (256 + 256)) ** 0.5
    W3 = jax.random.normal(k5, (256, 256), dtype=jnp.float32) * (2.0 / (256 + 256)) ** 0.5
    return {"x": x, "edge_index": edge_index, "W1": W1, "W2": W2, "W3": W3}


def reference(x, edge_index, W1, W2, W3):
    h = gcn_conv(x, edge_index, W1)
    h = jax.nn.relu(h)
    h = gcn_conv(h, edge_index, W2)
    h = jax.nn.relu(h)
    h = gcn_conv(h, edge_index, W3)
    return h

if __name__ == "__main__":
    import jax
    _d = setup_inputs()
    print(jax.jit(kernel)(*tuple(_d.values())))

</pallas_src>

<mosaic_0001>
#map = affine_map<(d0, d1) -> (0, 0)>
#map1 = affine_map<(d0, d1) -> (0, 0, 0, 0, 0)>
#map2 = affine_map<(d0, d1) -> (0, 0, 0, 0)>
#map3 = affine_map<(d0, d1) -> (0, 0, 0)>
module attributes {stable_mosaic.version = 14 : i64} {
  func.func @k(%arg0: i32, %arg1: i32, %arg2: memref<20480x128xf32, #tpu.memory_space<hbm>>, %arg3: memref<2x16x20x8x128xi32, #tpu.memory_space<hbm>>, %arg4: memref<16x20x8x128xi32, #tpu.memory_space<hbm>>, %arg5: memref<10240x128xf32, #tpu.memory_space<hbm>>, %arg6: memref<2x10240x128xf32, #tpu.memory_space<hbm>>, %arg7: memref<2x8x128xi32, #tpu.memory_space<vmem>>, %arg8: memref<2x8x128xi32, #tpu.memory_space<vmem>>, %arg9: memref<2x128x128xf32, #tpu.memory_space<vmem>>, %arg10: memref<10240x128xf32, #tpu.memory_space<vmem_shared>>, %arg11: memref<!tpu.dma_semaphore, #tpu.memory_space<semaphore_mem>>, %arg12: memref<!tpu.dma_semaphore, #tpu.memory_space<semaphore_mem>>, %arg13: memref<!tpu.dma_semaphore, #tpu.memory_space<semaphore_mem>>, %arg14: memref<!tpu.dma_semaphore, #tpu.memory_space<semaphore_mem>>) attributes {dimension_semantics = [#tpu.dimension_semantics<core_parallel>, #tpu.dimension_semantics<subcore_parallel>], iteration_bounds = array<i64: 2, 16>, scalar_prefetch = 0 : i64, scratch_operands = 8 : i64, tpu.core_type = #tpu.core_type<sc_vector_subcore>, window_params = [{transform_indices = #map}, {transform_indices = #map1}, {transform_indices = #map2}, {transform_indices = #map}, {transform_indices = #map3}]} {
    %mul3A = arith.constant 640 : i32
    %mul3A_0 = arith.muli %arg1, %mul3A : i32
    %mul3A_1 = arith.constant 640 : i32
    %mul3A_2 = arith.muli %arg1, %mul3A_1 : i32
    "tpu.region"() ({
      %run_scoped3A = tpu.sem_alloc : memref<!tpu.dma_semaphore, #tpu.memory_space<semaphore_mem>>
      %dma_start3A_84 = arith.constant 0 : i32
      %dma_start3A_85 = tpu.memref_slice %arg10[%mul3A_2, %dma_start3A_84] : memref<10240x128xf32, #tpu.memory_space<vmem_shared>> -> memref<640x128xf32, #tpu.memory_space<vmem_shared>>
      %dma_start3A_86 = arith.constant 0 : i32
      %dma_start3A_87 = tpu.memref_slice %arg5[%mul3A_0, %dma_start3A_86] : memref<10240x128xf32, #tpu.memory_space<hbm>> -> memref<640x128xf32, #tpu.memory_space<hbm>>
      tpu.enqueue_dma source(%dma_start3A_87 : memref<640x128xf32, #tpu.memory_space<hbm>>) target(%dma_start3A_85 : memref<640x128xf32, #tpu.memory_space<vmem_shared>>) target_semaphore(%run_scoped3A : memref<!tpu.dma_semaphore, #tpu.memory_space<semaphore_mem>>)
      %dma_wait3A = arith.constant 0 : i32
      %dma_wait3A_88 = tpu.memref_slice %arg10[%mul3A_2, %dma_wait3A] : memref<10240x128xf32, #tpu.memory_space<vmem_shared>> -> memref<640x128xf32, #tpu.memory_space<vmem_shared>>
      %dma_wait3A_89 = arith.constant 0 : i32
      %dma_wait3A_90 = tpu.memref_slice %arg5[%mul3A_0, %dma_wait3A_89] : memref<10240x128xf32, #tpu.memory_space<hbm>> -> memref<640x128xf32, #tpu.memory_space<hbm>>
      tpu.wait_dma2 semaphore(%run_scoped3A : memref<!tpu.dma_semaphore, #tpu.memory_space<semaphore_mem>>) src(%dma_wait3A_90 : memref<640x128xf32, #tpu.memory_space<hbm>>) dst(%dma_wait3A_88 : memref<640x128xf32, #tpu.memory_space<vmem_shared>>)
      tpu.yield
    }) : () -> ()
    %dma_start3A = arith.constant 0 : i32
    %dma_start3A_3 = arith.constant 0 : i32
    %dma_start3A_4 = arith.constant 0 : i32
    %dma_start3A_5 = arith.constant 0 : i32
    %dma_start3A_6 = tpu.memref_slice %arg7[%dma_start3A_3, %dma_start3A_4, %dma_start3A_5] : memref<2x8x128xi32, #tpu.memory_space<vmem>> -> memref<1x8x128xi32, #tpu.memory_space<vmem>>
    %dma_start3A_7 = tpu.memref_squeeze %dma_start3A_6 : memref<1x8x128xi32, #tpu.memory_space<vmem>> -> memref<8x128xi32, #tpu.memory_space<vmem>>
    %dma_start3A_8 = arith.constant 0 : i32
    %dma_start3A_9 = arith.constant 0 : i32
    %dma_start3A_10 = tpu.memref_slice %arg3[%arg0, %arg1, %dma_start3A, %dma_start3A_8, %dma_start3A_9] : memref<2x16x20x8x128xi32, #tpu.memory_space<hbm>> -> memref<1x1x1x8x128xi32, #tpu.memory_space<hbm>>
    %dma_start3A_11 = tpu.memref_squeeze %dma_start3A_10 : memref<1x1x1x8x128xi32, #tpu.memory_space<hbm>> -> memref<8x128xi32, #tpu.memory_space<hbm>>
    %dma_start3A_12 = arith.constant 0 : i32
    %dma_start3A_13 = arith.constant 0 : i32
    %dma_start3A_14 = tpu.memref_slice %arg7[%dma_start3A_3, %dma_start3A_12, %dma_start3A_13] : memref<2x8x128xi32, #tpu.memory_space<vmem>> -> memref<1x8x128xi32, #tpu.memory_space<vmem>>
    %dma_start3A_15 = tpu.memref_squeeze %dma_start3A_14 : memref<1x8x128xi32, #tpu.memory_space<vmem>> -> memref<8x128xi32, #tpu.memory_space<vmem>>
    %dma_start3A_16 = arith.constant 0 : i32
    %dma_start3A_17 = arith.constant 0 : i32
    %dma_start3A_18 = tpu.memref_slice %arg3[%arg0, %arg1, %dma_start3A, %dma_start3A_16, %dma_start3A_17] : memref<2x16x20x8x128xi32, #tpu.memory_space<hbm>> -> memref<1x1x1x8x128xi32, #tpu.memory_space<hbm>>
    %dma_start3A_19 = tpu.memref_squeeze %dma_start3A_18 : memref<1x1x1x8x128xi32, #tpu.memory_space<hbm>> -> memref<8x128xi32, #tpu.memory_space<hbm>>
    tpu.enqueue_dma source(%dma_start3A_19 : memref<8x128xi32, #tpu.memory_space<hbm>>) target(%dma_start3A_15 : memref<8x128xi32, #tpu.memory_space<vmem>>) target_semaphore(%arg11 : memref<!tpu.dma_semaphore, #tpu.memory_space<semaphore_mem>>)
    %dma_start3A_20 = arith.constant 0 : i32
    %dma_start3A_21 = arith.constant 0 : i32
    %dma_start3A_22 = arith.constant 0 : i32
    %dma_start3A_23 = arith.constant 0 : i32
    %dma_start3A_24 = tpu.memref_slice %arg8[%dma_start3A_21, %dma_start3A_22, %dma_start3A_23] : memref<2x8x128xi32, #tpu.memory_space<vmem>> -> memref<1x8x128xi32, #tpu.memory_space<vmem>>
    %dma_start3A_25 = tpu.memref_squeeze %dma_start3A_24 : memref<1x8x128xi32, #tpu.memory_space<vmem>> -> memref<8x128xi32, #tpu.memory_space<vmem>>
    %dma_start3A_26 = arith.constant 0 : i32
    %dma_start3A_27 = arith.constant 0 : i32
    %dma_start3A_28 = tpu.memref_slice %arg4[%arg1, %dma_start3A_20, %dma_start3A_26, %dma_start3A_27] : memref<16x20x8x128xi32, #tpu.memory_space<hbm>> -> memref<1x1x8x128xi32, #tpu.memory_space<hbm>>
    %dma_start3A_29 = tpu.memref_squeeze %dma_start3A_28 : memref<1x1x8x128xi32, #tpu.memory_space<hbm>> -> memref<8x128xi32, #tpu.memory_space<hbm>>
    %dma_start3A_30 = arith.constant 0 : i32
    %dma_start3A_31 = arith.constant 0 : i32
    %dma_start3A_32 = tpu.memref_slice %arg8[%dma_start3A_21, %dma_start3A_30, %dma_start3A_31] : memref<2x8x128xi32, #tpu.memory_space<vmem>> -> memref<1x8x128xi32, #tpu.memory_space<vmem>>
    %dma_start3A_33 = tpu.memref_squeeze %dma_start3A_32 : memref<1x8x128xi32, #tpu.memory_space<vmem>> -> memref<8x128xi32, #tpu.memory_space<vmem>>
    %dma_start3A_34 = arith.constant 0 : i32
    %dma_start3A_35 = arith.constant 0 : i32
    %dma_start3A_36 = tpu.memref_slice %arg4[%arg1, %dma_start3A_20, %dma_start3A_34, %dma_start3A_35] : memref<16x20x8x128xi32, #tpu.memory_space<hbm>> -> memref<1x1x8x128xi32, #tpu.memory_space<hbm>>
    %dma_start3A_37 = tpu.memref_squeeze %dma_start3A_36 : memref<1x1x8x128xi32, #tpu.memory_space<hbm>> -> memref<8x128xi32, #tpu.memory_space<hbm>>
    tpu.enqueue_dma source(%dma_start3A_37 : memref<8x128xi32, #tpu.memory_space<hbm>>) target(%dma_start3A_33 : memref<8x128xi32, #tpu.memory_space<vmem>>) target_semaphore(%arg11 : memref<!tpu.dma_semaphore, #tpu.memory_space<semaphore_mem>>)
    %dma_start3A_38 = arith.constant 1 : i32
    %dma_start3A_39 = arith.constant 1 : i32
    %dma_start3A_40 = arith.constant 0 : i32
    %dma_start3A_41 = arith.constant 0 : i32
    %dma_start3A_42 = tpu.memref_slice %arg7[%dma_start3A_39, %dma_start3A_40, %dma_start3A_41] : memref<2x8x128xi32, #tpu.memory_space<vmem>> -> memref<1x8x128xi32, #tpu.memory_space<vmem>>
    %dma_start3A_43 = tpu.memref_squeeze %dma_start3A_42 : memref<1x8x128xi32, #tpu.memory_space<vmem>> -> memref<8x128xi32, #tpu.memory_space<vmem>>
    %dma_start3A_44 = arith.constant 0 : i32
    %dma_start3A_45 = arith.constant 0 : i32
    %dma_start3A_46 = tpu.memref_slice %arg3[%arg0, %arg1, %dma_start3A_38, %dma_start3A_44, %dma_start3A_45] : memref<2x16x20x8x128xi32, #tpu.memory_space<hbm>> -> memref<1x1x1x8x128xi32, #tpu.memory_space<hbm>>
    %dma_start3A_47 = tpu.memref_squeeze %dma_start3A_46 : memref<1x1x1x8x128xi32, #tpu.memory_space<hbm>> -> memref<8x128xi32, #tpu.memory_space<hbm>>
    %dma_start3A_48 = arith.constant 0 : i32
    %dma_start3A_49 = arith.constant 0 : i32
    %dma_start3A_50 = tpu.memref_slice %arg7[%dma_start3A_39, %dma_start3A_48, %dma_start3A_49] : memref<2x8x128xi32, #tpu.memory_space<vmem>> -> memref<1x8x128xi32, #tpu.memory_space<vmem>>
    %dma_start3A_51 = tpu.memref_squeeze %dma_start3A_50 : memref<1x8x128xi32, #tpu.memory_space<vmem>> -> memref<8x128xi32, #tpu.memory_space<vmem>>
    %dma_start3A_52 = arith.constant 0 : i32
    %dma_start3A_53 = arith.constant 0 : i32
    %dma_start3A_54 = tpu.memref_slice %arg3[%arg0, %arg1, %dma_start3A_38, %dma_start3A_52, %dma_start3A_53] : memref<2x16x20x8x128xi32, #tpu.memory_space<hbm>> -> memref<1x1x1x8x128xi32, #tpu.memory_space<hbm>>
    %dma_start3A_55 = tpu.memref_squeeze %dma_start3A_54 : memref<1x1x1x8x128xi32, #tpu.memory_space<hbm>> -> memref<8x128xi32, #tpu.memory_space<hbm>>
    tpu.enqueue_dma source(%dma_start3A_55 : memref<8x128xi32, #tpu.memory_space<hbm>>) target(%dma_start3A_51 : memref<8x128xi32, #tpu.memory_space<vmem>>) target_semaphore(%arg12 : memref<!tpu.dma_semaphore, #tpu.memory_space<semaphore_mem>>)
    %dma_start3A_56 = arith.constant 1 : i32
    %dma_start3A_57 = arith.constant 1 : i32
    %dma_start3A_58 = arith.constant 0 : i32
    %dma_start3A_59 = arith.constant 0 : i32
    %dma_start3A_60 = tpu.memref_slice %arg8[%dma_start3A_57, %dma_start3A_58, %dma_start3A_59] : memref<2x8x128xi32, #tpu.memory_space<vmem>> -> memref<1x8x128xi32, #tpu.memory_space<vmem>>
    %dma_start3A_61 = tpu.memref_squeeze %dma_start3A_60 : memref<1x8x128xi32, #tpu.memory_space<vmem>> -> memref<8x128xi32, #tpu.memory_space<vmem>>
    %dma_start3A_62 = arith.constant 0 : i32
    %dma_start3A_63 = arith.constant 0 : i32
    %dma_start3A_64 = tpu.memref_slice %arg4[%arg1, %dma_start3A_56, %dma_start3A_62, %dma_start3A_63] : memref<16x20x8x128xi32, #tpu.memory_space<hbm>> -> memref<1x1x8x128xi32, #tpu.memory_space<hbm>>
    %dma_start3A_65 = tpu.memref_squeeze %dma_start3A_64 : memref<1x1x8x128xi32, #tpu.memory_space<hbm>> -> memref<8x128xi32, #tpu.memory_space<hbm>>
    %dma_start3A_66 = arith.constant 0 : i32
    %dma_start3A_67 = arith.constant 0 : i32
    %dma_start3A_68 = tpu.memref_slice %arg8[%dma_start3A_57, %dma_start3A_66, %dma_start3A_67] : memref<2x8x128xi32, #tpu.memory_space<vmem>> -> memref<1x8x128xi32, #tpu.memory_space<vmem>>
    %dma_start3A_69 = tpu.memref_squeeze %dma_start3A_68 : memref<1x8x128xi32, #tpu.memory_space<vmem>> -> memref<8x128xi32, #tpu.memory_space<vmem>>
    %dma_start3A_70 = arith.constant 0 : i32
    %dma_start3A_71 = arith.constant 0 : i32
    %dma_start3A_72 = tpu.memref_slice %arg4[%arg1, %dma_start3A_56, %dma_start3A_70, %dma_start3A_71] : memref<16x20x8x128xi32, #tpu.memory_space<hbm>> -> memref<1x1x8x128xi32, #tpu.memory_space<hbm>>
    %dma_start3A_73 = tpu.memref_squeeze %dma_start3A_72 : memref<1x1x8x128xi32, #tpu.memory_space<hbm>> -> memref<8x128xi32, #tpu.memory_space<hbm>>
    tpu.enqueue_dma source(%dma_start3A_73 : memref<8x128xi32, #tpu.memory_space<hbm>>) target(%dma_start3A_69 : memref<8x128xi32, #tpu.memory_space<vmem>>) target_semaphore(%arg12 : memref<!tpu.dma_semaphore, #tpu.memory_space<semaphore_mem>>)
    %barrier3A = arith.constant 0 : index
    tpu.barrier barrier_id(%barrier3A)
    %scan3A = arith.constant 0 : i32
    %scan3A_74 = arith.constant 0 : i32
    %scan3A_75 = arith.constant 10 : i32
    %scan3A_76 = arith.addi %scan3A_74, %scan3A_75 : i32
    %scan3A_77 = arith.constant 1 : i32
    scf.for %scan3A_84 = %scan3A_74 to %scan3A_76 step %scan3A_77  : i32 {
      %mul3A_85 = arith.constant 2 : i32
      %mul3A_86 = arith.muli %mul3A_85, %scan3A_84 : i32
      %dma_wait3A = arith.constant 0 : i32
      %dma_wait3A_87 = arith.constant 0 : i32
      %dma_wait3A_88 = arith.constant 0 : i32
      %dma_wait3A_89 = tpu.memref_slice %arg7[%dma_wait3A, %dma_wait3A_87, %dma_wait3A_88] : memref<2x8x128xi32, #tpu.memory_space<vmem>> -> memref<1x8x128xi32, #tpu.memory_space<vmem>>
      %dma_wait3A_90 = tpu.memref_squeeze %dma_wait3A_89 : memref<1x8x128xi32, #tpu.memory_space<vmem>> -> memref<8x128xi32, #tpu.memory_space<vmem>>
      %dma_wait3A_91 = arith.constant 0 : i32
      %dma_wait3A_92 = arith.constant 0 : i32
      %dma_wait3A_93 = tpu.memref_slice %arg3[%arg0, %arg1, %mul3A_86, %dma_wait3A_91, %dma_wait3A_92] : memref<2x16x20x8x128xi32, #tpu.memory_space<hbm>> -> memref<1x1x1x8x128xi32, #tpu.memory_space<hbm>>
      %dma_wait3A_94 = tpu.memref_squeeze %dma_wait3A_93 : memref<1x1x1x8x128xi32, #tpu.memory_space<hbm>> -> memref<8x128xi32, #tpu.memory_space<hbm>>
      %dma_wait3A_95 = arith.constant 0 : i32
      %dma_wait3A_96 = arith.constant 0 : i32
      %dma_wait3A_97 = tpu.memref_slice %arg7[%dma_wait3A, %dma_wait3A_95, %dma_wait3A_96] : memref<2x8x128xi32, #tpu.memory_space<vmem>> -> memref<1x8x128xi32, #tpu.memory_space<vmem>>
      %dma_wait3A_98 = tpu.memref_squeeze %dma_wait3A_97 : memref<1x8x128xi32, #tpu.memory_space<vmem>> -> memref<8x128xi32, #tpu.memory_space<vmem>>
      %dma_wait3A_99 = arith.constant 0 : i32
      %dma_wait3A_100 = arith.constant 0 : i32
      %dma_wait3A_101 = tpu.memref_slice %arg3[%arg0, %arg1, %mul3A_86, %dma_wait3A_99, %dma_wait3A_100] : memref<2x16x20x8x128xi32, #tpu.memory_space<hbm>> -> memref<1x1x1x8x128xi32, #tpu.memory_space<hbm>>
      %dma_wait3A_102 = tpu.memref_squeeze %dma_wait3A_101 : memref<1x1x1x8x128xi32, #tpu.memory_space<hbm>> -> memref<8x128xi32, #tpu.memory_space<hbm>>
      tpu.wait_dma2 semaphore(%arg11 : memref<!tpu.dma_semaphore, #tpu.memory_space<semaphore_mem>>) src(%dma_wait3A_102 : memref<8x128xi32, #tpu.memory_space<hbm>>) dst(%dma_wait3A_98 : memref<8x128xi32, #tpu.memory_space<vmem>>)
      %dma_wait3A_103 = arith.constant 0 : i32
      %dma_wait3A_104 = arith.constant 0 : i32
      %dma_wait3A_105 = arith.constant 0 : i32
      %dma_wait3A_106 = tpu.memref_slice %arg8[%dma_wait3A_103, %dma_wait3A_104, %dma_wait3A_105] : memref<2x8x128xi32, #tpu.memory_space<vmem>> -> memref<1x8x128xi32, #tpu.memory_space<vmem>>
      %dma_wait3A_107 = tpu.memref_squeeze %dma_wait3A_106 : memref<1x8x128xi32, #tpu.memory_space<vmem>> -> memref<8x128xi32, #tpu.memory_space<vmem>>
      %dma_wait3A_108 = arith.constant 0 : i32
      %dma_wait3A_109 = arith.constant 0 : i32
      %dma_wait3A_110 = tpu.memref_slice %arg4[%arg1, %mul3A_86, %dma_wait3A_108, %dma_wait3A_109] : memref<16x20x8x128xi32, #tpu.memory_space<hbm>> -> memref<1x1x8x128xi32, #tpu.memory_space<hbm>>
      %dma_wait3A_111 = tpu.memref_squeeze %dma_wait3A_110 : memref<1x1x8x128xi32, #tpu.memory_space<hbm>> -> memref<8x128xi32, #tpu.memory_space<hbm>>
      %dma_wait3A_112 = arith.constant 0 : i32
      %dma_wait3A_113 = arith.constant 0 : i32
      %dma_wait3A_114 = tpu.memref_slice %arg8[%dma_wait3A_103, %dma_wait3A_112, %dma_wait3A_113] : memref<2x8x128xi32, #tpu.memory_space<vmem>> -> memref<1x8x128xi32, #tpu.memory_space<vmem>>
      %dma_wait3A_115 = tpu.memref_squeeze %dma_wait3A_114 : memref<1x8x128xi32, #tpu.memory_space<vmem>> -> memref<8x128xi32, #tpu.memory_space<vmem>>
      %dma_wait3A_116 = arith.constant 0 : i32
      %dma_wait3A_117 = arith.constant 0 : i32
      %dma_wait3A_118 = tpu.memref_slice %arg4[%arg1, %mul3A_86, %dma_wait3A_116, %dma_wait3A_117] : memref<16x20x8x128xi32, #tpu.memory_space<hbm>> -> memref<1x1x8x128xi32, #tpu.memory_space<hbm>>
      %dma_wait3A_119 = tpu.memref_squeeze %dma_wait3A_118 : memref<1x1x8x128xi32, #tpu.memory_space<hbm>> -> memref<8x128xi32, #tpu.memory_space<hbm>>
      tpu.wait_dma2 semaphore(%arg11 : memref<!tpu.dma_semaphore, #tpu.memory_space<semaphore_mem>>) src(%dma_wait3A_119 : memref<8x128xi32, #tpu.memory_space<hbm>>) dst(%dma_wait3A_115 : memref<8x128xi32, #tpu.memory_space<vmem>>)
      %dma_start3A_120 = arith.constant 0 : i32
      %dma_start3A_121 = arith.constant 0 : i32
      %dma_start3A_122 = arith.constant 0 : i32
      %dma_start3A_123 = arith.constant 0 : i32
      %dma_start3A_124 = arith.constant 0 : i32
      %dma_start3A_125 = tpu.memref_slice %arg9[%dma_start3A_122, %dma_start3A_123, %dma_start3A_124] : memref<2x128x128xf32, #tpu.memory_space<vmem>> -> memref<1x128x128xf32, #tpu.memory_space<vmem>>
      %dma_start3A_126 = tpu.memref_squeeze %dma_start3A_125 : memref<1x128x128xf32, #tpu.memory_space<vmem>> -> memref<128x128xf32, #tpu.memory_space<vmem>>
      %dma_start3A_127 = arith.constant 0 : i32
      %dma_start3A_128 = tpu.memref_slice %arg7[%dma_start3A_120, %dma_start3A_121, %dma_start3A_127] : memref<2x8x128xi32, #tpu.memory_space<vmem>> -> memref<1x1x128xi32, #tpu.memory_space<vmem>>
      %dma_start3A_129 = tpu.memref_squeeze %dma_start3A_128 : memref<1x1x128xi32, #tpu.memory_space<vmem>> -> memref<128xi32, #tpu.memory_space<vmem>>
      %dma_start3A_130 = arith.constant 0 : i32
      %dma_start3A_131 = arith.constant 0 : i32
      %dma_start3A_132 = tpu.memref_slice %arg2[%dma_start3A_130, %dma_start3A_131] : memref<20480x128xf32, #tpu.memory_space<hbm>> -> memref<20480x128xf32, #tpu.memory_space<hbm>>
      tpu.enqueue_indirect_dma source(%dma_start3A_132 : memref<20480x128xf32, #tpu.memory_space<hbm>>) target(%dma_start3A_126 : memref<128x128xf32, #tpu.memory_space<vmem>>) offsets(%dma_start3A_129 : memref<128xi32, #tpu.memory_space<vmem>>) semaphore(%arg13 : memref<!tpu.dma_semaphore, #tpu.memory_space<semaphore_mem>>)
      %dma_start3A_133 = arith.constant 0 : i32
      %dma_start3A_134 = arith.constant 1 : i32
      %dma_start3A_135 = arith.constant 1 : i32
      %dma_start3A_136 = arith.constant 0 : i32
      %dma_start3A_137 = arith.constant 0 : i32
      %dma_start3A_138 = tpu.memref_slice %arg9[%dma_start3A_135, %dma_start3A_136, %dma_start3A_137] : memref<2x128x128xf32, #tpu.memory_space<vmem>> -> memref<1x128x128xf32, #tpu.memory_space<vmem>>
      %dma_start3A_139 = tpu.memref_squeeze %dma_start3A_138 : memref<1x128x128xf32, #tpu.memory_space<vmem>> -> memref<128x128xf32, #tpu.memory_space<vmem>>
      %dma_start3A_140 = arith.constant 0 : i32
      %dma_start3A_141 = tpu.memref_slice %arg7[%dma_start3A_133, %dma_start3A_134, %dma_start3A_140] : memref<2x8x128xi32, #tpu.memory_space<vmem>> -> memref<1x1x128xi32, #tpu.memory_space<vmem>>
      %dma_start3A_142 = tpu.memref_squeeze %dma_start3A_141 : memref<1x1x128xi32, #tpu.memory_space<vmem>> -> memref<128xi32, #tpu.memory_space<vmem>>
      %dma_start3A_143 = arith.constant 0 : i32
      %dma_start3A_144 = arith.constant 0 : i32
      %dma_start3A_145 = tpu.memref_slice %arg2[%dma_start3A_143, %dma_start3A_144] : memref<20480x128xf32, #tpu.memory_space<hbm>> -> memref<20480x128xf32, #tpu.memory_space<hbm>>
      tpu.enqueue_indirect_dma source(%dma_start3A_145 : memref<20480x128xf32, #tpu.memory_space<hbm>>) target(%dma_start3A_139 : memref<128x128xf32, #tpu.memory_space<vmem>>) offsets(%dma_start3A_142 : memref<128xi32, #tpu.memory_space<vmem>>) semaphore(%arg14 : memref<!tpu.dma_semaphore, #tpu.memory_space<semaphore_mem>>)
      %dma_wait3A_146 = arith.constant 0 : i32
      %dma_wait3A_147 = arith.constant 0 : i32
      %dma_wait3A_148 = arith.constant 0 : i32
      %dma_wait3A_149 = arith.constant 0 : i32
      %dma_wait3A_150 = arith.constant 0 : i32
      %dma_wait3A_151 = tpu.memref_slice %arg9[%dma_wait3A_148, %dma_wait3A_149, %dma_wait3A_150] : memref<2x128x128xf32, #tpu.memory_space<vmem>> -> memref<1x128x128xf32, #tpu.memory_space<vmem>>
      %dma_wait3A_152 = tpu.memref_squeeze %dma_wait3A_151 : memref<1x128x128xf32, #tpu.memory_space<vmem>> -> memref<128x128xf32, #tpu.memory_space<vmem>>
      %dma_wait3A_153 = arith.constant 0 : i32
      %dma_wait3A_154 = tpu.memref_slice %arg7[%dma_wait3A_146, %dma_wait3A_147, %dma_wait3A_153] : memref<2x8x128xi32, #tpu.memory_space<vmem>> -> memref<1x1x128xi32, #tpu.memory_space<vmem>>
      %dma_wait3A_155 = tpu.memref_squeeze %dma_wait3A_154 : memref<1x1x128xi32, #tpu.memory_space<vmem>> -> memref<128xi32, #tpu.memory_space<vmem>>
      %dma_wait3A_156 = arith.constant 0 : i32
      %dma_wait3A_157 = arith.constant 0 : i32
      %dma_wait3A_158 = tpu.memref_slice %arg2[%dma_wait3A_156, %dma_wait3A_157] : memref<20480x128xf32, #tpu.memory_space<hbm>> -> memref<20480x128xf32, #tpu.memory_space<hbm>>
      tpu.wait_indirect_dma semaphore(%arg13 : memref<!tpu.dma_semaphore, #tpu.memory_space<semaphore_mem>>) src(%dma_wait3A_158 : memref<20480x128xf32, #tpu.memory_space<hbm>>) dst(%dma_wait3A_152 : memref<128x128xf32, #tpu.memory_space<vmem>>)
      %run_scoped3A = arith.constant 0 : i32
      %run_scoped3A_159 = arith.constant 0 : i32
      %run_scoped3A_160 = arith.constant 0 : i32
      "tpu.region"() ({
        %run_scoped3A_629 = tpu.sem_alloc : memref<!tpu.dma_semaphore, #tpu.memory_space<semaphore_mem>>
        %dma_start3A_630 = arith.constant 0 : i32
        %dma_start3A_631 = arith.constant 0 : i32
        %dma_start3A_632 = tpu.memref_slice %arg9[%run_scoped3A, %dma_start3A_630, %dma_start3A_631] : memref<2x128x128xf32, #tpu.memory_space<vmem>> -> memref<1x128x128xf32, #tpu.memory_space<vmem>>
        %dma_start3A_633 = tpu.memref_squeeze %dma_start3A_632 : memref<1x128x128xf32, #tpu.memory_space<vmem>> -> memref<128x128xf32, #tpu.memory_space<vmem>>
        %dma_start3A_634 = arith.constant 0 : i32
        %dma_start3A_635 = tpu.memref_slice %arg8[%run_scoped3A_159, %run_scoped3A_160, %dma_start3A_634] : memref<2x8x128xi32, #tpu.memory_space<vmem>> -> memref<1x1x128xi32, #tpu.memory_space<vmem>>
        %dma_start3A_636 = tpu.memref_squeeze %dma_start3A_635 : memref<1x1x128xi32, #tpu.memory_space<vmem>> -> memref<128xi32, #tpu.memory_space<vmem>>
        %dma_start3A_637 = arith.constant 0 : i32
        %dma_start3A_638 = arith.constant 0 : i32
        %dma_start3A_639 = tpu.memref_slice %arg10[%dma_start3A_637, %dma_start3A_638] : memref<10240x128xf32, #tpu.memory_space<vmem_shared>> -> memref<10240x128xf32, #tpu.memory_space<vmem_shared>>
        tpu.enqueue_indirect_dma source(%dma_start3A_633 : memref<128x128xf32, #tpu.memory_space<vmem>>) target(%dma_start3A_639 : memref<10240x128xf32, #tpu.memory_space<vmem_shared>>) offsets(%dma_start3A_636 : memref<128xi32, #tpu.memory_space<vmem>>) semaphore(%run_scoped3A_629 : memref<!tpu.dma_semaphore, #tpu.memory_space<semaphore_mem>>) {add = true}
        %dma_wait3A_640 = arith.constant 0 : i32
        %dma_wait3A_641 = arith.constant 0 : i32
        %dma_wait3A_642 = tpu.memref_slice %arg9[%run_scoped3A, %dma_wait3A_640, %dma_wait3A_641] : memref<2x128x128xf32, #tpu.memory_space<vmem>> -> memref<1x128x128xf32, #tpu.memory_space<vmem>>
        %dma_wait3A_643 = tpu.memref_squeeze %dma_wait3A_642 : memref<1x128x128xf32, #tpu.memory_space<vmem>> -> memref<128x128xf32, #tpu.memory_space<vmem>>
        %dma_wait3A_644 = arith.constant 0 : i32
        %dma_wait3A_645 = tpu.memref_slice %arg8[%run_scoped3A_159, %run_scoped3A_160, %dma_wait3A_644] : memref<2x8x128xi32, #tpu.memory_space<vmem>> -> memref<1x1x128xi32, #tpu.memory_space<vmem>>
        %dma_wait3A_646 = tpu.memref_squeeze %dma_wait3A_645 : memref<1x1x128xi32, #tpu.memory_space<vmem>> -> memref<128xi32, #tpu.memory_space<vmem>>
        %dma_wait3A_647 = arith.constant 0 : i32
        %dma_wait3A_648 = arith.constant 0 : i32
        %dma_wait3A_649 = tpu.memref_slice %arg10[%dma_wait3A_647, %dma_wait3A_648] : memref<10240x128xf32, #tpu.memory_space<vmem_shared>> -> memref<10240x128xf32, #tpu.memory_space<vmem_shared>>
        tpu.wait_indirect_dma semaphore(%run_scoped3A_629 : memref<!tpu.dma_semaphore, #tpu.memory_space<semaphore_mem>>) src(%dma_wait3A_643 : memref<128x128xf32, #tpu.memory_space<vmem>>) dst(%dma_wait3A_649 : memref<10240x128xf32, #tpu.memory_space<vmem_shared>>)
        tpu.yield
      }) : () -> ()
      %dma_start3A_161 = arith.constant 0 : i32
      %dma_start3A_162 = arith.constant 2 : i32
      %dma_start3A_163 = arith.constant 0 : i32
      %dma_start3A_164 = arith.constant 0 : i32
      %dma_start3A_165 = arith.constant 0 : i32
      %dma_start3A_166 = tpu.memref_slice %arg9[%dma_start3A_163, %dma_start3A_164, %dma_start3A_165] : memref<2x128x128xf32, #tpu.memory_space<vmem>> -> memref<1x128x128xf32, #tpu.memory_space<vmem>>
      %dma_start3A_167 = tpu.memref_squeeze %dma_start3A_166 : memref<1x128x128xf32, #tpu.memory_space<vmem>> -> memref<128x128xf32, #tpu.memory_space<vmem>>
      %dma_start3A_168 = arith.constant 0 : i32
      %dma_start3A_169 = tpu.memref_slice %arg7[%dma_start3A_161, %dma_start3A_162, %dma_start3A_168] : memref<2x8x128xi32, #tpu.memory_space<vmem>> -> memref<1x1x128xi32, #tpu.memory_space<vmem>>
      %dma_start3A_170 = tpu.memref_squeeze %dma_start3A_169 : memref<1x1x128xi32, #tpu.memory_space<vmem>> -> memref<128xi32, #tpu.memory_space<vmem>>
      %dma_start3A_171 = arith.constant 0 : i32
      %dma_start3A_172 = arith.constant 0 : i32
      %dma_start3A_173 = tpu.memref_slice %arg2[%dma_start3A_171, %dma_start3A_172] : memref<20480x128xf32, #tpu.memory_space<hbm>> -> memref<20480x128xf32, #tpu.memory_space<hbm>>
      tpu.enqueue_indirect_dma source(%dma_start3A_173 : memref<20480x128xf32, #tpu.memory_space<hbm>>) target(%dma_start3A_167 : memref<128x128xf32, #tpu.memory_space<vmem>>) offsets(%dma_start3A_170 : memref<128xi32, #tpu.memory_space<vmem>>) semaphore(%arg13 : memref<!tpu.dma_semaphore, #tpu.memory_space<semaphore_mem>>)
      %dma_wait3A_174 = arith.constant 0 : i32
      %dma_wait3A_175 = arith.constant 0 : i32
      %dma_wait3A_176 = arith.constant 1 : i32
      %dma_wait3A_177 = arith.constant 0 : i32
      %dma_wait3A_178 = arith.constant 0 : i32
      %dma_wait3A_179 = tpu.memref_slice %arg9[%dma_wait3A_176, %dma_wait3A_177, %dma_wait3A_178] : memref<2x128x128xf32, #tpu.memory_space<vmem>> -> memref<1x128x128xf32, #tpu.memory_space<vmem>>
      %dma_wait3A_180 = tpu.memref_squeeze %dma_wait3A_179 : memref<1x128x128xf32, #tpu.memory_space<vmem>> -> memref<128x128xf32, #tpu.memory_space<vmem>>
      %dma_wait3A_181 = arith.constant 0 : i32
      %dma_wait3A_182 = tpu.memref_slice %arg7[%dma_wait3A_174, %dma_wait3A_175, %dma_wait3A_181] : memref<2x8x128xi32, #tpu.memory_space<vmem>> -> memref<1x1x128xi32, #tpu.memory_space<vmem>>
      %dma_wait3A_183 = tpu.memref_squeeze %dma_wait3A_182 : memref<1x1x128xi32, #tpu.memory_space<vmem>> -> memref<128xi32, #tpu.memory_space<vmem>>
      %dma_wait3A_184 = arith.constant 0 : i32
      %dma_wait3A_185 = arith.constant 0 : i32
      %dma_wait3A_186 = tpu.memref_slice %arg2[%dma_wait3A_184, %dma_wait3A_185] : memref<20480x128xf32, #tpu.memory_space<hbm>> -> memref<20480x128xf32, #tpu.memory_space<hbm>>
      tpu.wait_indirect_dma semaphore(%arg14 : memref<!tpu.dma_semaphore, #tpu.memory_space<semaphore_mem>>) src(%dma_wait3A_186 : memref<20480x128xf32, #tpu.memory_space<hbm>>) dst(%dma_wait3A_180 : memref<128x128xf32, #tpu.memory_space<vmem>>)
      %run_scoped3A_187 = arith.constant 1 : i32
      %run_scoped3A_188 = arith.constant 0 : i32
      %run_scoped3A_189 = arith.constant 1 : i32
      "tpu.region"() ({
        %run_scoped3A_629 = tpu.sem_alloc : memref<!tpu.dma_semaphore, #tpu.memory_space<semaphore_mem>>
        %dma_start3A_630 = arith.constant 0 : i32
        %dma_start3A_631 = arith.constant 0 : i32
        %dma_start3A_632 = tpu.memref_slice %arg9[%run_scoped3A_187, %dma_start3A_630, %dma_start3A_631] : memref<2x128x128xf32, #tpu.memory_space<vmem>> -> memref<1x128x128xf32, #tpu.memory_space<vmem>>
        %dma_start3A_633 = tpu.memref_squeeze %dma_start3A_632 : memref<1x128x128xf32, #tpu.memory_space<vmem>> -> memref<128x128xf32, #tpu.memory_space<vmem>>
        %dma_start3A_634 = arith.constant 0 : i32
        %dma_start3A_635 = tpu.memref_slice %arg8[%run_scoped3A_188, %run_scoped3A_189, %dma_start3A_634] : memref<2x8x128xi32, #tpu.memory_space<vmem>> -> memref<1x1x128xi32, #tpu.memory_space<vmem>>
        %dma_start3A_636 = tpu.memref_squeeze %dma_start3A_635 : memref<1x1x128xi32, #tpu.memory_space<vmem>> -> memref<128xi32, #tpu.memory_space<vmem>>
        %dma_start3A_637 = arith.constant 0 : i32
        %dma_start3A_638 = arith.constant 0 : i32
        %dma_start3A_639 = tpu.memref_slice %arg10[%dma_start3A_637, %dma_start3A_638] : memref<10240x128xf32, #tpu.memory_space<vmem_shared>> -> memref<10240x128xf32, #tpu.memory_space<vmem_shared>>
        tpu.enqueue_indirect_dma source(%dma_start3A_633 : memref<128x128xf32, #tpu.memory_space<vmem>>) target(%dma_start3A_639 : memref<10240x128xf32, #tpu.memory_space<vmem_shared>>) offsets(%dma_start3A_636 : memref<128xi32, #tpu.memory_space<vmem>>) semaphore(%run_scoped3A_629 : memref<!tpu.dma_semaphore, #tpu.memory_space<semaphore_mem>>) {add = true}
        %dma_wait3A_640 = arith.constant 0 : i32
        %dma_wait3A_641 = arith.constant 0 : i32
        %dma_wait3A_642 = tpu.memref_slice %arg9[%run_scoped3A_187, %dma_wait3A_640, %dma_wait3A_641] : memref<2x128x128xf32, #tpu.memory_space<vmem>> -> memref<1x128x128xf32, #tpu.memory_space<vmem>>
        %dma_wait3A_643 = tpu.memref_squeeze %dma_wait3A_642 : memref<1x128x128xf32, #tpu.memory_space<vmem>> -> memref<128x128xf32, #tpu.memory_space<vmem>>
        %dma_wait3A_644 = arith.constant 0 : i32
        %dma_wait3A_645 = tpu.memref_slice %arg8[%run_scoped3A_188, %run_scoped3A_189, %dma_wait3A_644] : memref<2x8x128xi32, #tpu.memory_space<vmem>> -> memref<1x1x128xi32, #tpu.memory_space<vmem>>
        %dma_wait3A_646 = tpu.memref_squeeze %dma_wait3A_645 : memref<1x1x128xi32, #tpu.memory_space<vmem>> -> memref<128xi32, #tpu.memory_space<vmem>>
        %dma_wait3A_647 = arith.constant 0 : i32
        %dma_wait3A_648 = arith.constant 0 : i32
        %dma_wait3A_649 = tpu.memref_slice %arg10[%dma_wait3A_647, %dma_wait3A_648] : memref<10240x128xf32, #tpu.memory_space<vmem_shared>> -> memref<10240x128xf32, #tpu.memory_space<vmem_shared>>
        tpu.wait_indirect_dma semaphore(%run_scoped3A_629 : memref<!tpu.dma_semaphore, #tpu.memory_space<semaphore_mem>>) src(%dma_wait3A_643 : memref<128x128xf32, #tpu.memory_space<vmem>>) dst(%dma_wait3A_649 : memref<10240x128xf32, #tpu.memory_space<vmem_shared>>)
        tpu.yield
      }) : () -> ()
      %dma_start3A_190 = arith.constant 0 : i32
      %dma_start3A_191 = arith.constant 3 : i32
      %dma_start3A_192 = arith.constant 1 : i32
      %dma_start3A_193 = arith.constant 0 : i32
      %dma_start3A_194 = arith.constant 0 : i32
      %dma_start3A_195 = tpu.memref_slice %arg9[%dma_start3A_192, %dma_start3A_193, %dma_start3A_194] : memref<2x128x128xf32, #tpu.memory_space<vmem>> -> memref<1x128x128xf32, #tpu.memory_space<vmem>>
      %dma_start3A_196 = tpu.memref_squeeze %dma_start3A_195 : memref<1x128x128xf32, #tpu.memory_space<vmem>> -> memref<128x128xf32, #tpu.memory_space<vmem>>
      %dma_start3A_197 = arith.constant 0 : i32
      %dma_start3A_198 = tpu.memref_slice %arg7[%dma_start3A_190, %dma_start3A_191, %dma_start3A_197] : memref<2x8x128xi32, #tpu.memory_space<vmem>> -> memref<1x1x128xi32, #tpu.memory_space<vmem>>
      %dma_start3A_199 = tpu.memref_squeeze %dma_start3A_198 : memref<1x1x128xi32, #tpu.memory_space<vmem>> -> memref<128xi32, #tpu.memory_space<vmem>>
      %dma_start3A_200 = arith.constant 0 : i32
      %dma_start3A_201 = arith.constant 0 : i32
      %dma_start3A_202 = tpu.memref_slice %arg2[%dma_start3A_200, %dma_start3A_201] : memref<20480x128xf32, #tpu.memory_space<hbm>> -> memref<20480x128xf32, #tpu.memory_space<hbm>>
      tpu.enqueue_indirect_dma source(%dma_start3A_202 : memref<20480x128xf32, #tpu.memory_space<hbm>>) target(%dma_start3A_196 : memref<128x128xf32, #tpu.memory_space<vmem>>) offsets(%dma_start3A_199 : memref<128xi32, #tpu.memory_space<vmem>>) semaphore(%arg14 : memref<!tpu.dma_semaphore, #tpu.memory_space<semaphore_mem>>)
      %dma_wait3A_203 = arith.constant 0 : i32
      %dma_wait3A_204 = arith.constant 0 : i32
      %dma_wait3A_205 = arith.constant 0 : i32
      %dma_wait3A_206 = arith.constant 0 : i32
      %dma_wait3A_207 = arith.constant 0 : i32
      %dma_wait3A_208 = tpu.memref_slice %arg9[%dma_wait3A_205, %dma_wait3A_206, %dma_wait3A_207] : memref<2x128x128xf32, #tpu.memory_space<vmem>> -> memref<1x128x128xf32, #tpu.memory_space<vmem>>
      %dma_wait3A_209 = tpu.memref_squeeze %dma_wait3A_208 : memref<1x128x128xf32, #tpu.memory_space<vmem>> -> memref<128x128xf32, #tpu.memory_space<vmem>>
      %dma_wait3A_210 = arith.constant 0 : i32
      %dma_wait3A_211 = tpu.memref_slice %arg7[%dma_wait3A_203, %dma_wait3A_204, %dma_wait3A_210] : memref<2x8x128xi32, #tpu.memory_space<vmem>> -> memref<1x1x128xi32, #tpu.memory_space<vmem>>
      %dma_wait3A_212 = tpu.memref_squeeze %dma_wait3A_211 : memref<1x1x128xi32, #tpu.memory_space<vmem>> -> memref<128xi32, #tpu.memory_space<vmem>>
      %dma_wait3A_213 = arith.constant 0 : i32
      %dma_wait3A_214 = arith.constant 0 : i32
      %dma_wait3A_215 = tpu.memref_slice %arg2[%dma_wait3A_213, %dma_wait3A_214] : memref<20480x128xf32, #tpu.memory_space<hbm>> -> memref<20480x128xf32, #tpu.memory_space<hbm>>
      tpu.wait_indirect_dma semaphore(%arg13 : memref<!tpu.dma_semaphore, #tpu.memory_space<semaphore_mem>>) src(%dma_wait3A_215 : memref<20480x128xf32, #tpu.memory_space<hbm>>) dst(%dma_wait3A_209 : memref<128x128xf32, #tpu.memory_space<vmem>>)
      %run_scoped3A_216 = arith.constant 0 : i32
      %run_scoped3A_217 = arith.constant 0 : i32
      %run_scoped3A_218 = arith.constant 2 : i32
      "tpu.region"() ({
        %run_scoped3A_629 = tpu.sem_alloc : memref<!tpu.dma_semaphore, #tpu.memory_space<semaphore_mem>>
        %dma_start3A_630 = arith.constant 0 : i32
        %dma_start3A_631 = arith.constant 0 : i32
        %dma_start3A_632 = tpu.memref_slice %arg9[%run_scoped3A_216, %dma_start3A_630, %dma_start3A_631] : memref<2x128x128xf32, #tpu.memory_space<vmem>> -> memref<1x128x128xf32, #tpu.memory_space<vmem>>
        %dma_start3A_633 = tpu.memref_squeeze %dma_start3A_632 : memref<1x128x128xf32, #tpu.memory_space<vmem>> -> memref<128x128xf32, #tpu.memory_space<vmem>>
        %dma_start3A_634 = arith.constant 0 : i32
        %dma_start3A_635 = tpu.memref_slice %arg8[%run_scoped3A_217, %run_scoped3A_218, %dma_start3A_634] : memref<2x8x128xi32, #tpu.memory_space<vmem>> -> memref<1x1x128xi32, #tpu.memory_space<vmem>>
        %dma_start3A_636 = tpu.memref_squeeze %dma_start3A_635 : memref<1x1x128xi32, #tpu.memory_space<vmem>> -> memref<128xi32, #tpu.memory_space<vmem>>
        %dma_start3A_637 = arith.constant 0 : i32
        %dma_start3A_638 = arith.constant 0 : i32
        %dma_start3A_639 = tpu.memref_slice %arg10[%dma_start3A_637, %dma_start3A_638] : memref<10240x128xf32, #tpu.memory_space<vmem_shared>> -> memref<10240x128xf32, #tpu.memory_space<vmem_shared>>
        tpu.enqueue_indirect_dma source(%dma_start3A_633 : memref<128x128xf32, #tpu.memory_space<vmem>>) target(%dma_start3A_639 : memref<10240x128xf32, #tpu.memory_space<vmem_shared>>) offsets(%dma_start3A_636 : memref<128xi32, #tpu.memory_space<vmem>>) semaphore(%run_scoped3A_629 : memref<!tpu.dma_semaphore, #tpu.memory_space<semaphore_mem>>) {add = true}
        %dma_wait3A_640 = arith.constant 0 : i32
        %dma_wait3A_641 = arith.constant 0 : i32
        %dma_wait3A_642 = tpu.memref_slice %arg9[%run_scoped3A_216, %dma_wait3A_640, %dma_wait3A_641] : memref<2x128x128xf32, #tpu.memory_space<vmem>> -> memref<1x128x128xf32, #tpu.memory_space<vmem>>
        %dma_wait3A_643 = tpu.memref_squeeze %dma_wait3A_642 : memref<1x128x128xf32, #tpu.memory_space<vmem>> -> memref<128x128xf32, #tpu.memory_space<vmem>>
        %dma_wait3A_644 = arith.constant 0 : i32
        %dma_wait3A_645 = tpu.memref_slice %arg8[%run_scoped3A_217, %run_scoped3A_218, %dma_wait3A_644] : memref<2x8x128xi32, #tpu.memory_space<vmem>> -> memref<1x1x128xi32, #tpu.memory_space<vmem>>
        %dma_wait3A_646 = tpu.memref_squeeze %dma_wait3A_645 : memref<1x1x128xi32, #tpu.memory_space<vmem>> -> memref<128xi32, #tpu.memory_space<vmem>>
        %dma_wait3A_647 = arith.constant 0 : i32
        %dma_wait3A_648 = arith.constant 0 : i32
        %dma_wait3A_649 = tpu.memref_slice %arg10[%dma_wait3A_647, %dma_wait3A_648] : memref<10240x128xf32, #tpu.memory_space<vmem_shared>> -> memref<10240x128xf32, #tpu.memory_space<vmem_shared>>
        tpu.wait_indirect_dma semaphore(%run_scoped3A_629 : memref<!tpu.dma_semaphore, #tpu.memory_space<semaphore_mem>>) src(%dma_wait3A_643 : memref<128x128xf32, #tpu.memory_space<vmem>>) dst(%dma_wait3A_649 : memref<10240x128xf32, #tpu.memory_space<vmem_shared>>)
        tpu.yield
      }) : () -> ()
      %dma_start3A_219 = arith.constant 0 : i32
      %dma_start3A_220 = arith.constant 4 : i32
      %dma_start3A_221 = arith.constant 0 : i32
      %dma_start3A_222 = arith.constant 0 : i32
      %dma_start3A_223 = arith.constant 0 : i32
      %dma_start3A_224 = tpu.memref_slice %arg9[%dma_start3A_221, %dma_start3A_222, %dma_start3A_223] : memref<2x128x128xf32, #tpu.memory_space<vmem>> -> memref<1x128x128xf32, #tpu.memory_space<vmem>>
      %dma_start3A_225 = tpu.memref_squeeze %dma_start3A_224 : memref<1x128x128xf32, #tpu.memory_space<vmem>> -> memref<128x128xf32, #tpu.memory_space<vmem>>
      %dma_start3A_226 = arith.constant 0 : i32
      %dma_start3A_227 = tpu.memref_slice %arg7[%dma_start3A_219, %dma_start3A_220, %dma_start3A_226] : memref<2x8x128xi32, #tpu.memory_space<vmem>> -> memref<1x1x128xi32, #tpu.memory_space<vmem>>
      %dma_start3A_228 = tpu.memref_squeeze %dma_start3A_227 : memref<1x1x128xi32, #tpu.memory_space<vmem>> -> memref<128xi32, #tpu.memory_space<vmem>>
      %dma_start3A_229 = arith.constant 0 : i32
      %dma_start3A_230 = arith.constant 0 : i32
      %dma_start3A_231 = tpu.memref_slice %arg2[%dma_start3A_229, %dma_start3A_230] : memref<20480x128xf32, #tpu.memory_space<hbm>> -> memref<20480x128xf32, #tpu.memory_space<hbm>>
      tpu.enqueue_indirect_dma source(%dma_start3A_231 : memref<20480x128xf32, #tpu.memory_space<hbm>>) target(%dma_start3A_225 : memref<128x128xf32, #tpu.memory_space<vmem>>) offsets(%dma_start3A_228 : memref<128xi32, #tpu.memory_space<vmem>>) semaphore(%arg13 : memref<!tpu.dma_semaphore, #tpu.memory_space<semaphore_mem>>)
      %dma_wait3A_232 = arith.constant 0 : i32
      %dma_wait3A_233 = arith.constant 0 : i32
      %dma_wait3A_234 = arith.constant 1 : i32
      %dma_wait3A_235 = arith.constant 0 : i32
      %dma_wait3A_236 = arith.constant 0 : i32
      %dma_wait3A_237 = tpu.memref_slice %arg9[%dma_wait3A_234, %dma_wait3A_235, %dma_wait3A_236] : memref<2x128x128xf32, #tpu.memory_space<vmem>> -> memref<1x128x128xf32, #tpu.memory_space<vmem>>
      %dma_wait3A_238 = tpu.memref_squeeze %dma_wait3A_237 : memref<1x128x128xf32, #tpu.memory_space<vmem>> -> memref<128x128xf32, #tpu.memory_space<vmem>>
      %dma_wait3A_239 = arith.constant 0 : i32
      %dma_wait3A_240 = tpu.memref_slice %arg7[%dma_wait3A_232, %dma_wait3A_233, %dma_wait3A_239] : memref<2x8x128xi32, #tpu.memory_space<vmem>> -> memref<1x1x128xi32, #tpu.memory_space<vmem>>
      %dma_wait3A_241 = tpu.memref_squeeze %dma_wait3A_240 : memref<1x1x128xi32, #tpu.memory_space<vmem>> -> memref<128xi32, #tpu.memory_space<vmem>>
      %dma_wait3A_242 = arith.constant 0 : i32
      %dma_wait3A_243 = arith.constant 0 : i32
      %dma_wait3A_244 = tpu.memref_slice %arg2[%dma_wait3A_242, %dma_wait3A_243] : memref<20480x128xf32, #tpu.memory_space<hbm>> -> memref<20480x128xf32, #tpu.memory_space<hbm>>
      tpu.wait_indirect_dma semaphore(%arg14 : memref<!tpu.dma_semaphore, #tpu.memory_space<semaphore_mem>>) src(%dma_wait3A_244 : memref<20480x128xf32, #tpu.memory_space<hbm>>) dst(%dma_wait3A_238 : memref<128x128xf32, #tpu.memory_space<vmem>>)
      %run_scoped3A_245 = arith.constant 1 : i32
      %run_scoped3A_246 = arith.constant 0 : i32
      %run_scoped3A_247 = arith.constant 3 : i32
      "tpu.region"() ({
        %run_scoped3A_629 = tpu.sem_alloc : memref<!tpu.dma_semaphore, #tpu.memory_space<semaphore_mem>>
        %dma_start3A_630 = arith.constant 0 : i32
        %dma_start3A_631 = arith.constant 0 : i32
        %dma_start3A_632 = tpu.memref_slice %arg9[%run_scoped3A_245, %dma_start3A_630, %dma_start3A_631] : memref<2x128x128xf32, #tpu.memory_space<vmem>> -> memref<1x128x128xf32, #tpu.memory_space<vmem>>
        %dma_start3A_633 = tpu.memref_squeeze %dma_start3A_632 : memref<1x128x128xf32, #tpu.memory_space<vmem>> -> memref<128x128xf32, #tpu.memory_space<vmem>>
        %dma_start3A_634 = arith.constant 0 : i32
        %dma_start3A_635 = tpu.memref_slice %arg8[%run_scoped3A_246, %run_scoped3A_247, %dma_start3A_634] : memref<2x8x128xi32, #tpu.memory_space<vmem>> -> memref<1x1x128xi32, #tpu.memory_space<vmem>>
        %dma_start3A_636 = tpu.memref_squeeze %dma_start3A_635 : memref<1x1x128xi32, #tpu.memory_space<vmem>> -> memref<128xi32, #tpu.memory_space<vmem>>
        %dma_start3A_637 = arith.constant 0 : i32
        %dma_start3A_638 = arith.constant 0 : i32
        %dma_start3A_639 = tpu.memref_slice %arg10[%dma_start3A_637, %dma_start3A_638] : memref<10240x128xf32, #tpu.memory_space<vmem_shared>> -> memref<10240x128xf32, #tpu.memory_space<vmem_shared>>
        tpu.enqueue_indirect_dma source(%dma_start3A_633 : memref<128x128xf32, #tpu.memory_space<vmem>>) target(%dma_start3A_639 : memref<10240x128xf32, #tpu.memory_space<vmem_shared>>) offsets(%dma_start3A_636 : memref<128xi32, #tpu.memory_space<vmem>>) semaphore(%run_scoped3A_629 : memref<!tpu.dma_semaphore, #tpu.memory_space<semaphore_mem>>) {add = true}
        %dma_wait3A_640 = arith.constant 0 : i32
        %dma_wait3A_641 = arith.constant 0 : i32
        %dma_wait3A_642 = tpu.memref_slice %arg9[%run_scoped3A_245, %dma_wait3A_640, %dma_wait3A_641] : memref<2x128x128xf32, #tpu.memory_space<vmem>> -> memref<1x128x128xf32, #tpu.memory_space<vmem>>
        %dma_wait3A_643 = tpu.memref_squeeze %dma_wait3A_642 : memref<1x128x128xf32, #tpu.memory_space<vmem>> -> memref<128x128xf32, #tpu.memory_space<vmem>>
        %dma_wait3A_644 = arith.constant 0 : i32
        %dma_wait3A_645 = tpu.memref_slice %arg8[%run_scoped3A_246, %run_scoped3A_247, %dma_wait3A_644] : memref<2x8x128xi32, #tpu.memory_space<vmem>> -> memref<1x1x128xi32, #tpu.memory_space<vmem>>
        %dma_wait3A_646 = tpu.memref_squeeze %dma_wait3A_645 : memref<1x1x128xi32, #tpu.memory_space<vmem>> -> memref<128xi32, #tpu.memory_space<vmem>>
        %dma_wait3A_647 = arith.constant 0 : i32
        %dma_wait3A_648 = arith.constant 0 : i32
        %dma_wait3A_649 = tpu.memref_slice %arg10[%dma_wait3A_647, %dma_wait3A_648] : memref<10240x128xf32, #tpu.memory_space<vmem_shared>> -> memref<10240x128xf32, #tpu.memory_space<vmem_shared>>
        tpu.wait_indirect_dma semaphore(%run_scoped3A_629 : memref<!tpu.dma_semaphore, #tpu.memory_space<semaphore_mem>>) src(%dma_wait3A_643 : memref<128x128xf32, #tpu.memory_space<vmem>>) dst(%dma_wait3A_649 : memref<10240x128xf32, #tpu.memory_space<vmem_shared>>)
        tpu.yield
      }) : () -> ()
      %dma_start3A_248 = arith.constant 0 : i32
      %dma_start3A_249 = arith.constant 5 : i32
      %dma_start3A_250 = arith.constant 1 : i32
      %dma_start3A_251 = arith.constant 0 : i32
      %dma_start3A_252 = arith.constant 0 : i32
      %dma_start3A_253 = tpu.memref_slice %arg9[%dma_start3A_250, %dma_start3A_251, %dma_start3A_252] : memref<2x128x128xf32, #tpu.memory_space<vmem>> -> memref<1x128x128xf32, #tpu.memory_space<vmem>>
      %dma_start3A_254 = tpu.memref_squeeze %dma_start3A_253 : memref<1x128x128xf32, #tpu.memory_space<vmem>> -> memref<128x128xf32, #tpu.memory_space<vmem>>
      %dma_start3A_255 = arith.constant 0 : i32
      %dma_start3A_256 = tpu.memref_slice %arg7[%dma_start3A_248, %dma_start3A_249, %dma_start3A_255] : memref<2x8x128xi32, #tpu.memory_space<vmem>> -> memref<1x1x128xi32, #tpu.memory_space<vmem>>
      %dma_start3A_257 = tpu.memref_squeeze %dma_start3A_256 : memref<1x1x128xi32, #tpu.memory_space<vmem>> -> memref<128xi32, #tpu.memory_space<vmem>>
      %dma_start3A_258 = arith.constant 0 : i32
      %dma_start3A_259 = arith.constant 0 : i32
      %dma_start3A_260 = tpu.memref_slice %arg2[%dma_start3A_258, %dma_start3A_259] : memref<20480x128xf32, #tpu.memory_space<hbm>> -> memref<20480x128xf32, #tpu.memory_space<hbm>>
      tpu.enqueue_indirect_dma source(%dma_start3A_260 : memref<20480x128xf32, #tpu.memory_space<hbm>>) target(%dma_start3A_254 : memref<128x128xf32, #tpu.memory_space<vmem>>) offsets(%dma_start3A_257 : memref<128xi32, #tpu.memory_space<vmem>>) semaphore(%arg14 : memref<!tpu.dma_semaphore, #tpu.memory_space<semaphore_mem>>)
      %dma_wait3A_261 = arith.constant 0 : i32
      %dma_wait3A_262 = arith.constant 0 : i32
      %dma_wait3A_263 = arith.constant 0 : i32
      %dma_wait3A_264 = arith.constant 0 : i32
      %dma_wait3A_265 = arith.constant 0 : i32
      %dma_wait3A_266 = tpu.memref_slice %arg9[%dma_wait3A_263, %dma_wait3A_264, %dma_wait3A_265] : memref<2x128x128xf32, #tpu.memory_space<vmem>> -> memref<1x128x128xf32, #tpu.memory_space<vmem>>
      %dma_wait3A_267 = tpu.memref_squeeze %dma_wait3A_266 : memref<1x128x128xf32, #tpu.memory_space<vmem>> -> memref<128x128xf32, #tpu.memory_space<vmem>>
      %dma_wait3A_268 = arith.constant 0 : i32
      %dma_wait3A_269 = tpu.memref_slice %arg7[%dma_wait3A_261, %dma_wait3A_262, %dma_wait3A_268] : memref<2x8x128xi32, #tpu.memory_space<vmem>> -> memref<1x1x128xi32, #tpu.memory_space<vmem>>
      %dma_wait3A_270 = tpu.memref_squeeze %dma_wait3A_269 : memref<1x1x128xi32, #tpu.memory_space<vmem>> -> memref<128xi32, #tpu.memory_space<vmem>>
      %dma_wait3A_271 = arith.constant 0 : i32
      %dma_wait3A_272 = arith.constant 0 : i32
      %dma_wait3A_273 = tpu.memref_slice %arg2[%dma_wait3A_271, %dma_wait3A_272] : memref<20480x128xf32, #tpu.memory_space<hbm>> -> memref<20480x128xf32, #tpu.memory_space<hbm>>
      tpu.wait_indirect_dma semaphore(%arg13 : memref<!tpu.dma_semaphore, #tpu.memory_space<semaphore_mem>>) src(%dma_wait3A_273 : memref<20480x128xf32, #tpu.memory_space<hbm>>) dst(%dma_wait3A_267 : memref<128x128xf32, #tpu.memory_space<vmem>>)
      %run_scoped3A_274 = arith.constant 0 : i32
      %run_scoped3A_275 = arith.constant 0 : i32
      %run_scoped3A_276 = arith.constant 4 : i32
      "tpu.region"() ({
        %run_scoped3A_629 = tpu.sem_alloc : memref<!tpu.dma_semaphore, #tpu.memory_space<semaphore_mem>>
        %dma_start3A_630 = arith.constant 0 : i32
        %dma_start3A_631 = arith.constant 0 : i32
        %dma_start3A_632 = tpu.memref_slice %arg9[%run_scoped3A_274, %dma_start3A_630, %dma_start3A_631] : memref<2x128x128xf32, #tpu.memory_space<vmem>> -> memref<1x128x128xf32, #tpu.memory_space<vmem>>
        %dma_start3A_633 = tpu.memref_squeeze %dma_start3A_632 : memref<1x128x128xf32, #tpu.memory_space<vmem>> -> memref<128x128xf32, #tpu.memory_space<vmem>>
        %dma_start3A_634 = arith.constant 0 : i32
        %dma_start3A_635 = tpu.memref_slice %arg8[%run_scoped3A_275, %run_scoped3A_276, %dma_start3A_634] : memref<2x8x128xi32, #tpu.memory_space<vmem>> -> memref<1x1x128xi32, #tpu.memory_space<vmem>>
        %dma_start3A_636 = tpu.memref_squeeze %dma_start3A_635 : memref<1x1x128xi32, #tpu.memory_space<vmem>> -> memref<128xi32, #tpu.memory_space<vmem>>
        %dma_start3A_637 = arith.constant 0 : i32
        %dma_start3A_638 = arith.constant 0 : i32
        %dma_start3A_639 = tpu.memref_slice %arg10[%dma_start3A_637, %dma_start3A_638] : memref<10240x128xf32, #tpu.memory_space<vmem_shared>> -> memref<10240x128xf32, #tpu.memory_space<vmem_shared>>
        tpu.enqueue_indirect_dma source(%dma_start3A_633 : memref<128x128xf32, #tpu.memory_space<vmem>>) target(%dma_start3A_639 : memref<10240x128xf32, #tpu.memory_space<vmem_shared>>) offsets(%dma_start3A_636 : memref<128xi32, #tpu.memory_space<vmem>>) semaphore(%run_scoped3A_629 : memref<!tpu.dma_semaphore, #tpu.memory_space<semaphore_mem>>) {add = true}
        %dma_wait3A_640 = arith.constant 0 : i32
        %dma_wait3A_641 = arith.constant 0 : i32
        %dma_wait3A_642 = tpu.memref_slice %arg9[%run_scoped3A_274, %dma_wait3A_640, %dma_wait3A_641] : memref<2x128x128xf32, #tpu.memory_space<vmem>> -> memref<1x128x128xf32, #tpu.memory_space<vmem>>
        %dma_wait3A_643 = tpu.memref_squeeze %dma_wait3A_642 : memref<1x128x128xf32, #tpu.memory_space<vmem>> -> memref<128x128xf32, #tpu.memory_space<vmem>>
        %dma_wait3A_644 = arith.constant 0 : i32
        %dma_wait3A_645 = tpu.memref_slice %arg8[%run_scoped3A_275, %run_scoped3A_276, %dma_wait3A_644] : memref<2x8x128xi32, #tpu.memory_space<vmem>> -> memref<1x1x128xi32, #tpu.memory_space<vmem>>
        %dma_wait3A_646 = tpu.memref_squeeze %dma_wait3A_645 : memref<1x1x128xi32, #tpu.memory_space<vmem>> -> memref<128xi32, #tpu.memory_space<vmem>>
        %dma_wait3A_647 = arith.constant 0 : i32
        %dma_wait3A_648 = arith.constant 0 : i32
        %dma_wait3A_649 = tpu.memref_slice %arg10[%dma_wait3A_647, %dma_wait3A_648] : memref<10240x128xf32, #tpu.memory_space<vmem_shared>> -> memref<10240x128xf32, #tpu.memory_space<vmem_shared>>
        tpu.wait_indirect_dma semaphore(%run_scoped3A_629 : memref<!tpu.dma_semaphore, #tpu.memory_space<semaphore_mem>>) src(%dma_wait3A_643 : memref<128x128xf32, #tpu.memory_space<vmem>>) dst(%dma_wait3A_649 : memref<10240x128xf32, #tpu.memory_space<vmem_shared>>)
        tpu.yield
      }) : () -> ()
      %dma_start3A_277 = arith.constant 0 : i32
      %dma_start3A_278 = arith.constant 6 : i32
      %dma_start3A_279 = arith.constant 0 : i32
      %dma_start3A_280 = arith.constant 0 : i32
      %dma_start3A_281 = arith.constant 0 : i32
      %dma_start3A_282 = tpu.memref_slice %arg9[%dma_start3A_279, %dma_start3A_280, %dma_start3A_281] : memref<2x128x128xf32, #tpu.memory_space<vmem>> -> memref<1x128x128xf32, #tpu.memory_space<vmem>>
      %dma_start3A_283 = tpu.memref_squeeze %dma_start3A_282 : memref<1x128x128xf32, #tpu.memory_space<vmem>> -> memref<128x128xf32, #tpu.memory_space<vmem>>
      %dma_start3A_284 = arith.constant 0 : i32
      %dma_start3A_285 = tpu.memref_slice %arg7[%dma_start3A_277, %dma_start3A_278, %dma_start3A_284] : memref<2x8x128xi32, #tpu.memory_space<vmem>> -> memref<1x1x128xi32, #tpu.memory_space<vmem>>
      %dma_start3A_286 = tpu.memref_squeeze %dma_start3A_285 : memref<1x1x128xi32, #tpu.memory_space<vmem>> -> memref<128xi32, #tpu.memory_space<vmem>>
      %dma_start3A_287 = arith.constant 0 : i32
      %dma_start3A_288 = arith.constant 0 : i32
      %dma_start3A_289 = tpu.memref_slice %arg2[%dma_start3A_287, %dma_start3A_288] : memref<20480x128xf32, #tpu.memory_space<hbm>> -> memref<20480x128xf32, #tpu.memory_space<hbm>>
      tpu.enqueue_indirect_dma source(%dma_start3A_289 : memref<20480x128xf32, #tpu.memory_space<hbm>>) target(%dma_start3A_283 : memref<128x128xf32, #tpu.memory_space<vmem>>) offsets(%dma_start3A_286 : memref<128xi32, #tpu.memory_space<vmem>>) semaphore(%arg13 : memref<!tpu.dma_semaphore, #tpu.memory_space<semaphore_mem>>)
      %dma_wait3A_290 = arith.constant 0 : i32
      %dma_wait3A_291 = arith.constant 0 : i32
      %dma_wait3A_292 = arith.constant 1 : i32
      %dma_wait3A_293 = arith.constant 0 : i32
      %dma_wait3A_294 = arith.constant 0 : i32
      %dma_wait3A_295 = tpu.memref_slice %arg9[%dma_wait3A_292, %dma_wait3A_293, %dma_wait3A_294] : memref<2x128x128xf32, #tpu.memory_space<vmem>> -> memref<1x128x128xf32, #tpu.memory_space<vmem>>
      %dma_wait3A_296 = tpu.memref_squeeze %dma_wait3A_295 : memref<1x128x128xf32, #tpu.memory_space<vmem>> -> memref<128x128xf32, #tpu.memory_space<vmem>>
      %dma_wait3A_297 = arith.constant 0 : i32
      %dma_wait3A_298 = tpu.memref_slice %arg7[%dma_wait3A_290, %dma_wait3A_291, %dma_wait3A_297] : memref<2x8x128xi32, #tpu.memory_space<vmem>> -> memref<1x1x128xi32, #tpu.memory_space<vmem>>
      %dma_wait3A_299 = tpu.memref_squeeze %dma_wait3A_298 : memref<1x1x128xi32, #tpu.memory_space<vmem>> -> memref<128xi32, #tpu.memory_space<vmem>>
      %dma_wait3A_300 = arith.constant 0 : i32
      %dma_wait3A_301 = arith.constant 0 : i32
      %dma_wait3A_302 = tpu.memref_slice %arg2[%dma_wait3A_300, %dma_wait3A_301] : memref<20480x128xf32, #tpu.memory_space<hbm>> -> memref<20480x128xf32, #tpu.memory_space<hbm>>
      tpu.wait_indirect_dma semaphore(%arg14 : memref<!tpu.dma_semaphore, #tpu.memory_space<semaphore_mem>>) src(%dma_wait3A_302 : memref<20480x128xf32, #tpu.memory_space<hbm>>) dst(%dma_wait3A_296 : memref<128x128xf32, #tpu.memory_space<vmem>>)
      %run_scoped3A_303 = arith.constant 1 : i32
      %run_scoped3A_304 = arith.constant 0 : i32
      %run_scoped3A_305 = arith.constant 5 : i32
      "tpu.region"() ({
        %run_scoped3A_629 = tpu.sem_alloc : memref<!tpu.dma_semaphore, #tpu.memory_space<semaphore_mem>>
        %dma_start3A_630 = arith.constant 0 : i32
        %dma_start3A_631 = arith.constant 0 : i32
        %dma_start3A_632 = tpu.memref_slice %arg9[%run_scoped3A_303, %dma_start3A_630, %dma_start3A_631] : memref<2x128x128xf32, #tpu.memory_space<vmem>> -> memref<1x128x128xf32, #tpu.memory_space<vmem>>
        %dma_start3A_633 = tpu.memref_squeeze %dma_start3A_632 : memref<1x128x128xf32, #tpu.memory_space<vmem>> -> memref<128x128xf32, #tpu.memory_space<vmem>>
        %dma_start3A_634 = arith.constant 0 : i32
        %dma_start3A_635 = tpu.memref_slice %arg8[%run_scoped3A_304, %run_scoped3A_305, %dma_start3A_634] : memref<2x8x128xi32, #tpu.memory_space<vmem>> -> memref<1x1x128xi32, #tpu.memory_space<vmem>>
        %dma_start3A_636 = tpu.memref_squeeze %dma_start3A_635 : memref<1x1x128xi32, #tpu.memory_space<vmem>> -> memref<128xi32, #tpu.memory_space<vmem>>
        %dma_start3A_637 = arith.constant 0 : i32
        %dma_start3A_638 = arith.constant 0 : i32
        %dma_start3A_639 = tpu.memref_slice %arg10[%dma_start3A_637, %dma_start3A_638] : memref<10240x128xf32, #tpu.memory_space<vmem_shared>> -> memref<10240x128xf32, #tpu.memory_space<vmem_shared>>
        tpu.enqueue_indirect_dma source(%dma_start3A_633 : memref<128x128xf32, #tpu.memory_space<vmem>>) target(%dma_start3A_639 : memref<10240x128xf32, #tpu.memory_space<vmem_shared>>) offsets(%dma_start3A_636 : memref<128xi32, #tpu.memory_space<vmem>>) semaphore(%run_scoped3A_629 : memref<!tpu.dma_semaphore, #tpu.memory_space<semaphore_mem>>) {add = true}
        %dma_wait3A_640 = arith.constant 0 : i32
        %dma_wait3A_641 = arith.constant 0 : i32
        %dma_wait3A_642 = tpu.memref_slice %arg9[%run_scoped3A_303, %dma_wait3A_640, %dma_wait3A_641] : memref<2x128x128xf32, #tpu.memory_space<vmem>> -> memref<1x128x128xf32, #tpu.memory_space<vmem>>
        %dma_wait3A_643 = tpu.memref_squeeze %dma_wait3A_642 : memref<1x128x128xf32, #tpu.memory_space<vmem>> -> memref<128x128xf32, #tpu.memory_space<vmem>>
        %dma_wait3A_644 = arith.constant 0 : i32
        %dma_wait3A_645 = tpu.memref_slice %arg8[%run_scoped3A_304, %run_scoped3A_305, %dma_wait3A_644] : memref<2x8x128xi32, #tpu.memory_space<vmem>> -> memref<1x1x128xi32, #tpu.memory_space<vmem>>
        %dma_wait3A_646 = tpu.memref_squeeze %dma_wait3A_645 : memref<1x1x128xi32, #tpu.memory_space<vmem>> -> memref<128xi32, #tpu.memory_space<vmem>>
        %dma_wait3A_647 = arith.constant 0 : i32
        %dma_wait3A_648 = arith.constant 0 : i32
        %dma_wait3A_649 = tpu.memref_slice %arg10[%dma_wait3A_647, %dma_wait3A_648] : memref<10240x128xf32, #tpu.memory_space<vmem_shared>> -> memref<10240x128xf32, #tpu.memory_space<vmem_shared>>
        tpu.wait_indirect_dma semaphore(%run_scoped3A_629 : memref<!tpu.dma_semaphore, #tpu.memory_space<semaphore_mem>>) src(%dma_wait3A_643 : memref<128x128xf32, #tpu.memory_space<vmem>>) dst(%dma_wait3A_649 : memref<10240x128xf32, #tpu.memory_space<vmem_shared>>)
        tpu.yield
      }) : () -> ()
      %dma_start3A_306 = arith.constant 0 : i32
      %dma_start3A_307 = arith.constant 7 : i32
      %dma_start3A_308 = arith.constant 1 : i32
      %dma_start3A_309 = arith.constant 0 : i32
      %dma_start3A_310 = arith.constant 0 : i32
      %dma_start3A_311 = tpu.memref_slice %arg9[%dma_start3A_308, %dma_start3A_309, %dma_start3A_310] : memref<2x128x128xf32, #tpu.memory_space<vmem>> -> memref<1x128x128xf32, #tpu.memory_space<vmem>>
      %dma_start3A_312 = tpu.memref_squeeze %dma_start3A_311 : memref<1x128x128xf32, #tpu.memory_space<vmem>> -> memref<128x128xf32, #tpu.memory_space<vmem>>
      %dma_start3A_313 = arith.constant 0 : i32
      %dma_start3A_314 = tpu.memref_slice %arg7[%dma_start3A_306, %dma_start3A_307, %dma_start3A_313] : memref<2x8x128xi32, #tpu.memory_space<vmem>> -> memref<1x1x128xi32, #tpu.memory_space<vmem>>
      %dma_start3A_315 = tpu.memref_squeeze %dma_start3A_314 : memref<1x1x128xi32, #tpu.memory_space<vmem>> -> memref<128xi32, #tpu.memory_space<vmem>>
      %dma_start3A_316 = arith.constant 0 : i32
      %dma_start3A_317 = arith.constant 0 : i32
      %dma_start3A_318 = tpu.memref_slice %arg2[%dma_start3A_316, %dma_start3A_317] : memref<20480x128xf32, #tpu.memory_space<hbm>> -> memref<20480x128xf32, #tpu.memory_space<hbm>>
      tpu.enqueue_indirect_dma source(%dma_start3A_318 : memref<20480x128xf32, #tpu.memory_space<hbm>>) target(%dma_start3A_312 : memref<128x128xf32, #tpu.memory_space<vmem>>) offsets(%dma_start3A_315 : memref<128xi32, #tpu.memory_space<vmem>>) semaphore(%arg14 : memref<!tpu.dma_semaphore, #tpu.memory_space<semaphore_mem>>)
      %dma_wait3A_319 = arith.constant 0 : i32
      %dma_wait3A_320 = arith.constant 0 : i32
      %dma_wait3A_321 = arith.constant 0 : i32
      %dma_wait3A_322 = arith.constant 0 : i32
      %dma_wait3A_323 = arith.constant 0 : i32
      %dma_wait3A_324 = tpu.memref_slice %arg9[%dma_wait3A_321, %dma_wait3A_322, %dma_wait3A_323] : memref<2x128x128xf32, #tpu.memory_space<vmem>> -> memref<1x128x128xf32, #tpu.memory_space<vmem>>
      %dma_wait3A_325 = tpu.memref_squeeze %dma_wait3A_324 : memref<1x128x128xf32, #tpu.memory_space<vmem>> -> memref<128x128xf32, #tpu.memory_space<vmem>>
      %dma_wait3A_326 = arith.constant 0 : i32
      %dma_wait3A_327 = tpu.memref_slice %arg7[%dma_wait3A_319, %dma_wait3A_320, %dma_wait3A_326] : memref<2x8x128xi32, #tpu.memory_space<vmem>> -> memref<1x1x128xi32, #tpu.memory_space<vmem>>
      %dma_wait3A_328 = tpu.memref_squeeze %dma_wait3A_327 : memref<1x1x128xi32, #tpu.memory_space<vmem>> -> memref<128xi32, #tpu.memory_space<vmem>>
      %dma_wait3A_329 = arith.constant 0 : i32
      %dma_wait3A_330 = arith.constant 0 : i32
      %dma_wait3A_331 = tpu.memref_slice %arg2[%dma_wait3A_329, %dma_wait3A_330] : memref<20480x128xf32, #tpu.memory_space<hbm>> -> memref<20480x128xf32, #tpu.memory_space<hbm>>
      tpu.wait_indirect_dma semaphore(%arg13 : memref<!tpu.dma_semaphore, #tpu.memory_space<semaphore_mem>>) src(%dma_wait3A_331 : memref<20480x128xf32, #tpu.memory_space<hbm>>) dst(%dma_wait3A_325 : memref<128x128xf32, #tpu.memory_space<vmem>>)
      %run_scoped3A_332 = arith.constant 0 : i32
      %run_scoped3A_333 = arith.constant 0 : i32
      %run_scoped3A_334 = arith.constant 6 : i32
      "tpu.region"() ({
        %run_scoped3A_629 = tpu.sem_alloc : memref<!tpu.dma_semaphore, #tpu.memory_space<semaphore_mem>>
        %dma_start3A_630 = arith.constant 0 : i32
        %dma_start3A_631 = arith.constant 0 : i32
        %dma_start3A_632 = tpu.memref_slice %arg9[%run_scoped3A_332, %dma_start3A_630, %dma_start3A_631] : memref<2x128x128xf32, #tpu.memory_space<vmem>> -> memref<1x128x128xf32, #tpu.memory_space<vmem>>
        %dma_start3A_633 = tpu.memref_squeeze %dma_start3A_632 : memref<1x128x128xf32, #tpu.memory_space<vmem>> -> memref<128x128xf32, #tpu.memory_space<vmem>>
        %dma_start3A_634 = arith.constant 0 : i32
        %dma_start3A_635 = tpu.memref_slice %arg8[%run_scoped3A_333, %run_scoped3A_334, %dma_start3A_634] : memref<2x8x128xi32, #tpu.memory_space<vmem>> -> memref<1x1x128xi32, #tpu.memory_space<vmem>>
        %dma_start3A_636 = tpu.memref_squeeze %dma_start3A_635 : memref<1x1x128xi32, #tpu.memory_space<vmem>> -> memref<128xi32, #tpu.memory_space<vmem>>
        %dma_start3A_637 = arith.constant 0 : i32
        %dma_start3A_638 = arith.constant 0 : i32
        %dma_start3A_639 = tpu.memref_slice %arg10[%dma_start3A_637, %dma_start3A_638] : memref<10240x128xf32, #tpu.memory_space<vmem_shared>> -> memref<10240x128xf32, #tpu.memory_space<vmem_shared>>
        tpu.enqueue_indirect_dma source(%dma_start3A_633 : memref<128x128xf32, #tpu.memory_space<vmem>>) target(%dma_start3A_639 : memref<10240x128xf32, #tpu.memory_space<vmem_shared>>) offsets(%dma_start3A_636 : memref<128xi32, #tpu.memory_space<vmem>>) semaphore(%run_scoped3A_629 : memref<!tpu.dma_semaphore, #tpu.memory_space<semaphore_mem>>) {add = true}
        %dma_wait3A_640 = arith.constant 0 : i32
        %dma_wait3A_641 = arith.constant 0 : i32
        %dma_wait3A_642 = tpu.memref_slice %arg9[%run_scoped3A_332, %dma_wait3A_640, %dma_wait3A_641] : memref<2x128x128xf32, #tpu.memory_space<vmem>> -> memref<1x128x128xf32, #tpu.memory_space<vmem>>
        %dma_wait3A_643 = tpu.memref_squeeze %dma_wait3A_642 : memref<1x128x128xf32, #tpu.memory_space<vmem>> -> memref<128x128xf32, #tpu.memory_space<vmem>>
        %dma_wait3A_644 = arith.constant 0 : i32
        %dma_wait3A_645 = tpu.memref_slice %arg8[%run_scoped3A_333, %run_scoped3A_334, %dma_wait3A_644] : memref<2x8x128xi32, #tpu.memory_space<vmem>> -> memref<1x1x128xi32, #tpu.memory_space<vmem>>
        %dma_wait3A_646 = tpu.memref_squeeze %dma_wait3A_645 : memref<1x1x128xi32, #tpu.memory_space<vmem>> -> memref<128xi32, #tpu.memory_space<vmem>>
        %dma_wait3A_647 = arith.constant 0 : i32
        %dma_wait3A_648 = arith.constant 0 : i32
        %dma_wait3A_649 = tpu.memref_slice %arg10[%dma_wait3A_647, %dma_wait3A_648] : memref<10240x128xf32, #tpu.memory_space<vmem_shared>> -> memref<10240x128xf32, #tpu.memory_space<vmem_shared>>
        tpu.wait_indirect_dma semaphore(%run_scoped3A_629 : memref<!tpu.dma_semaphore, #tpu.memory_space<semaphore_mem>>) src(%dma_wait3A_643 : memref<128x128xf32, #tpu.memory_space<vmem>>) dst(%dma_wait3A_649 : memref<10240x128xf32, #tpu.memory_space<vmem_shared>>)
        tpu.yield
      }) : () -> ()
      %dma_wait3A_335 = arith.constant 0 : i32
      %dma_wait3A_336 = arith.constant 0 : i32
      %dma_wait3A_337 = arith.constant 1 : i32
      %dma_wait3A_338 = arith.constant 0 : i32
      %dma_wait3A_339 = arith.constant 0 : i32
      %dma_wait3A_340 = tpu.memref_slice %arg9[%dma_wait3A_337, %dma_wait3A_338, %dma_wait3A_339] : memref<2x128x128xf32, #tpu.memory_space<vmem>> -> memref<1x128x128xf32, #tpu.memory_space<vmem>>
      %dma_wait3A_341 = tpu.memref_squeeze %dma_wait3A_340 : memref<1x128x128xf32, #tpu.memory_space<vmem>> -> memref<128x128xf32, #tpu.memory_space<vmem>>
      %dma_wait3A_342 = arith.constant 0 : i32
      %dma_wait3A_343 = tpu.memref_slice %arg7[%dma_wait3A_335, %dma_wait3A_336, %dma_wait3A_342] : memref<2x8x128xi32, #tpu.memory_space<vmem>> -> memref<1x1x128xi32, #tpu.memory_space<vmem>>
      %dma_wait3A_344 = tpu.memref_squeeze %dma_wait3A_343 : memref<1x1x128xi32, #tpu.memory_space<vmem>> -> memref<128xi32, #tpu.memory_space<vmem>>
      %dma_wait3A_345 = arith.constant 0 : i32
      %dma_wait3A_346 = arith.constant 0 : i32
      %dma_wait3A_347 = tpu.memref_slice %arg2[%dma_wait3A_345, %dma_wait3A_346] : memref<20480x128xf32, #tpu.memory_space<hbm>> -> memref<20480x128xf32, #tpu.memory_space<hbm>>
      tpu.wait_indirect_dma semaphore(%arg14 : memref<!tpu.dma_semaphore, #tpu.memory_space<semaphore_mem>>) src(%dma_wait3A_347 : memref<20480x128xf32, #tpu.memory_space<hbm>>) dst(%dma_wait3A_341 : memref<128x128xf32, #tpu.memory_space<vmem>>)
      %run_scoped3A_348 = arith.constant 1 : i32
      %run_scoped3A_349 = arith.constant 0 : i32
      %run_scoped3A_350 = arith.constant 7 : i32
      "tpu.region"() ({
        %run_scoped3A_629 = tpu.sem_alloc : memref<!tpu.dma_semaphore, #tpu.memory_space<semaphore_mem>>
        %dma_start3A_630 = arith.constant 0 : i32
        %dma_start3A_631 = arith.constant 0 : i32
        %dma_start3A_632 = tpu.memref_slice %arg9[%run_scoped3A_348, %dma_start3A_630, %dma_start3A_631] : memref<2x128x128xf32, #tpu.memory_space<vmem>> -> memref<1x128x128xf32, #tpu.memory_space<vmem>>
        %dma_start3A_633 = tpu.memref_squeeze %dma_start3A_632 : memref<1x128x128xf32, #tpu.memory_space<vmem>> -> memref<128x128xf32, #tpu.memory_space<vmem>>
        %dma_start3A_634 = arith.constant 0 : i32
        %dma_start3A_635 = tpu.memref_slice %arg8[%run_scoped3A_349, %run_scoped3A_350, %dma_start3A_634] : memref<2x8x128xi32, #tpu.memory_space<vmem>> -> memref<1x1x128xi32, #tpu.memory_space<vmem>>
        %dma_start3A_636 = tpu.memref_squeeze %dma_start3A_635 : memref<1x1x128xi32, #tpu.memory_space<vmem>> -> memref<128xi32, #tpu.memory_space<vmem>>
        %dma_start3A_637 = arith.constant 0 : i32
        %dma_start3A_638 = arith.constant 0 : i32
        %dma_start3A_639 = tpu.memref_slice %arg10[%dma_start3A_637, %dma_start3A_638] : memref<10240x128xf32, #tpu.memory_space<vmem_shared>> -> memref<10240x128xf32, #tpu.memory_space<vmem_shared>>
        tpu.enqueue_indirect_dma source(%dma_start3A_633 : memref<128x128xf32, #tpu.memory_space<vmem>>) target(%dma_start3A_639 : memref<10240x128xf32, #tpu.memory_space<vmem_shared>>) offsets(%dma_start3A_636 : memref<128xi32, #tpu.memory_space<vmem>>) semaphore(%run_scoped3A_629 : memref<!tpu.dma_semaphore, #tpu.memory_space<semaphore_mem>>) {add = true}
        %dma_wait3A_640 = arith.constant 0 : i32
        %dma_wait3A_641 = arith.constant 0 : i32
        %dma_wait3A_642 = tpu.memref_slice %arg9[%run_scoped3A_348, %dma_wait3A_640, %dma_wait3A_641] : memref<2x128x128xf32, #tpu.memory_space<vmem>> -> memref<1x128x128xf32, #tpu.memory_space<vmem>>
        %dma_wait3A_643 = tpu.memref_squeeze %dma_wait3A_642 : memref<1x128x128xf32, #tpu.memory_space<vmem>> -> memref<128x128xf32, #tpu.memory_space<vmem>>
        %dma_wait3A_644 = arith.constant 0 : i32
        %dma_wait3A_645 = tpu.memref_slice %arg8[%run_scoped3A_349, %run_scoped3A_350, %dma_wait3A_644] : memref<2x8x128xi32, #tpu.memory_space<vmem>> -> memref<1x1x128xi32, #tpu.memory_space<vmem>>
        %dma_wait3A_646 = tpu.memref_squeeze %dma_wait3A_645 : memref<1x1x128xi32, #tpu.memory_space<vmem>> -> memref<128xi32, #tpu.memory_space<vmem>>
        %dma_wait3A_647 = arith.constant 0 : i32
        %dma_wait3A_648 = arith.constant 0 : i32
        %dma_wait3A_649 = tpu.memref_slice %arg10[%dma_wait3A_647, %dma_wait3A_648] : memref<10240x128xf32, #tpu.memory_space<vmem_shared>> -> memref<10240x128xf32, #tpu.memory_space<vmem_shared>>
        tpu.wait_indirect_dma semaphore(%run_scoped3A_629 : memref<!tpu.dma_semaphore, #tpu.memory_space<semaphore_mem>>) src(%dma_wait3A_643 : memref<128x128xf32, #tpu.memory_space<vmem>>) dst(%dma_wait3A_649 : memref<10240x128xf32, #tpu.memory_space<vmem_shared>>)
        tpu.yield
      }) : () -> ()
      %add3A = arith.constant 2 : i32
      %add3A_351 = arith.addi %mul3A_86, %add3A : i32
      %lt3A = arith.constant 20 : i32
      %lt3A_352 = arith.cmpi slt, %add3A_351, %lt3A : i32
      %convert_element_type3A = arith.extui %lt3A_352 : i1 to i32
      %cond3A = arith.constant 0 : i32
      %cond3A_353 = arith.cmpi ne, %convert_element_type3A, %cond3A : i32
      scf.if %cond3A_353 {
        %add3A_629 = arith.constant 2 : i32
        %add3A_630 = arith.addi %mul3A_86, %add3A_629 : i32
        %dma_start3A_631 = arith.constant 0 : i32
        %dma_start3A_632 = arith.constant 0 : i32
        %dma_start3A_633 = arith.constant 0 : i32
        %dma_start3A_634 = tpu.memref_slice %arg7[%dma_start3A_631, %dma_start3A_632, %dma_start3A_633] : memref<2x8x128xi32, #tpu.memory_space<vmem>> -> memref<1x8x128xi32, #tpu.memory_space<vmem>>
        %dma_start3A_635 = tpu.memref_squeeze %dma_start3A_634 : memref<1x8x128xi32, #tpu.memory_space<vmem>> -> memref<8x128xi32, #tpu.memory_space<vmem>>
        %dma_start3A_636 = arith.constant 0 : i32
        %dma_start3A_637 = arith.constant 0 : i32
        %dma_start3A_638 = tpu.memref_slice %arg3[%arg0, %arg1, %add3A_630, %dma_start3A_636, %dma_start3A_637] : memref<2x16x20x8x128xi32, #tpu.memory_space<hbm>> -> memref<1x1x1x8x128xi32, #tpu.memory_space<hbm>>
        %dma_start3A_639 = tpu.memref_squeeze %dma_start3A_638 : memref<1x1x1x8x128xi32, #tpu.memory_space<hbm>> -> memref<8x128xi32, #tpu.memory_space<hbm>>
        %dma_start3A_640 = arith.constant 0 : i32
        %dma_start3A_641 = arith.constant 0 : i32
        %dma_start3A_642 = tpu.memref_slice %arg7[%dma_start3A_631, %dma_start3A_640, %dma_start3A_641] : memref<2x8x128xi32, #tpu.memory_space<vmem>> -> memref<1x8x128xi32, #tpu.memory_space<vmem>>
        %dma_start3A_643 = tpu.memref_squeeze %dma_start3A_642 : memref<1x8x128xi32, #tpu.memory_space<vmem>> -> memref<8x128xi32, #tpu.memory_space<vmem>>
        %dma_start3A_644 = arith.constant 0 : i32
        %dma_start3A_645 = arith.constant 0 : i32
        %dma_start3A_646 = tpu.memref_slice %arg3[%arg0, %arg1, %add3A_630, %dma_start3A_644, %dma_start3A_645] : memref<2x16x20x8x128xi32, #tpu.memory_space<hbm>> -> memref<1x1x1x8x128xi32, #tpu.memory_space<hbm>>
        %dma_start3A_647 = tpu.memref_squeeze %dma_start3A_646 : memref<1x1x1x8x128xi32, #tpu.memory_space<hbm>> -> memref<8x128xi32, #tpu.memory_space<hbm>>
        tpu.enqueue_dma source(%dma_start3A_647 : memref<8x128xi32, #tpu.memory_space<hbm>>) target(%dma_start3A_643 : memref<8x128xi32, #tpu.memory_space<vmem>>) target_semaphore(%arg11 : memref<!tpu.dma_semaphore, #tpu.memory_space<semaphore_mem>>)
        %dma_start3A_648 = arith.constant 0 : i32
        %dma_start3A_649 = arith.constant 0 : i32
        %dma_start3A_650 = arith.constant 0 : i32
        %dma_start3A_651 = tpu.memref_slice %arg8[%dma_start3A_648, %dma_start3A_649, %dma_start3A_650] : memref<2x8x128xi32, #tpu.memory_space<vmem>> -> memref<1x8x128xi32, #tpu.memory_space<vmem>>
        %dma_start3A_652 = tpu.memref_squeeze %dma_start3A_651 : memref<1x8x128xi32, #tpu.memory_space<vmem>> -> memref<8x128xi32, #tpu.memory_space<vmem>>
        %dma_start3A_653 = arith.constant 0 : i32
        %dma_start3A_654 = arith.constant 0 : i32
        %dma_start3A_655 = tpu.memref_slice %arg4[%arg1, %add3A_630, %dma_start3A_653, %dma_start3A_654] : memref<16x20x8x128xi32, #tpu.memory_space<hbm>> -> memref<1x1x8x128xi32, #tpu.memory_space<hbm>>
        %dma_start3A_656 = tpu.memref_squeeze %dma_start3A_655 : memref<1x1x8x128xi32, #tpu.memory_space<hbm>> -> memref<8x128xi32, #tpu.memory_space<hbm>>
        %dma_start3A_657 = arith.constant 0 : i32
        %dma_start3A_658 = arith.constant 0 : i32
        %dma_start3A_659 = tpu.memref_slice %arg8[%dma_start3A_648, %dma_start3A_657, %dma_start3A_658] : memref<2x8x128xi32, #tpu.memory_space<vmem>> -> memref<1x8x128xi32, #tpu.memory_space<vmem>>
        %dma_start3A_660 = tpu.memref_squeeze %dma_start3A_659 : memref<1x8x128xi32, #tpu.memory_space<vmem>> -> memref<8x128xi32, #tpu.memory_space<vmem>>
        %dma_start3A_661 = arith.constant 0 : i32
        %dma_start3A_662 = arith.constant 0 : i32
        %dma_start3A_663 = tpu.memref_slice %arg4[%arg1, %add3A_630, %dma_start3A_661, %dma_start3A_662] : memref<16x20x8x128xi32, #tpu.memory_space<hbm>> -> memref<1x1x8x128xi32, #tpu.memory_space<hbm>>
        %dma_start3A_664 = tpu.memref_squeeze %dma_start3A_663 : memref<1x1x8x128xi32, #tpu.memory_space<hbm>> -> memref<8x128xi32, #tpu.memory_space<hbm>>
        tpu.enqueue_dma source(%dma_start3A_664 : memref<8x128xi32, #tpu.memory_space<hbm>>) target(%dma_start3A_660 : memref<8x128xi32, #tpu.memory_space<vmem>>) target_semaphore(%arg11 : memref<!tpu.dma_semaphore, #tpu.memory_space<semaphore_mem>>)
      } else {
      }
      %add3A_354 = arith.constant 1 : i32
      %add3A_355 = arith.addi %mul3A_86, %add3A_354 : i32
      %dma_wait3A_356 = arith.constant 1 : i32
      %dma_wait3A_357 = arith.constant 0 : i32
      %dma_wait3A_358 = arith.constant 0 : i32
      %dma_wait3A_359 = tpu.memref_slice %arg7[%dma_wait3A_356, %dma_wait3A_357, %dma_wait3A_358] : memref<2x8x128xi32, #tpu.memory_space<vmem>> -> memref<1x8x128xi32, #tpu.memory_space<vmem>>
      %dma_wait3A_360 = tpu.memref_squeeze %dma_wait3A_359 : memref<1x8x128xi32, #tpu.memory_space<vmem>> -> memref<8x128xi32, #tpu.memory_space<vmem>>
      %dma_wait3A_361 = arith.constant 0 : i32
      %dma_wait3A_362 = arith.constant 0 : i32
      %dma_wait3A_363 = tpu.memref_slice %arg3[%arg0, %arg1, %add3A_355, %dma_wait3A_361, %dma_wait3A_362] : memref<2x16x20x8x128xi32, #tpu.memory_space<hbm>> -> memref<1x1x1x8x128xi32, #tpu.memory_space<hbm>>
      %dma_wait3A_364 = tpu.memref_squeeze %dma_wait3A_363 : memref<1x1x1x8x128xi32, #tpu.memory_space<hbm>> -> memref<8x128xi32, #tpu.memory_space<hbm>>
      %dma_wait3A_365 = arith.constant 0 : i32
      %dma_wait3A_366 = arith.constant 0 : i32
      %dma_wait3A_367 = tpu.memref_slice %arg7[%dma_wait3A_356, %dma_wait3A_365, %dma_wait3A_366] : memref<2x8x128xi32, #tpu.memory_space<vmem>> -> memref<1x8x128xi32, #tpu.memory_space<vmem>>
      %dma_wait3A_368 = tpu.memref_squeeze %dma_wait3A_367 : memref<1x8x128xi32, #tpu.memory_space<vmem>> -> memref<8x128xi32, #tpu.memory_space<vmem>>
      %dma_wait3A_369 = arith.constant 0 : i32
      %dma_wait3A_370 = arith.constant 0 : i32
      %dma_wait3A_371 = tpu.memref_slice %arg3[%arg0, %arg1, %add3A_355, %dma_wait3A_369, %dma_wait3A_370] : memref<2x16x20x8x128xi32, #tpu.memory_space<hbm>> -> memref<1x1x1x8x128xi32, #tpu.memory_space<hbm>>
      %dma_wait3A_372 = tpu.memref_squeeze %dma_wait3A_371 : memref<1x1x1x8x128xi32, #tpu.memory_space<hbm>> -> memref<8x128xi32, #tpu.memory_space<hbm>>
      tpu.wait_dma2 semaphore(%arg12 : memref<!tpu.dma_semaphore, #tpu.memory_space<semaphore_mem>>) src(%dma_wait3A_372 : memref<8x128xi32, #tpu.memory_space<hbm>>) dst(%dma_wait3A_368 : memref<8x128xi32, #tpu.memory_space<vmem>>)
      %dma_wait3A_373 = arith.constant 1 : i32
      %dma_wait3A_374 = arith.constant 0 : i32
      %dma_wait3A_375 = arith.constant 0 : i32
      %dma_wait3A_376 = tpu.memref_slice %arg8[%dma_wait3A_373, %dma_wait3A_374, %dma_wait3A_375] : memref<2x8x128xi32, #tpu.memory_space<vmem>> -> memref<1x8x128xi32, #tpu.memory_space<vmem>>
      %dma_wait3A_377 = tpu.memref_squeeze %dma_wait3A_376 : memref<1x8x128xi32, #tpu.memory_space<vmem>> -> memref<8x128xi32, #tpu.memory_space<vmem>>
      %dma_wait3A_378 = arith.constant 0 : i32
      %dma_wait3A_379 = arith.constant 0 : i32
      %dma_wait3A_380 = tpu.memref_slice %arg4[%arg1, %add3A_355, %dma_wait3A_378, %dma_wait3A_379] : memref<16x20x8x128xi32, #tpu.memory_space<hbm>> -> memref<1x1x8x128xi32, #tpu.memory_space<hbm>>
      %dma_wait3A_381 = tpu.memref_squeeze %dma_wait3A_380 : memref<1x1x8x128xi32, #tpu.memory_space<hbm>> -> memref<8x128xi32, #tpu.memory_space<hbm>>
      %dma_wait3A_382 = arith.constant 0 : i32
      %dma_wait3A_383 = arith.constant 0 : i32
      %dma_wait3A_384 = tpu.memref_slice %arg8[%dma_wait3A_373, %dma_wait3A_382, %dma_wait3A_383] : memref<2x8x128xi32, #tpu.memory_space<vmem>> -> memref<1x8x128xi32, #tpu.memory_space<vmem>>
      %dma_wait3A_385 = tpu.memref_squeeze %dma_wait3A_384 : memref<1x8x128xi32, #tpu.memory_space<vmem>> -> memref<8x128xi32, #tpu.memory_space<vmem>>
      %dma_wait3A_386 = arith.constant 0 : i32
      %dma_wait3A_387 = arith.constant 0 : i32
      %dma_wait3A_388 = tpu.memref_slice %arg4[%arg1, %add3A_355, %dma_wait3A_386, %dma_wait3A_387] : memref<16x20x8x128xi32, #tpu.memory_space<hbm>> -> memref<1x1x8x128xi32, #tpu.memory_space<hbm>>
      %dma_wait3A_389 = tpu.memref_squeeze %dma_wait3A_388 : memref<1x1x8x128xi32, #tpu.memory_space<hbm>> -> memref<8x128xi32, #tpu.memory_space<hbm>>
      tpu.wait_dma2 semaphore(%arg12 : memref<!tpu.dma_semaphore, #tpu.memory_space<semaphore_mem>>) src(%dma_wait3A_389 : memref<8x128xi32, #tpu.memory_space<hbm>>) dst(%dma_wait3A_385 : memref<8x128xi32, #tpu.memory_space<vmem>>)
      %dma_start3A_390 = arith.constant 1 : i32
      %dma_start3A_391 = arith.constant 0 : i32
      %dma_start3A_392 = arith.constant 0 : i32
      %dma_start3A_393 = arith.constant 0 : i32
      %dma_start3A_394 = arith.constant 0 : i32
      %dma_start3A_395 = tpu.memref_slice %arg9[%dma_start3A_392, %dma_start3A_393, %dma_start3A_394] : memref<2x128x128xf32, #tpu.memory_space<vmem>> -> memref<1x128x128xf32, #tpu.memory_space<vmem>>
      %dma_start3A_396 = tpu.memref_squeeze %dma_start3A_395 : memref<1x128x128xf32, #tpu.memory_space<vmem>> -> memref<128x128xf32, #tpu.memory_space<vmem>>
      %dma_start3A_397 = arith.constant 0 : i32
      %dma_start3A_398 = tpu.memref_slice %arg7[%dma_start3A_390, %dma_start3A_391, %dma_start3A_397] : memref<2x8x128xi32, #tpu.memory_space<vmem>> -> memref<1x1x128xi32, #tpu.memory_space<vmem>>
      %dma_start3A_399 = tpu.memref_squeeze %dma_start3A_398 : memref<1x1x128xi32, #tpu.memory_space<vmem>> -> memref<128xi32, #tpu.memory_space<vmem>>
      %dma_start3A_400 = arith.constant 0 : i32
      %dma_start3A_401 = arith.constant 0 : i32
      %dma_start3A_402 = tpu.memref_slice %arg2[%dma_start3A_400, %dma_start3A_401] : memref<20480x128xf32, #tpu.memory_space<hbm>> -> memref<20480x128xf32, #tpu.memory_space<hbm>>
      tpu.enqueue_indirect_dma source(%dma_start3A_402 : memref<20480x128xf32, #tpu.memory_space<hbm>>) target(%dma_start3A_396 : memref<128x128xf32, #tpu.memory_space<vmem>>) offsets(%dma_start3A_399 : memref<128xi32, #tpu.memory_space<vmem>>) semaphore(%arg13 : memref<!tpu.dma_semaphore, #tpu.memory_space<semaphore_mem>>)
      %dma_start3A_403 = arith.constant 1 : i32
      %dma_start3A_404 = arith.constant 1 : i32
      %dma_start3A_405 = arith.constant 1 : i32
      %dma_start3A_406 = arith.constant 0 : i32
      %dma_start3A_407 = arith.constant 0 : i32
      %dma_start3A_408 = tpu.memref_slice %arg9[%dma_start3A_405, %dma_start3A_406, %dma_start3A_407] : memref<2x128x128xf32, #tpu.memory_space<vmem>> -> memref<1x128x128xf32, #tpu.memory_space<vmem>>
      %dma_start3A_409 = tpu.memref_squeeze %dma_start3A_408 : memref<1x128x128xf32, #tpu.memory_space<vmem>> -> memref<128x128xf32, #tpu.memory_space<vmem>>
      %dma_start3A_410 = arith.constant 0 : i32
      %dma_start3A_411 = tpu.memref_slice %arg7[%dma_start3A_403, %dma_start3A_404, %dma_start3A_410] : memref<2x8x128xi32, #tpu.memory_space<vmem>> -> memref<1x1x128xi32, #tpu.memory_space<vmem>>
      %dma_start3A_412 = tpu.memref_squeeze %dma_start3A_411 : memref<1x1x128xi32, #tpu.memory_space<vmem>> -> memref<128xi32, #tpu.memory_space<vmem>>
      %dma_start3A_413 = arith.constant 0 : i32
      %dma_start3A_414 = arith.constant 0 : i32
      %dma_start3A_415 = tpu.memref_slice %arg2[%dma_start3A_413, %dma_start3A_414] : memref<20480x128xf32, #tpu.memory_space<hbm>> -> memref<20480x128xf32, #tpu.memory_space<hbm>>
      tpu.enqueue_indirect_dma source(%dma_start3A_415 : memref<20480x128xf32, #tpu.memory_space<hbm>>) target(%dma_start3A_409 : memref<128x128xf32, #tpu.memory_space<vmem>>) offsets(%dma_start3A_412 : memref<128xi32, #tpu.memory_space<vmem>>) semaphore(%arg14 : memref<!tpu.dma_semaphore, #tpu.memory_space<semaphore_mem>>)
      %dma_wait3A_416 = arith.constant 0 : i32
      %dma_wait3A_417 = arith.constant 0 : i32
      %dma_wait3A_418 = arith.constant 0 : i32
      %dma_wait3A_419 = arith.constant 0 : i32
      %dma_wait3A_420 = arith.constant 0 : i32
      %dma_wait3A_421 = tpu.memref_slice %arg9[%dma_wait3A_418, %dma_wait3A_419, %dma_wait3A_420] : memref<2x128x128xf32, #tpu.memory_space<vmem>> -> memref<1x128x128xf32, #tpu.memory_space<vmem>>
      %dma_wait3A_422 = tpu.memref_squeeze %dma_wait3A_421 : memref<1x128x128xf32, #tpu.memory_space<vmem>> -> memref<128x128xf32, #tpu.memory_space<vmem>>
      %dma_wait3A_423 = arith.constant 0 : i32
      %dma_wait3A_424 = tpu.memref_slice %arg7[%dma_wait3A_416, %dma_wait3A_417, %dma_wait3A_423] : memref<2x8x128xi32, #tpu.memory_space<vmem>> -> memref<1x1x128xi32, #tpu.memory_space<vmem>>
      %dma_wait3A_425 = tpu.memref_squeeze %dma_wait3A_424 : memref<1x1x128xi32, #tpu.memory_space<vmem>> -> memref<128xi32, #tpu.memory_space<vmem>>
      %dma_wait3A_426 = arith.constant 0 : i32
      %dma_wait3A_427 = arith.constant 0 : i32
      %dma_wait3A_428 = tpu.memref_slice %arg2[%dma_wait3A_426, %dma_wait3A_427] : memref<20480x128xf32, #tpu.memory_space<hbm>> -> memref<20480x128xf32, #tpu.memory_space<hbm>>
      tpu.wait_indirect_dma semaphore(%arg13 : memref<!tpu.dma_semaphore, #tpu.memory_space<semaphore_mem>>) src(%dma_wait3A_428 : memref<20480x128xf32, #tpu.memory_space<hbm>>) dst(%dma_wait3A_422 : memref<128x128xf32, #tpu.memory_space<vmem>>)
      %run_scoped3A_429 = arith.constant 0 : i32
      %run_scoped3A_430 = arith.constant 1 : i32
      %run_scoped3A_431 = arith.constant 0 : i32
      "tpu.region"() ({
        %run_scoped3A_629 = tpu.sem_alloc : memref<!tpu.dma_semaphore, #tpu.memory_space<semaphore_mem>>
        %dma_start3A_630 = arith.constant 0 : i32
        %dma_start3A_631 = arith.constant 0 : i32
        %dma_start3A_632 = tpu.memref_slice %arg9[%run_scoped3A_429, %dma_start3A_630, %dma_start3A_631] : memref<2x128x128xf32, #tpu.memory_space<vmem>> -> memref<1x128x128xf32, #tpu.memory_space<vmem>>
        %dma_start3A_633 = tpu.memref_squeeze %dma_start3A_632 : memref<1x128x128xf32, #tpu.memory_space<vmem>> -> memref<128x128xf32, #tpu.memory_space<vmem>>
        %dma_start3A_634 = arith.constant 0 : i32
        %dma_start3A_635 = tpu.memref_slice %arg8[%run_scoped3A_430, %run_scoped3A_431, %dma_start3A_634] : memref<2x8x128xi32, #tpu.memory_space<vmem>> -> memref<1x1x128xi32, #tpu.memory_space<vmem>>
        %dma_start3A_636 = tpu.memref_squeeze %dma_start3A_635 : memref<1x1x128xi32, #tpu.memory_space<vmem>> -> memref<128xi32, #tpu.memory_space<vmem>>
        %dma_start3A_637 = arith.constant 0 : i32
        %dma_start3A_638 = arith.constant 0 : i32
        %dma_start3A_639 = tpu.memref_slice %arg10[%dma_start3A_637, %dma_start3A_638] : memref<10240x128xf32, #tpu.memory_space<vmem_shared>> -> memref<10240x128xf32, #tpu.memory_space<vmem_shared>>
        tpu.enqueue_indirect_dma source(%dma_start3A_633 : memref<128x128xf32, #tpu.memory_space<vmem>>) target(%dma_start3A_639 : memref<10240x128xf32, #tpu.memory_space<vmem_shared>>) offsets(%dma_start3A_636 : memref<128xi32, #tpu.memory_space<vmem>>) semaphore(%run_scoped3A_629 : memref<!tpu.dma_semaphore, #tpu.memory_space<semaphore_mem>>) {add = true}
        %dma_wait3A_640 = arith.constant 0 : i32
        %dma_wait3A_641 = arith.constant 0 : i32
        %dma_wait3A_642 = tpu.memref_slice %arg9[%run_scoped3A_429, %dma_wait3A_640, %dma_wait3A_641] : memref<2x128x128xf32, #tpu.memory_space<vmem>> -> memref<1x128x128xf32, #tpu.memory_space<vmem>>
        %dma_wait3A_643 = tpu.memref_squeeze %dma_wait3A_642 : memref<1x128x128xf32, #tpu.memory_space<vmem>> -> memref<128x128xf32, #tpu.memory_space<vmem>>
        %dma_wait3A_644 = arith.constant 0 : i32
        %dma_wait3A_645 = tpu.memref_slice %arg8[%run_scoped3A_430, %run_scoped3A_431, %dma_wait3A_644] : memref<2x8x128xi32, #tpu.memory_space<vmem>> -> memref<1x1x128xi32, #tpu.memory_space<vmem>>
        %dma_wait3A_646 = tpu.memref_squeeze %dma_wait3A_645 : memref<1x1x128xi32, #tpu.memory_space<vmem>> -> memref<128xi32, #tpu.memory_space<vmem>>
        %dma_wait3A_647 = arith.constant 0 : i32
        %dma_wait3A_648 = arith.constant 0 : i32
        %dma_wait3A_649 = tpu.memref_slice %arg10[%dma_wait3A_647, %dma_wait3A_648] : memref<10240x128xf32, #tpu.memory_space<vmem_shared>> -> memref<10240x128xf32, #tpu.memory_space<vmem_shared>>
        tpu.wait_indirect_dma semaphore(%run_scoped3A_629 : memref<!tpu.dma_semaphore, #tpu.memory_space<semaphore_mem>>) src(%dma_wait3A_643 : memref<128x128xf32, #tpu.memory_space<vmem>>) dst(%dma_wait3A_649 : memref<10240x128xf32, #tpu.memory_space<vmem_shared>>)
        tpu.yield
      }) : () -> ()
      %dma_start3A_432 = arith.constant 1 : i32
      %dma_start3A_433 = arith.constant 2 : i32
      %dma_start3A_434 = arith.constant 0 : i32
      %dma_start3A_435 = arith.constant 0 : i32
      %dma_start3A_436 = arith.constant 0 : i32
      %dma_start3A_437 = tpu.memref_slice %arg9[%dma_start3A_434, %dma_start3A_435, %dma_start3A_436] : memref<2x128x128xf32, #tpu.memory_space<vmem>> -> memref<1x128x128xf32, #tpu.memory_space<vmem>>
      %dma_start3A_438 = tpu.memref_squeeze %dma_start3A_437 : memref<1x128x128xf32, #tpu.memory_space<vmem>> -> memref<128x128xf32, #tpu.memory_space<vmem>>
      %dma_start3A_439 = arith.constant 0 : i32
      %dma_start3A_440 = tpu.memref_slice %arg7[%dma_start3A_432, %dma_start3A_433, %dma_start3A_439] : memref<2x8x128xi32, #tpu.memory_space<vmem>> -> memref<1x1x128xi32, #tpu.memory_space<vmem>>
      %dma_start3A_441 = tpu.memref_squeeze %dma_start3A_440 : memref<1x1x128xi32, #tpu.memory_space<vmem>> -> memref<128xi32, #tpu.memory_space<vmem>>
      %dma_start3A_442 = arith.constant 0 : i32
      %dma_start3A_443 = arith.constant 0 : i32
      %dma_start3A_444 = tpu.memref_slice %arg2[%dma_start3A_442, %dma_start3A_443] : memref<20480x128xf32, #tpu.memory_space<hbm>> -> memref<20480x128xf32, #tpu.memory_space<hbm>>
      tpu.enqueue_indirect_dma source(%dma_start3A_444 : memref<20480x128xf32, #tpu.memory_space<hbm>>) target(%dma_start3A_438 : memref<128x128xf32, #tpu.memory_space<vmem>>) offsets(%dma_start3A_441 : memref<128xi32, #tpu.memory_space<vmem>>) semaphore(%arg13 : memref<!tpu.dma_semaphore, #tpu.memory_space<semaphore_mem>>)
      %dma_wait3A_445 = arith.constant 0 : i32
      %dma_wait3A_446 = arith.constant 0 : i32
      %dma_wait3A_447 = arith.constant 1 : i32
      %dma_wait3A_448 = arith.constant 0 : i32
      %dma_wait3A_449 = arith.constant 0 : i32
      %dma_wait3A_450 = tpu.memref_slice %arg9[%dma_wait3A_447, %dma_wait3A_448, %dma_wait3A_449] : memref<2x128x128xf32, #tpu.memory_space<vmem>> -> memref<1x128x128xf32, #tpu.memory_space<vmem>>
      %dma_wait3A_451 = tpu.memref_squeeze %dma_wait3A_450 : memref<1x128x128xf32, #tpu.memory_space<vmem>> -> memref<128x128xf32, #tpu.memory_space<vmem>>
      %dma_wait3A_452 = arith.constant 0 : i32
      %dma_wait3A_453 = tpu.memref_slice %arg7[%dma_wait3A_445, %dma_wait3A_446, %dma_wait3A_452] : memref<2x8x128xi32, #tpu.memory_space<vmem>> -> memref<1x1x128xi32, #tpu.memory_space<vmem>>
      %dma_wait3A_454 = tpu.memref_squeeze %dma_wait3A_453 : memref<1x1x128xi32, #tpu.memory_space<vmem>> -> memref<128xi32, #tpu.memory_space<vmem>>
      %dma_wait3A_455 = arith.constant 0 : i32
      %dma_wait3A_456 = arith.constant 0 : i32
      %dma_wait3A_457 = tpu.memref_slice %arg2[%dma_wait3A_455, %dma_wait3A_456] : memref<20480x128xf32, #tpu.memory_space<hbm>> -> memref<20480x128xf32, #tpu.memory_space<hbm>>
      tpu.wait_indirect_dma semaphore(%arg14 : memref<!tpu.dma_semaphore, #tpu.memory_space<semaphore_mem>>) src(%dma_wait3A_457 : memref<20480x128xf32, #tpu.memory_space<hbm>>) dst(%dma_wait3A_451 : memref<128x128xf32, #tpu.memory_space<vmem>>)
      %run_scoped3A_458 = arith.constant 1 : i32
      %run_scoped3A_459 = arith.constant 1 : i32
      %run_scoped3A_460 = arith.constant 1 : i32
      "tpu.region"() ({
        %run_scoped3A_629 = tpu.sem_alloc : memref<!tpu.dma_semaphore, #tpu.memory_space<semaphore_mem>>
        %dma_start3A_630 = arith.constant 0 : i32
        %dma_start3A_631 = arith.constant 0 : i32
        %dma_start3A_632 = tpu.memref_slice %arg9[%run_scoped3A_458, %dma_start3A_630, %dma_start3A_631] : memref<2x128x128xf32, #tpu.memory_space<vmem>> -> memref<1x128x128xf32, #tpu.memory_space<vmem>>
        %dma_start3A_633 = tpu.memref_squeeze %dma_start3A_632 : memref<1x128x128xf32, #tpu.memory_space<vmem>> -> memref<128x128xf32, #tpu.memory_space<vmem>>
        %dma_start3A_634 = arith.constant 0 : i32
        %dma_start3A_635 = tpu.memref_slice %arg8[%run_scoped3A_459, %run_scoped3A_460, %dma_start3A_634] : memref<2x8x128xi32, #tpu.memory_space<vmem>> -> memref<1x1x128xi32, #tpu.memory_space<vmem>>
        %dma_start3A_636 = tpu.memref_squeeze %dma_start3A_635 : memref<1x1x128xi32, #tpu.memory_space<vmem>> -> memref<128xi32, #tpu.memory_space<vmem>>
        %dma_start3A_637 = arith.constant 0 : i32
        %dma_start3A_638 = arith.constant 0 : i32
        %dma_start3A_639 = tpu.memref_slice %arg10[%dma_start3A_637, %dma_start3A_638] : memref<10240x128xf32, #tpu.memory_space<vmem_shared>> -> memref<10240x128xf32, #tpu.memory_space<vmem_shared>>
        tpu.enqueue_indirect_dma source(%dma_start3A_633 : memref<128x128xf32, #tpu.memory_space<vmem>>) target(%dma_start3A_639 : memref<10240x128xf32, #tpu.memory_space<vmem_shared>>) offsets(%dma_start3A_636 : memref<128xi32, #tpu.memory_space<vmem>>) semaphore(%run_scoped3A_629 : memref<!tpu.dma_semaphore, #tpu.memory_space<semaphore_mem>>) {add = true}
        %dma_wait3A_640 = arith.constant 0 : i32
        %dma_wait3A_641 = arith.constant 0 : i32
        %dma_wait3A_642 = tpu.memref_slice %arg9[%run_scoped3A_458, %dma_wait3A_640, %dma_wait3A_641] : memref<2x128x128xf32, #tpu.memory_space<vmem>> -> memref<1x128x128xf32, #tpu.memory_space<vmem>>
        %dma_wait3A_643 = tpu.memref_squeeze %dma_wait3A_642 : memref<1x128x128xf32, #tpu.memory_space<vmem>> -> memref<128x128xf32, #tpu.memory_space<vmem>>
        %dma_wait3A_644 = arith.constant 0 : i32
        %dma_wait3A_645 = tpu.memref_slice %arg8[%run_scoped3A_459, %run_scoped3A_460, %dma_wait3A_644] : memref<2x8x128xi32, #tpu.memory_space<vmem>> -> memref<1x1x128xi32, #tpu.memory_space<vmem>>
        %dma_wait3A_646 = tpu.memref_squeeze %dma_wait3A_645 : memref<1x1x128xi32, #tpu.memory_space<vmem>> -> memref<128xi32, #tpu.memory_space<vmem>>
        %dma_wait3A_647 = arith.constant 0 : i32
        %dma_wait3A_648 = arith.constant 0 : i32
        %dma_wait3A_649 = tpu.memref_slice %arg10[%dma_wait3A_647, %dma_wait3A_648] : memref<10240x128xf32, #tpu.memory_space<vmem_shared>> -> memref<10240x128xf32, #tpu.memory_space<vmem_shared>>
        tpu.wait_indirect_dma semaphore(%run_scoped3A_629 : memref<!tpu.dma_semaphore, #tpu.memory_space<semaphore_mem>>) src(%dma_wait3A_643 : memref<128x128xf32, #tpu.memory_space<vmem>>) dst(%dma_wait3A_649 : memref<10240x128xf32, #tpu.memory_space<vmem_shared>>)
        tpu.yield
      }) : () -> ()
      %dma_start3A_461 = arith.constant 1 : i32
      %dma_start3A_462 = arith.constant 3 : i32
      %dma_start3A_463 = arith.constant 1 : i32
      %dma_start3A_464 = arith.constant 0 : i32
      %dma_start3A_465 = arith.constant 0 : i32
      %dma_start3A_466 = tpu.memref_slice %arg9[%dma_start3A_463, %dma_start3A_464, %dma_start3A_465] : memref<2x128x128xf32, #tpu.memory_space<vmem>> -> memref<1x128x128xf32, #tpu.memory_space<vmem>>
      %dma_start3A_467 = tpu.memref_squeeze %dma_start3A_466 : memref<1x128x128xf32, #tpu.memory_space<vmem>> -> memref<128x128xf32, #tpu.memory_space<vmem>>
      %dma_start3A_468 = arith.constant 0 : i32
      %dma_start3A_469 = tpu.memref_slice %arg7[%dma_start3A_461, %dma_start3A_462, %dma_start3A_468] : memref<2x8x128xi32, #tpu.memory_space<vmem>> -> memref<1x1x128xi32, #tpu.memory_space<vmem>>
      %dma_start3A_470 = tpu.memref_squeeze %dma_start3A_469 : memref<1x1x128xi32, #tpu.memory_space<vmem>> -> memref<128xi32, #tpu.memory_space<vmem>>
      %dma_start3A_471 = arith.constant 0 : i32
      %dma_start3A_472 = arith.constant 0 : i32
      %dma_start3A_473 = tpu.memref_slice %arg2[%dma_start3A_471, %dma_start3A_472] : memref<20480x128xf32, #tpu.memory_space<hbm>> -> memref<20480x128xf32, #tpu.memory_space<hbm>>
      tpu.enqueue_indirect_dma source(%dma_start3A_473 : memref<20480x128xf32, #tpu.memory_space<hbm>>) target(%dma_start3A_467 : memref<128x128xf32, #tpu.memory_space<vmem>>) offsets(%dma_start3A_470 : memref<128xi32, #tpu.memory_space<vmem>>) semaphore(%arg14 : memref<!tpu.dma_semaphore, #tpu.memory_space<semaphore_mem>>)
      %dma_wait3A_474 = arith.constant 0 : i32
      %dma_wait3A_475 = arith.constant 0 : i32
      %dma_wait3A_476 = arith.constant 0 : i32
      %dma_wait3A_477 = arith.constant 0 : i32
      %dma_wait3A_478 = arith.constant 0 : i32
      %dma_wait3A_479 = tpu.memref_slice %arg9[%dma_wait3A_476, %dma_wait3A_477, %dma_wait3A_478] : memref<2x128x128xf32, #tpu.memory_space<vmem>> -> memref<1x128x128xf32, #tpu.memory_space<vmem>>
      %dma_wait3A_480 = tpu.memref_squeeze %dma_wait3A_479 : memref<1x128x128xf32, #tpu.memory_space<vmem>> -> memref<128x128xf32, #tpu.memory_space<vmem>>
      %dma_wait3A_481 = arith.constant 0 : i32
      %dma_wait3A_482 = tpu.memref_slice %arg7[%dma_wait3A_474, %dma_wait3A_475, %dma_wait3A_481] : memref<2x8x128xi32, #tpu.memory_space<vmem>> -> memref<1x1x128xi32, #tpu.memory_space<vmem>>
      %dma_wait3A_483 = tpu.memref_squeeze %dma_wait3A_482 : memref<1x1x128xi32, #tpu.memory_space<vmem>> -> memref<128xi32, #tpu.memory_space<vmem>>
      %dma_wait3A_484 = arith.constant 0 : i32
      %dma_wait3A_485 = arith.constant 0 : i32
      %dma_wait3A_486 = tpu.memref_slice %arg2[%dma_wait3A_484, %dma_wait3A_485] : memref<20480x128xf32, #tpu.memory_space<hbm>> -> memref<20480x128xf32, #tpu.memory_space<hbm>>
      tpu.wait_indirect_dma semaphore(%arg13 : memref<!tpu.dma_semaphore, #tpu.memory_space<semaphore_mem>>) src(%dma_wait3A_486 : memref<20480x128xf32, #tpu.memory_space<hbm>>) dst(%dma_wait3A_480 : memref<128x128xf32, #tpu.memory_space<vmem>>)
      %run_scoped3A_487 = arith.constant 0 : i32
      %run_scoped3A_488 = arith.constant 1 : i32
      %run_scoped3A_489 = arith.constant 2 : i32
      "tpu.region"() ({
        %run_scoped3A_629 = tpu.sem_alloc : memref<!tpu.dma_semaphore, #tpu.memory_space<semaphore_mem>>
        %dma_start3A_630 = arith.constant 0 : i32
        %dma_start3A_631 = arith.constant 0 : i32
        %dma_start3A_632 = tpu.memref_slice %arg9[%run_scoped3A_487, %dma_start3A_630, %dma_start3A_631] : memref<2x128x128xf32, #tpu.memory_space<vmem>> -> memref<1x128x128xf32, #tpu.memory_space<vmem>>
        %dma_start3A_633 = tpu.memref_squeeze %dma_start3A_632 : memref<1x128x128xf32, #tpu.memory_space<vmem>> -> memref<128x128xf32, #tpu.memory_space<vmem>>
        %dma_start3A_634 = arith.constant 0 : i32
        %dma_start3A_635 = tpu.memref_slice %arg8[%run_scoped3A_488, %run_scoped3A_489, %dma_start3A_634] : memref<2x8x128xi32, #tpu.memory_space<vmem>> -> memref<1x1x128xi32, #tpu.memory_space<vmem>>
        %dma_start3A_636 = tpu.memref_squeeze %dma_start3A_635 : memref<1x1x128xi32, #tpu.memory_space<vmem>> -> memref<128xi32, #tpu.memory_space<vmem>>
        %dma_start3A_637 = arith.constant 0 : i32
        %dma_start3A_638 = arith.constant 0 : i32
        %dma_start3A_639 = tpu.memref_slice %arg10[%dma_start3A_637, %dma_start3A_638] : memref<10240x128xf32, #tpu.memory_space<vmem_shared>> -> memref<10240x128xf32, #tpu.memory_space<vmem_shared>>
        tpu.enqueue_indirect_dma source(%dma_start3A_633 : memref<128x128xf32, #tpu.memory_space<vmem>>) target(%dma_start3A_639 : memref<10240x128xf32, #tpu.memory_space<vmem_shared>>) offsets(%dma_start3A_636 : memref<128xi32, #tpu.memory_space<vmem>>) semaphore(%run_scoped3A_629 : memref<!tpu.dma_semaphore, #tpu.memory_space<semaphore_mem>>) {add = true}
        %dma_wait3A_640 = arith.constant 0 : i32
        %dma_wait3A_641 = arith.constant 0 : i32
        %dma_wait3A_642 = tpu.memref_slice %arg9[%run_scoped3A_487, %dma_wait3A_640, %dma_wait3A_641] : memref<2x128x128xf32, #tpu.memory_space<vmem>> -> memref<1x128x128xf32, #tpu.memory_space<vmem>>
        %dma_wait3A_643 = tpu.memref_squeeze %dma_wait3A_642 : memref<1x128x128xf32, #tpu.memory_space<vmem>> -> memref<128x128xf32, #tpu.memory_space<vmem>>
        %dma_wait3A_644 = arith.constant 0 : i32
        %dma_wait3A_645 = tpu.memref_slice %arg8[%run_scoped3A_488, %run_scoped3A_489, %dma_wait3A_644] : memref<2x8x128xi32, #tpu.memory_space<vmem>> -> memref<1x1x128xi32, #tpu.memory_space<vmem>>
        %dma_wait3A_646 = tpu.memref_squeeze %dma_wait3A_645 : memref<1x1x128xi32, #tpu.memory_space<vmem>> -> memref<128xi32, #tpu.memory_space<vmem>>
        %dma_wait3A_647 = arith.constant 0 : i32
        %dma_wait3A_648 = arith.constant 0 : i32
        %dma_wait3A_649 = tpu.memref_slice %arg10[%dma_wait3A_647, %dma_wait3A_648] : memref<10240x128xf32, #tpu.memory_space<vmem_shared>> -> memref<10240x128xf32, #tpu.memory_space<vmem_shared>>
        tpu.wait_indirect_dma semaphore(%run_scoped3A_629 : memref<!tpu.dma_semaphore, #tpu.memory_space<semaphore_mem>>) src(%dma_wait3A_643 : memref<128x128xf32, #tpu.memory_space<vmem>>) dst(%dma_wait3A_649 : memref<10240x128xf32, #tpu.memory_space<vmem_shared>>)
        tpu.yield
      }) : () -> ()
      %dma_start3A_490 = arith.constant 1 : i32
      %dma_start3A_491 = arith.constant 4 : i32
      %dma_start3A_492 = arith.constant 0 : i32
      %dma_start3A_493 = arith.constant 0 : i32
      %dma_start3A_494 = arith.constant 0 : i32
      %dma_start3A_495 = tpu.memref_slice %arg9[%dma_start3A_492, %dma_start3A_493, %dma_start3A_494] : memref<2x128x128xf32, #tpu.memory_space<vmem>> -> memref<1x128x128xf32, #tpu.memory_space<vmem>>
      %dma_start3A_496 = tpu.memref_squeeze %dma_start3A_495 : memref<1x128x128xf32, #tpu.memory_space<vmem>> -> memref<128x128xf32, #tpu.memory_space<vmem>>
      %dma_start3A_497 = arith.constant 0 : i32
      %dma_start3A_498 = tpu.memref_slice %arg7[%dma_start3A_490, %dma_start3A_491, %dma_start3A_497] : memref<2x8x128xi32, #tpu.memory_space<vmem>> -> memref<1x1x128xi32, #tpu.memory_space<vmem>>
      %dma_start3A_499 = tpu.memref_squeeze %dma_start3A_498 : memref<1x1x128xi32, #tpu.memory_space<vmem>> -> memref<128xi32, #tpu.memory_space<vmem>>
      %dma_start3A_500 = arith.constant 0 : i32
      %dma_start3A_501 = arith.constant 0 : i32
      %dma_start3A_502 = tpu.memref_slice %arg2[%dma_start3A_500, %dma_start3A_501] : memref<20480x128xf32, #tpu.memory_space<hbm>> -> memref<20480x128xf32, #tpu.memory_space<hbm>>
      tpu.enqueue_indirect_dma source(%dma_start3A_502 : memref<20480x128xf32, #tpu.memory_space<hbm>>) target(%dma_start3A_496 : memref<128x128xf32, #tpu.memory_space<vmem>>) offsets(%dma_start3A_499 : memref<128xi32, #tpu.memory_space<vmem>>) semaphore(%arg13 : memref<!tpu.dma_semaphore, #tpu.memory_space<semaphore_mem>>)
      %dma_wait3A_503 = arith.constant 0 : i32
      %dma_wait3A_504 = arith.constant 0 : i32
      %dma_wait3A_505 = arith.constant 1 : i32
      %dma_wait3A_506 = arith.constant 0 : i32
      %dma_wait3A_507 = arith.constant 0 : i32
      %dma_wait3A_508 = tpu.memref_slice %arg9[%dma_wait3A_505, %dma_wait3A_506, %dma_wait3A_507] : memref<2x128x128xf32, #tpu.memory_space<vmem>> -> memref<1x128x128xf32, #tpu.memory_space<vmem>>
      %dma_wait3A_509 = tpu.memref_squeeze %dma_wait3A_508 : memref<1x128x128xf32, #tpu.memory_space<vmem>> -> memref<128x128xf32, #tpu.memory_space<vmem>>
      %dma_wait3A_510 = arith.constant 0 : i32
      %dma_wait3A_511 = tpu.memref_slice %arg7[%dma_wait3A_503, %dma_wait3A_504, %dma_wait3A_510] : memref<2x8x128xi32, #tpu.memory_space<vmem>> -> memref<1x1x128xi32, #tpu.memory_space<vmem>>
      %dma_wait3A_512 = tpu.memref_squeeze %dma_wait3A_511 : memref<1x1x128xi32, #tpu.memory_space<vmem>> -> memref<128xi32, #tpu.memory_space<vmem>>
      %dma_wait3A_513 = arith.constant 0 : i32
      %dma_wait3A_514 = arith.constant 0 : i32
      %dma_wait3A_515 = tpu.memref_slice %arg2[%dma_wait3A_513, %dma_wait3A_514] : memref<20480x128xf32, #tpu.memory_space<hbm>> -> memref<20480x128xf32, #tpu.memory_space<hbm>>
      tpu.wait_indirect_dma semaphore(%arg14 : memref<!tpu.dma_semaphore, #tpu.memory_space<semaphore_mem>>) src(%dma_wait3A_515 : memref<20480x128xf32, #tpu.memory_space<hbm>>) dst(%dma_wait3A_509 : memref<128x128xf32, #tpu.memory_space<vmem>>)
      %run_scoped3A_516 = arith.constant 1 : i32
      %run_scoped3A_517 = arith.constant 1 : i32
      %run_scoped3A_518 = arith.constant 3 : i32
      "tpu.region"() ({
        %run_scoped3A_629 = tpu.sem_alloc : memref<!tpu.dma_semaphore, #tpu.memory_space<semaphore_mem>>
        %dma_start3A_630 = arith.constant 0 : i32
        %dma_start3A_631 = arith.constant 0 : i32
        %dma_start3A_632 = tpu.memref_slice %arg9[%run_scoped3A_516, %dma_start3A_630, %dma_start3A_631] : memref<2x128x128xf32, #tpu.memory_space<vmem>> -> memref<1x128x128xf32, #tpu.memory_space<vmem>>
        %dma_start3A_633 = tpu.memref_squeeze %dma_start3A_632 : memref<1x128x128xf32, #tpu.memory_space<vmem>> -> memref<128x128xf32, #tpu.memory_space<vmem>>
        %dma_start3A_634 = arith.constant 0 : i32
        %dma_start3A_635 = tpu.memref_slice %arg8[%run_scoped3A_517, %run_scoped3A_518, %dma_start3A_634] : memref<2x8x128xi32, #tpu.memory_space<vmem>> -> memref<1x1x128xi32, #tpu.memory_space<vmem>>
        %dma_start3A_636 = tpu.memref_squeeze %dma_start3A_635 : memref<1x1x128xi32, #tpu.memory_space<vmem>> -> memref<128xi32, #tpu.memory_space<vmem>>
        %dma_start3A_637 = arith.constant 0 : i32
        %dma_start3A_638 = arith.constant 0 : i32
        %dma_start3A_639 = tpu.memref_slice %arg10[%dma_start3A_637, %dma_start3A_638] : memref<10240x128xf32, #tpu.memory_space<vmem_shared>> -> memref<10240x128xf32, #tpu.memory_space<vmem_shared>>
        tpu.enqueue_indirect_dma source(%dma_start3A_633 : memref<128x128xf32, #tpu.memory_space<vmem>>) target(%dma_start3A_639 : memref<10240x128xf32, #tpu.memory_space<vmem_shared>>) offsets(%dma_start3A_636 : memref<128xi32, #tpu.memory_space<vmem>>) semaphore(%run_scoped3A_629 : memref<!tpu.dma_semaphore, #tpu.memory_space<semaphore_mem>>) {add = true}
        %dma_wait3A_640 = arith.constant 0 : i32
        %dma_wait3A_641 = arith.constant 0 : i32
        %dma_wait3A_642 = tpu.memref_slice %arg9[%run_scoped3A_516, %dma_wait3A_640, %dma_wait3A_641] : memref<2x128x128xf32, #tpu.memory_space<vmem>> -> memref<1x128x128xf32, #tpu.memory_space<vmem>>
        %dma_wait3A_643 = tpu.memref_squeeze %dma_wait3A_642 : memref<1x128x128xf32, #tpu.memory_space<vmem>> -> memref<128x128xf32, #tpu.memory_space<vmem>>
        %dma_wait3A_644 = arith.constant 0 : i32
        %dma_wait3A_645 = tpu.memref_slice %arg8[%run_scoped3A_517, %run_scoped3A_518, %dma_wait3A_644] : memref<2x8x128xi32, #tpu.memory_space<vmem>> -> memref<1x1x128xi32, #tpu.memory_space<vmem>>
        %dma_wait3A_646 = tpu.memref_squeeze %dma_wait3A_645 : memref<1x1x128xi32, #tpu.memory_space<vmem>> -> memref<128xi32, #tpu.memory_space<vmem>>
        %dma_wait3A_647 = arith.constant 0 : i32
        %dma_wait3A_648 = arith.constant 0 : i32
        %dma_wait3A_649 = tpu.memref_slice %arg10[%dma_wait3A_647, %dma_wait3A_648] : memref<10240x128xf32, #tpu.memory_space<vmem_shared>> -> memref<10240x128xf32, #tpu.memory_space<vmem_shared>>
        tpu.wait_indirect_dma semaphore(%run_scoped3A_629 : memref<!tpu.dma_semaphore, #tpu.memory_space<semaphore_mem>>) src(%dma_wait3A_643 : memref<128x128xf32, #tpu.memory_space<vmem>>) dst(%dma_wait3A_649 : memref<10240x128xf32, #tpu.memory_space<vmem_shared>>)
        tpu.yield
      }) : () -> ()
      %dma_start3A_519 = arith.constant 1 : i32
      %dma_start3A_520 = arith.constant 5 : i32
      %dma_start3A_521 = arith.constant 1 : i32
      %dma_start3A_522 = arith.constant 0 : i32
      %dma_start3A_523 = arith.constant 0 : i32
      %dma_start3A_524 = tpu.memref_slice %arg9[%dma_start3A_521, %dma_start3A_522, %dma_start3A_523] : memref<2x128x128xf32, #tpu.memory_space<vmem>> -> memref<1x128x128xf32, #tpu.memory_space<vmem>>
      %dma_start3A_525 = tpu.memref_squeeze %dma_start3A_524 : memref<1x128x128xf32, #tpu.memory_space<vmem>> -> memref<128x128xf32, #tpu.memory_space<vmem>>
      %dma_start3A_526 = arith.constant 0 : i32
      %dma_start3A_527 = tpu.memref_slice %arg7[%dma_start3A_519, %dma_start3A_520, %dma_start3A_526] : memref<2x8x128xi32, #tpu.memory_space<vmem>> -> memref<1x1x128xi32, #tpu.memory_space<vmem>>
      %dma_start3A_528 = tpu.memref_squeeze %dma_start3A_527 : memref<1x1x128xi32, #tpu.memory_space<vmem>> -> memref<128xi32, #tpu.memory_space<vmem>>
      %dma_start3A_529 = arith.constant 0 : i32
      %dma_start3A_530 = arith.constant 0 : i32
      %dma_start3A_531 = tpu.memref_slice %arg2[%dma_start3A_529, %dma_start3A_530] : memref<20480x128xf32, #tpu.memory_space<hbm>> -> memref<20480x128xf32, #tpu.memory_space<hbm>>
      tpu.enqueue_indirect_dma source(%dma_start3A_531 : memref<20480x128xf32, #tpu.memory_space<hbm>>) target(%dma_start3A_525 : memref<128x128xf32, #tpu.memory_space<vmem>>) offsets(%dma_start3A_528 : memref<128xi32, #tpu.memory_space<vmem>>) semaphore(%arg14 : memref<!tpu.dma_semaphore, #tpu.memory_space<semaphore_mem>>)
      %dma_wait3A_532 = arith.constant 0 : i32
      %dma_wait3A_533 = arith.constant 0 : i32
      %dma_wait3A_534 = arith.constant 0 : i32
      %dma_wait3A_535 = arith.constant 0 : i32
      %dma_wait3A_536 = arith.constant 0 : i32
      %dma_wait3A_537 = tpu.memref_slice %arg9[%dma_wait3A_534, %dma_wait3A_535, %dma_wait3A_536] : memref<2x128x128xf32, #tpu.memory_space<vmem>> -> memref<1x128x128xf32, #tpu.memory_space<vmem>>
      %dma_wait3A_538 = tpu.memref_squeeze %dma_wait3A_537 : memref<1x128x128xf32, #tpu.memory_space<vmem>> -> memref<128x128xf32, #tpu.memory_space<vmem>>
      %dma_wait3A_539 = arith.constant 0 : i32
      %dma_wait3A_540 = tpu.memref_slice %arg7[%dma_wait3A_532, %dma_wait3A_533, %dma_wait3A_539] : memref<2x8x128xi32, #tpu.memory_space<vmem>> -> memref<1x1x128xi32, #tpu.memory_space<vmem>>
      %dma_wait3A_541 = tpu.memref_squeeze %dma_wait3A_540 : memref<1x1x128xi32, #tpu.memory_space<vmem>> -> memref<128xi32, #tpu.memory_space<vmem>>
      %dma_wait3A_542 = arith.constant 0 : i32
      %dma_wait3A_543 = arith.constant 0 : i32
      %dma_wait3A_544 = tpu.memref_slice %arg2[%dma_wait3A_542, %dma_wait3A_543] : memref<20480x128xf32, #tpu.memory_space<hbm>> -> memref<20480x128xf32, #tpu.memory_space<hbm>>
      tpu.wait_indirect_dma semaphore(%arg13 : memref<!tpu.dma_semaphore, #tpu.memory_space<semaphore_mem>>) src(%dma_wait3A_544 : memref<20480x128xf32, #tpu.memory_space<hbm>>) dst(%dma_wait3A_538 : memref<128x128xf32, #tpu.memory_space<vmem>>)
      %run_scoped3A_545 = arith.constant 0 : i32
      %run_scoped3A_546 = arith.constant 1 : i32
      %run_scoped3A_547 = arith.constant 4 : i32
      "tpu.region"() ({
        %run_scoped3A_629 = tpu.sem_alloc : memref<!tpu.dma_semaphore, #tpu.memory_space<semaphore_mem>>
        %dma_start3A_630 = arith.constant 0 : i32
        %dma_start3A_631 = arith.constant 0 : i32
        %dma_start3A_632 = tpu.memref_slice %arg9[%run_scoped3A_545, %dma_start3A_630, %dma_start3A_631] : memref<2x128x128xf32, #tpu.memory_space<vmem>> -> memref<1x128x128xf32, #tpu.memory_space<vmem>>
        %dma_start3A_633 = tpu.memref_squeeze %dma_start3A_632 : memref<1x128x128xf32, #tpu.memory_space<vmem>> -> memref<128x128xf32, #tpu.memory_space<vmem>>
        %dma_start3A_634 = arith.constant 0 : i32
        %dma_start3A_635 = tpu.memref_slice %arg8[%run_scoped3A_546, %run_scoped3A_547, %dma_start3A_634] : memref<2x8x128xi32, #tpu.memory_space<vmem>> -> memref<1x1x128xi32, #tpu.memory_space<vmem>>
        %dma_start3A_636 = tpu.memref_squeeze %dma_start3A_635 : memref<1x1x128xi32, #tpu.memory_space<vmem>> -> memref<128xi32, #tpu.memory_space<vmem>>
        %dma_start3A_637 = arith.constant 0 : i32
        %dma_start3A_638 = arith.constant 0 : i32
        %dma_start3A_639 = tpu.memref_slice %arg10[%dma_start3A_637, %dma_start3A_638] : memref<10240x128xf32, #tpu.memory_space<vmem_shared>> -> memref<10240x128xf32, #tpu.memory_space<vmem_shared>>
        tpu.enqueue_indirect_dma source(%dma_start3A_633 : memref<128x128xf32, #tpu.memory_space<vmem>>) target(%dma_start3A_639 : memref<10240x128xf32, #tpu.memory_space<vmem_shared>>) offsets(%dma_start3A_636 : memref<128xi32, #tpu.memory_space<vmem>>) semaphore(%run_scoped3A_629 : memref<!tpu.dma_semaphore, #tpu.memory_space<semaphore_mem>>) {add = true}
        %dma_wait3A_640 = arith.constant 0 : i32
        %dma_wait3A_641 = arith.constant 0 : i32
        %dma_wait3A_642 = tpu.memref_slice %arg9[%run_scoped3A_545, %dma_wait3A_640, %dma_wait3A_641] : memref<2x128x128xf32, #tpu.memory_space<vmem>> -> memref<1x128x128xf32, #tpu.memory_space<vmem>>
        %dma_wait3A_643 = tpu.memref_squeeze %dma_wait3A_642 : memref<1x128x128xf32, #tpu.memory_space<vmem>> -> memref<128x128xf32, #tpu.memory_space<vmem>>
        %dma_wait3A_644 = arith.constant 0 : i32
        %dma_wait3A_645 = tpu.memref_slice %arg8[%run_scoped3A_546, %run_scoped3A_547, %dma_wait3A_644] : memref<2x8x128xi32, #tpu.memory_space<vmem>> -> memref<1x1x128xi32, #tpu.memory_space<vmem>>
        %dma_wait3A_646 = tpu.memref_squeeze %dma_wait3A_645 : memref<1x1x128xi32, #tpu.memory_space<vmem>> -> memref<128xi32, #tpu.memory_space<vmem>>
        %dma_wait3A_647 = arith.constant 0 : i32
        %dma_wait3A_648 = arith.constant 0 : i32
        %dma_wait3A_649 = tpu.memref_slice %arg10[%dma_wait3A_647, %dma_wait3A_648] : memref<10240x128xf32, #tpu.memory_space<vmem_shared>> -> memref<10240x128xf32, #tpu.memory_space<vmem_shared>>
        tpu.wait_indirect_dma semaphore(%run_scoped3A_629 : memref<!tpu.dma_semaphore, #tpu.memory_space<semaphore_mem>>) src(%dma_wait3A_643 : memref<128x128xf32, #tpu.memory_space<vmem>>) dst(%dma_wait3A_649 : memref<10240x128xf32, #tpu.memory_space<vmem_shared>>)
        tpu.yield
      }) : () -> ()
      %dma_start3A_548 = arith.constant 1 : i32
      %dma_start3A_549 = arith.constant 6 : i32
      %dma_start3A_550 = arith.constant 0 : i32
      %dma_start3A_551 = arith.constant 0 : i32
      %dma_start3A_552 = arith.constant 0 : i32
      %dma_start3A_553 = tpu.memref_slice %arg9[%dma_start3A_550, %dma_start3A_551, %dma_start3A_552] : memref<2x128x128xf32, #tpu.memory_space<vmem>> -> memref<1x128x128xf32, #tpu.memory_space<vmem>>
      %dma_start3A_554 = tpu.memref_squeeze %dma_start3A_553 : memref<1x128x128xf32, #tpu.memory_space<vmem>> -> memref<128x128xf32, #tpu.memory_space<vmem>>
      %dma_start3A_555 = arith.constant 0 : i32
      %dma_start3A_556 = tpu.memref_slice %arg7[%dma_start3A_548, %dma_start3A_549, %dma_start3A_555] : memref<2x8x128xi32, #tpu.memory_space<vmem>> -> memref<1x1x128xi32, #tpu.memory_space<vmem>>
      %dma_start3A_557 = tpu.memref_squeeze %dma_start3A_556 : memref<1x1x128xi32, #tpu.memory_space<vmem>> -> memref<128xi32, #tpu.memory_space<vmem>>
      %dma_start3A_558 = arith.constant 0 : i32
      %dma_start3A_559 = arith.constant 0 : i32
      %dma_start3A_560 = tpu.memref_slice %arg2[%dma_start3A_558, %dma_start3A_559] : memref<20480x128xf32, #tpu.memory_space<hbm>> -> memref<20480x128xf32, #tpu.memory_space<hbm>>
      tpu.enqueue_indirect_dma source(%dma_start3A_560 : memref<20480x128xf32, #tpu.memory_space<hbm>>) target(%dma_start3A_554 : memref<128x128xf32, #tpu.memory_space<vmem>>) offsets(%dma_start3A_557 : memref<128xi32, #tpu.memory_space<vmem>>) semaphore(%arg13 : memref<!tpu.dma_semaphore, #tpu.memory_space<semaphore_mem>>)
      %dma_wait3A_561 = arith.constant 0 : i32
      %dma_wait3A_562 = arith.constant 0 : i32
      %dma_wait3A_563 = arith.constant 1 : i32
      %dma_wait3A_564 = arith.constant 0 : i32
      %dma_wait3A_565 = arith.constant 0 : i32
      %dma_wait3A_566 = tpu.memref_slice %arg9[%dma_wait3A_563, %dma_wait3A_564, %dma_wait3A_565] : memref<2x128x128xf32, #tpu.memory_space<vmem>> -> memref<1x128x128xf32, #tpu.memory_space<vmem>>
      %dma_wait3A_567 = tpu.memref_squeeze %dma_wait3A_566 : memref<1x128x128xf32, #tpu.memory_space<vmem>> -> memref<128x128xf32, #tpu.memory_space<vmem>>
      %dma_wait3A_568 = arith.constant 0 : i32
      %dma_wait3A_569 = tpu.memref_slice %arg7[%dma_wait3A_561, %dma_wait3A_562, %dma_wait3A_568] : memref<2x8x128xi32, #tpu.memory_space<vmem>> -> memref<1x1x128xi32, #tpu.memory_space<vmem>>
      %dma_wait3A_570 = tpu.memref_squeeze %dma_wait3A_569 : memref<1x1x128xi32, #tpu.memory_space<vmem>> -> memref<128xi32, #tpu.memory_space<vmem>>
      %dma_wait3A_571 = arith.constant 0 : i32
      %dma_wait3A_572 = arith.constant 0 : i32
      %dma_wait3A_573 = tpu.memref_slice %arg2[%dma_wait3A_571, %dma_wait3A_572] : memref<20480x128xf32, #tpu.memory_space<hbm>> -> memref<20480x128xf32, #tpu.memory_space<hbm>>
      tpu.wait_indirect_dma semaphore(%arg14 : memref<!tpu.dma_semaphore, #tpu.memory_space<semaphore_mem>>) src(%dma_wait3A_573 : memref<20480x128xf32, #tpu.memory_space<hbm>>) dst(%dma_wait3A_567 : memref<128x128xf32, #tpu.memory_space<vmem>>)
      %run_scoped3A_574 = arith.constant 1 : i32
      %run_scoped3A_575 = arith.constant 1 : i32
      %run_scoped3A_576 = arith.constant 5 : i32
      "tpu.region"() ({
        %run_scoped3A_629 = tpu.sem_alloc : memref<!tpu.dma_semaphore, #tpu.memory_space<semaphore_mem>>
        %dma_start3A_630 = arith.constant 0 : i32
        %dma_start3A_631 = arith.constant 0 : i32
        %dma_start3A_632 = tpu.memref_slice %arg9[%run_scoped3A_574, %dma_start3A_630, %dma_start3A_631] : memref<2x128x128xf32, #tpu.memory_space<vmem>> -> memref<1x128x128xf32, #tpu.memory_space<vmem>>
        %dma_start3A_633 = tpu.memref_squeeze %dma_start3A_632 : memref<1x128x128xf32, #tpu.memory_space<vmem>> -> memref<128x128xf32, #tpu.memory_space<vmem>>
        %dma_start3A_634 = arith.constant 0 : i32
        %dma_start3A_635 = tpu.memref_slice %arg8[%run_scoped3A_575, %run_scoped3A_576, %dma_start3A_634] : memref<2x8x128xi32, #tpu.memory_space<vmem>> -> memref<1x1x128xi32, #tpu.memory_space<vmem>>
        %dma_start3A_636 = tpu.memref_squeeze %dma_start3A_635 : memref<1x1x128xi32, #tpu.memory_space<vmem>> -> memref<128xi32, #tpu.memory_space<vmem>>
        %dma_start3A_637 = arith.constant 0 : i32
        %dma_start3A_638 = arith.constant 0 : i32
        %dma_start3A_639 = tpu.memref_slice %arg10[%dma_start3A_637, %dma_start3A_638] : memref<10240x128xf32, #tpu.memory_space<vmem_shared>> -> memref<10240x128xf32, #tpu.memory_space<vmem_shared>>
        tpu.enqueue_indirect_dma source(%dma_start3A_633 : memref<128x128xf32, #tpu.memory_space<vmem>>) target(%dma_start3A_639 : memref<10240x128xf32, #tpu.memory_space<vmem_shared>>) offsets(%dma_start3A_636 : memref<128xi32, #tpu.memory_space<vmem>>) semaphore(%run_scoped3A_629 : memref<!tpu.dma_semaphore, #tpu.memory_space<semaphore_mem>>) {add = true}
        %dma_wait3A_640 = arith.constant 0 : i32
        %dma_wait3A_641 = arith.constant 0 : i32
        %dma_wait3A_642 = tpu.memref_slice %arg9[%run_scoped3A_574, %dma_wait3A_640, %dma_wait3A_641] : memref<2x128x128xf32, #tpu.memory_space<vmem>> -> memref<1x128x128xf32, #tpu.memory_space<vmem>>
        %dma_wait3A_643 = tpu.memref_squeeze %dma_wait3A_642 : memref<1x128x128xf32, #tpu.memory_space<vmem>> -> memref<128x128xf32, #tpu.memory_space<vmem>>
        %dma_wait3A_644 = arith.constant 0 : i32
        %dma_wait3A_645 = tpu.memref_slice %arg8[%run_scoped3A_575, %run_scoped3A_576, %dma_wait3A_644] : memref<2x8x128xi32, #tpu.memory_space<vmem>> -> memref<1x1x128xi32, #tpu.memory_space<vmem>>
        %dma_wait3A_646 = tpu.memref_squeeze %dma_wait3A_645 : memref<1x1x128xi32, #tpu.memory_space<vmem>> -> memref<128xi32, #tpu.memory_space<vmem>>
        %dma_wait3A_647 = arith.constant 0 : i32
        %dma_wait3A_648 = arith.constant 0 : i32
        %dma_wait3A_649 = tpu.memref_slice %arg10[%dma_wait3A_647, %dma_wait3A_648] : memref<10240x128xf32, #tpu.memory_space<vmem_shared>> -> memref<10240x128xf32, #tpu.memory_space<vmem_shared>>
        tpu.wait_indirect_dma semaphore(%run_scoped3A_629 : memref<!tpu.dma_semaphore, #tpu.memory_space<semaphore_mem>>) src(%dma_wait3A_643 : memref<128x128xf32, #tpu.memory_space<vmem>>) dst(%dma_wait3A_649 : memref<10240x128xf32, #tpu.memory_space<vmem_shared>>)
        tpu.yield
      }) : () -> ()
      %dma_start3A_577 = arith.constant 1 : i32
      %dma_start3A_578 = arith.constant 7 : i32
      %dma_start3A_579 = arith.constant 1 : i32
      %dma_start3A_580 = arith.constant 0 : i32
      %dma_start3A_581 = arith.constant 0 : i32
      %dma_start3A_582 = tpu.memref_slice %arg9[%dma_start3A_579, %dma_start3A_580, %dma_start3A_581] : memref<2x128x128xf32, #tpu.memory_space<vmem>> -> memref<1x128x128xf32, #tpu.memory_space<vmem>>
      %dma_start3A_583 = tpu.memref_squeeze %dma_start3A_582 : memref<1x128x128xf32, #tpu.memory_space<vmem>> -> memref<128x128xf32, #tpu.memory_space<vmem>>
      %dma_start3A_584 = arith.constant 0 : i32
      %dma_start3A_585 = tpu.memref_slice %arg7[%dma_start3A_577, %dma_start3A_578, %dma_start3A_584] : memref<2x8x128xi32, #tpu.memory_space<vmem>> -> memref<1x1x128xi32, #tpu.memory_space<vmem>>
      %dma_start3A_586 = tpu.memref_squeeze %dma_start3A_585 : memref<1x1x128xi32, #tpu.memory_space<vmem>> -> memref<128xi32, #tpu.memory_space<vmem>>
      %dma_start3A_587 = arith.constant 0 : i32
      %dma_start3A_588 = arith.constant 0 : i32
      %dma_start3A_589 = tpu.memref_slice %arg2[%dma_start3A_587, %dma_start3A_588] : memref<20480x128xf32, #tpu.memory_space<hbm>> -> memref<20480x128xf32, #tpu.memory_space<hbm>>
      tpu.enqueue_indirect_dma source(%dma_start3A_589 : memref<20480x128xf32, #tpu.memory_space<hbm>>) target(%dma_start3A_583 : memref<128x128xf32, #tpu.memory_space<vmem>>) offsets(%dma_start3A_586 : memref<128xi32, #tpu.memory_space<vmem>>) semaphore(%arg14 : memref<!tpu.dma_semaphore, #tpu.memory_space<semaphore_mem>>)
      %dma_wait3A_590 = arith.constant 0 : i32
      %dma_wait3A_591 = arith.constant 0 : i32
      %dma_wait3A_592 = arith.constant 0 : i32
      %dma_wait3A_593 = arith.constant 0 : i32
      %dma_wait3A_594 = arith.constant 0 : i32
      %dma_wait3A_595 = tpu.memref_slice %arg9[%dma_wait3A_592, %dma_wait3A_593, %dma_wait3A_594] : memref<2x128x128xf32, #tpu.memory_space<vmem>> -> memref<1x128x128xf32, #tpu.memory_space<vmem>>
      %dma_wait3A_596 = tpu.memref_squeeze %dma_wait3A_595 : memref<1x128x128xf32, #tpu.memory_space<vmem>> -> memref<128x128xf32, #tpu.memory_space<vmem>>
      %dma_wait3A_597 = arith.constant 0 : i32
      %dma_wait3A_598 = tpu.memref_slice %arg7[%dma_wait3A_590, %dma_wait3A_591, %dma_wait3A_597] : memref<2x8x128xi32, #tpu.memory_space<vmem>> -> memref<1x1x128xi32, #tpu.memory_space<vmem>>
      %dma_wait3A_599 = tpu.memref_squeeze %dma_wait3A_598 : memref<1x1x128xi32, #tpu.memory_space<vmem>> -> memref<128xi32, #tpu.memory_space<vmem>>
      %dma_wait3A_600 = arith.constant 0 : i32
      %dma_wait3A_601 = arith.constant 0 : i32
      %dma_wait3A_602 = tpu.memref_slice %arg2[%dma_wait3A_600, %dma_wait3A_601] : memref<20480x128xf32, #tpu.memory_space<hbm>> -> memref<20480x128xf32, #tpu.memory_space<hbm>>
      tpu.wait_indirect_dma semaphore(%arg13 : memref<!tpu.dma_semaphore, #tpu.memory_space<semaphore_mem>>) src(%dma_wait3A_602 : memref<20480x128xf32, #tpu.memory_space<hbm>>) dst(%dma_wait3A_596 : memref<128x128xf32, #tpu.memory_space<vmem>>)
      %run_scoped3A_603 = arith.constant 0 : i32
      %run_scoped3A_604 = arith.constant 1 : i32
      %run_scoped3A_605 = arith.constant 6 : i32
      "tpu.region"() ({
        %run_scoped3A_629 = tpu.sem_alloc : memref<!tpu.dma_semaphore, #tpu.memory_space<semaphore_mem>>
        %dma_start3A_630 = arith.constant 0 : i32
        %dma_start3A_631 = arith.constant 0 : i32
        %dma_start3A_632 = tpu.memref_slice %arg9[%run_scoped3A_603, %dma_start3A_630, %dma_start3A_631] : memref<2x128x128xf32, #tpu.memory_space<vmem>> -> memref<1x128x128xf32, #tpu.memory_space<vmem>>
        %dma_start3A_633 = tpu.memref_squeeze %dma_start3A_632 : memref<1x128x128xf32, #tpu.memory_space<vmem>> -> memref<128x128xf32, #tpu.memory_space<vmem>>
        %dma_start3A_634 = arith.constant 0 : i32
        %dma_start3A_635 = tpu.memref_slice %arg8[%run_scoped3A_604, %run_scoped3A_605, %dma_start3A_634] : memref<2x8x128xi32, #tpu.memory_space<vmem>> -> memref<1x1x128xi32, #tpu.memory_space<vmem>>
        %dma_start3A_636 = tpu.memref_squeeze %dma_start3A_635 : memref<1x1x128xi32, #tpu.memory_space<vmem>> -> memref<128xi32, #tpu.memory_space<vmem>>
        %dma_start3A_637 = arith.constant 0 : i32
        %dma_start3A_638 = arith.constant 0 : i32
        %dma_start3A_639 = tpu.memref_slice %arg10[%dma_start3A_637, %dma_start3A_638] : memref<10240x128xf32, #tpu.memory_space<vmem_shared>> -> memref<10240x128xf32, #tpu.memory_space<vmem_shared>>
        tpu.enqueue_indirect_dma source(%dma_start3A_633 : memref<128x128xf32, #tpu.memory_space<vmem>>) target(%dma_start3A_639 : memref<10240x128xf32, #tpu.memory_space<vmem_shared>>) offsets(%dma_start3A_636 : memref<128xi32, #tpu.memory_space<vmem>>) semaphore(%run_scoped3A_629 : memref<!tpu.dma_semaphore, #tpu.memory_space<semaphore_mem>>) {add = true}
        %dma_wait3A_640 = arith.constant 0 : i32
        %dma_wait3A_641 = arith.constant 0 : i32
        %dma_wait3A_642 = tpu.memref_slice %arg9[%run_scoped3A_603, %dma_wait3A_640, %dma_wait3A_641] : memref<2x128x128xf32, #tpu.memory_space<vmem>> -> memref<1x128x128xf32, #tpu.memory_space<vmem>>
        %dma_wait3A_643 = tpu.memref_squeeze %dma_wait3A_642 : memref<1x128x128xf32, #tpu.memory_space<vmem>> -> memref<128x128xf32, #tpu.memory_space<vmem>>
        %dma_wait3A_644 = arith.constant 0 : i32
        %dma_wait3A_645 = tpu.memref_slice %arg8[%run_scoped3A_604, %run_scoped3A_605, %dma_wait3A_644] : memref<2x8x128xi32, #tpu.memory_space<vmem>> -> memref<1x1x128xi32, #tpu.memory_space<vmem>>
        %dma_wait3A_646 = tpu.memref_squeeze %dma_wait3A_645 : memref<1x1x128xi32, #tpu.memory_space<vmem>> -> memref<128xi32, #tpu.memory_space<vmem>>
        %dma_wait3A_647 = arith.constant 0 : i32
        %dma_wait3A_648 = arith.constant 0 : i32
        %dma_wait3A_649 = tpu.memref_slice %arg10[%dma_wait3A_647, %dma_wait3A_648] : memref<10240x128xf32, #tpu.memory_space<vmem_shared>> -> memref<10240x128xf32, #tpu.memory_space<vmem_shared>>
        tpu.wait_indirect_dma semaphore(%run_scoped3A_629 : memref<!tpu.dma_semaphore, #tpu.memory_space<semaphore_mem>>) src(%dma_wait3A_643 : memref<128x128xf32, #tpu.memory_space<vmem>>) dst(%dma_wait3A_649 : memref<10240x128xf32, #tpu.memory_space<vmem_shared>>)
        tpu.yield
      }) : () -> ()
      %dma_wait3A_606 = arith.constant 0 : i32
      %dma_wait3A_607 = arith.constant 0 : i32
      %dma_wait3A_608 = arith.constant 1 : i32
      %dma_wait3A_609 = arith.constant 0 : i32
      %dma_wait3A_610 = arith.constant 0 : i32
      %dma_wait3A_611 = tpu.memref_slice %arg9[%dma_wait3A_608, %dma_wait3A_609, %dma_wait3A_610] : memref<2x128x128xf32, #tpu.memory_space<vmem>> -> memref<1x128x128xf32, #tpu.memory_space<vmem>>
      %dma_wait3A_612 = tpu.memref_squeeze %dma_wait3A_611 : memref<1x128x128xf32, #tpu.memory_space<vmem>> -> memref<128x128xf32, #tpu.memory_space<vmem>>
      %dma_wait3A_613 = arith.constant 0 : i32
      %dma_wait3A_614 = tpu.memref_slice %arg7[%dma_wait3A_606, %dma_wait3A_607, %dma_wait3A_613] : memref<2x8x128xi32, #tpu.memory_space<vmem>> -> memref<1x1x128xi32, #tpu.memory_space<vmem>>
      %dma_wait3A_615 = tpu.memref_squeeze %dma_wait3A_614 : memref<1x1x128xi32, #tpu.memory_space<vmem>> -> memref<128xi32, #tpu.memory_space<vmem>>
      %dma_wait3A_616 = arith.constant 0 : i32
      %dma_wait3A_617 = arith.constant 0 : i32
      %dma_wait3A_618 = tpu.memref_slice %arg2[%dma_wait3A_616, %dma_wait3A_617] : memref<20480x128xf32, #tpu.memory_space<hbm>> -> memref<20480x128xf32, #tpu.memory_space<hbm>>
      tpu.wait_indirect_dma semaphore(%arg14 : memref<!tpu.dma_semaphore, #tpu.memory_space<semaphore_mem>>) src(%dma_wait3A_618 : memref<20480x128xf32, #tpu.memory_space<hbm>>) dst(%dma_wait3A_612 : memref<128x128xf32, #tpu.memory_space<vmem>>)
      %run_scoped3A_619 = arith.constant 1 : i32
      %run_scoped3A_620 = arith.constant 1 : i32
      %run_scoped3A_621 = arith.constant 7 : i32
      "tpu.region"() ({
        %run_scoped3A_629 = tpu.sem_alloc : memref<!tpu.dma_semaphore, #tpu.memory_space<semaphore_mem>>
        %dma_start3A_630 = arith.constant 0 : i32
        %dma_start3A_631 = arith.constant 0 : i32
        %dma_start3A_632 = tpu.memref_slice %arg9[%run_scoped3A_619, %dma_start3A_630, %dma_start3A_631] : memref<2x128x128xf32, #tpu.memory_space<vmem>> -> memref<1x128x128xf32, #tpu.memory_space<vmem>>
        %dma_start3A_633 = tpu.memref_squeeze %dma_start3A_632 : memref<1x128x128xf32, #tpu.memory_space<vmem>> -> memref<128x128xf32, #tpu.memory_space<vmem>>
        %dma_start3A_634 = arith.constant 0 : i32
        %dma_start3A_635 = tpu.memref_slice %arg8[%run_scoped3A_620, %run_scoped3A_621, %dma_start3A_634] : memref<2x8x128xi32, #tpu.memory_space<vmem>> -> memref<1x1x128xi32, #tpu.memory_space<vmem>>
        %dma_start3A_636 = tpu.memref_squeeze %dma_start3A_635 : memref<1x1x128xi32, #tpu.memory_space<vmem>> -> memref<128xi32, #tpu.memory_space<vmem>>
        %dma_start3A_637 = arith.constant 0 : i32
        %dma_start3A_638 = arith.constant 0 : i32
        %dma_start3A_639 = tpu.memref_slice %arg10[%dma_start3A_637, %dma_start3A_638] : memref<10240x128xf32, #tpu.memory_space<vmem_shared>> -> memref<10240x128xf32, #tpu.memory_space<vmem_shared>>
        tpu.enqueue_indirect_dma source(%dma_start3A_633 : memref<128x128xf32, #tpu.memory_space<vmem>>) target(%dma_start3A_639 : memref<10240x128xf32, #tpu.memory_space<vmem_shared>>) offsets(%dma_start3A_636 : memref<128xi32, #tpu.memory_space<vmem>>) semaphore(%run_scoped3A_629 : memref<!tpu.dma_semaphore, #tpu.memory_space<semaphore_mem>>) {add = true}
        %dma_wait3A_640 = arith.constant 0 : i32
        %dma_wait3A_641 = arith.constant 0 : i32
        %dma_wait3A_642 = tpu.memref_slice %arg9[%run_scoped3A_619, %dma_wait3A_640, %dma_wait3A_641] : memref<2x128x128xf32, #tpu.memory_space<vmem>> -> memref<1x128x128xf32, #tpu.memory_space<vmem>>
        %dma_wait3A_643 = tpu.memref_squeeze %dma_wait3A_642 : memref<1x128x128xf32, #tpu.memory_space<vmem>> -> memref<128x128xf32, #tpu.memory_space<vmem>>
        %dma_wait3A_644 = arith.constant 0 : i32
        %dma_wait3A_645 = tpu.memref_slice %arg8[%run_scoped3A_620, %run_scoped3A_621, %dma_wait3A_644] : memref<2x8x128xi32, #tpu.memory_space<vmem>> -> memref<1x1x128xi32, #tpu.memory_space<vmem>>
        %dma_wait3A_646 = tpu.memref_squeeze %dma_wait3A_645 : memref<1x1x128xi32, #tpu.memory_space<vmem>> -> memref<128xi32, #tpu.memory_space<vmem>>
        %dma_wait3A_647 = arith.constant 0 : i32
        %dma_wait3A_648 = arith.constant 0 : i32
        %dma_wait3A_649 = tpu.memref_slice %arg10[%dma_wait3A_647, %dma_wait3A_648] : memref<10240x128xf32, #tpu.memory_space<vmem_shared>> -> memref<10240x128xf32, #tpu.memory_space<vmem_shared>>
        tpu.wait_indirect_dma semaphore(%run_scoped3A_629 : memref<!tpu.dma_semaphore, #tpu.memory_space<semaphore_mem>>) src(%dma_wait3A_643 : memref<128x128xf32, #tpu.memory_space<vmem>>) dst(%dma_wait3A_649 : memref<10240x128xf32, #tpu.memory_space<vmem_shared>>)
        tpu.yield
      }) : () -> ()
      %add3A_622 = arith.constant 3 : i32
      %add3A_623 = arith.addi %mul3A_86, %add3A_622 : i32
      %lt3A_624 = arith.constant 20 : i32
      %lt3A_625 = arith.cmpi slt, %add3A_623, %lt3A_624 : i32
      %convert_element_type3A_626 = arith.extui %lt3A_625 : i1 to i32
      %cond3A_627 = arith.constant 0 : i32
      %cond3A_628 = arith.cmpi ne, %convert_element_type3A_626, %cond3A_627 : i32
      scf.if %cond3A_628 {
        %add3A_629 = arith.constant 3 : i32
        %add3A_630 = arith.addi %mul3A_86, %add3A_629 : i32
        %dma_start3A_631 = arith.constant 1 : i32
        %dma_start3A_632 = arith.constant 0 : i32
        %dma_start3A_633 = arith.constant 0 : i32
        %dma_start3A_634 = tpu.memref_slice %arg7[%dma_start3A_631, %dma_start3A_632, %dma_start3A_633] : memref<2x8x128xi32, #tpu.memory_space<vmem>> -> memref<1x8x128xi32, #tpu.memory_space<vmem>>
        %dma_start3A_635 = tpu.memref_squeeze %dma_start3A_634 : memref<1x8x128xi32, #tpu.memory_space<vmem>> -> memref<8x128xi32, #tpu.memory_space<vmem>>
        %dma_start3A_636 = arith.constant 0 : i32
        %dma_start3A_637 = arith.constant 0 : i32
        %dma_start3A_638 = tpu.memref_slice %arg3[%arg0, %arg1, %add3A_630, %dma_start3A_636, %dma_start3A_637] : memref<2x16x20x8x128xi32, #tpu.memory_space<hbm>> -> memref<1x1x1x8x128xi32, #tpu.memory_space<hbm>>
        %dma_start3A_639 = tpu.memref_squeeze %dma_start3A_638 : memref<1x1x1x8x128xi32, #tpu.memory_space<hbm>> -> memref<8x128xi32, #tpu.memory_space<hbm>>
        %dma_start3A_640 = arith.constant 0 : i32
        %dma_start3A_641 = arith.constant 0 : i32
        %dma_start3A_642 = tpu.memref_slice %arg7[%dma_start3A_631, %dma_start3A_640, %dma_start3A_641] : memref<2x8x128xi32, #tpu.memory_space<vmem>> -> memref<1x8x128xi32, #tpu.memory_space<vmem>>
        %dma_start3A_643 = tpu.memref_squeeze %dma_start3A_642 : memref<1x8x128xi32, #tpu.memory_space<vmem>> -> memref<8x128xi32, #tpu.memory_space<vmem>>
        %dma_start3A_644 = arith.constant 0 : i32
        %dma_start3A_645 = arith.constant 0 : i32
        %dma_start3A_646 = tpu.memref_slice %arg3[%arg0, %arg1, %add3A_630, %dma_start3A_644, %dma_start3A_645] : memref<2x16x20x8x128xi32, #tpu.memory_space<hbm>> -> memref<1x1x1x8x128xi32, #tpu.memory_space<hbm>>
        %dma_start3A_647 = tpu.memref_squeeze %dma_start3A_646 : memref<1x1x1x8x128xi32, #tpu.memory_space<hbm>> -> memref<8x128xi32, #tpu.memory_space<hbm>>
        tpu.enqueue_dma source(%dma_start3A_647 : memref<8x128xi32, #tpu.memory_space<hbm>>) target(%dma_start3A_643 : memref<8x128xi32, #tpu.memory_space<vmem>>) target_semaphore(%arg12 : memref<!tpu.dma_semaphore, #tpu.memory_space<semaphore_mem>>)
        %dma_start3A_648 = arith.constant 1 : i32
        %dma_start3A_649 = arith.constant 0 : i32
        %dma_start3A_650 = arith.constant 0 : i32
        %dma_start3A_651 = tpu.memref_slice %arg8[%dma_start3A_648, %dma_start3A_649, %dma_start3A_650] : memref<2x8x128xi32, #tpu.memory_space<vmem>> -> memref<1x8x128xi32, #tpu.memory_space<vmem>>
        %dma_start3A_652 = tpu.memref_squeeze %dma_start3A_651 : memref<1x8x128xi32, #tpu.memory_space<vmem>> -> memref<8x128xi32, #tpu.memory_space<vmem>>
        %dma_start3A_653 = arith.constant 0 : i32
        %dma_start3A_654 = arith.constant 0 : i32
        %dma_start3A_655 = tpu.memref_slice %arg4[%arg1, %add3A_630, %dma_start3A_653, %dma_start3A_654] : memref<16x20x8x128xi32, #tpu.memory_space<hbm>> -> memref<1x1x8x128xi32, #tpu.memory_space<hbm>>
        %dma_start3A_656 = tpu.memref_squeeze %dma_start3A_655 : memref<1x1x8x128xi32, #tpu.memory_space<hbm>> -> memref<8x128xi32, #tpu.memory_space<hbm>>
        %dma_start3A_657 = arith.constant 0 : i32
        %dma_start3A_658 = arith.constant 0 : i32
        %dma_start3A_659 = tpu.memref_slice %arg8[%dma_start3A_648, %dma_start3A_657, %dma_start3A_658] : memref<2x8x128xi32, #tpu.memory_space<vmem>> -> memref<1x8x128xi32, #tpu.memory_space<vmem>>
        %dma_start3A_660 = tpu.memref_squeeze %dma_start3A_659 : memref<1x8x128xi32, #tpu.memory_space<vmem>> -> memref<8x128xi32, #tpu.memory_space<vmem>>
        %dma_start3A_661 = arith.constant 0 : i32
        %dma_start3A_662 = arith.constant 0 : i32
        %dma_start3A_663 = tpu.memref_slice %arg4[%arg1, %add3A_630, %dma_start3A_661, %dma_start3A_662] : memref<16x20x8x128xi32, #tpu.memory_space<hbm>> -> memref<1x1x8x128xi32, #tpu.memory_space<hbm>>
        %dma_start3A_664 = tpu.memref_squeeze %dma_start3A_663 : memref<1x1x8x128xi32, #tpu.memory_space<hbm>> -> memref<8x128xi32, #tpu.memory_space<hbm>>
        tpu.enqueue_dma source(%dma_start3A_664 : memref<8x128xi32, #tpu.memory_space<hbm>>) target(%dma_start3A_660 : memref<8x128xi32, #tpu.memory_space<vmem>>) target_semaphore(%arg12 : memref<!tpu.dma_semaphore, #tpu.memory_space<semaphore_mem>>)
      } else {
      }
    }
    %scan3A_78 = arith.constant 10 : i32
    %barrier3A_79 = arith.constant 0 : index
    tpu.barrier barrier_id(%barrier3A_79)
    %mul3A_80 = arith.constant 640 : i32
    %mul3A_81 = arith.muli %arg1, %mul3A_80 : i32
    %mul3A_82 = arith.constant 640 : i32
    %mul3A_83 = arith.muli %arg1, %mul3A_82 : i32
    "tpu.region"() ({
      %run_scoped3A = tpu.sem_alloc : memref<!tpu.dma_semaphore, #tpu.memory_space<semaphore_mem>>
      %dma_start3A_84 = arith.constant 0 : i32
      %dma_start3A_85 = tpu.memref_slice %arg6[%arg0, %mul3A_83, %dma_start3A_84] : memref<2x10240x128xf32, #tpu.memory_space<hbm>> -> memref<1x640x128xf32, #tpu.memory_space<hbm>>
      %dma_start3A_86 = tpu.memref_squeeze %dma_start3A_85 : memref<1x640x128xf32, #tpu.memory_space<hbm>> -> memref<640x128xf32, #tpu.memory_space<hbm>>
      %dma_start3A_87 = arith.constant 0 : i32
      %dma_start3A_88 = tpu.memref_slice %arg10[%mul3A_81, %dma_start3A_87] : memref<10240x128xf32, #tpu.memory_space<vmem_shared>> -> memref<640x128xf32, #tpu.memory_space<vmem_shared>>
      tpu.enqueue_dma source(%dma_start3A_88 : memref<640x128xf32, #tpu.memory_space<vmem_shared>>) target(%dma_start3A_86 : memref<640x128xf32, #tpu.memory_space<hbm>>) target_semaphore(%run_scoped3A : memref<!tpu.dma_semaphore, #tpu.memory_space<semaphore_mem>>)
      %dma_wait3A = arith.constant 0 : i32
      %dma_wait3A_89 = tpu.memref_slice %arg6[%arg0, %mul3A_83, %dma_wait3A] : memref<2x10240x128xf32, #tpu.memory_space<hbm>> -> memref<1x640x128xf32, #tpu.memory_space<hbm>>
      %dma_wait3A_90 = tpu.memref_squeeze %dma_wait3A_89 : memref<1x640x128xf32, #tpu.memory_space<hbm>> -> memref<640x128xf32, #tpu.memory_space<hbm>>
      %dma_wait3A_91 = arith.constant 0 : i32
      %dma_wait3A_92 = tpu.memref_slice %arg10[%mul3A_81, %dma_wait3A_91] : memref<10240x128xf32, #tpu.memory_space<vmem_shared>> -> memref<640x128xf32, #tpu.memory_space<vmem_shared>>
      tpu.wait_dma2 semaphore(%run_scoped3A : memref<!tpu.dma_semaphore, #tpu.memory_space<semaphore_mem>>) src(%dma_wait3A_92 : memref<640x128xf32, #tpu.memory_space<vmem_shared>>) dst(%dma_wait3A_90 : memref<640x128xf32, #tpu.memory_space<hbm>>)
      tpu.yield
    }) : () -> ()
    return
  }
}

#map = affine_map<(d0, d1) -> (0, 0, 0, 0)>
#map1 = affine_map<(d0, d1) -> (0, 0)>
#map2 = affine_map<(d0, d1) -> (0)>
#map3 = affine_map<(d0, d1) -> (0, 0, 0)>
module attributes {stable_mosaic.version = 14 : i64} {
  func.func @k(%arg0: i32, %arg1: i32, %arg2: memref<2x16x80x128xi32, #tpu.memory_space<hbm>>, %arg3: memref<128x128xf32, #tpu.memory_space<hbm>>, %arg4: memref<128xi32, #tpu.memory_space<hbm>>, %arg5: memref<10240x128xf32, #tpu.memory_space<hbm>>, %arg6: memref<2x10240x128xf32, #tpu.memory_space<hbm>>, %arg7: memref<80x128xi32, #tpu.memory_space<vmem>>, %arg8: memref<128x128xf32, #tpu.memory_space<vmem>>, %arg9: memref<128xi32, #tpu.memory_space<vmem>>, %arg10: memref<10240x128xf32, #tpu.memory_space<vmem_shared>>, %arg11: memref<!tpu.dma_semaphore, #tpu.memory_space<semaphore_mem>>, %arg12: memref<!tpu.dma_semaphore, #tpu.memory_space<semaphore_mem>>) attributes {dimension_semantics = [#tpu.dimension_semantics<core_parallel>, #tpu.dimension_semantics<subcore_parallel>], iteration_bounds = array<i64: 2, 16>, scalar_prefetch = 0 : i64, scratch_operands = 6 : i64, tpu.core_type = #tpu.core_type<sc_vector_subcore>, window_params = [{transform_indices = #map}, {transform_indices = #map1}, {transform_indices = #map2}, {transform_indices = #map1}, {transform_indices = #map3}]} {
    "tpu.region"() ({
      %run_scoped3A = tpu.sem_alloc : memref<!tpu.dma_semaphore, #tpu.memory_space<semaphore_mem>>
      tpu.enqueue_dma source(%arg3 : memref<128x128xf32, #tpu.memory_space<hbm>>) target(%arg8 : memref<128x128xf32, #tpu.memory_space<vmem>>) target_semaphore(%run_scoped3A : memref<!tpu.dma_semaphore, #tpu.memory_space<semaphore_mem>>)
      tpu.wait_dma2 semaphore(%run_scoped3A : memref<!tpu.dma_semaphore, #tpu.memory_space<semaphore_mem>>) src(%arg3 : memref<128x128xf32, #tpu.memory_space<hbm>>) dst(%arg8 : memref<128x128xf32, #tpu.memory_space<vmem>>)
      tpu.yield
    }) : () -> ()
    "tpu.region"() ({
      %run_scoped3A = tpu.sem_alloc : memref<!tpu.dma_semaphore, #tpu.memory_space<semaphore_mem>>
      tpu.enqueue_dma source(%arg4 : memref<128xi32, #tpu.memory_space<hbm>>) target(%arg9 : memref<128xi32, #tpu.memory_space<vmem>>) target_semaphore(%run_scoped3A : memref<!tpu.dma_semaphore, #tpu.memory_space<semaphore_mem>>)
      tpu.wait_dma2 semaphore(%run_scoped3A : memref<!tpu.dma_semaphore, #tpu.memory_space<semaphore_mem>>) src(%arg4 : memref<128xi32, #tpu.memory_space<hbm>>) dst(%arg9 : memref<128xi32, #tpu.memory_space<vmem>>)
      tpu.yield
    }) : () -> ()
    "tpu.region"() ({
      %run_scoped3A = tpu.sem_alloc : memref<!tpu.dma_semaphore, #tpu.memory_space<semaphore_mem>>
      %dma_start3A_23 = arith.constant 0 : i32
      %dma_start3A_24 = arith.constant 0 : i32
      %dma_start3A_25 = tpu.memref_slice %arg2[%arg0, %arg1, %dma_start3A_23, %dma_start3A_24] : memref<2x16x80x128xi32, #tpu.memory_space<hbm>> -> memref<1x1x80x128xi32, #tpu.memory_space<hbm>>
      %dma_start3A_26 = tpu.memref_squeeze %dma_start3A_25 : memref<1x1x80x128xi32, #tpu.memory_space<hbm>> -> memref<80x128xi32, #tpu.memory_space<hbm>>
      %dma_start3A_27 = arith.constant 0 : i32
      %dma_start3A_28 = arith.constant 0 : i32
      %dma_start3A_29 = tpu.memref_slice %arg2[%arg0, %arg1, %dma_start3A_27, %dma_start3A_28] : memref<2x16x80x128xi32, #tpu.memory_space<hbm>> -> memref<1x1x80x128xi32, #tpu.memory_space<hbm>>
      %dma_start3A_30 = tpu.memref_squeeze %dma_start3A_29 : memref<1x1x80x128xi32, #tpu.memory_space<hbm>> -> memref<80x128xi32, #tpu.memory_space<hbm>>
      tpu.enqueue_dma source(%dma_start3A_30 : memref<80x128xi32, #tpu.memory_space<hbm>>) target(%arg7 : memref<80x128xi32, #tpu.memory_space<vmem>>) target_semaphore(%run_scoped3A : memref<!tpu.dma_semaphore, #tpu.memory_space<semaphore_mem>>)
      %dma_wait3A_31 = arith.constant 0 : i32
      %dma_wait3A_32 = arith.constant 0 : i32
      %dma_wait3A_33 = tpu.memref_slice %arg2[%arg0, %arg1, %dma_wait3A_31, %dma_wait3A_32] : memref<2x16x80x128xi32, #tpu.memory_space<hbm>> -> memref<1x1x80x128xi32, #tpu.memory_space<hbm>>
      %dma_wait3A_34 = tpu.memref_squeeze %dma_wait3A_33 : memref<1x1x80x128xi32, #tpu.memory_space<hbm>> -> memref<80x128xi32, #tpu.memory_space<hbm>>
      %dma_wait3A_35 = arith.constant 0 : i32
      %dma_wait3A_36 = arith.constant 0 : i32
      %dma_wait3A_37 = tpu.memref_slice %arg2[%arg0, %arg1, %dma_wait3A_35, %dma_wait3A_36] : memref<2x16x80x128xi32, #tpu.memory_space<hbm>> -> memref<1x1x80x128xi32, #tpu.memory_space<hbm>>
      %dma_wait3A_38 = tpu.memref_squeeze %dma_wait3A_37 : memref<1x1x80x128xi32, #tpu.memory_space<hbm>> -> memref<80x128xi32, #tpu.memory_space<hbm>>
      tpu.wait_dma2 semaphore(%run_scoped3A : memref<!tpu.dma_semaphore, #tpu.memory_space<semaphore_mem>>) src(%dma_wait3A_38 : memref<80x128xi32, #tpu.memory_space<hbm>>) dst(%arg7 : memref<80x128xi32, #tpu.memory_space<vmem>>)
      tpu.yield
    }) : () -> ()
    %mul3A = arith.constant 640 : i32
    %mul3A_0 = arith.muli %arg1, %mul3A : i32
    %mul3A_1 = arith.constant 640 : i32
    %mul3A_2 = arith.muli %arg1, %mul3A_1 : i32
    "tpu.region"() ({
      %run_scoped3A = tpu.sem_alloc : memref<!tpu.dma_semaphore, #tpu.memory_space<semaphore_mem>>
      %dma_start3A_23 = arith.constant 0 : i32
      %dma_start3A_24 = tpu.memref_slice %arg10[%mul3A_2, %dma_start3A_23] : memref<10240x128xf32, #tpu.memory_space<vmem_shared>> -> memref<640x128xf32, #tpu.memory_space<vmem_shared>>
      %dma_start3A_25 = arith.constant 0 : i32
      %dma_start3A_26 = tpu.memref_slice %arg5[%mul3A_0, %dma_start3A_25] : memref<10240x128xf32, #tpu.memory_space<hbm>> -> memref<640x128xf32, #tpu.memory_space<hbm>>
      tpu.enqueue_dma source(%dma_start3A_26 : memref<640x128xf32, #tpu.memory_space<hbm>>) target(%dma_start3A_24 : memref<640x128xf32, #tpu.memory_space<vmem_shared>>) target_semaphore(%run_scoped3A : memref<!tpu.dma_semaphore, #tpu.memory_space<semaphore_mem>>)
      %dma_wait3A_27 = arith.constant 0 : i32
      %dma_wait3A_28 = tpu.memref_slice %arg10[%mul3A_2, %dma_wait3A_27] : memref<10240x128xf32, #tpu.memory_space<vmem_shared>> -> memref<640x128xf32, #tpu.memory_space<vmem_shared>>
      %dma_wait3A_29 = arith.constant 0 : i32
      %dma_wait3A_30 = tpu.memref_slice %arg5[%mul3A_0, %dma_wait3A_29] : memref<10240x128xf32, #tpu.memory_space<hbm>> -> memref<640x128xf32, #tpu.memory_space<hbm>>
      tpu.wait_dma2 semaphore(%run_scoped3A : memref<!tpu.dma_semaphore, #tpu.memory_space<semaphore_mem>>) src(%dma_wait3A_30 : memref<640x128xf32, #tpu.memory_space<hbm>>) dst(%dma_wait3A_28 : memref<640x128xf32, #tpu.memory_space<vmem_shared>>)
      tpu.yield
    }) : () -> ()
    %barrier3A = arith.constant 0 : index
    tpu.barrier barrier_id(%barrier3A)
    %dma_start3A = arith.constant 0 : i32
    %dma_start3A_3 = arith.constant 0 : i32
    %dma_start3A_4 = tpu.memref_slice %arg10[%dma_start3A, %dma_start3A_3] : memref<10240x128xf32, #tpu.memory_space<vmem_shared>> -> memref<10240x128xf32, #tpu.memory_space<vmem_shared>>
    tpu.enqueue_indirect_dma source(%arg8 : memref<128x128xf32, #tpu.memory_space<vmem>>) target(%dma_start3A_4 : memref<10240x128xf32, #tpu.memory_space<vmem_shared>>) offsets(%arg9 : memref<128xi32, #tpu.memory_space<vmem>>) semaphore(%arg11 : memref<!tpu.dma_semaphore, #tpu.memory_space<semaphore_mem>>) {add = true}
    %dma_start3A_5 = arith.constant 0 : i32
    %dma_start3A_6 = arith.constant 0 : i32
    %dma_start3A_7 = tpu.memref_slice %arg10[%dma_start3A_5, %dma_start3A_6] : memref<10240x128xf32, #tpu.memory_space<vmem_shared>> -> memref<10240x128xf32, #tpu.memory_space<vmem_shared>>
    tpu.enqueue_indirect_dma source(%arg8 : memref<128x128xf32, #tpu.memory_space<vmem>>) target(%dma_start3A_7 : memref<10240x128xf32, #tpu.memory_space<vmem_shared>>) offsets(%arg9 : memref<128xi32, #tpu.memory_space<vmem>>) semaphore(%arg12 : memref<!tpu.dma_semaphore, #tpu.memory_space<semaphore_mem>>) {add = true}
    %scan3A = arith.constant 0 : i32
    %scan3A_8 = arith.constant 0 : i32
    %scan3A_9 = arith.constant 40 : i32
    %scan3A_10 = arith.addi %scan3A_8, %scan3A_9 : i32
    %scan3A_11 = arith.constant 1 : i32
    scf.for %scan3A_23 = %scan3A_8 to %scan3A_10 step %scan3A_11  : i32 {
      %mul3A_24 = arith.constant 2 : i32
      %mul3A_25 = arith.muli %mul3A_24, %scan3A_23 : i32
      %dma_wait3A_26 = arith.constant 0 : i32
      %dma_wait3A_27 = arith.constant 0 : i32
      %dma_wait3A_28 = tpu.memref_slice %arg10[%dma_wait3A_26, %dma_wait3A_27] : memref<10240x128xf32, #tpu.memory_space<vmem_shared>> -> memref<10240x128xf32, #tpu.memory_space<vmem_shared>>
      tpu.wait_indirect_dma semaphore(%arg11 : memref<!tpu.dma_semaphore, #tpu.memory_space<semaphore_mem>>) src(%arg8 : memref<128x128xf32, #tpu.memory_space<vmem>>) dst(%dma_wait3A_28 : memref<10240x128xf32, #tpu.memory_space<vmem_shared>>)
      %dma_start3A_29 = arith.constant 0 : i32
      %dma_start3A_30 = tpu.memref_slice %arg7[%mul3A_25, %dma_start3A_29] : memref<80x128xi32, #tpu.memory_space<vmem>> -> memref<1x128xi32, #tpu.memory_space<vmem>>
      %dma_start3A_31 = tpu.memref_squeeze %dma_start3A_30 : memref<1x128xi32, #tpu.memory_space<vmem>> -> memref<128xi32, #tpu.memory_space<vmem>>
      %dma_start3A_32 = arith.constant 0 : i32
      %dma_start3A_33 = arith.constant 0 : i32
      %dma_start3A_34 = tpu.memref_slice %arg10[%dma_start3A_32, %dma_start3A_33] : memref<10240x128xf32, #tpu.memory_space<vmem_shared>> -> memref<10240x128xf32, #tpu.memory_space<vmem_shared>>
      tpu.enqueue_indirect_dma source(%arg8 : memref<128x128xf32, #tpu.memory_space<vmem>>) target(%dma_start3A_34 : memref<10240x128xf32, #tpu.memory_space<vmem_shared>>) offsets(%dma_start3A_31 : memref<128xi32, #tpu.memory_space<vmem>>) semaphore(%arg11 : memref<!tpu.dma_semaphore, #tpu.memory_space<semaphore_mem>>) {add = true}
      %dma_wait3A_35 = arith.constant 0 : i32
      %dma_wait3A_36 = arith.constant 0 : i32
      %dma_wait3A_37 = tpu.memref_slice %arg10[%dma_wait3A_35, %dma_wait3A_36] : memref<10240x128xf32, #tpu.memory_space<vmem_shared>> -> memref<10240x128xf32, #tpu.memory_space<vmem_shared>>
      tpu.wait_indirect_dma semaphore(%arg12 : memref<!tpu.dma_semaphore, #tpu.memory_space<semaphore_mem>>) src(%arg8 : memref<128x128xf32, #tpu.memory_space<vmem>>) dst(%dma_wait3A_37 : memref<10240x128xf32, #tpu.memory_space<vmem_shared>>)
      %add3A = arith.constant 1 : i32
      %add3A_38 = arith.addi %mul3A_25, %add3A : i32
      %dma_start3A_39 = arith.constant 0 : i32
      %dma_start3A_40 = tpu.memref_slice %arg7[%add3A_38, %dma_start3A_39] : memref<80x128xi32, #tpu.memory_space<vmem>> -> memref<1x128xi32, #tpu.memory_space<vmem>>
      %dma_start3A_41 = tpu.memref_squeeze %dma_start3A_40 : memref<1x128xi32, #tpu.memory_space<vmem>> -> memref<128xi32, #tpu.memory_space<vmem>>
      %dma_start3A_42 = arith.constant 0 : i32
      %dma_start3A_43 = arith.constant 0 : i32
      %dma_start3A_44 = tpu.memref_slice %arg10[%dma_start3A_42, %dma_start3A_43] : memref<10240x128xf32, #tpu.memory_space<vmem_shared>> -> memref<10240x128xf32, #tpu.memory_space<vmem_shared>>
      tpu.enqueue_indirect_dma source(%arg8 : memref<128x128xf32, #tpu.memory_space<vmem>>) target(%dma_start3A_44 : memref<10240x128xf32, #tpu.memory_space<vmem_shared>>) offsets(%dma_start3A_41 : memref<128xi32, #tpu.memory_space<vmem>>) semaphore(%arg12 : memref<!tpu.dma_semaphore, #tpu.memory_space<semaphore_mem>>) {add = true}
    }
    %scan3A_12 = arith.constant 40 : i32
    %dma_wait3A = arith.constant 0 : i32
    %dma_wait3A_13 = arith.constant 0 : i32
    %dma_wait3A_14 = tpu.memref_slice %arg10[%dma_wait3A, %dma_wait3A_13] : memref<10240x128xf32, #tpu.memory_space<vmem_shared>> -> memref<10240x128xf32, #tpu.memory_space<vmem_shared>>
    tpu.wait_indirect_dma semaphore(%arg11 : memref<!tpu.dma_semaphore, #tpu.memory_space<semaphore_mem>>) src(%arg8 : memref<128x128xf32, #tpu.memory_space<vmem>>) dst(%dma_wait3A_14 : memref<10240x128xf32, #tpu.memory_space<vmem_shared>>)
    %dma_wait3A_15 = arith.constant 0 : i32
    %dma_wait3A_16 = arith.constant 0 : i32
    %dma_wait3A_17 = tpu.memref_slice %arg10[%dma_wait3A_15, %dma_wait3A_16] : memref<10240x128xf32, #tpu.memory_space<vmem_shared>> -> memref<10240x128xf32, #tpu.memory_space<vmem_shared>>
    tpu.wait_indirect_dma semaphore(%arg12 : memref<!tpu.dma_semaphore, #tpu.memory_space<semaphore_mem>>) src(%arg8 : memref<128x128xf32, #tpu.memory_space<vmem>>) dst(%dma_wait3A_17 : memref<10240x128xf32, #tpu.memory_space<vmem_shared>>)
    %barrier3A_18 = arith.constant 0 : index
    tpu.barrier barrier_id(%barrier3A_18)
    %mul3A_19 = arith.constant 640 : i32
    %mul3A_20 = arith.muli %arg1, %mul3A_19 : i32
    %mul3A_21 = arith.constant 640 : i32
    %mul3A_22 = arith.muli %arg1, %mul3A_21 : i32
    "tpu.region"() ({
      %run_scoped3A = tpu.sem_alloc : memref<!tpu.dma_semaphore, #tpu.memory_space<semaphore_mem>>
      %dma_start3A_23 = arith.constant 0 : i32
      %dma_start3A_24 = tpu.memref_slice %arg6[%arg0, %mul3A_22, %dma_start3A_23] : memref<2x10240x128xf32, #tpu.memory_space<hbm>> -> memref<1x640x128xf32, #tpu.memory_space<hbm>>
      %dma_start3A_25 = tpu.memref_squeeze %dma_start3A_24 : memref<1x640x128xf32, #tpu.memory_space<hbm>> -> memref<640x128xf32, #tpu.memory_space<hbm>>
      %dma_start3A_26 = arith.constant 0 : i32
      %dma_start3A_27 = tpu.memref_slice %arg10[%mul3A_20, %dma_start3A_26] : memref<10240x128xf32, #tpu.memory_space<vmem_shared>> -> memref<640x128xf32, #tpu.memory_space<vmem_shared>>
      tpu.enqueue_dma source(%dma_start3A_27 : memref<640x128xf32, #tpu.memory_space<vmem_shared>>) target(%dma_start3A_25 : memref<640x128xf32, #tpu.memory_space<hbm>>) target_semaphore(%run_scoped3A : memref<!tpu.dma_semaphore, #tpu.memory_space<semaphore_mem>>)
      %dma_wait3A_28 = arith.constant 0 : i32
      %dma_wait3A_29 = tpu.memref_slice %arg6[%arg0, %mul3A_22, %dma_wait3A_28] : memref<2x10240x128xf32, #tpu.memory_space<hbm>> -> memref<1x640x128xf32, #tpu.memory_space<hbm>>
      %dma_wait3A_30 = tpu.memref_squeeze %dma_wait3A_29 : memref<1x640x128xf32, #tpu.memory_space<hbm>> -> memref<640x128xf32, #tpu.memory_space<hbm>>
      %dma_wait3A_31 = arith.constant 0 : i32
      %dma_wait3A_32 = tpu.memref_slice %arg10[%mul3A_20, %dma_wait3A_31] : memref<10240x128xf32, #tpu.memory_space<vmem_shared>> -> memref<640x128xf32, #tpu.memory_space<vmem_shared>>
      tpu.wait_dma2 semaphore(%run_scoped3A : memref<!tpu.dma_semaphore, #tpu.memory_space<semaphore_mem>>) src(%dma_wait3A_32 : memref<640x128xf32, #tpu.memory_space<vmem_shared>>) dst(%dma_wait3A_30 : memref<640x128xf32, #tpu.memory_space<hbm>>)
      tpu.yield
    }) : () -> ()
    return
  }
}

#map = affine_map<(d0, d1) -> (0, 0)>
#map1 = affine_map<(d0, d1) -> (0, 0, 0, 0, 0)>
#map2 = affine_map<(d0, d1) -> (0, 0, 0, 0)>
#map3 = affine_map<(d0, d1) -> (0, 0, 0)>
module attributes {stable_mosaic.version = 14 : i64} {
  func.func @k(%arg0: i32, %arg1: i32, %arg2: memref<20480x128xf32, #tpu.memory_space<hbm>>, %arg3: memref<2x16x20x8x128xi32, #tpu.memory_space<hbm>>, %arg4: memref<16x20x8x128xi32, #tpu.memory_space<hbm>>, %arg5: memref<10240x128xf32, #tpu.memory_space<hbm>>, %arg6: memref<2x10240x128xf32, #tpu.memory_space<hbm>>, %arg7: memref<2x8x128xi32, #tpu.memory_space<vmem>>, %arg8: memref<2x8x128xi32, #tpu.memory_space<vmem>>, %arg9: memref<2x128x128xf32, #tpu.memory_space<vmem>>, %arg10: memref<10240x128xf32, #tpu.memory_space<vmem_shared>>, %arg11: memref<!tpu.dma_semaphore, #tpu.memory_space<semaphore_mem>>, %arg12: memref<!tpu.dma_semaphore, #tpu.memory_space<semaphore_mem>>, %arg13: memref<!tpu.dma_semaphore, #tpu.memory_space<semaphore_mem>>, %arg14: memref<!tpu.dma_semaphore, #tpu.memory_space<semaphore_mem>>) attributes {dimension_semantics = [#tpu.dimension_semantics<core_parallel>, #tpu.dimension_semantics<subcore_parallel>], iteration_bounds = array<i64: 2, 16>, scalar_prefetch = 0 : i64, scratch_operands = 8 : i64, tpu.core_type = #tpu.core_type<sc_vector_subcore>, window_params = [{transform_indices = #map}, {transform_indices = #map1}, {transform_indices = #map2}, {transform_indices = #map}, {transform_indices = #map3}]} {
    %mul3A = arith.constant 640 : i32
    %mul3A_0 = arith.muli %arg1, %mul3A : i32
    %mul3A_1 = arith.constant 640 : i32
    %mul3A_2 = arith.muli %arg1, %mul3A_1 : i32
    "tpu.region"() ({
      %run_scoped3A = tpu.sem_alloc : memref<!tpu.dma_semaphore, #tpu.memory_space<semaphore_mem>>
      %dma_start3A_84 = arith.constant 0 : i32
      %dma_start3A_85 = tpu.memref_slice %arg10[%mul3A_2, %dma_start3A_84] : memref<10240x128xf32, #tpu.memory_space<vmem_shared>> -> memref<640x128xf32, #tpu.memory_space<vmem_shared>>
      %dma_start3A_86 = arith.constant 0 : i32
      %dma_start3A_87 = tpu.memref_slice %arg5[%mul3A_0, %dma_start3A_86] : memref<10240x128xf32, #tpu.memory_space<hbm>> -> memref<640x128xf32, #tpu.memory_space<hbm>>
      tpu.enqueue_dma source(%dma_start3A_87 : memref<640x128xf32, #tpu.memory_space<hbm>>) target(%dma_start3A_85 : memref<640x128xf32, #tpu.memory_space<vmem_shared>>) target_semaphore(%run_scoped3A : memref<!tpu.dma_semaphore, #tpu.memory_space<semaphore_mem>>)
      %dma_wait3A = arith.constant 0 : i32
      %dma_wait3A_88 = tpu.memref_slice %arg10[%mul3A_2, %dma_wait3A] : memref<10240x128xf32, #tpu.memory_space<vmem_shared>> -> memref<640x128xf32, #tpu.memory_space<vmem_shared>>
      %dma_wait3A_89 = arith.constant 0 : i32
      %dma_wait3A_90 = tpu.memref_slice %arg5[%mul3A_0, %dma_wait3A_89] : memref<10240x128xf32, #tpu.memory_space<hbm>> -> memref<640x128xf32, #tpu.memory_space<hbm>>
      tpu.wait_dma2 semaphore(%run_scoped3A : memref<!tpu.dma_semaphore, #tpu.memory_space<semaphore_mem>>) src(%dma_wait3A_90 : memref<640x128xf32, #tpu.memory_space<hbm>>) dst(%dma_wait3A_88 : memref<640x128xf32, #tpu.memory_space<vmem_shared>>)
      tpu.yield
    }) : () -> ()
    %dma_start3A = arith.constant 0 : i32
    %dma_start3A_3 = arith.constant 0 : i32
    %dma_start3A_4 = arith.constant 0 : i32
    %dma_start3A_5 = arith.constant 0 : i32
    %dma_start3A_6 = tpu.memref_slice %arg7[%dma_start3A_3, %dma_start3A_4, %dma_start3A_5] : memref<2x8x128xi32, #tpu.memory_space<vmem>> -> memref<1x8x128xi32, #tpu.memory_space<vmem>>
    %dma_start3A_7 = tpu.memref_squeeze %dma_start3A_6 : memref<1x8x128xi32, #tpu.memory_space<vmem>> -> memref<8x128xi32, #tpu.memory_space<vmem>>
    %dma_start3A_8 = arith.constant 0 : i32
    %dma_start3A_9 = arith.constant 0 : i32
    %dma_start3A_10 = tpu.memref_slice %arg3[%arg0, %arg1, %dma_start3A, %dma_start3A_8, %dma_start3A_9] : memref<2x16x20x8x128xi32, #tpu.memory_space<hbm>> -> memref<1x1x1x8x128xi32, #tpu.memory_space<hbm>>
    %dma_start3A_11 = tpu.memref_squeeze %dma_start3A_10 : memref<1x1x1x8x128xi32, #tpu.memory_space<hbm>> -> memref<8x128xi32, #tpu.memory_space<hbm>>
    %dma_start3A_12 = arith.constant 0 : i32
    %dma_start3A_13 = arith.constant 0 : i32
    %dma_start3A_14 = tpu.memref_slice %arg7[%dma_start3A_3, %dma_start3A_12, %dma_start3A_13] : memref<2x8x128xi32, #tpu.memory_space<vmem>> -> memref<1x8x128xi32, #tpu.memory_space<vmem>>
    %dma_start3A_15 = tpu.memref_squeeze %dma_start3A_14 : memref<1x8x128xi32, #tpu.memory_space<vmem>> -> memref<8x128xi32, #tpu.memory_space<vmem>>
    %dma_start3A_16 = arith.constant 0 : i32
    %dma_start3A_17 = arith.constant 0 : i32
    %dma_start3A_18 = tpu.memref_slice %arg3[%arg0, %arg1, %dma_start3A, %dma_start3A_16, %dma_start3A_17] : memref<2x16x20x8x128xi32, #tpu.memory_space<hbm>> -> memref<1x1x1x8x128xi32, #tpu.memory_space<hbm>>
    %dma_start3A_19 = tpu.memref_squeeze %dma_start3A_18 : memref<1x1x1x8x128xi32, #tpu.memory_space<hbm>> -> memref<8x128xi32, #tpu.memory_space<hbm>>
    tpu.enqueue_dma source(%dma_start3A_19 : memref<8x128xi32, #tpu.memory_space<hbm>>) target(%dma_start3A_15 : memref<8x128xi32, #tpu.memory_space<vmem>>) target_semaphore(%arg11 : memref<!tpu.dma_semaphore, #tpu.memory_space<semaphore_mem>>)
    %dma_start3A_20 = arith.constant 0 : i32
    %dma_start3A_21 = arith.constant 0 : i32
    %dma_start3A_22 = arith.constant 0 : i32
    %dma_start3A_23 = arith.constant 0 : i32
    %dma_start3A_24 = tpu.memref_slice %arg8[%dma_start3A_21, %dma_start3A_22, %dma_start3A_23] : memref<2x8x128xi32, #tpu.memory_space<vmem>> -> memref<1x8x128xi32, #tpu.memory_space<vmem>>
    %dma_start3A_25 = tpu.memref_squeeze %dma_start3A_24 : memref<1x8x128xi32, #tpu.memory_space<vmem>> -> memref<8x128xi32, #tpu.memory_space<vmem>>
    %dma_start3A_26 = arith.constant 0 : i32
    %dma_start3A_27 = arith.constant 0 : i32
    %dma_start3A_28 = tpu.memref_slice %arg4[%arg1, %dma_start3A_20, %dma_start3A_26, %dma_start3A_27] : memref<16x20x8x128xi32, #tpu.memory_space<hbm>> -> memref<1x1x8x128xi32, #tpu.memory_space<hbm>>
    %dma_start3A_29 = tpu.memref_squeeze %dma_start3A_28 : memref<1x1x8x128xi32, #tpu.memory_space<hbm>> -> memref<8x128xi32, #tpu.memory_space<hbm>>
    %dma_start3A_30 = arith.constant 0 : i32
    %dma_start3A_31 = arith.constant 0 : i32
    %dma_start3A_32 = tpu.memref_slice %arg8[%dma_start3A_21, %dma_start3A_30, %dma_start3A_31] : memref<2x8x128xi32, #tpu.memory_space<vmem>> -> memref<1x8x128xi32, #tpu.memory_space<vmem>>
    %dma_start3A_33 = tpu.memref_squeeze %dma_start3A_32 : memref<1x8x128xi32, #tpu.memory_space<vmem>> -> memref<8x128xi32, #tpu.memory_space<vmem>>
    %dma_start3A_34 = arith.constant 0 : i32
    %dma_start3A_35 = arith.constant 0 : i32
    %dma_start3A_36 = tpu.memref_slice %arg4[%arg1, %dma_start3A_20, %dma_start3A_34, %dma_start3A_35] : memref<16x20x8x128xi32, #tpu.memory_space<hbm>> -> memref<1x1x8x128xi32, #tpu.memory_space<hbm>>
    %dma_start3A_37 = tpu.memref_squeeze %dma_start3A_36 : memref<1x1x8x128xi32, #tpu.memory_space<hbm>> -> memref<8x128xi32, #tpu.memory_space<hbm>>
    tpu.enqueue_dma source(%dma_start3A_37 : memref<8x128xi32, #tpu.memory_space<hbm>>) target(%dma_start3A_33 : memref<8x128xi32, #tpu.memory_space<vmem>>) target_semaphore(%arg11 : memref<!tpu.dma_semaphore, #tpu.memory_space<semaphore_mem>>)
    %dma_start3A_38 = arith.constant 1 : i32
    %dma_start3A_39 = arith.constant 1 : i32
    %dma_start3A_40 = arith.constant 0 : i32
    %dma_start3A_41 = arith.constant 0 : i32
    %dma_start3A_42 = tpu.memref_slice %arg7[%dma_start3A_39, %dma_start3A_40, %dma_start3A_41] : memref<2x8x128xi32, #tpu.memory_space<vmem>> -> memref<1x8x128xi32, #tpu.memory_space<vmem>>
    %dma_start3A_43 = tpu.memref_squeeze %dma_start3A_42 : memref<1x8x128xi32, #tpu.memory_space<vmem>> -> memref<8x128xi32, #tpu.memory_space<vmem>>
    %dma_start3A_44 = arith.constant 0 : i32
    %dma_start3A_45 = arith.constant 0 : i32
    %dma_start3A_46 = tpu.memref_slice %arg3[%arg0, %arg1, %dma_start3A_38, %dma_start3A_44, %dma_start3A_45] : memref<2x16x20x8x128xi32, #tpu.memory_space<hbm>> -> memref<1x1x1x8x128xi32, #tpu.memory_space<hbm>>
    %dma_start3A_47 = tpu.memref_squeeze %dma_start3A_46 : memref<1x1x1x8x128xi32, #tpu.memory_space<hbm>> -> memref<8x128xi32, #tpu.memory_space<hbm>>
    %dma_start3A_48 = arith.constant 0 : i32
    %dma_start3A_49 = arith.constant 0 : i32
    %dma_start3A_50 = tpu.memref_slice %arg7[%dma_start3A_39, %dma_start3A_48, %dma_start3A_49] : memref<2x8x128xi32, #tpu.memory_space<vmem>> -> memref<1x8x128xi32, #tpu.memory_space<vmem>>
    %dma_start3A_51 = tpu.memref_squeeze %dma_start3A_50 : memref<1x8x128xi32, #tpu.memory_space<vmem>> -> memref<8x128xi32, #tpu.memory_space<vmem>>
    %dma_start3A_52 = arith.constant 0 : i32
    %dma_start3A_53 = arith.constant 0 : i32
    %dma_start3A_54 = tpu.memref_slice %arg3[%arg0, %arg1, %dma_start3A_38, %dma_start3A_52, %dma_start3A_53] : memref<2x16x20x8x128xi32, #tpu.memory_space<hbm>> -> memref<1x1x1x8x128xi32, #tpu.memory_space<hbm>>
    %dma_start3A_55 = tpu.memref_squeeze %dma_start3A_54 : memref<1x1x1x8x128xi32, #tpu.memory_space<hbm>> -> memref<8x128xi32, #tpu.memory_space<hbm>>
    tpu.enqueue_dma source(%dma_start3A_55 : memref<8x128xi32, #tpu.memory_space<hbm>>) target(%dma_start3A_51 : memref<8x128xi32, #tpu.memory_space<vmem>>) target_semaphore(%arg12 : memref<!tpu.dma_semaphore, #tpu.memory_space<semaphore_mem>>)
    %dma_start3A_56 = arith.constant 1 : i32
    %dma_start3A_57 = arith.constant 1 : i32
    %dma_start3A_58 = arith.constant 0 : i32
    %dma_start3A_59 = arith.constant 0 : i32
    %dma_start3A_60 = tpu.memref_slice %arg8[%dma_start3A_57, %dma_start3A_58, %dma_start3A_59] : memref<2x8x128xi32, #tpu.memory_space<vmem>> -> memref<1x8x128xi32, #tpu.memory_space<vmem>>
    %dma_start3A_61 = tpu.memref_squeeze %dma_start3A_60 : memref<1x8x128xi32, #tpu.memory_space<vmem>> -> memref<8x128xi32, #tpu.memory_space<vmem>>
    %dma_start3A_62 = arith.constant 0 : i32
    %dma_start3A_63 = arith.constant 0 : i32
    %dma_start3A_64 = tpu.memref_slice %arg4[%arg1, %dma_start3A_56, %dma_start3A_62, %dma_start3A_63] : memref<16x20x8x128xi32, #tpu.memory_space<hbm>> -> memref<1x1x8x128xi32, #tpu.memory_space<hbm>>
    %dma_start3A_65 = tpu.memref_squeeze %dma_start3A_64 : memref<1x1x8x128xi32, #tpu.memory_space<hbm>> -> memref<8x128xi32, #tpu.memory_space<hbm>>
    %dma_start3A_66 = arith.constant 0 : i32
    %dma_start3A_67 = arith.constant 0 : i32
    %dma_start3A_68 = tpu.memref_slice %arg8[%dma_start3A_57, %dma_start3A_66, %dma_start3A_67] : memref<2x8x128xi32, #tpu.memory_space<vmem>> -> memref<1x8x128xi32, #tpu.memory_space<vmem>>
    %dma_start3A_69 = tpu.memref_squeeze %dma_start3A_68 : memref<1x8x128xi32, #tpu.memory_space<vmem>> -> memref<8x128xi32, #tpu.memory_space<vmem>>
    %dma_start3A_70 = arith.constant 0 : i32
    %dma_start3A_71 = arith.constant 0 : i32
    %dma_start3A_72 = tpu.memref_slice %arg4[%arg1, %dma_start3A_56, %dma_start3A_70, %dma_start3A_71] : memref<16x20x8x128xi32, #tpu.memory_space<hbm>> -> memref<1x1x8x128xi32, #tpu.memory_space<hbm>>
    %dma_start3A_73 = tpu.memref_squeeze %dma_start3A_72 : memref<1x1x8x128xi32, #tpu.memory_space<hbm>> -> memref<8x128xi32, #tpu.memory_space<hbm>>
    tpu.enqueue_dma source(%dma_start3A_73 : memref<8x128xi32, #tpu.memory_space<hbm>>) target(%dma_start3A_69 : memref<8x128xi32, #tpu.memory_space<vmem>>) target_semaphore(%arg12 : memref<!tpu.dma_semaphore, #tpu.memory_space<semaphore_mem>>)
    %barrier3A = arith.constant 0 : index
    tpu.barrier barrier_id(%barrier3A)
    %scan3A = arith.constant 0 : i32
    %scan3A_74 = arith.constant 0 : i32
    %scan3A_75 = arith.constant 10 : i32
    %scan3A_76 = arith.addi %scan3A_74, %scan3A_75 : i32
    %scan3A_77 = arith.constant 1 : i32
    scf.for %scan3A_84 = %scan3A_74 to %scan3A_76 step %scan3A_77  : i32 {
      %mul3A_85 = arith.constant 2 : i32
      %mul3A_86 = arith.muli %mul3A_85, %scan3A_84 : i32
      %dma_wait3A = arith.constant 0 : i32
      %dma_wait3A_87 = arith.constant 0 : i32
      %dma_wait3A_88 = arith.constant 0 : i32
      %dma_wait3A_89 = tpu.memref_slice %arg7[%dma_wait3A, %dma_wait3A_87, %dma_wait3A_88] : memref<2x8x128xi32, #tpu.memory_space<vmem>> -> memref<1x8x128xi32, #tpu.memory_space<vmem>>
      %dma_wait3A_90 = tpu.memref_squeeze %dma_wait3A_89 : memref<1x8x128xi32, #tpu.memory_space<vmem>> -> memref<8x128xi32, #tpu.memory_space<vmem>>
      %dma_wait3A_91 = arith.constant 0 : i32
      %dma_wait3A_92 = arith.constant 0 : i32
      %dma_wait3A_93 = tpu.memref_slice %arg3[%arg0, %arg1, %mul3A_86, %dma_wait3A_91, %dma_wait3A_92] : memref<2x16x20x8x128xi32, #tpu.memory_space<hbm>> -> memref<1x1x1x8x128xi32, #tpu.memory_space<hbm>>
      %dma_wait3A_94 = tpu.memref_squeeze %dma_wait3A_93 : memref<1x1x1x8x128xi32, #tpu.memory_space<hbm>> -> memref<8x128xi32, #tpu.memory_space<hbm>>
      %dma_wait3A_95 = arith.constant 0 : i32
      %dma_wait3A_96 = arith.constant 0 : i32
      %dma_wait3A_97 = tpu.memref_slice %arg7[%dma_wait3A, %dma_wait3A_95, %dma_wait3A_96] : memref<2x8x128xi32, #tpu.memory_space<vmem>> -> memref<1x8x128xi32, #tpu.memory_space<vmem>>
      %dma_wait3A_98 = tpu.memref_squeeze %dma_wait3A_97 : memref<1x8x128xi32, #tpu.memory_space<vmem>> -> memref<8x128xi32, #tpu.memory_space<vmem>>
      %dma_wait3A_99 = arith.constant 0 : i32
      %dma_wait3A_100 = arith.constant 0 : i32
      %dma_wait3A_101 = tpu.memref_slice %arg3[%arg0, %arg1, %mul3A_86, %dma_wait3A_99, %dma_wait3A_100] : memref<2x16x20x8x128xi32, #tpu.memory_space<hbm>> -> memref<1x1x1x8x128xi32, #tpu.memory_space<hbm>>
      %dma_wait3A_102 = tpu.memref_squeeze %dma_wait3A_101 : memref<1x1x1x8x128xi32, #tpu.memory_space<hbm>> -> memref<8x128xi32, #tpu.memory_space<hbm>>
      tpu.wait_dma2 semaphore(%arg11 : memref<!tpu.dma_semaphore, #tpu.memory_space<semaphore_mem>>) src(%dma_wait3A_102 : memref<8x128xi32, #tpu.memory_space<hbm>>) dst(%dma_wait3A_98 : memref<8x128xi32, #tpu.memory_space<vmem>>)
      %dma_wait3A_103 = arith.constant 0 : i32
      %dma_wait3A_104 = arith.constant 0 : i32
      %dma_wait3A_105 = arith.constant 0 : i32
      %dma_wait3A_106 = tpu.memref_slice %arg8[%dma_wait3A_103, %dma_wait3A_104, %dma_wait3A_105] : memref<2x8x128xi32, #tpu.memory_space<vmem>> -> memref<1x8x128xi32, #tpu.memory_space<vmem>>
      %dma_wait3A_107 = tpu.memref_squeeze %dma_wait3A_106 : memref<1x8x128xi32, #tpu.memory_space<vmem>> -> memref<8x128xi32, #tpu.memory_space<vmem>>
      %dma_wait3A_108 = arith.constant 0 : i32
      %dma_wait3A_109 = arith.constant 0 : i32
      %dma_wait3A_110 = tpu.memref_slice %arg4[%arg1, %mul3A_86, %dma_wait3A_108, %dma_wait3A_109] : memref<16x20x8x128xi32, #tpu.memory_space<hbm>> -> memref<1x1x8x128xi32, #tpu.memory_space<hbm>>
      %dma_wait3A_111 = tpu.memref_squeeze %dma_wait3A_110 : memref<1x1x8x128xi32, #tpu.memory_space<hbm>> -> memref<8x128xi32, #tpu.memory_space<hbm>>
      %dma_wait3A_112 = arith.constant 0 : i32
      %dma_wait3A_113 = arith.constant 0 : i32
      %dma_wait3A_114 = tpu.memref_slice %arg8[%dma_wait3A_103, %dma_wait3A_112, %dma_wait3A_113] : memref<2x8x128xi32, #tpu.memory_space<vmem>> -> memref<1x8x128xi32, #tpu.memory_space<vmem>>
      %dma_wait3A_115 = tpu.memref_squeeze %dma_wait3A_114 : memref<1x8x128xi32, #tpu.memory_space<vmem>> -> memref<8x128xi32, #tpu.memory_space<vmem>>
      %dma_wait3A_116 = arith.constant 0 : i32
      %dma_wait3A_117 = arith.constant 0 : i32
      %dma_wait3A_118 = tpu.memref_slice %arg4[%arg1, %mul3A_86, %dma_wait3A_116, %dma_wait3A_117] : memref<16x20x8x128xi32, #tpu.memory_space<hbm>> -> memref<1x1x8x128xi32, #tpu.memory_space<hbm>>
      %dma_wait3A_119 = tpu.memref_squeeze %dma_wait3A_118 : memref<1x1x8x128xi32, #tpu.memory_space<hbm>> -> memref<8x128xi32, #tpu.memory_space<hbm>>
      tpu.wait_dma2 semaphore(%arg11 : memref<!tpu.dma_semaphore, #tpu.memory_space<semaphore_mem>>) src(%dma_wait3A_119 : memref<8x128xi32, #tpu.memory_space<hbm>>) dst(%dma_wait3A_115 : memref<8x128xi32, #tpu.memory_space<vmem>>)
      %dma_start3A_120 = arith.constant 0 : i32
      %dma_start3A_121 = arith.constant 0 : i32
      %dma_start3A_122 = arith.constant 0 : i32
      %dma_start3A_123 = arith.constant 0 : i32
      %dma_start3A_124 = arith.constant 0 : i32
      %dma_start3A_125 = tpu.memref_slice %arg9[%dma_start3A_122, %dma_start3A_123, %dma_start3A_124] : memref<2x128x128xf32, #tpu.memory_space<vmem>> -> memref<1x128x128xf32, #tpu.memory_space<vmem>>
      %dma_start3A_126 = tpu.memref_squeeze %dma_start3A_125 : memref<1x128x128xf32, #tpu.memory_space<vmem>> -> memref<128x128xf32, #tpu.memory_space<vmem>>
      %dma_start3A_127 = arith.constant 0 : i32
      %dma_start3A_128 = tpu.memref_slice %arg7[%dma_start3A_120, %dma_start3A_121, %dma_start3A_127] : memref<2x8x128xi32, #tpu.memory_space<vmem>> -> memref<1x1x128xi32, #tpu.memory_space<vmem>>
      %dma_start3A_129 = tpu.memref_squeeze %dma_start3A_128 : memref<1x1x128xi32, #tpu.memory_space<vmem>> -> memref<128xi32, #tpu.memory_space<vmem>>
      %dma_start3A_130 = arith.constant 0 : i32
      %dma_start3A_131 = arith.constant 0 : i32
      %dma_start3A_132 = tpu.memref_slice %arg2[%dma_start3A_130, %dma_start3A_131] : memref<20480x128xf32, #tpu.memory_space<hbm>> -> memref<20480x128xf32, #tpu.memory_space<hbm>>
      tpu.enqueue_indirect_dma source(%dma_start3A_132 : memref<20480x128xf32, #tpu.memory_space<hbm>>) target(%dma_start3A_126 : memref<128x128xf32, #tpu.memory_space<vmem>>) offsets(%dma_start3A_129 : memref<128xi32, #tpu.memory_space<vmem>>) semaphore(%arg13 : memref<!tpu.dma_semaphore, #tpu.memory_space<semaphore_mem>>)
      %dma_start3A_133 = arith.constant 0 : i32
      %dma_start3A_134 = arith.constant 1 : i32
      %dma_start3A_135 = arith.constant 1 : i32
      %dma_start3A_136 = arith.constant 0 : i32
      %dma_start3A_137 = arith.constant 0 : i32
      %dma_start3A_138 = tpu.memref_slice %arg9[%dma_start3A_135, %dma_start3A_136, %dma_start3A_137] : memref<2x128x128xf32, #tpu.memory_space<vmem>> -> memref<1x128x128xf32, #tpu.memory_space<vmem>>
      %dma_start3A_139 = tpu.memref_squeeze %dma_start3A_138 : memref<1x128x128xf32, #tpu.memory_space<vmem>> -> memref<128x128xf32, #tpu.memory_space<vmem>>
      %dma_start3A_140 = arith.constant 0 : i32
      %dma_start3A_141 = tpu.memref_slice %arg7[%dma_start3A_133, %dma_start3A_134, %dma_start3A_140] : memref<2x8x128xi32, #tpu.memory_space<vmem>> -> memref<1x1x128xi32, #tpu.memory_space<vmem>>
      %dma_start3A_142 = tpu.memref_squeeze %dma_start3A_141 : memref<1x1x128xi32, #tpu.memory_space<vmem>> -> memref<128xi32, #tpu.memory_space<vmem>>
      %dma_start3A_143 = arith.constant 0 : i32
      %dma_start3A_144 = arith.constant 0 : i32
      %dma_start3A_145 = tpu.memref_slice %arg2[%dma_start3A_143, %dma_start3A_144] : memref<20480x128xf32, #tpu.memory_space<hbm>> -> memref<20480x128xf32, #tpu.memory_space<hbm>>
      tpu.enqueue_indirect_dma source(%dma_start3A_145 : memref<20480x128xf32, #tpu.memory_space<hbm>>) target(%dma_start3A_139 : memref<128x128xf32, #tpu.memory_space<vmem>>) offsets(%dma_start3A_142 : memref<128xi32, #tpu.memory_space<vmem>>) semaphore(%arg14 : memref<!tpu.dma_semaphore, #tpu.memory_space<semaphore_mem>>)
      %dma_wait3A_146 = arith.constant 0 : i32
      %dma_wait3A_147 = arith.constant 0 : i32
      %dma_wait3A_148 = arith.constant 0 : i32
      %dma_wait3A_149 = arith.constant 0 : i32
      %dma_wait3A_150 = arith.constant 0 : i32
      %dma_wait3A_151 = tpu.memref_slice %arg9[%dma_wait3A_148, %dma_wait3A_149, %dma_wait3A_150] : memref<2x128x128xf32, #tpu.memory_space<vmem>> -> memref<1x128x128xf32, #tpu.memory_space<vmem>>
      %dma_wait3A_152 = tpu.memref_squeeze %dma_wait3A_151 : memref<1x128x128xf32, #tpu.memory_space<vmem>> -> memref<128x128xf32, #tpu.memory_space<vmem>>
      %dma_wait3A_153 = arith.constant 0 : i32
      %dma_wait3A_154 = tpu.memref_slice %arg7[%dma_wait3A_146, %dma_wait3A_147, %dma_wait3A_153] : memref<2x8x128xi32, #tpu.memory_space<vmem>> -> memref<1x1x128xi32, #tpu.memory_space<vmem>>
      %dma_wait3A_155 = tpu.memref_squeeze %dma_wait3A_154 : memref<1x1x128xi32, #tpu.memory_space<vmem>> -> memref<128xi32, #tpu.memory_space<vmem>>
      %dma_wait3A_156 = arith.constant 0 : i32
      %dma_wait3A_157 = arith.constant 0 : i32
      %dma_wait3A_158 = tpu.memref_slice %arg2[%dma_wait3A_156, %dma_wait3A_157] : memref<20480x128xf32, #tpu.memory_space<hbm>> -> memref<20480x128xf32, #tpu.memory_space<hbm>>
      tpu.wait_indirect_dma semaphore(%arg13 : memref<!tpu.dma_semaphore, #tpu.memory_space<semaphore_mem>>) src(%dma_wait3A_158 : memref<20480x128xf32, #tpu.memory_space<hbm>>) dst(%dma_wait3A_152 : memref<128x128xf32, #tpu.memory_space<vmem>>)
      %run_scoped3A = arith.constant 0 : i32
      %run_scoped3A_159 = arith.constant 0 : i32
      %run_scoped3A_160 = arith.constant 0 : i32
      "tpu.region"() ({
        %run_scoped3A_629 = tpu.sem_alloc : memref<!tpu.dma_semaphore, #tpu.memory_space<semaphore_mem>>
        %dma_start3A_630 = arith.constant 0 : i32
        %dma_start3A_631 = arith.constant 0 : i32
        %dma_start3A_632 = tpu.memref_slice %arg9[%run_scoped3A, %dma_start3A_630, %dma_start3A_631] : memref<2x128x128xf32, #tpu.memory_space<vmem>> -> memref<1x128x128xf32, #tpu.memory_space<vmem>>
        %dma_start3A_633 = tpu.memref_squeeze %dma_start3A_632 : memref<1x128x128xf32, #tpu.memory_space<vmem>> -> memref<128x128xf32, #tpu.memory_space<vmem>>
        %dma_start3A_634 = arith.constant 0 : i32
        %dma_start3A_635 = tpu.memref_slice %arg8[%run_scoped3A_159, %run_scoped3A_160, %dma_start3A_634] : memref<2x8x128xi32, #tpu.memory_space<vmem>> -> memref<1x1x128xi32, #tpu.memory_space<vmem>>
        %dma_start3A_636 = tpu.memref_squeeze %dma_start3A_635 : memref<1x1x128xi32, #tpu.memory_space<vmem>> -> memref<128xi32, #tpu.memory_space<vmem>>
        %dma_start3A_637 = arith.constant 0 : i32
        %dma_start3A_638 = arith.constant 0 : i32
        %dma_start3A_639 = tpu.memref_slice %arg10[%dma_start3A_637, %dma_start3A_638] : memref<10240x128xf32, #tpu.memory_space<vmem_shared>> -> memref<10240x128xf32, #tpu.memory_space<vmem_shared>>
        tpu.enqueue_indirect_dma source(%dma_start3A_633 : memref<128x128xf32, #tpu.memory_space<vmem>>) target(%dma_start3A_639 : memref<10240x128xf32, #tpu.memory_space<vmem_shared>>) offsets(%dma_start3A_636 : memref<128xi32, #tpu.memory_space<vmem>>) semaphore(%run_scoped3A_629 : memref<!tpu.dma_semaphore, #tpu.memory_space<semaphore_mem>>) {add = true}
        %dma_wait3A_640 = arith.constant 0 : i32
        %dma_wait3A_641 = arith.constant 0 : i32
        %dma_wait3A_642 = tpu.memref_slice %arg9[%run_scoped3A, %dma_wait3A_640, %dma_wait3A_641] : memref<2x128x128xf32, #tpu.memory_space<vmem>> -> memref<1x128x128xf32, #tpu.memory_space<vmem>>
        %dma_wait3A_643 = tpu.memref_squeeze %dma_wait3A_642 : memref<1x128x128xf32, #tpu.memory_space<vmem>> -> memref<128x128xf32, #tpu.memory_space<vmem>>
        %dma_wait3A_644 = arith.constant 0 : i32
        %dma_wait3A_645 = tpu.memref_slice %arg8[%run_scoped3A_159, %run_scoped3A_160, %dma_wait3A_644] : memref<2x8x128xi32, #tpu.memory_space<vmem>> -> memref<1x1x128xi32, #tpu.memory_space<vmem>>
        %dma_wait3A_646 = tpu.memref_squeeze %dma_wait3A_645 : memref<1x1x128xi32, #tpu.memory_space<vmem>> -> memref<128xi32, #tpu.memory_space<vmem>>
        %dma_wait3A_647 = arith.constant 0 : i32
        %dma_wait3A_648 = arith.constant 0 : i32
        %dma_wait3A_649 = tpu.memref_slice %arg10[%dma_wait3A_647, %dma_wait3A_648] : memref<10240x128xf32, #tpu.memory_space<vmem_shared>> -> memref<10240x128xf32, #tpu.memory_space<vmem_shared>>
        tpu.wait_indirect_dma semaphore(%run_scoped3A_629 : memref<!tpu.dma_semaphore, #tpu.memory_space<semaphore_mem>>) src(%dma_wait3A_643 : memref<128x128xf32, #tpu.memory_space<vmem>>) dst(%dma_wait3A_649 : memref<10240x128xf32, #tpu.memory_space<vmem_shared>>)
        tpu.yield
      }) : () -> ()
      %dma_start3A_161 = arith.constant 0 : i32
      %dma_start3A_162 = arith.constant 2 : i32
      %dma_start3A_163 = arith.constant 0 : i32
      %dma_start3A_164 = arith.constant 0 : i32
      %dma_start3A_165 = arith.constant 0 : i32
      %dma_start3A_166 = tpu.memref_slice %arg9[%dma_start3A_163, %dma_start3A_164, %dma_start3A_165] : memref<2x128x128xf32, #tpu.memory_space<vmem>> -> memref<1x128x128xf32, #tpu.memory_space<vmem>>
      %dma_start3A_167 = tpu.memref_squeeze %dma_start3A_166 : memref<1x128x128xf32, #tpu.memory_space<vmem>> -> memref<128x128xf32, #tpu.memory_space<vmem>>
      %dma_start3A_168 = arith.constant 0 : i32
      %dma_start3A_169 = tpu.memref_slice %arg7[%dma_start3A_161, %dma_start3A_162, %dma_start3A_168] : memref<2x8x128xi32, #tpu.memory_space<vmem>> -> memref<1x1x128xi32, #tpu.memory_space<vmem>>
      %dma_start3A_170 = tpu.memref_squeeze %dma_start3A_169 : memref<1x1x128xi32, #tpu.memory_space<vmem>> -> memref<128xi32, #tpu.memory_space<vmem>>
      %dma_start3A_171 = arith.constant 0 : i32
      %dma_start3A_172 = arith.constant 0 : i32
      %dma_start3A_173 = tpu.memref_slice %arg2[%dma_start3A_171, %dma_start3A_172] : memref<20480x128xf32, #tpu.memory_space<hbm>> -> memref<20480x128xf32, #tpu.memory_space<hbm>>
      tpu.enqueue_indirect_dma source(%dma_start3A_173 : memref<20480x128xf32, #tpu.memory_space<hbm>>) target(%dma_start3A_167 : memref<128x128xf32, #tpu.memory_space<vmem>>) offsets(%dma_start3A_170 : memref<128xi32, #tpu.memory_space<vmem>>) semaphore(%arg13 : memref<!tpu.dma_semaphore, #tpu.memory_space<semaphore_mem>>)
      %dma_wait3A_174 = arith.constant 0 : i32
      %dma_wait3A_175 = arith.constant 0 : i32
      %dma_wait3A_176 = arith.constant 1 : i32
      %dma_wait3A_177 = arith.constant 0 : i32
      %dma_wait3A_178 = arith.constant 0 : i32
      %dma_wait3A_179 = tpu.memref_slice %arg9[%dma_wait3A_176, %dma_wait3A_177, %dma_wait3A_178] : memref<2x128x128xf32, #tpu.memory_space<vmem>> -> memref<1x128x128xf32, #tpu.memory_space<vmem>>
      %dma_wait3A_180 = tpu.memref_squeeze %dma_wait3A_179 : memref<1x128x128xf32, #tpu.memory_space<vmem>> -> memref<128x128xf32, #tpu.memory_space<vmem>>
      %dma_wait3A_181 = arith.constant 0 : i32
      %dma_wait3A_182 = tpu.memref_slice %arg7[%dma_wait3A_174, %dma_wait3A_175, %dma_wait3A_181] : memref<2x8x128xi32, #tpu.memory_space<vmem>> -> memref<1x1x128xi32, #tpu.memory_space<vmem>>
      %dma_wait3A_183 = tpu.memref_squeeze %dma_wait3A_182 : memref<1x1x128xi32, #tpu.memory_space<vmem>> -> memref<128xi32, #tpu.memory_space<vmem>>
      %dma_wait3A_184 = arith.constant 0 : i32
      %dma_wait3A_185 = arith.constant 0 : i32
      %dma_wait3A_186 = tpu.memref_slice %arg2[%dma_wait3A_184, %dma_wait3A_185] : memref<20480x128xf32, #tpu.memory_space<hbm>> -> memref<20480x128xf32, #tpu.memory_space<hbm>>
      tpu.wait_indirect_dma semaphore(%arg14 : memref<!tpu.dma_semaphore, #tpu.memory_space<semaphore_mem>>) src(%dma_wait3A_186 : memref<20480x128xf32, #tpu.memory_space<hbm>>) dst(%dma_wait3A_180 : memref<128x128xf32, #tpu.memory_space<vmem>>)
      %run_scoped3A_187 = arith.constant 1 : i32
      %run_scoped3A_188 = arith.constant 0 : i32
      %run_scoped3A_189 = arith.constant 1 : i32
      "tpu.region"() ({
        %run_scoped3A_629 = tpu.sem_alloc : memref<!tpu.dma_semaphore, #tpu.memory_space<semaphore_mem>>
        %dma_start3A_630 = arith.constant 0 : i32
        %dma_start3A_631 = arith.constant 0 : i32
        %dma_start3A_632 = tpu.memref_slice %arg9[%run_scoped3A_187, %dma_start3A_630, %dma_start3A_631] : memref<2x128x128xf32, #tpu.memory_space<vmem>> -> memref<1x128x128xf32, #tpu.memory_space<vmem>>
        %dma_start3A_633 = tpu.memref_squeeze %dma_start3A_632 : memref<1x128x128xf32, #tpu.memory_space<vmem>> -> memref<128x128xf32, #tpu.memory_space<vmem>>
        %dma_start3A_634 = arith.constant 0 : i32
        %dma_start3A_635 = tpu.memref_slice %arg8[%run_scoped3A_188, %run_scoped3A_189, %dma_start3A_634] : memref<2x8x128xi32, #tpu.memory_space<vmem>> -> memref<1x1x128xi32, #tpu.memory_space<vmem>>
        %dma_start3A_636 = tpu.memref_squeeze %dma_start3A_635 : memref<1x1x128xi32, #tpu.memory_space<vmem>> -> memref<128xi32, #tpu.memory_space<vmem>>
        %dma_start3A_637 = arith.constant 0 : i32
        %dma_start3A_638 = arith.constant 0 : i32
        %dma_start3A_639 = tpu.memref_slice %arg10[%dma_start3A_637, %dma_start3A_638] : memref<10240x128xf32, #tpu.memory_space<vmem_shared>> -> memref<10240x128xf32, #tpu.memory_space<vmem_shared>>
        tpu.enqueue_indirect_dma source(%dma_start3A_633 : memref<128x128xf32, #tpu.memory_space<vmem>>) target(%dma_start3A_639 : memref<10240x128xf32, #tpu.memory_space<vmem_shared>>) offsets(%dma_start3A_636 : memref<128xi32, #tpu.memory_space<vmem>>) semaphore(%run_scoped3A_629 : memref<!tpu.dma_semaphore, #tpu.memory_space<semaphore_mem>>) {add = true}
        %dma_wait3A_640 = arith.constant 0 : i32
        %dma_wait3A_641 = arith.constant 0 : i32
        %dma_wait3A_642 = tpu.memref_slice %arg9[%run_scoped3A_187, %dma_wait3A_640, %dma_wait3A_641] : memref<2x128x128xf32, #tpu.memory_space<vmem>> -> memref<1x128x128xf32, #tpu.memory_space<vmem>>
        %dma_wait3A_643 = tpu.memref_squeeze %dma_wait3A_642 : memref<1x128x128xf32, #tpu.memory_space<vmem>> -> memref<128x128xf32, #tpu.memory_space<vmem>>
        %dma_wait3A_644 = arith.constant 0 : i32
        %dma_wait3A_645 = tpu.memref_slice %arg8[%run_scoped3A_188, %run_scoped3A_189, %dma_wait3A_644] : memref<2x8x128xi32, #tpu.memory_space<vmem>> -> memref<1x1x128xi32, #tpu.memory_space<vmem>>
        %dma_wait3A_646 = tpu.memref_squeeze %dma_wait3A_645 : memref<1x1x128xi32, #tpu.memory_space<vmem>> -> memref<128xi32, #tpu.memory_space<vmem>>
        %dma_wait3A_647 = arith.constant 0 : i32
        %dma_wait3A_648 = arith.constant 0 : i32
        %dma_wait3A_649 = tpu.memref_slice %arg10[%dma_wait3A_647, %dma_wait3A_648] : memref<10240x128xf32, #tpu.memory_space<vmem_shared>> -> memref<10240x128xf32, #tpu.memory_space<vmem_shared>>
        tpu.wait_indirect_dma semaphore(%run_scoped3A_629 : memref<!tpu.dma_semaphore, #tpu.memory_space<semaphore_mem>>) src(%dma_wait3A_643 : memref<128x128xf32, #tpu.memory_space<vmem>>) dst(%dma_wait3A_649 : memref<10240x128xf32, #tpu.memory_space<vmem_shared>>)
        tpu.yield
      }) : () -> ()
      %dma_start3A_190 = arith.constant 0 : i32
      %dma_start3A_191 = arith.constant 3 : i32
      %dma_start3A_192 = arith.constant 1 : i32
      %dma_start3A_193 = arith.constant 0 : i32
      %dma_start3A_194 = arith.constant 0 : i32
      %dma_start3A_195 = tpu.memref_slice %arg9[%dma_start3A_192, %dma_start3A_193, %dma_start3A_194] : memref<2x128x128xf32, #tpu.memory_space<vmem>> -> memref<1x128x128xf32, #tpu.memory_space<vmem>>
      %dma_start3A_196 = tpu.memref_squeeze %dma_start3A_195 : memref<1x128x128xf32, #tpu.memory_space<vmem>> -> memref<128x128xf32, #tpu.memory_space<vmem>>
      %dma_start3A_197 = arith.constant 0 : i32
      %dma_start3A_198 = tpu.memref_slice %arg7[%dma_start3A_190, %dma_start3A_191, %dma_start3A_197] : memref<2x8x128xi32, #tpu.memory_space<vmem>> -> memref<1x1x128xi32, #tpu.memory_space<vmem>>
      %dma_start3A_199 = tpu.memref_squeeze %dma_start3A_198 : memref<1x1x128xi32, #tpu.memory_space<vmem>> -> memref<128xi32, #tpu.memory_space<vmem>>
      %dma_start3A_200 = arith.constant 0 : i32
      %dma_start3A_201 = arith.constant 0 : i32
      %dma_start3A_202 = tpu.memref_slice %arg2[%dma_start3A_200, %dma_start3A_201] : memref<20480x128xf32, #tpu.memory_space<hbm>> -> memref<20480x128xf32, #tpu.memory_space<hbm>>
      tpu.enqueue_indirect_dma source(%dma_start3A_202 : memref<20480x128xf32, #tpu.memory_space<hbm>>) target(%dma_start3A_196 : memref<128x128xf32, #tpu.memory_space<vmem>>) offsets(%dma_start3A_199 : memref<128xi32, #tpu.memory_space<vmem>>) semaphore(%arg14 : memref<!tpu.dma_semaphore, #tpu.memory_space<semaphore_mem>>)
      %dma_wait3A_203 = arith.constant 0 : i32
      %dma_wait3A_204 = arith.constant 0 : i32
      %dma_wait3A_205 = arith.constant 0 : i32
      %dma_wait3A_206 = arith.constant 0 : i32
      %dma_wait3A_207 = arith.constant 0 : i32
      %dma_wait3A_208 = tpu.memref_slice %arg9[%dma_wait3A_205, %dma_wait3A_206, %dma_wait3A_207] : memref<2x128x128xf32, #tpu.memory_space<vmem>> -> memref<1x128x128xf32, #tpu.memory_space<vmem>>
      %dma_wait3A_209 = tpu.memref_squeeze %dma_wait3A_208 : memref<1x128x128xf32, #tpu.memory_space<vmem>> -> memref<128x128xf32, #tpu.memory_space<vmem>>
      %dma_wait3A_210 = arith.constant 0 : i32
      %dma_wait3A_211 = tpu.memref_slice %arg7[%dma_wait3A_203, %dma_wait3A_204, %dma_wait3A_210] : memref<2x8x128xi32, #tpu.memory_space<vmem>> -> memref<1x1x128xi32, #tpu.memory_space<vmem>>
      %dma_wait3A_212 = tpu.memref_squeeze %dma_wait3A_211 : memref<1x1x128xi32, #tpu.memory_space<vmem>> -> memref<128xi32, #tpu.memory_space<vmem>>
      %dma_wait3A_213 = arith.constant 0 : i32
      %dma_wait3A_214 = arith.constant 0 : i32
      %dma_wait3A_215 = tpu.memref_slice %arg2[%dma_wait3A_213, %dma_wait3A_214] : memref<20480x128xf32, #tpu.memory_space<hbm>> -> memref<20480x128xf32, #tpu.memory_space<hbm>>
      tpu.wait_indirect_dma semaphore(%arg13 : memref<!tpu.dma_semaphore, #tpu.memory_space<semaphore_mem>>) src(%dma_wait3A_215 : memref<20480x128xf32, #tpu.memory_space<hbm>>) dst(%dma_wait3A_209 : memref<128x128xf32, #tpu.memory_space<vmem>>)
      %run_scoped3A_216 = arith.constant 0 : i32
      %run_scoped3A_217 = arith.constant 0 : i32
      %run_scoped3A_218 = arith.constant 2 : i32
      "tpu.region"() ({
        %run_scoped3A_629 = tpu.sem_alloc : memref<!tpu.dma_semaphore, #tpu.memory_space<semaphore_mem>>
        %dma_start3A_630 = arith.constant 0 : i32
        %dma_start3A_631 = arith.constant 0 : i32
        %dma_start3A_632 = tpu.memref_slice %arg9[%run_scoped3A_216, %dma_start3A_630, %dma_start3A_631] : memref<2x128x128xf32, #tpu.memory_space<vmem>> -> memref<1x128x128xf32, #tpu.memory_space<vmem>>
        %dma_start3A_633 = tpu.memref_squeeze %dma_start3A_632 : memref<1x128x128xf32, #tpu.memory_space<vmem>> -> memref<128x128xf32, #tpu.memory_space<vmem>>
        %dma_start3A_634 = arith.constant 0 : i32
        %dma_start3A_635 = tpu.memref_slice %arg8[%run_scoped3A_217, %run_scoped3A_218, %dma_start3A_634] : memref<2x8x128xi32, #tpu.memory_space<vmem>> -> memref<1x1x128xi32, #tpu.memory_space<vmem>>
        %dma_start3A_636 = tpu.memref_squeeze %dma_start3A_635 : memref<1x1x128xi32, #tpu.memory_space<vmem>> -> memref<128xi32, #tpu.memory_space<vmem>>
        %dma_start3A_637 = arith.constant 0 : i32
        %dma_start3A_638 = arith.constant 0 : i32
        %dma_start3A_639 = tpu.memref_slice %arg10[%dma_start3A_637, %dma_start3A_638] : memref<10240x128xf32, #tpu.memory_space<vmem_shared>> -> memref<10240x128xf32, #tpu.memory_space<vmem_shared>>
        tpu.enqueue_indirect_dma source(%dma_start3A_633 : memref<128x128xf32, #tpu.memory_space<vmem>>) target(%dma_start3A_639 : memref<10240x128xf32, #tpu.memory_space<vmem_shared>>) offsets(%dma_start3A_636 : memref<128xi32, #tpu.memory_space<vmem>>) semaphore(%run_scoped3A_629 : memref<!tpu.dma_semaphore, #tpu.memory_space<semaphore_mem>>) {add = true}
        %dma_wait3A_640 = arith.constant 0 : i32
        %dma_wait3A_641 = arith.constant 0 : i32
        %dma_wait3A_642 = tpu.memref_slice %arg9[%run_scoped3A_216, %dma_wait3A_640, %dma_wait3A_641] : memref<2x128x128xf32, #tpu.memory_space<vmem>> -> memref<1x128x128xf32, #tpu.memory_space<vmem>>
        %dma_wait3A_643 = tpu.memref_squeeze %dma_wait3A_642 : memref<1x128x128xf32, #tpu.memory_space<vmem>> -> memref<128x128xf32, #tpu.memory_space<vmem>>
        %dma_wait3A_644 = arith.constant 0 : i32
        %dma_wait3A_645 = tpu.memref_slice %arg8[%run_scoped3A_217, %run_scoped3A_218, %dma_wait3A_644] : memref<2x8x128xi32, #tpu.memory_space<vmem>> -> memref<1x1x128xi32, #tpu.memory_space<vmem>>
        %dma_wait3A_646 = tpu.memref_squeeze %dma_wait3A_645 : memref<1x1x128xi32, #tpu.memory_space<vmem>> -> memref<128xi32, #tpu.memory_space<vmem>>
        %dma_wait3A_647 = arith.constant 0 : i32
        %dma_wait3A_648 = arith.constant 0 : i32
        %dma_wait3A_649 = tpu.memref_slice %arg10[%dma_wait3A_647, %dma_wait3A_648] : memref<10240x128xf32, #tpu.memory_space<vmem_shared>> -> memref<10240x128xf32, #tpu.memory_space<vmem_shared>>
        tpu.wait_indirect_dma semaphore(%run_scoped3A_629 : memref<!tpu.dma_semaphore, #tpu.memory_space<semaphore_mem>>) src(%dma_wait3A_643 : memref<128x128xf32, #tpu.memory_space<vmem>>) dst(%dma_wait3A_649 : memref<10240x128xf32, #tpu.memory_space<vmem_shared>>)
        tpu.yield
      }) : () -> ()
      %dma_start3A_219 = arith.constant 0 : i32
      %dma_start3A_220 = arith.constant 4 : i32
      %dma_start3A_221 = arith.constant 0 : i32
      %dma_start3A_222 = arith.constant 0 : i32
      %dma_start3A_223 = arith.constant 0 : i32
      %dma_start3A_224 = tpu.memref_slice %arg9[%dma_start3A_221, %dma_start3A_222, %dma_start3A_223] : memref<2x128x128xf32, #tpu.memory_space<vmem>> -> memref<1x128x128xf32, #tpu.memory_space<vmem>>
      %dma_start3A_225 = tpu.memref_squeeze %dma_start3A_224 : memref<1x128x128xf32, #tpu.memory_space<vmem>> -> memref<128x128xf32, #tpu.memory_space<vmem>>
      %dma_start3A_226 = arith.constant 0 : i32
      %dma_start3A_227 = tpu.memref_slice %arg7[%dma_start3A_219, %dma_start3A_220, %dma_start3A_226] : memref<2x8x128xi32, #tpu.memory_space<vmem>> -> memref<1x1x128xi32, #tpu.memory_space<vmem>>
      %dma_start3A_228 = tpu.memref_squeeze %dma_start3A_227 : memref<1x1x128xi32, #tpu.memory_space<vmem>> -> memref<128xi32, #tpu.memory_space<vmem>>
      %dma_start3A_229 = arith.constant 0 : i32
      %dma_start3A_230 = arith.constant 0 : i32
      %dma_start3A_231 = tpu.memref_slice %arg2[%dma_start3A_229, %dma_start3A_230] : memref<20480x128xf32, #tpu.memory_space<hbm>> -> memref<20480x128xf32, #tpu.memory_space<hbm>>
      tpu.enqueue_indirect_dma source(%dma_start3A_231 : memref<20480x128xf32, #tpu.memory_space<hbm>>) target(%dma_start3A_225 : memref<128x128xf32, #tpu.memory_space<vmem>>) offsets(%dma_start3A_228 : memref<128xi32, #tpu.memory_space<vmem>>) semaphore(%arg13 : memref<!tpu.dma_semaphore, #tpu.memory_space<semaphore_mem>>)
      %dma_wait3A_232 = arith.constant 0 : i32
      %dma_wait3A_233 = arith.constant 0 : i32
      %dma_wait3A_234 = arith.constant 1 : i32
      %dma_wait3A_235 = arith.constant 0 : i32
      %dma_wait3A_236 = arith.constant 0 : i32
      %dma_wait3A_237 = tpu.memref_slice %arg9[%dma_wait3A_234, %dma_wait3A_235, %dma_wait3A_236] : memref<2x128x128xf32, #tpu.memory_space<vmem>> -> memref<1x128x128xf32, #tpu.memory_space<vmem>>
      %dma_wait3A_238 = tpu.memref_squeeze %dma_wait3A_237 : memref<1x128x128xf32, #tpu.memory_space<vmem>> -> memref<128x128xf32, #tpu.memory_space<vmem>>
      %dma_wait3A_239 = arith.constant 0 : i32
      %dma_wait3A_240 = tpu.memref_slice %arg7[%dma_wait3A_232, %dma_wait3A_233, %dma_wait3A_239] : memref<2x8x128xi32, #tpu.memory_space<vmem>> -> memref<1x1x128xi32, #tpu.memory_space<vmem>>
      %dma_wait3A_241 = tpu.memref_squeeze %dma_wait3A_240 : memref<1x1x128xi32, #tpu.memory_space<vmem>> -> memref<128xi32, #tpu.memory_space<vmem>>
      %dma_wait3A_242 = arith.constant 0 : i32
      %dma_wait3A_243 = arith.constant 0 : i32
      %dma_wait3A_244 = tpu.memref_slice %arg2[%dma_wait3A_242, %dma_wait3A_243] : memref<20480x128xf32, #tpu.memory_space<hbm>> -> memref<20480x128xf32, #tpu.memory_space<hbm>>
      tpu.wait_indirect_dma semaphore(%arg14 : memref<!tpu.dma_semaphore, #tpu.memory_space<semaphore_mem>>) src(%dma_wait3A_244 : memref<20480x128xf32, #tpu.memory_space<hbm>>) dst(%dma_wait3A_238 : memref<128x128xf32, #tpu.memory_space<vmem>>)
      %run_scoped3A_245 = arith.constant 1 : i32
      %run_scoped3A_246 = arith.constant 0 : i32
      %run_scoped3A_247 = arith.constant 3 : i32
      "tpu.region"() ({
        %run_scoped3A_629 = tpu.sem_alloc : memref<!tpu.dma_semaphore, #tpu.memory_space<semaphore_mem>>
        %dma_start3A_630 = arith.constant 0 : i32
        %dma_start3A_631 = arith.constant 0 : i32
        %dma_start3A_632 = tpu.memref_slice %arg9[%run_scoped3A_245, %dma_start3A_630, %dma_start3A_631] : memref<2x128x128xf32, #tpu.memory_space<vmem>> -> memref<1x128x128xf32, #tpu.memory_space<vmem>>
        %dma_start3A_633 = tpu.memref_squeeze %dma_start3A_632 : memref<1x128x128xf32, #tpu.memory_space<vmem>> -> memref<128x128xf32, #tpu.memory_space<vmem>>
        %dma_start3A_634 = arith.constant 0 : i32
        %dma_start3A_635 = tpu.memref_slice %arg8[%run_scoped3A_246, %run_scoped3A_247, %dma_start3A_634] : memref<2x8x128xi32, #tpu.memory_space<vmem>> -> memref<1x1x128xi32, #tpu.memory_space<vmem>>
        %dma_start3A_636 = tpu.memref_squeeze %dma_start3A_635 : memref<1x1x128xi32, #tpu.memory_space<vmem>> -> memref<128xi32, #tpu.memory_space<vmem>>
        %dma_start3A_637 = arith.constant 0 : i32
        %dma_start3A_638 = arith.constant 0 : i32
        %dma_start3A_639 = tpu.memref_slice %arg10[%dma_start3A_637, %dma_start3A_638] : memref<10240x128xf32, #tpu.memory_space<vmem_shared>> -> memref<10240x128xf32, #tpu.memory_space<vmem_shared>>
        tpu.enqueue_indirect_dma source(%dma_start3A_633 : memref<128x128xf32, #tpu.memory_space<vmem>>) target(%dma_start3A_639 : memref<10240x128xf32, #tpu.memory_space<vmem_shared>>) offsets(%dma_start3A_636 : memref<128xi32, #tpu.memory_space<vmem>>) semaphore(%run_scoped3A_629 : memref<!tpu.dma_semaphore, #tpu.memory_space<semaphore_mem>>) {add = true}
        %dma_wait3A_640 = arith.constant 0 : i32
        %dma_wait3A_641 = arith.constant 0 : i32
        %dma_wait3A_642 = tpu.memref_slice %arg9[%run_scoped3A_245, %dma_wait3A_640, %dma_wait3A_641] : memref<2x128x128xf32, #tpu.memory_space<vmem>> -> memref<1x128x128xf32, #tpu.memory_space<vmem>>
        %dma_wait3A_643 = tpu.memref_squeeze %dma_wait3A_642 : memref<1x128x128xf32, #tpu.memory_space<vmem>> -> memref<128x128xf32, #tpu.memory_space<vmem>>
        %dma_wait3A_644 = arith.constant 0 : i32
        %dma_wait3A_645 = tpu.memref_slice %arg8[%run_scoped3A_246, %run_scoped3A_247, %dma_wait3A_644] : memref<2x8x128xi32, #tpu.memory_space<vmem>> -> memref<1x1x128xi32, #tpu.memory_space<vmem>>
        %dma_wait3A_646 = tpu.memref_squeeze %dma_wait3A_645 : memref<1x1x128xi32, #tpu.memory_space<vmem>> -> memref<128xi32, #tpu.memory_space<vmem>>
        %dma_wait3A_647 = arith.constant 0 : i32
        %dma_wait3A_648 = arith.constant 0 : i32
        %dma_wait3A_649 = tpu.memref_slice %arg10[%dma_wait3A_647, %dma_wait3A_648] : memref<10240x128xf32, #tpu.memory_space<vmem_shared>> -> memref<10240x128xf32, #tpu.memory_space<vmem_shared>>
        tpu.wait_indirect_dma semaphore(%run_scoped3A_629 : memref<!tpu.dma_semaphore, #tpu.memory_space<semaphore_mem>>) src(%dma_wait3A_643 : memref<128x128xf32, #tpu.memory_space<vmem>>) dst(%dma_wait3A_649 : memref<10240x128xf32, #tpu.memory_space<vmem_shared>>)
        tpu.yield
      }) : () -> ()
      %dma_start3A_248 = arith.constant 0 : i32
      %dma_start3A_249 = arith.constant 5 : i32
      %dma_start3A_250 = arith.constant 1 : i32
      %dma_start3A_251 = arith.constant 0 : i32
      %dma_start3A_252 = arith.constant 0 : i32
      %dma_start3A_253 = tpu.memref_slice %arg9[%dma_start3A_250, %dma_start3A_251, %dma_start3A_252] : memref<2x128x128xf32, #tpu.memory_space<vmem>> -> memref<1x128x128xf32, #tpu.memory_space<vmem>>
      %dma_start3A_254 = tpu.memref_squeeze %dma_start3A_253 : memref<1x128x128xf32, #tpu.memory_space<vmem>> -> memref<128x128xf32, #tpu.memory_space<vmem>>
      %dma_start3A_255 = arith.constant 0 : i32
      %dma_start3A_256 = tpu.memref_slice %arg7[%dma_start3A_248, %dma_start3A_249, %dma_start3A_255] : memref<2x8x128xi32, #tpu.memory_space<vmem>> -> memref<1x1x128xi32, #tpu.memory_space<vmem>>
      %dma_start3A_257 = tpu.memref_squeeze %dma_start3A_256 : memref<1x1x128xi32, #tpu.memory_space<vmem>> -> memref<128xi32, #tpu.memory_space<vmem>>
      %dma_start3A_258 = arith.constant 0 : i32
      %dma_start3A_259 = arith.constant 0 : i32
      %dma_start3A_260 = tpu.memref_slice %arg2[%dma_start3A_258, %dma_start3A_259] : memref<20480x128xf32, #tpu.memory_space<hbm>> -> memref<20480x128xf32, #tpu.memory_space<hbm>>
      tpu.enqueue_indirect_dma source(%dma_start3A_260 : memref<20480x128xf32, #tpu.memory_space<hbm>>) target(%dma_start3A_254 : memref<128x128xf32, #tpu.memory_space<vmem>>) offsets(%dma_start3A_257 : memref<128xi32, #tpu.memory_space<vmem>>) semaphore(%arg14 : memref<!tpu.dma_semaphore, #tpu.memory_space<semaphore_mem>>)
      %dma_wait3A_261 = arith.constant 0 : i32
      %dma_wait3A_262 = arith.constant 0 : i32
      %dma_wait3A_263 = arith.constant 0 : i32
      %dma_wait3A_264 = arith.constant 0 : i32
      %dma_wait3A_265 = arith.constant 0 : i32
      %dma_wait3A_266 = tpu.memref_slice %arg9[%dma_wait3A_263, %dma_wait3A_264, %dma_wait3A_265] : memref<2x128x128xf32, #tpu.memory_space<vmem>> -> memref<1x128x128xf32, #tpu.memory_space<vmem>>
      %dma_wait3A_267 = tpu.memref_squeeze %dma_wait3A_266 : memref<1x128x128xf32, #tpu.memory_space<vmem>> -> memref<128x128xf32, #tpu.memory_space<vmem>>
      %dma_wait3A_268 = arith.constant 0 : i32
      %dma_wait3A_269 = tpu.memref_slice %arg7[%dma_wait3A_261, %dma_wait3A_262, %dma_wait3A_268] : memref<2x8x128xi32, #tpu.memory_space<vmem>> -> memref<1x1x128xi32, #tpu.memory_space<vmem>>
      %dma_wait3A_270 = tpu.memref_squeeze %dma_wait3A_269 : memref<1x1x128xi32, #tpu.memory_space<vmem>> -> memref<128xi32, #tpu.memory_space<vmem>>
      %dma_wait3A_271 = arith.constant 0 : i32
      %dma_wait3A_272 = arith.constant 0 : i32
      %dma_wait3A_273 = tpu.memref_slice %arg2[%dma_wait3A_271, %dma_wait3A_272] : memref<20480x128xf32, #tpu.memory_space<hbm>> -> memref<20480x128xf32, #tpu.memory_space<hbm>>
      tpu.wait_indirect_dma semaphore(%arg13 : memref<!tpu.dma_semaphore, #tpu.memory_space<semaphore_mem>>) src(%dma_wait3A_273 : memref<20480x128xf32, #tpu.memory_space<hbm>>) dst(%dma_wait3A_267 : memref<128x128xf32, #tpu.memory_space<vmem>>)
      %run_scoped3A_274 = arith.constant 0 : i32
      %run_scoped3A_275 = arith.constant 0 : i32
      %run_scoped3A_276 = arith.constant 4 : i32
      "tpu.region"() ({
        %run_scoped3A_629 = tpu.sem_alloc : memref<!tpu.dma_semaphore, #tpu.memory_space<semaphore_mem>>
        %dma_start3A_630 = arith.constant 0 : i32
        %dma_start3A_631 = arith.constant 0 : i32
        %dma_start3A_632 = tpu.memref_slice %arg9[%run_scoped3A_274, %dma_start3A_630, %dma_start3A_631] : memref<2x128x128xf32, #tpu.memory_space<vmem>> -> memref<1x128x128xf32, #tpu.memory_space<vmem>>
        %dma_start3A_633 = tpu.memref_squeeze %dma_start3A_632 : memref<1x128x128xf32, #tpu.memory_space<vmem>> -> memref<128x128xf32, #tpu.memory_space<vmem>>
        %dma_start3A_634 = arith.constant 0 : i32
        %dma_start3A_635 = tpu.memref_slice %arg8[%run_scoped3A_275, %run_scoped3A_276, %dma_start3A_634] : memref<2x8x128xi32, #tpu.memory_space<vmem>> -> memref<1x1x128xi32, #tpu.memory_space<vmem>>
        %dma_start3A_636 = tpu.memref_squeeze %dma_start3A_635 : memref<1x1x128xi32, #tpu.memory_space<vmem>> -> memref<128xi32, #tpu.memory_space<vmem>>
        %dma_start3A_637 = arith.constant 0 : i32
        %dma_start3A_638 = arith.constant 0 : i32
        %dma_start3A_639 = tpu.memref_slice %arg10[%dma_start3A_637, %dma_start3A_638] : memref<10240x128xf32, #tpu.memory_space<vmem_shared>> -> memref<10240x128xf32, #tpu.memory_space<vmem_shared>>
        tpu.enqueue_indirect_dma source(%dma_start3A_633 : memref<128x128xf32, #tpu.memory_space<vmem>>) target(%dma_start3A_639 : memref<10240x128xf32, #tpu.memory_space<vmem_shared>>) offsets(%dma_start3A_636 : memref<128xi32, #tpu.memory_space<vmem>>) semaphore(%run_scoped3A_629 : memref<!tpu.dma_semaphore, #tpu.memory_space<semaphore_mem>>) {add = true}
        %dma_wait3A_640 = arith.constant 0 : i32
        %dma_wait3A_641 = arith.constant 0 : i32
        %dma_wait3A_642 = tpu.memref_slice %arg9[%run_scoped3A_274, %dma_wait3A_640, %dma_wait3A_641] : memref<2x128x128xf32, #tpu.memory_space<vmem>> -> memref<1x128x128xf32, #tpu.memory_space<vmem>>
        %dma_wait3A_643 = tpu.memref_squeeze %dma_wait3A_642 : memref<1x128x128xf32, #tpu.memory_space<vmem>> -> memref<128x128xf32, #tpu.memory_space<vmem>>
        %dma_wait3A_644 = arith.constant 0 : i32
        %dma_wait3A_645 = tpu.memref_slice %arg8[%run_scoped3A_275, %run_scoped3A_276, %dma_wait3A_644] : memref<2x8x128xi32, #tpu.memory_space<vmem>> -> memref<1x1x128xi32, #tpu.memory_space<vmem>>
        %dma_wait3A_646 = tpu.memref_squeeze %dma_wait3A_645 : memref<1x1x128xi32, #tpu.memory_space<vmem>> -> memref<128xi32, #tpu.memory_space<vmem>>
        %dma_wait3A_647 = arith.constant 0 : i32
        %dma_wait3A_648 = arith.constant 0 : i32
        %dma_wait3A_649 = tpu.memref_slice %arg10[%dma_wait3A_647, %dma_wait3A_648] : memref<10240x128xf32, #tpu.memory_space<vmem_shared>> -> memref<10240x128xf32, #tpu.memory_space<vmem_shared>>
        tpu.wait_indirect_dma semaphore(%run_scoped3A_629 : memref<!tpu.dma_semaphore, #tpu.memory_space<semaphore_mem>>) src(%dma_wait3A_643 : memref<128x128xf32, #tpu.memory_space<vmem>>) dst(%dma_wait3A_649 : memref<10240x128xf32, #tpu.memory_space<vmem_shared>>)
        tpu.yield
      }) : () -> ()
      %dma_start3A_277 = arith.constant 0 : i32
      %dma_start3A_278 = arith.constant 6 : i32
      %dma_start3A_279 = arith.constant 0 : i32
      %dma_start3A_280 = arith.constant 0 : i32
      %dma_start3A_281 = arith.constant 0 : i32
      %dma_start3A_282 = tpu.memref_slice %arg9[%dma_start3A_279, %dma_start3A_280, %dma_start3A_281] : memref<2x128x128xf32, #tpu.memory_space<vmem>> -> memref<1x128x128xf32, #tpu.memory_space<vmem>>
      %dma_start3A_283 = tpu.memref_squeeze %dma_start3A_282 : memref<1x128x128xf32, #tpu.memory_space<vmem>> -> memref<128x128xf32, #tpu.memory_space<vmem>>
      %dma_start3A_284 = arith.constant 0 : i32
      %dma_start3A_285 = tpu.memref_slice %arg7[%dma_start3A_277, %dma_start3A_278, %dma_start3A_284] : memref<2x8x128xi32, #tpu.memory_space<vmem>> -> memref<1x1x128xi32, #tpu.memory_space<vmem>>
      %dma_start3A_286 = tpu.memref_squeeze %dma_start3A_285 : memref<1x1x128xi32, #tpu.memory_space<vmem>> -> memref<128xi32, #tpu.memory_space<vmem>>
      %dma_start3A_287 = arith.constant 0 : i32
      %dma_start3A_288 = arith.constant 0 : i32
      %dma_start3A_289 = tpu.memref_slice %arg2[%dma_start3A_287, %dma_start3A_288] : memref<20480x128xf32, #tpu.memory_space<hbm>> -> memref<20480x128xf32, #tpu.memory_space<hbm>>
      tpu.enqueue_indirect_dma source(%dma_start3A_289 : memref<20480x128xf32, #tpu.memory_space<hbm>>) target(%dma_start3A_283 : memref<128x128xf32, #tpu.memory_space<vmem>>) offsets(%dma_start3A_286 : memref<128xi32, #tpu.memory_space<vmem>>) semaphore(%arg13 : memref<!tpu.dma_semaphore, #tpu.memory_space<semaphore_mem>>)
      %dma_wait3A_290 = arith.constant 0 : i32
      %dma_wait3A_291 = arith.constant 0 : i32
      %dma_wait3A_292 = arith.constant 1 : i32
      %dma_wait3A_293 = arith.constant 0 : i32
      %dma_wait3A_294 = arith.constant 0 : i32
      %dma_wait3A_295 = tpu.memref_slice %arg9[%dma_wait3A_292, %dma_wait3A_293, %dma_wait3A_294] : memref<2x128x128xf32, #tpu.memory_space<vmem>> -> memref<1x128x128xf32, #tpu.memory_space<vmem>>
      %dma_wait3A_296 = tpu.memref_squeeze %dma_wait3A_295 : memref<1x128x128xf32, #tpu.memory_space<vmem>> -> memref<128x128xf32, #tpu.memory_space<vmem>>
      %dma_wait3A_297 = arith.constant 0 : i32
      %dma_wait3A_298 = tpu.memref_slice %arg7[%dma_wait3A_290, %dma_wait3A_291, %dma_wait3A_297] : memref<2x8x128xi32, #tpu.memory_space<vmem>> -> memref<1x1x128xi32, #tpu.memory_space<vmem>>
      %dma_wait3A_299 = tpu.memref_squeeze %dma_wait3A_298 : memref<1x1x128xi32, #tpu.memory_space<vmem>> -> memref<128xi32, #tpu.memory_space<vmem>>
      %dma_wait3A_300 = arith.constant 0 : i32
      %dma_wait3A_301 = arith.constant 0 : i32
      %dma_wait3A_302 = tpu.memref_slice %arg2[%dma_wait3A_300, %dma_wait3A_301] : memref<20480x128xf32, #tpu.memory_space<hbm>> -> memref<20480x128xf32, #tpu.memory_space<hbm>>
      tpu.wait_indirect_dma semaphore(%arg14 : memref<!tpu.dma_semaphore, #tpu.memory_space<semaphore_mem>>) src(%dma_wait3A_302 : memref<20480x128xf32, #tpu.memory_space<hbm>>) dst(%dma_wait3A_296 : memref<128x128xf32, #tpu.memory_space<vmem>>)
      %run_scoped3A_303 = arith.constant 1 : i32
      %run_scoped3A_304 = arith.constant 0 : i32
      %run_scoped3A_305 = arith.constant 5 : i32
      "tpu.region"() ({
        %run_scoped3A_629 = tpu.sem_alloc : memref<!tpu.dma_semaphore, #tpu.memory_space<semaphore_mem>>
        %dma_start3A_630 = arith.constant 0 : i32
        %dma_start3A_631 = arith.constant 0 : i32
        %dma_start3A_632 = tpu.memref_slice %arg9[%run_scoped3A_303, %dma_start3A_630, %dma_start3A_631] : memref<2x128x128xf32, #tpu.memory_space<vmem>> -> memref<1x128x128xf32, #tpu.memory_space<vmem>>
        %dma_start3A_633 = tpu.memref_squeeze %dma_start3A_632 : memref<1x128x128xf32, #tpu.memory_space<vmem>> -> memref<128x128xf32, #tpu.memory_space<vmem>>
        %dma_start3A_634 = arith.constant 0 : i32
        %dma_start3A_635 = tpu.memref_slice %arg8[%run_scoped3A_304, %run_scoped3A_305, %dma_start3A_634] : memref<2x8x128xi32, #tpu.memory_space<vmem>> -> memref<1x1x128xi32, #tpu.memory_space<vmem>>
        %dma_start3A_636 = tpu.memref_squeeze %dma_start3A_635 : memref<1x1x128xi32, #tpu.memory_space<vmem>> -> memref<128xi32, #tpu.memory_space<vmem>>
        %dma_start3A_637 = arith.constant 0 : i32
        %dma_start3A_638 = arith.constant 0 : i32
        %dma_start3A_639 = tpu.memref_slice %arg10[%dma_start3A_637, %dma_start3A_638] : memref<10240x128xf32, #tpu.memory_space<vmem_shared>> -> memref<10240x128xf32, #tpu.memory_space<vmem_shared>>
        tpu.enqueue_indirect_dma source(%dma_start3A_633 : memref<128x128xf32, #tpu.memory_space<vmem>>) target(%dma_start3A_639 : memref<10240x128xf32, #tpu.memory_space<vmem_shared>>) offsets(%dma_start3A_636 : memref<128xi32, #tpu.memory_space<vmem>>) semaphore(%run_scoped3A_629 : memref<!tpu.dma_semaphore, #tpu.memory_space<semaphore_mem>>) {add = true}
        %dma_wait3A_640 = arith.constant 0 : i32
        %dma_wait3A_641 = arith.constant 0 : i32
        %dma_wait3A_642 = tpu.memref_slice %arg9[%run_scoped3A_303, %dma_wait3A_640, %dma_wait3A_641] : memref<2x128x128xf32, #tpu.memory_space<vmem>> -> memref<1x128x128xf32, #tpu.memory_space<vmem>>
        %dma_wait3A_643 = tpu.memref_squeeze %dma_wait3A_642 : memref<1x128x128xf32, #tpu.memory_space<vmem>> -> memref<128x128xf32, #tpu.memory_space<vmem>>
        %dma_wait3A_644 = arith.constant 0 : i32
        %dma_wait3A_645 = tpu.memref_slice %arg8[%run_scoped3A_304, %run_scoped3A_305, %dma_wait3A_644] : memref<2x8x128xi32, #tpu.memory_space<vmem>> -> memref<1x1x128xi32, #tpu.memory_space<vmem>>
        %dma_wait3A_646 = tpu.memref_squeeze %dma_wait3A_645 : memref<1x1x128xi32, #tpu.memory_space<vmem>> -> memref<128xi32, #tpu.memory_space<vmem>>
        %dma_wait3A_647 = arith.constant 0 : i32
        %dma_wait3A_648 = arith.constant 0 : i32
        %dma_wait3A_649 = tpu.memref_slice %arg10[%dma_wait3A_647, %dma_wait3A_648] : memref<10240x128xf32, #tpu.memory_space<vmem_shared>> -> memref<10240x128xf32, #tpu.memory_space<vmem_shared>>
        tpu.wait_indirect_dma semaphore(%run_scoped3A_629 : memref<!tpu.dma_semaphore, #tpu.memory_space<semaphore_mem>>) src(%dma_wait3A_643 : memref<128x128xf32, #tpu.memory_space<vmem>>) dst(%dma_wait3A_649 : memref<10240x128xf32, #tpu.memory_space<vmem_shared>>)
        tpu.yield
      }) : () -> ()
      %dma_start3A_306 = arith.constant 0 : i32
      %dma_start3A_307 = arith.constant 7 : i32
      %dma_start3A_308 = arith.constant 1 : i32
      %dma_start3A_309 = arith.constant 0 : i32
      %dma_start3A_310 = arith.constant 0 : i32
      %dma_start3A_311 = tpu.memref_slice %arg9[%dma_start3A_308, %dma_start3A_309, %dma_start3A_310] : memref<2x128x128xf32, #tpu.memory_space<vmem>> -> memref<1x128x128xf32, #tpu.memory_space<vmem>>
      %dma_start3A_312 = tpu.memref_squeeze %dma_start3A_311 : memref<1x128x128xf32, #tpu.memory_space<vmem>> -> memref<128x128xf32, #tpu.memory_space<vmem>>
      %dma_start3A_313 = arith.constant 0 : i32
      %dma_start3A_314 = tpu.memref_slice %arg7[%dma_start3A_306, %dma_start3A_307, %dma_start3A_313] : memref<2x8x128xi32, #tpu.memory_space<vmem>> -> memref<1x1x128xi32, #tpu.memory_space<vmem>>
      %dma_start3A_315 = tpu.memref_squeeze %dma_start3A_314 : memref<1x1x128xi32, #tpu.memory_space<vmem>> -> memref<128xi32, #tpu.memory_space<vmem>>
      %dma_start3A_316 = arith.constant 0 : i32
      %dma_start3A_317 = arith.constant 0 : i32
      %dma_start3A_318 = tpu.memref_slice %arg2[%dma_start3A_316, %dma_start3A_317] : memref<20480x128xf32, #tpu.memory_space<hbm>> -> memref<20480x128xf32, #tpu.memory_space<hbm>>
      tpu.enqueue_indirect_dma source(%dma_start3A_318 : memref<20480x128xf32, #tpu.memory_space<hbm>>) target(%dma_start3A_312 : memref<128x128xf32, #tpu.memory_space<vmem>>) offsets(%dma_start3A_315 : memref<128xi32, #tpu.memory_space<vmem>>) semaphore(%arg14 : memref<!tpu.dma_semaphore, #tpu.memory_space<semaphore_mem>>)
      %dma_wait3A_319 = arith.constant 0 : i32
      %dma_wait3A_320 = arith.constant 0 : i32
      %dma_wait3A_321 = arith.constant 0 : i32
      %dma_wait3A_322 = arith.constant 0 : i32
      %dma_wait3A_323 = arith.constant 0 : i32
      %dma_wait3A_324 = tpu.memref_slice %arg9[%dma_wait3A_321, %dma_wait3A_322, %dma_wait3A_323] : memref<2x128x128xf32, #tpu.memory_space<vmem>> -> memref<1x128x128xf32, #tpu.memory_space<vmem>>
      %dma_wait3A_325 = tpu.memref_squeeze %dma_wait3A_324 : memref<1x128x128xf32, #tpu.memory_space<vmem>> -> memref<128x128xf32, #tpu.memory_space<vmem>>
      %dma_wait3A_326 = arith.constant 0 : i32
      %dma_wait3A_327 = tpu.memref_slice %arg7[%dma_wait3A_319, %dma_wait3A_320, %dma_wait3A_326] : memref<2x8x128xi32, #tpu.memory_space<vmem>> -> memref<1x1x128xi32, #tpu.memory_space<vmem>>
      %dma_wait3A_328 = tpu.memref_squeeze %dma_wait3A_327 : memref<1x1x128xi32, #tpu.memory_space<vmem>> -> memref<128xi32, #tpu.memory_space<vmem>>
      %dma_wait3A_329 = arith.constant 0 : i32
      %dma_wait3A_330 = arith.constant 0 : i32
      %dma_wait3A_331 = tpu.memref_slice %arg2[%dma_wait3A_329, %dma_wait3A_330] : memref<20480x128xf32, #tpu.memory_space<hbm>> -> memref<20480x128xf32, #tpu.memory_space<hbm>>
      tpu.wait_indirect_dma semaphore(%arg13 : memref<!tpu.dma_semaphore, #tpu.memory_space<semaphore_mem>>) src(%dma_wait3A_331 : memref<20480x128xf32, #tpu.memory_space<hbm>>) dst(%dma_wait3A_325 : memref<128x128xf32, #tpu.memory_space<vmem>>)
      %run_scoped3A_332 = arith.constant 0 : i32
      %run_scoped3A_333 = arith.constant 0 : i32
      %run_scoped3A_334 = arith.constant 6 : i32
      "tpu.region"() ({
        %run_scoped3A_629 = tpu.sem_alloc : memref<!tpu.dma_semaphore, #tpu.memory_space<semaphore_mem>>
        %dma_start3A_630 = arith.constant 0 : i32
        %dma_start3A_631 = arith.constant 0 : i32
        %dma_start3A_632 = tpu.memref_slice %arg9[%run_scoped3A_332, %dma_start3A_630, %dma_start3A_631] : memref<2x128x128xf32, #tpu.memory_space<vmem>> -> memref<1x128x128xf32, #tpu.memory_space<vmem>>
        %dma_start3A_633 = tpu.memref_squeeze %dma_start3A_632 : memref<1x128x128xf32, #tpu.memory_space<vmem>> -> memref<128x128xf32, #tpu.memory_space<vmem>>
        %dma_start3A_634 = arith.constant 0 : i32
        %dma_start3A_635 = tpu.memref_slice %arg8[%run_scoped3A_333, %run_scoped3A_334, %dma_start3A_634] : memref<2x8x128xi32, #tpu.memory_space<vmem>> -> memref<1x1x128xi32, #tpu.memory_space<vmem>>
        %dma_start3A_636 = tpu.memref_squeeze %dma_start3A_635 : memref<1x1x128xi32, #tpu.memory_space<vmem>> -> memref<128xi32, #tpu.memory_space<vmem>>
        %dma_start3A_637 = arith.constant 0 : i32
        %dma_start3A_638 = arith.constant 0 : i32
        %dma_start3A_639 = tpu.memref_slice %arg10[%dma_start3A_637, %dma_start3A_638] : memref<10240x128xf32, #tpu.memory_space<vmem_shared>> -> memref<10240x128xf32, #tpu.memory_space<vmem_shared>>
        tpu.enqueue_indirect_dma source(%dma_start3A_633 : memref<128x128xf32, #tpu.memory_space<vmem>>) target(%dma_start3A_639 : memref<10240x128xf32, #tpu.memory_space<vmem_shared>>) offsets(%dma_start3A_636 : memref<128xi32, #tpu.memory_space<vmem>>) semaphore(%run_scoped3A_629 : memref<!tpu.dma_semaphore, #tpu.memory_space<semaphore_mem>>) {add = true}
        %dma_wait3A_640 = arith.constant 0 : i32
        %dma_wait3A_641 = arith.constant 0 : i32
        %dma_wait3A_642 = tpu.memref_slice %arg9[%run_scoped3A_332, %dma_wait3A_640, %dma_wait3A_641] : memref<2x128x128xf32, #tpu.memory_space<vmem>> -> memref<1x128x128xf32, #tpu.memory_space<vmem>>
        %dma_wait3A_643 = tpu.memref_squeeze %dma_wait3A_642 : memref<1x128x128xf32, #tpu.memory_space<vmem>> -> memref<128x128xf32, #tpu.memory_space<vmem>>
        %dma_wait3A_644 = arith.constant 0 : i32
        %dma_wait3A_645 = tpu.memref_slice %arg8[%run_scoped3A_333, %run_scoped3A_334, %dma_wait3A_644] : memref<2x8x128xi32, #tpu.memory_space<vmem>> -> memref<1x1x128xi32, #tpu.memory_space<vmem>>
        %dma_wait3A_646 = tpu.memref_squeeze %dma_wait3A_645 : memref<1x1x128xi32, #tpu.memory_space<vmem>> -> memref<128xi32, #tpu.memory_space<vmem>>
        %dma_wait3A_647 = arith.constant 0 : i32
        %dma_wait3A_648 = arith.constant 0 : i32
        %dma_wait3A_649 = tpu.memref_slice %arg10[%dma_wait3A_647, %dma_wait3A_648] : memref<10240x128xf32, #tpu.memory_space<vmem_shared>> -> memref<10240x128xf32, #tpu.memory_space<vmem_shared>>
        tpu.wait_indirect_dma semaphore(%run_scoped3A_629 : memref<!tpu.dma_semaphore, #tpu.memory_space<semaphore_mem>>) src(%dma_wait3A_643 : memref<128x128xf32, #tpu.memory_space<vmem>>) dst(%dma_wait3A_649 : memref<10240x128xf32, #tpu.memory_space<vmem_shared>>)
        tpu.yield
      }) : () -> ()
      %dma_wait3A_335 = arith.constant 0 : i32
      %dma_wait3A_336 = arith.constant 0 : i32
      %dma_wait3A_337 = arith.constant 1 : i32
      %dma_wait3A_338 = arith.constant 0 : i32
      %dma_wait3A_339 = arith.constant 0 : i32
      %dma_wait3A_340 = tpu.memref_slice %arg9[%dma_wait3A_337, %dma_wait3A_338, %dma_wait3A_339] : memref<2x128x128xf32, #tpu.memory_space<vmem>> -> memref<1x128x128xf32, #tpu.memory_space<vmem>>
      %dma_wait3A_341 = tpu.memref_squeeze %dma_wait3A_340 : memref<1x128x128xf32, #tpu.memory_space<vmem>> -> memref<128x128xf32, #tpu.memory_space<vmem>>
      %dma_wait3A_342 = arith.constant 0 : i32
      %dma_wait3A_343 = tpu.memref_slice %arg7[%dma_wait3A_335, %dma_wait3A_336, %dma_wait3A_342] : memref<2x8x128xi32, #tpu.memory_space<vmem>> -> memref<1x1x128xi32, #tpu.memory_space<vmem>>
      %dma_wait3A_344 = tpu.memref_squeeze %dma_wait3A_343 : memref<1x1x128xi32, #tpu.memory_space<vmem>> -> memref<128xi32, #tpu.memory_space<vmem>>
      %dma_wait3A_345 = arith.constant 0 : i32
      %dma_wait3A_346 = arith.constant 0 : i32
      %dma_wait3A_347 = tpu.memref_slice %arg2[%dma_wait3A_345, %dma_wait3A_346] : memref<20480x128xf32, #tpu.memory_space<hbm>> -> memref<20480x128xf32, #tpu.memory_space<hbm>>
      tpu.wait_indirect_dma semaphore(%arg14 : memref<!tpu.dma_semaphore, #tpu.memory_space<semaphore_mem>>) src(%dma_wait3A_347 : memref<20480x128xf32, #tpu.memory_space<hbm>>) dst(%dma_wait3A_341 : memref<128x128xf32, #tpu.memory_space<vmem>>)
      %run_scoped3A_348 = arith.constant 1 : i32
      %run_scoped3A_349 = arith.constant 0 : i32
      %run_scoped3A_350 = arith.constant 7 : i32
      "tpu.region"() ({
        %run_scoped3A_629 = tpu.sem_alloc : memref<!tpu.dma_semaphore, #tpu.memory_space<semaphore_mem>>
        %dma_start3A_630 = arith.constant 0 : i32
        %dma_start3A_631 = arith.constant 0 : i32
        %dma_start3A_632 = tpu.memref_slice %arg9[%run_scoped3A_348, %dma_start3A_630, %dma_start3A_631] : memref<2x128x128xf32, #tpu.memory_space<vmem>> -> memref<1x128x128xf32, #tpu.memory_space<vmem>>
        %dma_start3A_633 = tpu.memref_squeeze %dma_start3A_632 : memref<1x128x128xf32, #tpu.memory_space<vmem>> -> memref<128x128xf32, #tpu.memory_space<vmem>>
        %dma_start3A_634 = arith.constant 0 : i32
        %dma_start3A_635 = tpu.memref_slice %arg8[%run_scoped3A_349, %run_scoped3A_350, %dma_start3A_634] : memref<2x8x128xi32, #tpu.memory_space<vmem>> -> memref<1x1x128xi32, #tpu.memory_space<vmem>>
        %dma_start3A_636 = tpu.memref_squeeze %dma_start3A_635 : memref<1x1x128xi32, #tpu.memory_space<vmem>> -> memref<128xi32, #tpu.memory_space<vmem>>
        %dma_start3A_637 = arith.constant 0 : i32
        %dma_start3A_638 = arith.constant 0 : i32
        %dma_start3A_639 = tpu.memref_slice %arg10[%dma_start3A_637, %dma_start3A_638] : memref<10240x128xf32, #tpu.memory_space<vmem_shared>> -> memref<10240x128xf32, #tpu.memory_space<vmem_shared>>
        tpu.enqueue_indirect_dma source(%dma_start3A_633 : memref<128x128xf32, #tpu.memory_space<vmem>>) target(%dma_start3A_639 : memref<10240x128xf32, #tpu.memory_space<vmem_shared>>) offsets(%dma_start3A_636 : memref<128xi32, #tpu.memory_space<vmem>>) semaphore(%run_scoped3A_629 : memref<!tpu.dma_semaphore, #tpu.memory_space<semaphore_mem>>) {add = true}
        %dma_wait3A_640 = arith.constant 0 : i32
        %dma_wait3A_641 = arith.constant 0 : i32
        %dma_wait3A_642 = tpu.memref_slice %arg9[%run_scoped3A_348, %dma_wait3A_640, %dma_wait3A_641] : memref<2x128x128xf32, #tpu.memory_space<vmem>> -> memref<1x128x128xf32, #tpu.memory_space<vmem>>
        %dma_wait3A_643 = tpu.memref_squeeze %dma_wait3A_642 : memref<1x128x128xf32, #tpu.memory_space<vmem>> -> memref<128x128xf32, #tpu.memory_space<vmem>>
        %dma_wait3A_644 = arith.constant 0 : i32
        %dma_wait3A_645 = tpu.memref_slice %arg8[%run_scoped3A_349, %run_scoped3A_350, %dma_wait3A_644] : memref<2x8x128xi32, #tpu.memory_space<vmem>> -> memref<1x1x128xi32, #tpu.memory_space<vmem>>
        %dma_wait3A_646 = tpu.memref_squeeze %dma_wait3A_645 : memref<1x1x128xi32, #tpu.memory_space<vmem>> -> memref<128xi32, #tpu.memory_space<vmem>>
        %dma_wait3A_647 = arith.constant 0 : i32
        %dma_wait3A_648 = arith.constant 0 : i32
        %dma_wait3A_649 = tpu.memref_slice %arg10[%dma_wait3A_647, %dma_wait3A_648] : memref<10240x128xf32, #tpu.memory_space<vmem_shared>> -> memref<10240x128xf32, #tpu.memory_space<vmem_shared>>
        tpu.wait_indirect_dma semaphore(%run_scoped3A_629 : memref<!tpu.dma_semaphore, #tpu.memory_space<semaphore_mem>>) src(%dma_wait3A_643 : memref<128x128xf32, #tpu.memory_space<vmem>>) dst(%dma_wait3A_649 : memref<10240x128xf32, #tpu.memory_space<vmem_shared>>)
        tpu.yield
      }) : () -> ()
      %add3A = arith.constant 2 : i32
      %add3A_351 = arith.addi %mul3A_86, %add3A : i32
      %lt3A = arith.constant 20 : i32
      %lt3A_352 = arith.cmpi slt, %add3A_351, %lt3A : i32
      %convert_element_type3A = arith.extui %lt3A_352 : i1 to i32
      %cond3A = arith.constant 0 : i32
      %cond3A_353 = arith.cmpi ne, %convert_element_type3A, %cond3A : i32
      scf.if %cond3A_353 {
        %add3A_629 = arith.constant 2 : i32
        %add3A_630 = arith.addi %mul3A_86, %add3A_629 : i32
        %dma_start3A_631 = arith.constant 0 : i32
        %dma_start3A_632 = arith.constant 0 : i32
        %dma_start3A_633 = arith.constant 0 : i32
        %dma_start3A_634 = tpu.memref_slice %arg7[%dma_start3A_631, %dma_start3A_632, %dma_start3A_633] : memref<2x8x128xi32, #tpu.memory_space<vmem>> -> memref<1x8x128xi32, #tpu.memory_space<vmem>>
        %dma_start3A_635 = tpu.memref_squeeze %dma_start3A_634 : memref<1x8x128xi32, #tpu.memory_space<vmem>> -> memref<8x128xi32, #tpu.memory_space<vmem>>
        %dma_start3A_636 = arith.constant 0 : i32
        %dma_start3A_637 = arith.constant 0 : i32
        %dma_start3A_638 = tpu.memref_slice %arg3[%arg0, %arg1, %add3A_630, %dma_start3A_636, %dma_start3A_637] : memref<2x16x20x8x128xi32, #tpu.memory_space<hbm>> -> memref<1x1x1x8x128xi32, #tpu.memory_space<hbm>>
        %dma_start3A_639 = tpu.memref_squeeze %dma_start3A_638 : memref<1x1x1x8x128xi32, #tpu.memory_space<hbm>> -> memref<8x128xi32, #tpu.memory_space<hbm>>
        %dma_start3A_640 = arith.constant 0 : i32
        %dma_start3A_641 = arith.constant 0 : i32
        %dma_start3A_642 = tpu.memref_slice %arg7[%dma_start3A_631, %dma_start3A_640, %dma_start3A_641] : memref<2x8x128xi32, #tpu.memory_space<vmem>> -> memref<1x8x128xi32, #tpu.memory_space<vmem>>
        %dma_start3A_643 = tpu.memref_squeeze %dma_start3A_642 : memref<1x8x128xi32, #tpu.memory_space<vmem>> -> memref<8x128xi32, #tpu.memory_space<vmem>>
        %dma_start3A_644 = arith.constant 0 : i32
        %dma_start3A_645 = arith.constant 0 : i32
        %dma_start3A_646 = tpu.memref_slice %arg3[%arg0, %arg1, %add3A_630, %dma_start3A_644, %dma_start3A_645] : memref<2x16x20x8x128xi32, #tpu.memory_space<hbm>> -> memref<1x1x1x8x128xi32, #tpu.memory_space<hbm>>
        %dma_start3A_647 = tpu.memref_squeeze %dma_start3A_646 : memref<1x1x1x8x128xi32, #tpu.memory_space<hbm>> -> memref<8x128xi32, #tpu.memory_space<hbm>>
        tpu.enqueue_dma source(%dma_start3A_647 : memref<8x128xi32, #tpu.memory_space<hbm>>) target(%dma_start3A_643 : memref<8x128xi32, #tpu.memory_space<vmem>>) target_semaphore(%arg11 : memref<!tpu.dma_semaphore, #tpu.memory_space<semaphore_mem>>)
        %dma_start3A_648 = arith.constant 0 : i32
        %dma_start3A_649 = arith.constant 0 : i32
        %dma_start3A_650 = arith.constant 0 : i32
        %dma_start3A_651 = tpu.memref_slice %arg8[%dma_start3A_648, %dma_start3A_649, %dma_start3A_650] : memref<2x8x128xi32, #tpu.memory_space<vmem>> -> memref<1x8x128xi32, #tpu.memory_space<vmem>>
        %dma_start3A_652 = tpu.memref_squeeze %dma_start3A_651 : memref<1x8x128xi32, #tpu.memory_space<vmem>> -> memref<8x128xi32, #tpu.memory_space<vmem>>
        %dma_start3A_653 = arith.constant 0 : i32
        %dma_start3A_654 = arith.constant 0 : i32
        %dma_start3A_655 = tpu.memref_slice %arg4[%arg1, %add3A_630, %dma_start3A_653, %dma_start3A_654] : memref<16x20x8x128xi32, #tpu.memory_space<hbm>> -> memref<1x1x8x128xi32, #tpu.memory_space<hbm>>
        %dma_start3A_656 = tpu.memref_squeeze %dma_start3A_655 : memref<1x1x8x128xi32, #tpu.memory_space<hbm>> -> memref<8x128xi32, #tpu.memory_space<hbm>>
        %dma_start3A_657 = arith.constant 0 : i32
        %dma_start3A_658 = arith.constant 0 : i32
        %dma_start3A_659 = tpu.memref_slice %arg8[%dma_start3A_648, %dma_start3A_657, %dma_start3A_658] : memref<2x8x128xi32, #tpu.memory_space<vmem>> -> memref<1x8x128xi32, #tpu.memory_space<vmem>>
        %dma_start3A_660 = tpu.memref_squeeze %dma_start3A_659 : memref<1x8x128xi32, #tpu.memory_space<vmem>> -> memref<8x128xi32, #tpu.memory_space<vmem>>
        %dma_start3A_661 = arith.constant 0 : i32
        %dma_start3A_662 = arith.constant 0 : i32
        %dma_start3A_663 = tpu.memref_slice %arg4[%arg1, %add3A_630, %dma_start3A_661, %dma_start3A_662] : memref<16x20x8x128xi32, #tpu.memory_space<hbm>> -> memref<1x1x8x128xi32, #tpu.memory_space<hbm>>
        %dma_start3A_664 = tpu.memref_squeeze %dma_start3A_663 : memref<1x1x8x128xi32, #tpu.memory_space<hbm>> -> memref<8x128xi32, #tpu.memory_space<hbm>>
        tpu.enqueue_dma source(%dma_start3A_664 : memref<8x128xi32, #tpu.memory_space<hbm>>) target(%dma_start3A_660 : memref<8x128xi32, #tpu.memory_space<vmem>>) target_semaphore(%arg11 : memref<!tpu.dma_semaphore, #tpu.memory_space<semaphore_mem>>)
      } else {
      }
      %add3A_354 = arith.constant 1 : i32
      %add3A_355 = arith.addi %mul3A_86, %add3A_354 : i32
      %dma_wait3A_356 = arith.constant 1 : i32
      %dma_wait3A_357 = arith.constant 0 : i32
      %dma_wait3A_358 = arith.constant 0 : i32
      %dma_wait3A_359 = tpu.memref_slice %arg7[%dma_wait3A_356, %dma_wait3A_357, %dma_wait3A_358] : memref<2x8x128xi32, #tpu.memory_space<vmem>> -> memref<1x8x128xi32, #tpu.memory_space<vmem>>
      %dma_wait3A_360 = tpu.memref_squeeze %dma_wait3A_359 : memref<1x8x128xi32, #tpu.memory_space<vmem>> -> memref<8x128xi32, #tpu.memory_space<vmem>>
      %dma_wait3A_361 = arith.constant 0 : i32
      %dma_wait3A_362 = arith.constant 0 : i32
      %dma_wait3A_363 = tpu.memref_slice %arg3[%arg0, %arg1, %add3A_355, %dma_wait3A_361, %dma_wait3A_362] : memref<2x16x20x8x128xi32, #tpu.memory_space<hbm>> -> memref<1x1x1x8x128xi32, #tpu.memory_space<hbm>>
      %dma_wait3A_364 = tpu.memref_squeeze %dma_wait3A_363 : memref<1x1x1x8x128xi32, #tpu.memory_space<hbm>> -> memref<8x128xi32, #tpu.memory_space<hbm>>
      %dma_wait3A_365 = arith.constant 0 : i32
      %dma_wait3A_366 = arith.constant 0 : i32
      %dma_wait3A_367 = tpu.memref_slice %arg7[%dma_wait3A_356, %dma_wait3A_365, %dma_wait3A_366] : memref<2x8x128xi32, #tpu.memory_space<vmem>> -> memref<1x8x128xi32, #tpu.memory_space<vmem>>
      %dma_wait3A_368 = tpu.memref_squeeze %dma_wait3A_367 : memref<1x8x128xi32, #tpu.memory_space<vmem>> -> memref<8x128xi32, #tpu.memory_space<vmem>>
      %dma_wait3A_369 = arith.constant 0 : i32
      %dma_wait3A_370 = arith.constant 0 : i32
      %dma_wait3A_371 = tpu.memref_slice %arg3[%arg0, %arg1, %add3A_355, %dma_wait3A_369, %dma_wait3A_370] : memref<2x16x20x8x128xi32, #tpu.memory_space<hbm>> -> memref<1x1x1x8x128xi32, #tpu.memory_space<hbm>>
      %dma_wait3A_372 = tpu.memref_squeeze %dma_wait3A_371 : memref<1x1x1x8x128xi32, #tpu.memory_space<hbm>> -> memref<8x128xi32, #tpu.memory_space<hbm>>
      tpu.wait_dma2 semaphore(%arg12 : memref<!tpu.dma_semaphore, #tpu.memory_space<semaphore_mem>>) src(%dma_wait3A_372 : memref<8x128xi32, #tpu.memory_space<hbm>>) dst(%dma_wait3A_368 : memref<8x128xi32, #tpu.memory_space<vmem>>)
      %dma_wait3A_373 = arith.constant 1 : i32
      %dma_wait3A_374 = arith.constant 0 : i32
      %dma_wait3A_375 = arith.constant 0 : i32
      %dma_wait3A_376 = tpu.memref_slice %arg8[%dma_wait3A_373, %dma_wait3A_374, %dma_wait3A_375] : memref<2x8x128xi32, #tpu.memory_space<vmem>> -> memref<1x8x128xi32, #tpu.memory_space<vmem>>
      %dma_wait3A_377 = tpu.memref_squeeze %dma_wait3A_376 : memref<1x8x128xi32, #tpu.memory_space<vmem>> -> memref<8x128xi32, #tpu.memory_space<vmem>>
      %dma_wait3A_378 = arith.constant 0 : i32
      %dma_wait3A_379 = arith.constant 0 : i32
      %dma_wait3A_380 = tpu.memref_slice %arg4[%arg1, %add3A_355, %dma_wait3A_378, %dma_wait3A_379] : memref<16x20x8x128xi32, #tpu.memory_space<hbm>> -> memref<1x1x8x128xi32, #tpu.memory_space<hbm>>
      %dma_wait3A_381 = tpu.memref_squeeze %dma_wait3A_380 : memref<1x1x8x128xi32, #tpu.memory_space<hbm>> -> memref<8x128xi32, #tpu.memory_space<hbm>>
      %dma_wait3A_382 = arith.constant 0 : i32
      %dma_wait3A_383 = arith.constant 0 : i32
      %dma_wait3A_384 = tpu.memref_slice %arg8[%dma_wait3A_373, %dma_wait3A_382, %dma_wait3A_383] : memref<2x8x128xi32, #tpu.memory_space<vmem>> -> memref<1x8x128xi32, #tpu.memory_space<vmem>>
      %dma_wait3A_385 = tpu.memref_squeeze %dma_wait3A_384 : memref<1x8x128xi32, #tpu.memory_space<vmem>> -> memref<8x128xi32, #tpu.memory_space<vmem>>
      %dma_wait3A_386 = arith.constant 0 : i32
      %dma_wait3A_387 = arith.constant 0 : i32
      %dma_wait3A_388 = tpu.memref_slice %arg4[%arg1, %add3A_355, %dma_wait3A_386, %dma_wait3A_387] : memref<16x20x8x128xi32, #tpu.memory_space<hbm>> -> memref<1x1x8x128xi32, #tpu.memory_space<hbm>>
      %dma_wait3A_389 = tpu.memref_squeeze %dma_wait3A_388 : memref<1x1x8x128xi32, #tpu.memory_space<hbm>> -> memref<8x128xi32, #tpu.memory_space<hbm>>
      tpu.wait_dma2 semaphore(%arg12 : memref<!tpu.dma_semaphore, #tpu.memory_space<semaphore_mem>>) src(%dma_wait3A_389 : memref<8x128xi32, #tpu.memory_space<hbm>>) dst(%dma_wait3A_385 : memref<8x128xi32, #tpu.memory_space<vmem>>)
      %dma_start3A_390 = arith.constant 1 : i32
      %dma_start3A_391 = arith.constant 0 : i32
      %dma_start3A_392 = arith.constant 0 : i32
      %dma_start3A_393 = arith.constant 0 : i32
      %dma_start3A_394 = arith.constant 0 : i32
      %dma_start3A_395 = tpu.memref_slice %arg9[%dma_start3A_392, %dma_start3A_393, %dma_start3A_394] : memref<2x128x128xf32, #tpu.memory_space<vmem>> -> memref<1x128x128xf32, #tpu.memory_space<vmem>>
      %dma_start3A_396 = tpu.memref_squeeze %dma_start3A_395 : memref<1x128x128xf32, #tpu.memory_space<vmem>> -> memref<128x128xf32, #tpu.memory_space<vmem>>
      %dma_start3A_397 = arith.constant 0 : i32
      %dma_start3A_398 = tpu.memref_slice %arg7[%dma_start3A_390, %dma_start3A_391, %dma_start3A_397] : memref<2x8x128xi32, #tpu.memory_space<vmem>> -> memref<1x1x128xi32, #tpu.memory_space<vmem>>
      %dma_start3A_399 = tpu.memref_squeeze %dma_start3A_398 : memref<1x1x128xi32, #tpu.memory_space<vmem>> -> memref<128xi32, #tpu.memory_space<vmem>>
      %dma_start3A_400 = arith.constant 0 : i32
      %dma_start3A_401 = arith.constant 0 : i32
      %dma_start3A_402 = tpu.memref_slice %arg2[%dma_start3A_400, %dma_start3A_401] : memref<20480x128xf32, #tpu.memory_space<hbm>> -> memref<20480x128xf32, #tpu.memory_space<hbm>>
      tpu.enqueue_indirect_dma source(%dma_start3A_402 : memref<20480x128xf32, #tpu.memory_space<hbm>>) target(%dma_start3A_396 : memref<128x128xf32, #tpu.memory_space<vmem>>) offsets(%dma_start3A_399 : memref<128xi32, #tpu.memory_space<vmem>>) semaphore(%arg13 : memref<!tpu.dma_semaphore, #tpu.memory_space<semaphore_mem>>)
      %dma_start3A_403 = arith.constant 1 : i32
      %dma_start3A_404 = arith.constant 1 : i32
      %dma_start3A_405 = arith.constant 1 : i32
      %dma_start3A_406 = arith.constant 0 : i32
      %dma_start3A_407 = arith.constant 0 : i32
      %dma_start3A_408 = tpu.memref_slice %arg9[%dma_start3A_405, %dma_start3A_406, %dma_start3A_407] : memref<2x128x128xf32, #tpu.memory_space<vmem>> -> memref<1x128x128xf32, #tpu.memory_space<vmem>>
      %dma_start3A_409 = tpu.memref_squeeze %dma_start3A_408 : memref<1x128x128xf32, #tpu.memory_space<vmem>> -> memref<128x128xf32, #tpu.memory_space<vmem>>
      %dma_start3A_410 = arith.constant 0 : i32
      %dma_start3A_411 = tpu.memref_slice %arg7[%dma_start3A_403, %dma_start3A_404, %dma_start3A_410] : memref<2x8x128xi32, #tpu.memory_space<vmem>> -> memref<1x1x128xi32, #tpu.memory_space<vmem>>
      %dma_start3A_412 = tpu.memref_squeeze %dma_start3A_411 : memref<1x1x128xi32, #tpu.memory_space<vmem>> -> memref<128xi32, #tpu.memory_space<vmem>>
      %dma_start3A_413 = arith.constant 0 : i32
      %dma_start3A_414 = arith.constant 0 : i32
      %dma_start3A_415 = tpu.memref_slice %arg2[%dma_start3A_413, %dma_start3A_414] : memref<20480x128xf32, #tpu.memory_space<hbm>> -> memref<20480x128xf32, #tpu.memory_space<hbm>>
      tpu.enqueue_indirect_dma source(%dma_start3A_415 : memref<20480x128xf32, #tpu.memory_space<hbm>>) target(%dma_start3A_409 : memref<128x128xf32, #tpu.memory_space<vmem>>) offsets(%dma_start3A_412 : memref<128xi32, #tpu.memory_space<vmem>>) semaphore(%arg14 : memref<!tpu.dma_semaphore, #tpu.memory_space<semaphore_mem>>)
      %dma_wait3A_416 = arith.constant 0 : i32
      %dma_wait3A_417 = arith.constant 0 : i32
      %dma_wait3A_418 = arith.constant 0 : i32
      %dma_wait3A_419 = arith.constant 0 : i32
      %dma_wait3A_420 = arith.constant 0 : i32
      %dma_wait3A_421 = tpu.memref_slice %arg9[%dma_wait3A_418, %dma_wait3A_419, %dma_wait3A_420] : memref<2x128x128xf32, #tpu.memory_space<vmem>> -> memref<1x128x128xf32, #tpu.memory_space<vmem>>
      %dma_wait3A_422 = tpu.memref_squeeze %dma_wait3A_421 : memref<1x128x128xf32, #tpu.memory_space<vmem>> -> memref<128x128xf32, #tpu.memory_space<vmem>>
      %dma_wait3A_423 = arith.constant 0 : i32
      %dma_wait3A_424 = tpu.memref_slice %arg7[%dma_wait3A_416, %dma_wait3A_417, %dma_wait3A_423] : memref<2x8x128xi32, #tpu.memory_space<vmem>> -> memref<1x1x128xi32, #tpu.memory_space<vmem>>
      %dma_wait3A_425 = tpu.memref_squeeze %dma_wait3A_424 : memref<1x1x128xi32, #tpu.memory_space<vmem>> -> memref<128xi32, #tpu.memory_space<vmem>>
      %dma_wait3A_426 = arith.constant 0 : i32
      %dma_wait3A_427 = arith.constant 0 : i32
      %dma_wait3A_428 = tpu.memref_slice %arg2[%dma_wait3A_426, %dma_wait3A_427] : memref<20480x128xf32, #tpu.memory_space<hbm>> -> memref<20480x128xf32, #tpu.memory_space<hbm>>
      tpu.wait_indirect_dma semaphore(%arg13 : memref<!tpu.dma_semaphore, #tpu.memory_space<semaphore_mem>>) src(%dma_wait3A_428 : memref<20480x128xf32, #tpu.memory_space<hbm>>) dst(%dma_wait3A_422 : memref<128x128xf32, #tpu.memory_space<vmem>>)
      %run_scoped3A_429 = arith.constant 0 : i32
      %run_scoped3A_430 = arith.constant 1 : i32
      %run_scoped3A_431 = arith.constant 0 : i32
      "tpu.region"() ({
        %run_scoped3A_629 = tpu.sem_alloc : memref<!tpu.dma_semaphore, #tpu.memory_space<semaphore_mem>>
        %dma_start3A_630 = arith.constant 0 : i32
        %dma_start3A_631 = arith.constant 0 : i32
        %dma_start3A_632 = tpu.memref_slice %arg9[%run_scoped3A_429, %dma_start3A_630, %dma_start3A_631] : memref<2x128x128xf32, #tpu.memory_space<vmem>> -> memref<1x128x128xf32, #tpu.memory_space<vmem>>
        %dma_start3A_633 = tpu.memref_squeeze %dma_start3A_632 : memref<1x128x128xf32, #tpu.memory_space<vmem>> -> memref<128x128xf32, #tpu.memory_space<vmem>>
        %dma_start3A_634 = arith.constant 0 : i32
        %dma_start3A_635 = tpu.memref_slice %arg8[%run_scoped3A_430, %run_scoped3A_431, %dma_start3A_634] : memref<2x8x128xi32, #tpu.memory_space<vmem>> -> memref<1x1x128xi32, #tpu.memory_space<vmem>>
        %dma_start3A_636 = tpu.memref_squeeze %dma_start3A_635 : memref<1x1x128xi32, #tpu.memory_space<vmem>> -> memref<128xi32, #tpu.memory_space<vmem>>
        %dma_start3A_637 = arith.constant 0 : i32
        %dma_start3A_638 = arith.constant 0 : i32
        %dma_start3A_639 = tpu.memref_slice %arg10[%dma_start3A_637, %dma_start3A_638] : memref<10240x128xf32, #tpu.memory_space<vmem_shared>> -> memref<10240x128xf32, #tpu.memory_space<vmem_shared>>
        tpu.enqueue_indirect_dma source(%dma_start3A_633 : memref<128x128xf32, #tpu.memory_space<vmem>>) target(%dma_start3A_639 : memref<10240x128xf32, #tpu.memory_space<vmem_shared>>) offsets(%dma_start3A_636 : memref<128xi32, #tpu.memory_space<vmem>>) semaphore(%run_scoped3A_629 : memref<!tpu.dma_semaphore, #tpu.memory_space<semaphore_mem>>) {add = true}
        %dma_wait3A_640 = arith.constant 0 : i32
        %dma_wait3A_641 = arith.constant 0 : i32
        %dma_wait3A_642 = tpu.memref_slice %arg9[%run_scoped3A_429, %dma_wait3A_640, %dma_wait3A_641] : memref<2x128x128xf32, #tpu.memory_space<vmem>> -> memref<1x128x128xf32, #tpu.memory_space<vmem>>
        %dma_wait3A_643 = tpu.memref_squeeze %dma_wait3A_642 : memref<1x128x128xf32, #tpu.memory_space<vmem>> -> memref<128x128xf32, #tpu.memory_space<vmem>>
        %dma_wait3A_644 = arith.constant 0 : i32
        %dma_wait3A_645 = tpu.memref_slice %arg8[%run_scoped3A_430, %run_scoped3A_431, %dma_wait3A_644] : memref<2x8x128xi32, #tpu.memory_space<vmem>> -> memref<1x1x128xi32, #tpu.memory_space<vmem>>
        %dma_wait3A_646 = tpu.memref_squeeze %dma_wait3A_645 : memref<1x1x128xi32, #tpu.memory_space<vmem>> -> memref<128xi32, #tpu.memory_space<vmem>>
        %dma_wait3A_647 = arith.constant 0 : i32
        %dma_wait3A_648 = arith.constant 0 : i32
        %dma_wait3A_649 = tpu.memref_slice %arg10[%dma_wait3A_647, %dma_wait3A_648] : memref<10240x128xf32, #tpu.memory_space<vmem_shared>> -> memref<10240x128xf32, #tpu.memory_space<vmem_shared>>
        tpu.wait_indirect_dma semaphore(%run_scoped3A_629 : memref<!tpu.dma_semaphore, #tpu.memory_space<semaphore_mem>>) src(%dma_wait3A_643 : memref<128x128xf32, #tpu.memory_space<vmem>>) dst(%dma_wait3A_649 : memref<10240x128xf32, #tpu.memory_space<vmem_shared>>)
        tpu.yield
      }) : () -> ()
      %dma_start3A_432 = arith.constant 1 : i32
      %dma_start3A_433 = arith.constant 2 : i32
      %dma_start3A_434 = arith.constant 0 : i32
      %dma_start3A_435 = arith.constant 0 : i32
      %dma_start3A_436 = arith.constant 0 : i32
      %dma_start3A_437 = tpu.memref_slice %arg9[%dma_start3A_434, %dma_start3A_435, %dma_start3A_436] : memref<2x128x128xf32, #tpu.memory_space<vmem>> -> memref<1x128x128xf32, #tpu.memory_space<vmem>>
      %dma_start3A_438 = tpu.memref_squeeze %dma_start3A_437 : memref<1x128x128xf32, #tpu.memory_space<vmem>> -> memref<128x128xf32, #tpu.memory_space<vmem>>
      %dma_start3A_439 = arith.constant 0 : i32
      %dma_start3A_440 = tpu.memref_slice %arg7[%dma_start3A_432, %dma_start3A_433, %dma_start3A_439] : memref<2x8x128xi32, #tpu.memory_space<vmem>> -> memref<1x1x128xi32, #tpu.memory_space<vmem>>
      %dma_start3A_441 = tpu.memref_squeeze %dma_start3A_440 : memref<1x1x128xi32, #tpu.memory_space<vmem>> -> memref<128xi32, #tpu.memory_space<vmem>>
      %dma_start3A_442 = arith.constant 0 : i32
      %dma_start3A_443 = arith.constant 0 : i32
      %dma_start3A_444 = tpu.memref_slice %arg2[%dma_start3A_442, %dma_start3A_443] : memref<20480x128xf32, #tpu.memory_space<hbm>> -> memref<20480x128xf32, #tpu.memory_space<hbm>>
      tpu.enqueue_indirect_dma source(%dma_start3A_444 : memref<20480x128xf32, #tpu.memory_space<hbm>>) target(%dma_start3A_438 : memref<128x128xf32, #tpu.memory_space<vmem>>) offsets(%dma_start3A_441 : memref<128xi32, #tpu.memory_space<vmem>>) semaphore(%arg13 : memref<!tpu.dma_semaphore, #tpu.memory_space<semaphore_mem>>)
      %dma_wait3A_445 = arith.constant 0 : i32
      %dma_wait3A_446 = arith.constant 0 : i32
      %dma_wait3A_447 = arith.constant 1 : i32
      %dma_wait3A_448 = arith.constant 0 : i32
      %dma_wait3A_449 = arith.constant 0 : i32
      %dma_wait3A_450 = tpu.memref_slice %arg9[%dma_wait3A_447, %dma_wait3A_448, %dma_wait3A_449] : memref<2x128x128xf32, #tpu.memory_space<vmem>> -> memref<1x128x128xf32, #tpu.memory_space<vmem>>
      %dma_wait3A_451 = tpu.memref_squeeze %dma_wait3A_450 : memref<1x128x128xf32, #tpu.memory_space<vmem>> -> memref<128x128xf32, #tpu.memory_space<vmem>>
      %dma_wait3A_452 = arith.constant 0 : i32
      %dma_wait3A_453 = tpu.memref_slice %arg7[%dma_wait3A_445, %dma_wait3A_446, %dma_wait3A_452] : memref<2x8x128xi32, #tpu.memory_space<vmem>> -> memref<1x1x128xi32, #tpu.memory_space<vmem>>
      %dma_wait3A_454 = tpu.memref_squeeze %dma_wait3A_453 : memref<1x1x128xi32, #tpu.memory_space<vmem>> -> memref<128xi32, #tpu.memory_space<vmem>>
      %dma_wait3A_455 = arith.constant 0 : i32
      %dma_wait3A_456 = arith.constant 0 : i32
      %dma_wait3A_457 = tpu.memref_slice %arg2[%dma_wait3A_455, %dma_wait3A_456] : memref<20480x128xf32, #tpu.memory_space<hbm>> -> memref<20480x128xf32, #tpu.memory_space<hbm>>
      tpu.wait_indirect_dma semaphore(%arg14 : memref<!tpu.dma_semaphore, #tpu.memory_space<semaphore_mem>>) src(%dma_wait3A_457 : memref<20480x128xf32, #tpu.memory_space<hbm>>) dst(%dma_wait3A_451 : memref<128x128xf32, #tpu.memory_space<vmem>>)
      %run_scoped3A_458 = arith.constant 1 : i32
      %run_scoped3A_459 = arith.constant 1 : i32
      %run_scoped3A_460 = arith.constant 1 : i32
      "tpu.region"() ({
        %run_scoped3A_629 = tpu.sem_alloc : memref<!tpu.dma_semaphore, #tpu.memory_space<semaphore_mem>>
        %dma_start3A_630 = arith.constant 0 : i32
        %dma_start3A_631 = arith.constant 0 : i32
        %dma_start3A_632 = tpu.memref_slice %arg9[%run_scoped3A_458, %dma_start3A_630, %dma_start3A_631] : memref<2x128x128xf32, #tpu.memory_space<vmem>> -> memref<1x128x128xf32, #tpu.memory_space<vmem>>
        %dma_start3A_633 = tpu.memref_squeeze %dma_start3A_632 : memref<1x128x128xf32, #tpu.memory_space<vmem>> -> memref<128x128xf32, #tpu.memory_space<vmem>>
        %dma_start3A_634 = arith.constant 0 : i32
        %dma_start3A_635 = tpu.memref_slice %arg8[%run_scoped3A_459, %run_scoped3A_460, %dma_start3A_634] : memref<2x8x128xi32, #tpu.memory_space<vmem>> -> memref<1x1x128xi32, #tpu.memory_space<vmem>>
        %dma_start3A_636 = tpu.memref_squeeze %dma_start3A_635 : memref<1x1x128xi32, #tpu.memory_space<vmem>> -> memref<128xi32, #tpu.memory_space<vmem>>
        %dma_start3A_637 = arith.constant 0 : i32
        %dma_start3A_638 = arith.constant 0 : i32
        %dma_start3A_639 = tpu.memref_slice %arg10[%dma_start3A_637, %dma_start3A_638] : memref<10240x128xf32, #tpu.memory_space<vmem_shared>> -> memref<10240x128xf32, #tpu.memory_space<vmem_shared>>
        tpu.enqueue_indirect_dma source(%dma_start3A_633 : memref<128x128xf32, #tpu.memory_space<vmem>>) target(%dma_start3A_639 : memref<10240x128xf32, #tpu.memory_space<vmem_shared>>) offsets(%dma_start3A_636 : memref<128xi32, #tpu.memory_space<vmem>>) semaphore(%run_scoped3A_629 : memref<!tpu.dma_semaphore, #tpu.memory_space<semaphore_mem>>) {add = true}
        %dma_wait3A_640 = arith.constant 0 : i32
        %dma_wait3A_641 = arith.constant 0 : i32
        %dma_wait3A_642 = tpu.memref_slice %arg9[%run_scoped3A_458, %dma_wait3A_640, %dma_wait3A_641] : memref<2x128x128xf32, #tpu.memory_space<vmem>> -> memref<1x128x128xf32, #tpu.memory_space<vmem>>
        %dma_wait3A_643 = tpu.memref_squeeze %dma_wait3A_642 : memref<1x128x128xf32, #tpu.memory_space<vmem>> -> memref<128x128xf32, #tpu.memory_space<vmem>>
        %dma_wait3A_644 = arith.constant 0 : i32
        %dma_wait3A_645 = tpu.memref_slice %arg8[%run_scoped3A_459, %run_scoped3A_460, %dma_wait3A_644] : memref<2x8x128xi32, #tpu.memory_space<vmem>> -> memref<1x1x128xi32, #tpu.memory_space<vmem>>
        %dma_wait3A_646 = tpu.memref_squeeze %dma_wait3A_645 : memref<1x1x128xi32, #tpu.memory_space<vmem>> -> memref<128xi32, #tpu.memory_space<vmem>>
        %dma_wait3A_647 = arith.constant 0 : i32
        %dma_wait3A_648 = arith.constant 0 : i32
        %dma_wait3A_649 = tpu.memref_slice %arg10[%dma_wait3A_647, %dma_wait3A_648] : memref<10240x128xf32, #tpu.memory_space<vmem_shared>> -> memref<10240x128xf32, #tpu.memory_space<vmem_shared>>
        tpu.wait_indirect_dma semaphore(%run_scoped3A_629 : memref<!tpu.dma_semaphore, #tpu.memory_space<semaphore_mem>>) src(%dma_wait3A_643 : memref<128x128xf32, #tpu.memory_space<vmem>>) dst(%dma_wait3A_649 : memref<10240x128xf32, #tpu.memory_space<vmem_shared>>)
        tpu.yield
      }) : () -> ()
      %dma_start3A_461 = arith.constant 1 : i32
      %dma_start3A_462 = arith.constant 3 : i32
      %dma_start3A_463 = arith.constant 1 : i32
      %dma_start3A_464 = arith.constant 0 : i32
      %dma_start3A_465 = arith.constant 0 : i32
      %dma_start3A_466 = tpu.memref_slice %arg9[%dma_start3A_463, %dma_start3A_464, %dma_start3A_465] : memref<2x128x128xf32, #tpu.memory_space<vmem>> -> memref<1x128x128xf32, #tpu.memory_space<vmem>>
      %dma_start3A_467 = tpu.memref_squeeze %dma_start3A_466 : memref<1x128x128xf32, #tpu.memory_space<vmem>> -> memref<128x128xf32, #tpu.memory_space<vmem>>
      %dma_start3A_468 = arith.constant 0 : i32
      %dma_start3A_469 = tpu.memref_slice %arg7[%dma_start3A_461, %dma_start3A_462, %dma_start3A_468] : memref<2x8x128xi32, #tpu.memory_space<vmem>> -> memref<1x1x128xi32, #tpu.memory_space<vmem>>
      %dma_start3A_470 = tpu.memref_squeeze %dma_start3A_469 : memref<1x1x128xi32, #tpu.memory_space<vmem>> -> memref<128xi32, #tpu.memory_space<vmem>>
      %dma_start3A_471 = arith.constant 0 : i32
      %dma_start3A_472 = arith.constant 0 : i32
      %dma_start3A_473 = tpu.memref_slice %arg2[%dma_start3A_471, %dma_start3A_472] : memref<20480x128xf32, #tpu.memory_space<hbm>> -> memref<20480x128xf32, #tpu.memory_space<hbm>>
      tpu.enqueue_indirect_dma source(%dma_start3A_473 : memref<20480x128xf32, #tpu.memory_space<hbm>>) target(%dma_start3A_467 : memref<128x128xf32, #tpu.memory_space<vmem>>) offsets(%dma_start3A_470 : memref<128xi32, #tpu.memory_space<vmem>>) semaphore(%arg14 : memref<!tpu.dma_semaphore, #tpu.memory_space<semaphore_mem>>)
      %dma_wait3A_474 = arith.constant 0 : i32
      %dma_wait3A_475 = arith.constant 0 : i32
      %dma_wait3A_476 = arith.constant 0 : i32
      %dma_wait3A_477 = arith.constant 0 : i32
      %dma_wait3A_478 = arith.constant 0 : i32
      %dma_wait3A_479 = tpu.memref_slice %arg9[%dma_wait3A_476, %dma_wait3A_477, %dma_wait3A_478] : memref<2x128x128xf32, #tpu.memory_space<vmem>> -> memref<1x128x128xf32, #tpu.memory_space<vmem>>
      %dma_wait3A_480 = tpu.memref_squeeze %dma_wait3A_479 : memref<1x128x128xf32, #tpu.memory_space<vmem>> -> memref<128x128xf32, #tpu.memory_space<vmem>>
      %dma_wait3A_481 = arith.constant 0 : i32
      %dma_wait3A_482 = tpu.memref_slice %arg7[%dma_wait3A_474, %dma_wait3A_475, %dma_wait3A_481] : memref<2x8x128xi32, #tpu.memory_space<vmem>> -> memref<1x1x128xi32, #tpu.memory_space<vmem>>
      %dma_wait3A_483 = tpu.memref_squeeze %dma_wait3A_482 : memref<1x1x128xi32, #tpu.memory_space<vmem>> -> memref<128xi32, #tpu.memory_space<vmem>>
      %dma_wait3A_484 = arith.constant 0 : i32
      %dma_wait3A_485 = arith.constant 0 : i32
      %dma_wait3A_486 = tpu.memref_slice %arg2[%dma_wait3A_484, %dma_wait3A_485] : memref<20480x128xf32, #tpu.memory_space<hbm>> -> memref<20480x128xf32, #tpu.memory_space<hbm>>
      tpu.wait_indirect_dma semaphore(%arg13 : memref<!tpu.dma_semaphore, #tpu.memory_space<semaphore_mem>>) src(%dma_wait3A_486 : memref<20480x128xf32, #tpu.memory_space<hbm>>) dst(%dma_wait3A_480 : memref<128x128xf32, #tpu.memory_space<vmem>>)
      %run_scoped3A_487 = arith.constant 0 : i32
      %run_scoped3A_488 = arith.constant 1 : i32
      %run_scoped3A_489 = arith.constant 2 : i32
      "tpu.region"() ({
        %run_scoped3A_629 = tpu.sem_alloc : memref<!tpu.dma_semaphore, #tpu.memory_space<semaphore_mem>>
        %dma_start3A_630 = arith.constant 0 : i32
        %dma_start3A_631 = arith.constant 0 : i32
        %dma_start3A_632 = tpu.memref_slice %arg9[%run_scoped3A_487, %dma_start3A_630, %dma_start3A_631] : memref<2x128x128xf32, #tpu.memory_space<vmem>> -> memref<1x128x128xf32, #tpu.memory_space<vmem>>
        %dma_start3A_633 = tpu.memref_squeeze %dma_start3A_632 : memref<1x128x128xf32, #tpu.memory_space<vmem>> -> memref<128x128xf32, #tpu.memory_space<vmem>>
        %dma_start3A_634 = arith.constant 0 : i32
        %dma_start3A_635 = tpu.memref_slice %arg8[%run_scoped3A_488, %run_scoped3A_489, %dma_start3A_634] : memref<2x8x128xi32, #tpu.memory_space<vmem>> -> memref<1x1x128xi32, #tpu.memory_space<vmem>>
        %dma_start3A_636 = tpu.memref_squeeze %dma_start3A_635 : memref<1x1x128xi32, #tpu.memory_space<vmem>> -> memref<128xi32, #tpu.memory_space<vmem>>
        %dma_start3A_637 = arith.constant 0 : i32
        %dma_start3A_638 = arith.constant 0 : i32
        %dma_start3A_639 = tpu.memref_slice %arg10[%dma_start3A_637, %dma_start3A_638] : memref<10240x128xf32, #tpu.memory_space<vmem_shared>> -> memref<10240x128xf32, #tpu.memory_space<vmem_shared>>
        tpu.enqueue_indirect_dma source(%dma_start3A_633 : memref<128x128xf32, #tpu.memory_space<vmem>>) target(%dma_start3A_639 : memref<10240x128xf32, #tpu.memory_space<vmem_shared>>) offsets(%dma_start3A_636 : memref<128xi32, #tpu.memory_space<vmem>>) semaphore(%run_scoped3A_629 : memref<!tpu.dma_semaphore, #tpu.memory_space<semaphore_mem>>) {add = true}
        %dma_wait3A_640 = arith.constant 0 : i32
        %dma_wait3A_641 = arith.constant 0 : i32
        %dma_wait3A_642 = tpu.memref_slice %arg9[%run_scoped3A_487, %dma_wait3A_640, %dma_wait3A_641] : memref<2x128x128xf32, #tpu.memory_space<vmem>> -> memref<1x128x128xf32, #tpu.memory_space<vmem>>
        %dma_wait3A_643 = tpu.memref_squeeze %dma_wait3A_642 : memref<1x128x128xf32, #tpu.memory_space<vmem>> -> memref<128x128xf32, #tpu.memory_space<vmem>>
        %dma_wait3A_644 = arith.constant 0 : i32
        %dma_wait3A_645 = tpu.memref_slice %arg8[%run_scoped3A_488, %run_scoped3A_489, %dma_wait3A_644] : memref<2x8x128xi32, #tpu.memory_space<vmem>> -> memref<1x1x128xi32, #tpu.memory_space<vmem>>
        %dma_wait3A_646 = tpu.memref_squeeze %dma_wait3A_645 : memref<1x1x128xi32, #tpu.memory_space<vmem>> -> memref<128xi32, #tpu.memory_space<vmem>>
        %dma_wait3A_647 = arith.constant 0 : i32
        %dma_wait3A_648 = arith.constant 0 : i32
        %dma_wait3A_649 = tpu.memref_slice %arg10[%dma_wait3A_647, %dma_wait3A_648] : memref<10240x128xf32, #tpu.memory_space<vmem_shared>> -> memref<10240x128xf32, #tpu.memory_space<vmem_shared>>
        tpu.wait_indirect_dma semaphore(%run_scoped3A_629 : memref<!tpu.dma_semaphore, #tpu.memory_space<semaphore_mem>>) src(%dma_wait3A_643 : memref<128x128xf32, #tpu.memory_space<vmem>>) dst(%dma_wait3A_649 : memref<10240x128xf32, #tpu.memory_space<vmem_shared>>)
        tpu.yield
      }) : () -> ()
      %dma_start3A_490 = arith.constant 1 : i32
      %dma_start3A_491 = arith.constant 4 : i32
      %dma_start3A_492 = arith.constant 0 : i32
      %dma_start3A_493 = arith.constant 0 : i32
      %dma_start3A_494 = arith.constant 0 : i32
      %dma_start3A_495 = tpu.memref_slice %arg9[%dma_start3A_492, %dma_start3A_493, %dma_start3A_494] : memref<2x128x128xf32, #tpu.memory_space<vmem>> -> memref<1x128x128xf32, #tpu.memory_space<vmem>>
      %dma_start3A_496 = tpu.memref_squeeze %dma_start3A_495 : memref<1x128x128xf32, #tpu.memory_space<vmem>> -> memref<128x128xf32, #tpu.memory_space<vmem>>
      %dma_start3A_497 = arith.constant 0 : i32
      %dma_start3A_498 = tpu.memref_slice %arg7[%dma_start3A_490, %dma_start3A_491, %dma_start3A_497] : memref<2x8x128xi32, #tpu.memory_space<vmem>> -> memref<1x1x128xi32, #tpu.memory_space<vmem>>
      %dma_start3A_499 = tpu.memref_squeeze %dma_start3A_498 : memref<1x1x128xi32, #tpu.memory_space<vmem>> -> memref<128xi32, #tpu.memory_space<vmem>>
      %dma_start3A_500 = arith.constant 0 : i32
      %dma_start3A_501 = arith.constant 0 : i32
      %dma_start3A_502 = tpu.memref_slice %arg2[%dma_start3A_500, %dma_start3A_501] : memref<20480x128xf32, #tpu.memory_space<hbm>> -> memref<20480x128xf32, #tpu.memory_space<hbm>>
      tpu.enqueue_indirect_dma source(%dma_start3A_502 : memref<20480x128xf32, #tpu.memory_space<hbm>>) target(%dma_start3A_496 : memref<128x128xf32, #tpu.memory_space<vmem>>) offsets(%dma_start3A_499 : memref<128xi32, #tpu.memory_space<vmem>>) semaphore(%arg13 : memref<!tpu.dma_semaphore, #tpu.memory_space<semaphore_mem>>)
      %dma_wait3A_503 = arith.constant 0 : i32
      %dma_wait3A_504 = arith.constant 0 : i32
      %dma_wait3A_505 = arith.constant 1 : i32
      %dma_wait3A_506 = arith.constant 0 : i32
      %dma_wait3A_507 = arith.constant 0 : i32
      %dma_wait3A_508 = tpu.memref_slice %arg9[%dma_wait3A_505, %dma_wait3A_506, %dma_wait3A_507] : memref<2x128x128xf32, #tpu.memory_space<vmem>> -> memref<1x128x128xf32, #tpu.memory_space<vmem>>
      %dma_wait3A_509 = tpu.memref_squeeze %dma_wait3A_508 : memref<1x128x128xf32, #tpu.memory_space<vmem>> -> memref<128x128xf32, #tpu.memory_space<vmem>>
      %dma_wait3A_510 = arith.constant 0 : i32
      %dma_wait3A_511 = tpu.memref_slice %arg7[%dma_wait3A_503, %dma_wait3A_504, %dma_wait3A_510] : memref<2x8x128xi32, #tpu.memory_space<vmem>> -> memref<1x1x128xi32, #tpu.memory_space<vmem>>
      %dma_wait3A_512 = tpu.memref_squeeze %dma_wait3A_511 : memref<1x1x128xi32, #tpu.memory_space<vmem>> -> memref<128xi32, #tpu.memory_space<vmem>>
      %dma_wait3A_513 = arith.constant 0 : i32
      %dma_wait3A_514 = arith.constant 0 : i32
      %dma_wait3A_515 = tpu.memref_slice %arg2[%dma_wait3A_513, %dma_wait3A_514] : memref<20480x128xf32, #tpu.memory_space<hbm>> -> memref<20480x128xf32, #tpu.memory_space<hbm>>
      tpu.wait_indirect_dma semaphore(%arg14 : memref<!tpu.dma_semaphore, #tpu.memory_space<semaphore_mem>>) src(%dma_wait3A_515 : memref<20480x128xf32, #tpu.memory_space<hbm>>) dst(%dma_wait3A_509 : memref<128x128xf32, #tpu.memory_space<vmem>>)
      %run_scoped3A_516 = arith.constant 1 : i32
      %run_scoped3A_517 = arith.constant 1 : i32
      %run_scoped3A_518 = arith.constant 3 : i32
      "tpu.region"() ({
        %run_scoped3A_629 = tpu.sem_alloc : memref<!tpu.dma_semaphore, #tpu.memory_space<semaphore_mem>>
        %dma_start3A_630 = arith.constant 0 : i32
        %dma_start3A_631 = arith.constant 0 : i32
        %dma_start3A_632 = tpu.memref_slice %arg9[%run_scoped3A_516, %dma_start3A_630, %dma_start3A_631] : memref<2x128x128xf32, #tpu.memory_space<vmem>> -> memref<1x128x128xf32, #tpu.memory_space<vmem>>
        %dma_start3A_633 = tpu.memref_squeeze %dma_start3A_632 : memref<1x128x128xf32, #tpu.memory_space<vmem>> -> memref<128x128xf32, #tpu.memory_space<vmem>>
        %dma_start3A_634 = arith.constant 0 : i32
        %dma_start3A_635 = tpu.memref_slice %arg8[%run_scoped3A_517, %run_scoped3A_518, %dma_start3A_634] : memref<2x8x128xi32, #tpu.memory_space<vmem>> -> memref<1x1x128xi32, #tpu.memory_space<vmem>>
        %dma_start3A_636 = tpu.memref_squeeze %dma_start3A_635 : memref<1x1x128xi32, #tpu.memory_space<vmem>> -> memref<128xi32, #tpu.memory_space<vmem>>
        %dma_start3A_637 = arith.constant 0 : i32
        %dma_start3A_638 = arith.constant 0 : i32
        %dma_start3A_639 = tpu.memref_slice %arg10[%dma_start3A_637, %dma_start3A_638] : memref<10240x128xf32, #tpu.memory_space<vmem_shared>> -> memref<10240x128xf32, #tpu.memory_space<vmem_shared>>
        tpu.enqueue_indirect_dma source(%dma_start3A_633 : memref<128x128xf32, #tpu.memory_space<vmem>>) target(%dma_start3A_639 : memref<10240x128xf32, #tpu.memory_space<vmem_shared>>) offsets(%dma_start3A_636 : memref<128xi32, #tpu.memory_space<vmem>>) semaphore(%run_scoped3A_629 : memref<!tpu.dma_semaphore, #tpu.memory_space<semaphore_mem>>) {add = true}
        %dma_wait3A_640 = arith.constant 0 : i32
        %dma_wait3A_641 = arith.constant 0 : i32
        %dma_wait3A_642 = tpu.memref_slice %arg9[%run_scoped3A_516, %dma_wait3A_640, %dma_wait3A_641] : memref<2x128x128xf32, #tpu.memory_space<vmem>> -> memref<1x128x128xf32, #tpu.memory_space<vmem>>
        %dma_wait3A_643 = tpu.memref_squeeze %dma_wait3A_642 : memref<1x128x128xf32, #tpu.memory_space<vmem>> -> memref<128x128xf32, #tpu.memory_space<vmem>>
        %dma_wait3A_644 = arith.constant 0 : i32
        %dma_wait3A_645 = tpu.memref_slice %arg8[%run_scoped3A_517, %run_scoped3A_518, %dma_wait3A_644] : memref<2x8x128xi32, #tpu.memory_space<vmem>> -> memref<1x1x128xi32, #tpu.memory_space<vmem>>
        %dma_wait3A_646 = tpu.memref_squeeze %dma_wait3A_645 : memref<1x1x128xi32, #tpu.memory_space<vmem>> -> memref<128xi32, #tpu.memory_space<vmem>>
        %dma_wait3A_647 = arith.constant 0 : i32
        %dma_wait3A_648 = arith.constant 0 : i32
        %dma_wait3A_649 = tpu.memref_slice %arg10[%dma_wait3A_647, %dma_wait3A_648] : memref<10240x128xf32, #tpu.memory_space<vmem_shared>> -> memref<10240x128xf32, #tpu.memory_space<vmem_shared>>
        tpu.wait_indirect_dma semaphore(%run_scoped3A_629 : memref<!tpu.dma_semaphore, #tpu.memory_space<semaphore_mem>>) src(%dma_wait3A_643 : memref<128x128xf32, #tpu.memory_space<vmem>>) dst(%dma_wait3A_649 : memref<10240x128xf32, #tpu.memory_space<vmem_shared>>)
        tpu.yield
      }) : () -> ()
      %dma_start3A_519 = arith.constant 1 : i32
      %dma_start3A_520 = arith.constant 5 : i32
      %dma_start3A_521 = arith.constant 1 : i32
      %dma_start3A_522 = arith.constant 0 : i32
      %dma_start3A_523 = arith.constant 0 : i32
      %dma_start3A_524 = tpu.memref_slice %arg9[%dma_start3A_521, %dma_start3A_522, %dma_start3A_523] : memref<2x128x128xf32, #tpu.memory_space<vmem>> -> memref<1x128x128xf32, #tpu.memory_space<vmem>>
      %dma_start3A_525 = tpu.memref_squeeze %dma_start3A_524 : memref<1x128x128xf32, #tpu.memory_space<vmem>> -> memref<128x128xf32, #tpu.memory_space<vmem>>
      %dma_start3A_526 = arith.constant 0 : i32
      %dma_start3A_527 = tpu.memref_slice %arg7[%dma_start3A_519, %dma_start3A_520, %dma_start3A_526] : memref<2x8x128xi32, #tpu.memory_space<vmem>> -> memref<1x1x128xi32, #tpu.memory_space<vmem>>
      %dma_start3A_528 = tpu.memref_squeeze %dma_start3A_527 : memref<1x1x128xi32, #tpu.memory_space<vmem>> -> memref<128xi32, #tpu.memory_space<vmem>>
      %dma_start3A_529 = arith.constant 0 : i32
      %dma_start3A_530 = arith.constant 0 : i32
      %dma_start3A_531 = tpu.memref_slice %arg2[%dma_start3A_529, %dma_start3A_530] : memref<20480x128xf32, #tpu.memory_space<hbm>> -> memref<20480x128xf32, #tpu.memory_space<hbm>>
      tpu.enqueue_indirect_dma source(%dma_start3A_531 : memref<20480x128xf32, #tpu.memory_space<hbm>>) target(%dma_start3A_525 : memref<128x128xf32, #tpu.memory_space<vmem>>) offsets(%dma_start3A_528 : memref<128xi32, #tpu.memory_space<vmem>>) semaphore(%arg14 : memref<!tpu.dma_semaphore, #tpu.memory_space<semaphore_mem>>)
      %dma_wait3A_532 = arith.constant 0 : i32
      %dma_wait3A_533 = arith.constant 0 : i32
      %dma_wait3A_534 = arith.constant 0 : i32
      %dma_wait3A_535 = arith.constant 0 : i32
      %dma_wait3A_536 = arith.constant 0 : i32
      %dma_wait3A_537 = tpu.memref_slice %arg9[%dma_wait3A_534, %dma_wait3A_535, %dma_wait3A_536] : memref<2x128x128xf32, #tpu.memory_space<vmem>> -> memref<1x128x128xf32, #tpu.memory_space<vmem>>
      %dma_wait3A_538 = tpu.memref_squeeze %dma_wait3A_537 : memref<1x128x128xf32, #tpu.memory_space<vmem>> -> memref<128x128xf32, #tpu.memory_space<vmem>>
      %dma_wait3A_539 = arith.constant 0 : i32
      %dma_wait3A_540 = tpu.memref_slice %arg7[%dma_wait3A_532, %dma_wait3A_533, %dma_wait3A_539] : memref<2x8x128xi32, #tpu.memory_space<vmem>> -> memref<1x1x128xi32, #tpu.memory_space<vmem>>
      %dma_wait3A_541 = tpu.memref_squeeze %dma_wait3A_540 : memref<1x1x128xi32, #tpu.memory_space<vmem>> -> memref<128xi32, #tpu.memory_space<vmem>>
      %dma_wait3A_542 = arith.constant 0 : i32
      %dma_wait3A_543 = arith.constant 0 : i32
      %dma_wait3A_544 = tpu.memref_slice %arg2[%dma_wait3A_542, %dma_wait3A_543] : memref<20480x128xf32, #tpu.memory_space<hbm>> -> memref<20480x128xf32, #tpu.memory_space<hbm>>
      tpu.wait_indirect_dma semaphore(%arg13 : memref<!tpu.dma_semaphore, #tpu.memory_space<semaphore_mem>>) src(%dma_wait3A_544 : memref<20480x128xf32, #tpu.memory_space<hbm>>) dst(%dma_wait3A_538 : memref<128x128xf32, #tpu.memory_space<vmem>>)
      %run_scoped3A_545 = arith.constant 0 : i32
      %run_scoped3A_546 = arith.constant 1 : i32
      %run_scoped3A_547 = arith.constant 4 : i32
      "tpu.region"() ({
        %run_scoped3A_629 = tpu.sem_alloc : memref<!tpu.dma_semaphore, #tpu.memory_space<semaphore_mem>>
        %dma_start3A_630 = arith.constant 0 : i32
        %dma_start3A_631 = arith.constant 0 : i32
        %dma_start3A_632 = tpu.memref_slice %arg9[%run_scoped3A_545, %dma_start3A_630, %dma_start3A_631] : memref<2x128x128xf32, #tpu.memory_space<vmem>> -> memref<1x128x128xf32, #tpu.memory_space<vmem>>
        %dma_start3A_633 = tpu.memref_squeeze %dma_start3A_632 : memref<1x128x128xf32, #tpu.memory_space<vmem>> -> memref<128x128xf32, #tpu.memory_space<vmem>>
        %dma_start3A_634 = arith.constant 0 : i32
        %dma_start3A_635 = tpu.memref_slice %arg8[%run_scoped3A_546, %run_scoped3A_547, %dma_start3A_634] : memref<2x8x128xi32, #tpu.memory_space<vmem>> -> memref<1x1x128xi32, #tpu.memory_space<vmem>>
        %dma_start3A_636 = tpu.memref_squeeze %dma_start3A_635 : memref<1x1x128xi32, #tpu.memory_space<vmem>> -> memref<128xi32, #tpu.memory_space<vmem>>
        %dma_start3A_637 = arith.constant 0 : i32
        %dma_start3A_638 = arith.constant 0 : i32
        %dma_start3A_639 = tpu.memref_slice %arg10[%dma_start3A_637, %dma_start3A_638] : memref<10240x128xf32, #tpu.memory_space<vmem_shared>> -> memref<10240x128xf32, #tpu.memory_space<vmem_shared>>
        tpu.enqueue_indirect_dma source(%dma_start3A_633 : memref<128x128xf32, #tpu.memory_space<vmem>>) target(%dma_start3A_639 : memref<10240x128xf32, #tpu.memory_space<vmem_shared>>) offsets(%dma_start3A_636 : memref<128xi32, #tpu.memory_space<vmem>>) semaphore(%run_scoped3A_629 : memref<!tpu.dma_semaphore, #tpu.memory_space<semaphore_mem>>) {add = true}
        %dma_wait3A_640 = arith.constant 0 : i32
        %dma_wait3A_641 = arith.constant 0 : i32
        %dma_wait3A_642 = tpu.memref_slice %arg9[%run_scoped3A_545, %dma_wait3A_640, %dma_wait3A_641] : memref<2x128x128xf32, #tpu.memory_space<vmem>> -> memref<1x128x128xf32, #tpu.memory_space<vmem>>
        %dma_wait3A_643 = tpu.memref_squeeze %dma_wait3A_642 : memref<1x128x128xf32, #tpu.memory_space<vmem>> -> memref<128x128xf32, #tpu.memory_space<vmem>>
        %dma_wait3A_644 = arith.constant 0 : i32
        %dma_wait3A_645 = tpu.memref_slice %arg8[%run_scoped3A_546, %run_scoped3A_547, %dma_wait3A_644] : memref<2x8x128xi32, #tpu.memory_space<vmem>> -> memref<1x1x128xi32, #tpu.memory_space<vmem>>
        %dma_wait3A_646 = tpu.memref_squeeze %dma_wait3A_645 : memref<1x1x128xi32, #tpu.memory_space<vmem>> -> memref<128xi32, #tpu.memory_space<vmem>>
        %dma_wait3A_647 = arith.constant 0 : i32
        %dma_wait3A_648 = arith.constant 0 : i32
        %dma_wait3A_649 = tpu.memref_slice %arg10[%dma_wait3A_647, %dma_wait3A_648] : memref<10240x128xf32, #tpu.memory_space<vmem_shared>> -> memref<10240x128xf32, #tpu.memory_space<vmem_shared>>
        tpu.wait_indirect_dma semaphore(%run_scoped3A_629 : memref<!tpu.dma_semaphore, #tpu.memory_space<semaphore_mem>>) src(%dma_wait3A_643 : memref<128x128xf32, #tpu.memory_space<vmem>>) dst(%dma_wait3A_649 : memref<10240x128xf32, #tpu.memory_space<vmem_shared>>)
        tpu.yield
      }) : () -> ()
      %dma_start3A_548 = arith.constant 1 : i32
      %dma_start3A_549 = arith.constant 6 : i32
      %dma_start3A_550 = arith.constant 0 : i32
      %dma_start3A_551 = arith.constant 0 : i32
      %dma_start3A_552 = arith.constant 0 : i32
      %dma_start3A_553 = tpu.memref_slice %arg9[%dma_start3A_550, %dma_start3A_551, %dma_start3A_552] : memref<2x128x128xf32, #tpu.memory_space<vmem>> -> memref<1x128x128xf32, #tpu.memory_space<vmem>>
      %dma_start3A_554 = tpu.memref_squeeze %dma_start3A_553 : memref<1x128x128xf32, #tpu.memory_space<vmem>> -> memref<128x128xf32, #tpu.memory_space<vmem>>
      %dma_start3A_555 = arith.constant 0 : i32
      %dma_start3A_556 = tpu.memref_slice %arg7[%dma_start3A_548, %dma_start3A_549, %dma_start3A_555] : memref<2x8x128xi32, #tpu.memory_space<vmem>> -> memref<1x1x128xi32, #tpu.memory_space<vmem>>
      %dma_start3A_557 = tpu.memref_squeeze %dma_start3A_556 : memref<1x1x128xi32, #tpu.memory_space<vmem>> -> memref<128xi32, #tpu.memory_space<vmem>>
      %dma_start3A_558 = arith.constant 0 : i32
      %dma_start3A_559 = arith.constant 0 : i32
      %dma_start3A_560 = tpu.memref_slice %arg2[%dma_start3A_558, %dma_start3A_559] : memref<20480x128xf32, #tpu.memory_space<hbm>> -> memref<20480x128xf32, #tpu.memory_space<hbm>>
      tpu.enqueue_indirect_dma source(%dma_start3A_560 : memref<20480x128xf32, #tpu.memory_space<hbm>>) target(%dma_start3A_554 : memref<128x128xf32, #tpu.memory_space<vmem>>) offsets(%dma_start3A_557 : memref<128xi32, #tpu.memory_space<vmem>>) semaphore(%arg13 : memref<!tpu.dma_semaphore, #tpu.memory_space<semaphore_mem>>)
      %dma_wait3A_561 = arith.constant 0 : i32
      %dma_wait3A_562 = arith.constant 0 : i32
      %dma_wait3A_563 = arith.constant 1 : i32
      %dma_wait3A_564 = arith.constant 0 : i32
      %dma_wait3A_565 = arith.constant 0 : i32
      %dma_wait3A_566 = tpu.memref_slice %arg9[%dma_wait3A_563, %dma_wait3A_564, %dma_wait3A_565] : memref<2x128x128xf32, #tpu.memory_space<vmem>> -> memref<1x128x128xf32, #tpu.memory_space<vmem>>
      %dma_wait3A_567 = tpu.memref_squeeze %dma_wait3A_566 : memref<1x128x128xf32, #tpu.memory_space<vmem>> -> memref<128x128xf32, #tpu.memory_space<vmem>>
      %dma_wait3A_568 = arith.constant 0 : i32
      %dma_wait3A_569 = tpu.memref_slice %arg7[%dma_wait3A_561, %dma_wait3A_562, %dma_wait3A_568] : memref<2x8x128xi32, #tpu.memory_space<vmem>> -> memref<1x1x128xi32, #tpu.memory_space<vmem>>
      %dma_wait3A_570 = tpu.memref_squeeze %dma_wait3A_569 : memref<1x1x128xi32, #tpu.memory_space<vmem>> -> memref<128xi32, #tpu.memory_space<vmem>>
      %dma_wait3A_571 = arith.constant 0 : i32
      %dma_wait3A_572 = arith.constant 0 : i32
      %dma_wait3A_573 = tpu.memref_slice %arg2[%dma_wait3A_571, %dma_wait3A_572] : memref<20480x128xf32, #tpu.memory_space<hbm>> -> memref<20480x128xf32, #tpu.memory_space<hbm>>
      tpu.wait_indirect_dma semaphore(%arg14 : memref<!tpu.dma_semaphore, #tpu.memory_space<semaphore_mem>>) src(%dma_wait3A_573 : memref<20480x128xf32, #tpu.memory_space<hbm>>) dst(%dma_wait3A_567 : memref<128x128xf32, #tpu.memory_space<vmem>>)
      %run_scoped3A_574 = arith.constant 1 : i32
      %run_scoped3A_575 = arith.constant 1 : i32
      %run_scoped3A_576 = arith.constant 5 : i32
      "tpu.region"() ({
        %run_scoped3A_629 = tpu.sem_alloc : memref<!tpu.dma_semaphore, #tpu.memory_space<semaphore_mem>>
        %dma_start3A_630 = arith.constant 0 : i32
        %dma_start3A_631 = arith.constant 0 : i32
        %dma_start3A_632 = tpu.memref_slice %arg9[%run_scoped3A_574, %dma_start3A_630, %dma_start3A_631] : memref<2x128x128xf32, #tpu.memory_space<vmem>> -> memref<1x128x128xf32, #tpu.memory_space<vmem>>
        %dma_start3A_633 = tpu.memref_squeeze %dma_start3A_632 : memref<1x128x128xf32, #tpu.memory_space<vmem>> -> memref<128x128xf32, #tpu.memory_space<vmem>>
        %dma_start3A_634 = arith.constant 0 : i32
        %dma_start3A_635 = tpu.memref_slice %arg8[%run_scoped3A_575, %run_scoped3A_576, %dma_start3A_634] : memref<2x8x128xi32, #tpu.memory_space<vmem>> -> memref<1x1x128xi32, #tpu.memory_space<vmem>>
        %dma_start3A_636 = tpu.memref_squeeze %dma_start3A_635 : memref<1x1x128xi32, #tpu.memory_space<vmem>> -> memref<128xi32, #tpu.memory_space<vmem>>
        %dma_start3A_637 = arith.constant 0 : i32
        %dma_start3A_638 = arith.constant 0 : i32
        %dma_start3A_639 = tpu.memref_slice %arg10[%dma_start3A_637, %dma_start3A_638] : memref<10240x128xf32, #tpu.memory_space<vmem_shared>> -> memref<10240x128xf32, #tpu.memory_space<vmem_shared>>
        tpu.enqueue_indirect_dma source(%dma_start3A_633 : memref<128x128xf32, #tpu.memory_space<vmem>>) target(%dma_start3A_639 : memref<10240x128xf32, #tpu.memory_space<vmem_shared>>) offsets(%dma_start3A_636 : memref<128xi32, #tpu.memory_space<vmem>>) semaphore(%run_scoped3A_629 : memref<!tpu.dma_semaphore, #tpu.memory_space<semaphore_mem>>) {add = true}
        %dma_wait3A_640 = arith.constant 0 : i32
        %dma_wait3A_641 = arith.constant 0 : i32
        %dma_wait3A_642 = tpu.memref_slice %arg9[%run_scoped3A_574, %dma_wait3A_640, %dma_wait3A_641] : memref<2x128x128xf32, #tpu.memory_space<vmem>> -> memref<1x128x128xf32, #tpu.memory_space<vmem>>
        %dma_wait3A_643 = tpu.memref_squeeze %dma_wait3A_642 : memref<1x128x128xf32, #tpu.memory_space<vmem>> -> memref<128x128xf32, #tpu.memory_space<vmem>>
        %dma_wait3A_644 = arith.constant 0 : i32
        %dma_wait3A_645 = tpu.memref_slice %arg8[%run_scoped3A_575, %run_scoped3A_576, %dma_wait3A_644] : memref<2x8x128xi32, #tpu.memory_space<vmem>> -> memref<1x1x128xi32, #tpu.memory_space<vmem>>
        %dma_wait3A_646 = tpu.memref_squeeze %dma_wait3A_645 : memref<1x1x128xi32, #tpu.memory_space<vmem>> -> memref<128xi32, #tpu.memory_space<vmem>>
        %dma_wait3A_647 = arith.constant 0 : i32
        %dma_wait3A_648 = arith.constant 0 : i32
        %dma_wait3A_649 = tpu.memref_slice %arg10[%dma_wait3A_647, %dma_wait3A_648] : memref<10240x128xf32, #tpu.memory_space<vmem_shared>> -> memref<10240x128xf32, #tpu.memory_space<vmem_shared>>
        tpu.wait_indirect_dma semaphore(%run_scoped3A_629 : memref<!tpu.dma_semaphore, #tpu.memory_space<semaphore_mem>>) src(%dma_wait3A_643 : memref<128x128xf32, #tpu.memory_space<vmem>>) dst(%dma_wait3A_649 : memref<10240x128xf32, #tpu.memory_space<vmem_shared>>)
        tpu.yield
      }) : () -> ()
      %dma_start3A_577 = arith.constant 1 : i32
      %dma_start3A_578 = arith.constant 7 : i32
      %dma_start3A_579 = arith.constant 1 : i32
      %dma_start3A_580 = arith.constant 0 : i32
      %dma_start3A_581 = arith.constant 0 : i32
      %dma_start3A_582 = tpu.memref_slice %arg9[%dma_start3A_579, %dma_start3A_580, %dma_start3A_581] : memref<2x128x128xf32, #tpu.memory_space<vmem>> -> memref<1x128x128xf32, #tpu.memory_space<vmem>>
      %dma_start3A_583 = tpu.memref_squeeze %dma_start3A_582 : memref<1x128x128xf32, #tpu.memory_space<vmem>> -> memref<128x128xf32, #tpu.memory_space<vmem>>
      %dma_start3A_584 = arith.constant 0 : i32
      %dma_start3A_585 = tpu.memref_slice %arg7[%dma_start3A_577, %dma_start3A_578, %dma_start3A_584] : memref<2x8x128xi32, #tpu.memory_space<vmem>> -> memref<1x1x128xi32, #tpu.memory_space<vmem>>
      %dma_start3A_586 = tpu.memref_squeeze %dma_start3A_585 : memref<1x1x128xi32, #tpu.memory_space<vmem>> -> memref<128xi32, #tpu.memory_space<vmem>>
      %dma_start3A_587 = arith.constant 0 : i32
      %dma_start3A_588 = arith.constant 0 : i32
      %dma_start3A_589 = tpu.memref_slice %arg2[%dma_start3A_587, %dma_start3A_588] : memref<20480x128xf32, #tpu.memory_space<hbm>> -> memref<20480x128xf32, #tpu.memory_space<hbm>>
      tpu.enqueue_indirect_dma source(%dma_start3A_589 : memref<20480x128xf32, #tpu.memory_space<hbm>>) target(%dma_start3A_583 : memref<128x128xf32, #tpu.memory_space<vmem>>) offsets(%dma_start3A_586 : memref<128xi32, #tpu.memory_space<vmem>>) semaphore(%arg14 : memref<!tpu.dma_semaphore, #tpu.memory_space<semaphore_mem>>)
      %dma_wait3A_590 = arith.constant 0 : i32
      %dma_wait3A_591 = arith.constant 0 : i32
      %dma_wait3A_592 = arith.constant 0 : i32
      %dma_wait3A_593 = arith.constant 0 : i32
      %dma_wait3A_594 = arith.constant 0 : i32
      %dma_wait3A_595 = tpu.memref_slice %arg9[%dma_wait3A_592, %dma_wait3A_593, %dma_wait3A_594] : memref<2x128x128xf32, #tpu.memory_space<vmem>> -> memref<1x128x128xf32, #tpu.memory_space<vmem>>
      %dma_wait3A_596 = tpu.memref_squeeze %dma_wait3A_595 : memref<1x128x128xf32, #tpu.memory_space<vmem>> -> memref<128x128xf32, #tpu.memory_space<vmem>>
      %dma_wait3A_597 = arith.constant 0 : i32
      %dma_wait3A_598 = tpu.memref_slice %arg7[%dma_wait3A_590, %dma_wait3A_591, %dma_wait3A_597] : memref<2x8x128xi32, #tpu.memory_space<vmem>> -> memref<1x1x128xi32, #tpu.memory_space<vmem>>
      %dma_wait3A_599 = tpu.memref_squeeze %dma_wait3A_598 : memref<1x1x128xi32, #tpu.memory_space<vmem>> -> memref<128xi32, #tpu.memory_space<vmem>>
      %dma_wait3A_600 = arith.constant 0 : i32
      %dma_wait3A_601 = arith.constant 0 : i32
      %dma_wait3A_602 = tpu.memref_slice %arg2[%dma_wait3A_600, %dma_wait3A_601] : memref<20480x128xf32, #tpu.memory_space<hbm>> -> memref<20480x128xf32, #tpu.memory_space<hbm>>
      tpu.wait_indirect_dma semaphore(%arg13 : memref<!tpu.dma_semaphore, #tpu.memory_space<semaphore_mem>>) src(%dma_wait3A_602 : memref<20480x128xf32, #tpu.memory_space<hbm>>) dst(%dma_wait3A_596 : memref<128x128xf32, #tpu.memory_space<vmem>>)
      %run_scoped3A_603 = arith.constant 0 : i32
      %run_scoped3A_604 = arith.constant 1 : i32
      %run_scoped3A_605 = arith.constant 6 : i32
      "tpu.region"() ({
        %run_scoped3A_629 = tpu.sem_alloc : memref<!tpu.dma_semaphore, #tpu.memory_space<semaphore_mem>>
        %dma_start3A_630 = arith.constant 0 : i32
        %dma_start3A_631 = arith.constant 0 : i32
        %dma_start3A_632 = tpu.memref_slice %arg9[%run_scoped3A_603, %dma_start3A_630, %dma_start3A_631] : memref<2x128x128xf32, #tpu.memory_space<vmem>> -> memref<1x128x128xf32, #tpu.memory_space<vmem>>
        %dma_start3A_633 = tpu.memref_squeeze %dma_start3A_632 : memref<1x128x128xf32, #tpu.memory_space<vmem>> -> memref<128x128xf32, #tpu.memory_space<vmem>>
        %dma_start3A_634 = arith.constant 0 : i32
        %dma_start3A_635 = tpu.memref_slice %arg8[%run_scoped3A_604, %run_scoped3A_605, %dma_start3A_634] : memref<2x8x128xi32, #tpu.memory_space<vmem>> -> memref<1x1x128xi32, #tpu.memory_space<vmem>>
        %dma_start3A_636 = tpu.memref_squeeze %dma_start3A_635 : memref<1x1x128xi32, #tpu.memory_space<vmem>> -> memref<128xi32, #tpu.memory_space<vmem>>
        %dma_start3A_637 = arith.constant 0 : i32
        %dma_start3A_638 = arith.constant 0 : i32
        %dma_start3A_639 = tpu.memref_slice %arg10[%dma_start3A_637, %dma_start3A_638] : memref<10240x128xf32, #tpu.memory_space<vmem_shared>> -> memref<10240x128xf32, #tpu.memory_space<vmem_shared>>
        tpu.enqueue_indirect_dma source(%dma_start3A_633 : memref<128x128xf32, #tpu.memory_space<vmem>>) target(%dma_start3A_639 : memref<10240x128xf32, #tpu.memory_space<vmem_shared>>) offsets(%dma_start3A_636 : memref<128xi32, #tpu.memory_space<vmem>>) semaphore(%run_scoped3A_629 : memref<!tpu.dma_semaphore, #tpu.memory_space<semaphore_mem>>) {add = true}
        %dma_wait3A_640 = arith.constant 0 : i32
        %dma_wait3A_641 = arith.constant 0 : i32
        %dma_wait3A_642 = tpu.memref_slice %arg9[%run_scoped3A_603, %dma_wait3A_640, %dma_wait3A_641] : memref<2x128x128xf32, #tpu.memory_space<vmem>> -> memref<1x128x128xf32, #tpu.memory_space<vmem>>
        %dma_wait3A_643 = tpu.memref_squeeze %dma_wait3A_642 : memref<1x128x128xf32, #tpu.memory_space<vmem>> -> memref<128x128xf32, #tpu.memory_space<vmem>>
        %dma_wait3A_644 = arith.constant 0 : i32
        %dma_wait3A_645 = tpu.memref_slice %arg8[%run_scoped3A_604, %run_scoped3A_605, %dma_wait3A_644] : memref<2x8x128xi32, #tpu.memory_space<vmem>> -> memref<1x1x128xi32, #tpu.memory_space<vmem>>
        %dma_wait3A_646 = tpu.memref_squeeze %dma_wait3A_645 : memref<1x1x128xi32, #tpu.memory_space<vmem>> -> memref<128xi32, #tpu.memory_space<vmem>>
        %dma_wait3A_647 = arith.constant 0 : i32
        %dma_wait3A_648 = arith.constant 0 : i32
        %dma_wait3A_649 = tpu.memref_slice %arg10[%dma_wait3A_647, %dma_wait3A_648] : memref<10240x128xf32, #tpu.memory_space<vmem_shared>> -> memref<10240x128xf32, #tpu.memory_space<vmem_shared>>
        tpu.wait_indirect_dma semaphore(%run_scoped3A_629 : memref<!tpu.dma_semaphore, #tpu.memory_space<semaphore_mem>>) src(%dma_wait3A_643 : memref<128x128xf32, #tpu.memory_space<vmem>>) dst(%dma_wait3A_649 : memref<10240x128xf32, #tpu.memory_space<vmem_shared>>)
        tpu.yield
      }) : () -> ()
      %dma_wait3A_606 = arith.constant 0 : i32
      %dma_wait3A_607 = arith.constant 0 : i32
      %dma_wait3A_608 = arith.constant 1 : i32
      %dma_wait3A_609 = arith.constant 0 : i32
      %dma_wait3A_610 = arith.constant 0 : i32
      %dma_wait3A_611 = tpu.memref_slice %arg9[%dma_wait3A_608, %dma_wait3A_609, %dma_wait3A_610] : memref<2x128x128xf32, #tpu.memory_space<vmem>> -> memref<1x128x128xf32, #tpu.memory_space<vmem>>
      %dma_wait3A_612 = tpu.memref_squeeze %dma_wait3A_611 : memref<1x128x128xf32, #tpu.memory_space<vmem>> -> memref<128x128xf32, #tpu.memory_space<vmem>>
      %dma_wait3A_613 = arith.constant 0 : i32
      %dma_wait3A_614 = tpu.memref_slice %arg7[%dma_wait3A_606, %dma_wait3A_607, %dma_wait3A_613] : memref<2x8x128xi32, #tpu.memory_space<vmem>> -> memref<1x1x128xi32, #tpu.memory_space<vmem>>
      %dma_wait3A_615 = tpu.memref_squeeze %dma_wait3A_614 : memref<1x1x128xi32, #tpu.memory_space<vmem>> -> memref<128xi32, #tpu.memory_space<vmem>>
      %dma_wait3A_616 = arith.constant 0 : i32
      %dma_wait3A_617 = arith.constant 0 : i32
      %dma_wait3A_618 = tpu.memref_slice %arg2[%dma_wait3A_616, %dma_wait3A_617] : memref<20480x128xf32, #tpu.memory_space<hbm>> -> memref<20480x128xf32, #tpu.memory_space<hbm>>
      tpu.wait_indirect_dma semaphore(%arg14 : memref<!tpu.dma_semaphore, #tpu.memory_space<semaphore_mem>>) src(%dma_wait3A_618 : memref<20480x128xf32, #tpu.memory_space<hbm>>) dst(%dma_wait3A_612 : memref<128x128xf32, #tpu.memory_space<vmem>>)
      %run_scoped3A_619 = arith.constant 1 : i32
      %run_scoped3A_620 = arith.constant 1 : i32
      %run_scoped3A_621 = arith.constant 7 : i32
      "tpu.region"() ({
        %run_scoped3A_629 = tpu.sem_alloc : memref<!tpu.dma_semaphore, #tpu.memory_space<semaphore_mem>>
        %dma_start3A_630 = arith.constant 0 : i32
        %dma_start3A_631 = arith.constant 0 : i32
        %dma_start3A_632 = tpu.memref_slice %arg9[%run_scoped3A_619, %dma_start3A_630, %dma_start3A_631] : memref<2x128x128xf32, #tpu.memory_space<vmem>> -> memref<1x128x128xf32, #tpu.memory_space<vmem>>
        %dma_start3A_633 = tpu.memref_squeeze %dma_start3A_632 : memref<1x128x128xf32, #tpu.memory_space<vmem>> -> memref<128x128xf32, #tpu.memory_space<vmem>>
        %dma_start3A_634 = arith.constant 0 : i32
        %dma_start3A_635 = tpu.memref_slice %arg8[%run_scoped3A_620, %run_scoped3A_621, %dma_start3A_634] : memref<2x8x128xi32, #tpu.memory_space<vmem>> -> memref<1x1x128xi32, #tpu.memory_space<vmem>>
        %dma_start3A_636 = tpu.memref_squeeze %dma_start3A_635 : memref<1x1x128xi32, #tpu.memory_space<vmem>> -> memref<128xi32, #tpu.memory_space<vmem>>
        %dma_start3A_637 = arith.constant 0 : i32
        %dma_start3A_638 = arith.constant 0 : i32
        %dma_start3A_639 = tpu.memref_slice %arg10[%dma_start3A_637, %dma_start3A_638] : memref<10240x128xf32, #tpu.memory_space<vmem_shared>> -> memref<10240x128xf32, #tpu.memory_space<vmem_shared>>
        tpu.enqueue_indirect_dma source(%dma_start3A_633 : memref<128x128xf32, #tpu.memory_space<vmem>>) target(%dma_start3A_639 : memref<10240x128xf32, #tpu.memory_space<vmem_shared>>) offsets(%dma_start3A_636 : memref<128xi32, #tpu.memory_space<vmem>>) semaphore(%run_scoped3A_629 : memref<!tpu.dma_semaphore, #tpu.memory_space<semaphore_mem>>) {add = true}
        %dma_wait3A_640 = arith.constant 0 : i32
        %dma_wait3A_641 = arith.constant 0 : i32
        %dma_wait3A_642 = tpu.memref_slice %arg9[%run_scoped3A_619, %dma_wait3A_640, %dma_wait3A_641] : memref<2x128x128xf32, #tpu.memory_space<vmem>> -> memref<1x128x128xf32, #tpu.memory_space<vmem>>
        %dma_wait3A_643 = tpu.memref_squeeze %dma_wait3A_642 : memref<1x128x128xf32, #tpu.memory_space<vmem>> -> memref<128x128xf32, #tpu.memory_space<vmem>>
        %dma_wait3A_644 = arith.constant 0 : i32
        %dma_wait3A_645 = tpu.memref_slice %arg8[%run_scoped3A_620, %run_scoped3A_621, %dma_wait3A_644] : memref<2x8x128xi32, #tpu.memory_space<vmem>> -> memref<1x1x128xi32, #tpu.memory_space<vmem>>
        %dma_wait3A_646 = tpu.memref_squeeze %dma_wait3A_645 : memref<1x1x128xi32, #tpu.memory_space<vmem>> -> memref<128xi32, #tpu.memory_space<vmem>>
        %dma_wait3A_647 = arith.constant 0 : i32
        %dma_wait3A_648 = arith.constant 0 : i32
        %dma_wait3A_649 = tpu.memref_slice %arg10[%dma_wait3A_647, %dma_wait3A_648] : memref<10240x128xf32, #tpu.memory_space<vmem_shared>> -> memref<10240x128xf32, #tpu.memory_space<vmem_shared>>
        tpu.wait_indirect_dma semaphore(%run_scoped3A_629 : memref<!tpu.dma_semaphore, #tpu.memory_space<semaphore_mem>>) src(%dma_wait3A_643 : memref<128x128xf32, #tpu.memory_space<vmem>>) dst(%dma_wait3A_649 : memref<10240x128xf32, #tpu.memory_space<vmem_shared>>)
        tpu.yield
      }) : () -> ()
      %add3A_622 = arith.constant 3 : i32
      %add3A_623 = arith.addi %mul3A_86, %add3A_622 : i32
      %lt3A_624 = arith.constant 20 : i32
      %lt3A_625 = arith.cmpi slt, %add3A_623, %lt3A_624 : i32
      %convert_element_type3A_626 = arith.extui %lt3A_625 : i1 to i32
      %cond3A_627 = arith.constant 0 : i32
      %cond3A_628 = arith.cmpi ne, %convert_element_type3A_626, %cond3A_627 : i32
      scf.if %cond3A_628 {
        %add3A_629 = arith.constant 3 : i32
        %add3A_630 = arith.addi %mul3A_86, %add3A_629 : i32
        %dma_start3A_631 = arith.constant 1 : i32
        %dma_start3A_632 = arith.constant 0 : i32
        %dma_start3A_633 = arith.constant 0 : i32
        %dma_start3A_634 = tpu.memref_slice %arg7[%dma_start3A_631, %dma_start3A_632, %dma_start3A_633] : memref<2x8x128xi32, #tpu.memory_space<vmem>> -> memref<1x8x128xi32, #tpu.memory_space<vmem>>
        %dma_start3A_635 = tpu.memref_squeeze %dma_start3A_634 : memref<1x8x128xi32, #tpu.memory_space<vmem>> -> memref<8x128xi32, #tpu.memory_space<vmem>>
        %dma_start3A_636 = arith.constant 0 : i32
        %dma_start3A_637 = arith.constant 0 : i32
        %dma_start3A_638 = tpu.memref_slice %arg3[%arg0, %arg1, %add3A_630, %dma_start3A_636, %dma_start3A_637] : memref<2x16x20x8x128xi32, #tpu.memory_space<hbm>> -> memref<1x1x1x8x128xi32, #tpu.memory_space<hbm>>
        %dma_start3A_639 = tpu.memref_squeeze %dma_start3A_638 : memref<1x1x1x8x128xi32, #tpu.memory_space<hbm>> -> memref<8x128xi32, #tpu.memory_space<hbm>>
        %dma_start3A_640 = arith.constant 0 : i32
        %dma_start3A_641 = arith.constant 0 : i32
        %dma_start3A_642 = tpu.memref_slice %arg7[%dma_start3A_631, %dma_start3A_640, %dma_start3A_641] : memref<2x8x128xi32, #tpu.memory_space<vmem>> -> memref<1x8x128xi32, #tpu.memory_space<vmem>>
        %dma_start3A_643 = tpu.memref_squeeze %dma_start3A_642 : memref<1x8x128xi32, #tpu.memory_space<vmem>> -> memref<8x128xi32, #tpu.memory_space<vmem>>
        %dma_start3A_644 = arith.constant 0 : i32
        %dma_start3A_645 = arith.constant 0 : i32
        %dma_start3A_646 = tpu.memref_slice %arg3[%arg0, %arg1, %add3A_630, %dma_start3A_644, %dma_start3A_645] : memref<2x16x20x8x128xi32, #tpu.memory_space<hbm>> -> memref<1x1x1x8x128xi32, #tpu.memory_space<hbm>>
        %dma_start3A_647 = tpu.memref_squeeze %dma_start3A_646 : memref<1x1x1x8x128xi32, #tpu.memory_space<hbm>> -> memref<8x128xi32, #tpu.memory_space<hbm>>
        tpu.enqueue_dma source(%dma_start3A_647 : memref<8x128xi32, #tpu.memory_space<hbm>>) target(%dma_start3A_643 : memref<8x128xi32, #tpu.memory_space<vmem>>) target_semaphore(%arg12 : memref<!tpu.dma_semaphore, #tpu.memory_space<semaphore_mem>>)
        %dma_start3A_648 = arith.constant 1 : i32
        %dma_start3A_649 = arith.constant 0 : i32
        %dma_start3A_650 = arith.constant 0 : i32
        %dma_start3A_651 = tpu.memref_slice %arg8[%dma_start3A_648, %dma_start3A_649, %dma_start3A_650] : memref<2x8x128xi32, #tpu.memory_space<vmem>> -> memref<1x8x128xi32, #tpu.memory_space<vmem>>
        %dma_start3A_652 = tpu.memref_squeeze %dma_start3A_651 : memref<1x8x128xi32, #tpu.memory_space<vmem>> -> memref<8x128xi32, #tpu.memory_space<vmem>>
        %dma_start3A_653 = arith.constant 0 : i32
        %dma_start3A_654 = arith.constant 0 : i32
        %dma_start3A_655 = tpu.memref_slice %arg4[%arg1, %add3A_630, %dma_start3A_653, %dma_start3A_654] : memref<16x20x8x128xi32, #tpu.memory_space<hbm>> -> memref<1x1x8x128xi32, #tpu.memory_space<hbm>>
        %dma_start3A_656 = tpu.memref_squeeze %dma_start3A_655 : memref<1x1x8x128xi32, #tpu.memory_space<hbm>> -> memref<8x128xi32, #tpu.memory_space<hbm>>
        %dma_start3A_657 = arith.constant 0 : i32
        %dma_start3A_658 = arith.constant 0 : i32
        %dma_start3A_659 = tpu.memref_slice %arg8[%dma_start3A_648, %dma_start3A_657, %dma_start3A_658] : memref<2x8x128xi32, #tpu.memory_space<vmem>> -> memref<1x8x128xi32, #tpu.memory_space<vmem>>
        %dma_start3A_660 = tpu.memref_squeeze %dma_start3A_659 : memref<1x8x128xi32, #tpu.memory_space<vmem>> -> memref<8x128xi32, #tpu.memory_space<vmem>>
        %dma_start3A_661 = arith.constant 0 : i32
        %dma_start3A_662 = arith.constant 0 : i32
        %dma_start3A_663 = tpu.memref_slice %arg4[%arg1, %add3A_630, %dma_start3A_661, %dma_start3A_662] : memref<16x20x8x128xi32, #tpu.memory_space<hbm>> -> memref<1x1x8x128xi32, #tpu.memory_space<hbm>>
        %dma_start3A_664 = tpu.memref_squeeze %dma_start3A_663 : memref<1x1x8x128xi32, #tpu.memory_space<hbm>> -> memref<8x128xi32, #tpu.memory_space<hbm>>
        tpu.enqueue_dma source(%dma_start3A_664 : memref<8x128xi32, #tpu.memory_space<hbm>>) target(%dma_start3A_660 : memref<8x128xi32, #tpu.memory_space<vmem>>) target_semaphore(%arg12 : memref<!tpu.dma_semaphore, #tpu.memory_space<semaphore_mem>>)
      } else {
      }
    }
    %scan3A_78 = arith.constant 10 : i32
    %barrier3A_79 = arith.constant 0 : index
    tpu.barrier barrier_id(%barrier3A_79)
    %mul3A_80 = arith.constant 640 : i32
    %mul3A_81 = arith.muli %arg1, %mul3A_80 : i32
    %mul3A_82 = arith.constant 640 : i32
    %mul3A_83 = arith.muli %arg1, %mul3A_82 : i32
    "tpu.region"() ({
      %run_scoped3A = tpu.sem_alloc : memref<!tpu.dma_semaphore, #tpu.memory_space<semaphore_mem>>
      %dma_start3A_84 = arith.constant 0 : i32
      %dma_start3A_85 = tpu.memref_slice %arg6[%arg0, %mul3A_83, %dma_start3A_84] : memref<2x10240x128xf32, #tpu.memory_space<hbm>> -> memref<1x640x128xf32, #tpu.memory_space<hbm>>
      %dma_start3A_86 = tpu.memref_squeeze %dma_start3A_85 : memref<1x640x128xf32, #tpu.memory_space<hbm>> -> memref<640x128xf32, #tpu.memory_space<hbm>>
      %dma_start3A_87 = arith.constant 0 : i32
      %dma_start3A_88 = tpu.memref_slice %arg10[%mul3A_81, %dma_start3A_87] : memref<10240x128xf32, #tpu.memory_space<vmem_shared>> -> memref<640x128xf32, #tpu.memory_space<vmem_shared>>
      tpu.enqueue_dma source(%dma_start3A_88 : memref<640x128xf32, #tpu.memory_space<vmem_shared>>) target(%dma_start3A_86 : memref<640x128xf32, #tpu.memory_space<hbm>>) target_semaphore(%run_scoped3A : memref<!tpu.dma_semaphore, #tpu.memory_space<semaphore_mem>>)
      %dma_wait3A = arith.constant 0 : i32
      %dma_wait3A_89 = tpu.memref_slice %arg6[%arg0, %mul3A_83, %dma_wait3A] : memref<2x10240x128xf32, #tpu.memory_space<hbm>> -> memref<1x640x128xf32, #tpu.memory_space<hbm>>
      %dma_wait3A_90 = tpu.memref_squeeze %dma_wait3A_89 : memref<1x640x128xf32, #tpu.memory_space<hbm>> -> memref<640x128xf32, #tpu.memory_space<hbm>>
      %dma_wait3A_91 = arith.constant 0 : i32
      %dma_wait3A_92 = tpu.memref_slice %arg10[%mul3A_81, %dma_wait3A_91] : memref<10240x128xf32, #tpu.memory_space<vmem_shared>> -> memref<640x128xf32, #tpu.memory_space<vmem_shared>>
      tpu.wait_dma2 semaphore(%run_scoped3A : memref<!tpu.dma_semaphore, #tpu.memory_space<semaphore_mem>>) src(%dma_wait3A_92 : memref<640x128xf32, #tpu.memory_space<vmem_shared>>) dst(%dma_wait3A_90 : memref<640x128xf32, #tpu.memory_space<hbm>>)
      tpu.yield
    }) : () -> ()
    return
  }
}

#map = affine_map<(d0, d1) -> (0, 0)>
#map1 = affine_map<(d0, d1) -> (0, 0, 0, 0, 0)>
#map2 = affine_map<(d0, d1) -> (0, 0, 0, 0)>
#map3 = affine_map<(d0, d1) -> (0, 0, 0)>
module attributes {stable_mosaic.version = 14 : i64} {
  func.func @k(%arg0: i32, %arg1: i32, %arg2: memref<20480x128xf32, #tpu.memory_space<hbm>>, %arg3: memref<2x16x20x8x128xi32, #tpu.memory_space<hbm>>, %arg4: memref<16x20x8x128xi32, #tpu.memory_space<hbm>>, %arg5: memref<10240x128xf32, #tpu.memory_space<hbm>>, %arg6: memref<2x10240x128xf32, #tpu.memory_space<hbm>>, %arg7: memref<2x8x128xi32, #tpu.memory_space<vmem>>, %arg8: memref<2x8x128xi32, #tpu.memory_space<vmem>>, %arg9: memref<2x128x128xf32, #tpu.memory_space<vmem>>, %arg10: memref<10240x128xf32, #tpu.memory_space<vmem_shared>>, %arg11: memref<!tpu.dma_semaphore, #tpu.memory_space<semaphore_mem>>, %arg12: memref<!tpu.dma_semaphore, #tpu.memory_space<semaphore_mem>>, %arg13: memref<!tpu.dma_semaphore, #tpu.memory_space<semaphore_mem>>, %arg14: memref<!tpu.dma_semaphore, #tpu.memory_space<semaphore_mem>>) attributes {dimension_semantics = [#tpu.dimension_semantics<core_parallel>, #tpu.dimension_semantics<subcore_parallel>], iteration_bounds = array<i64: 2, 16>, scalar_prefetch = 0 : i64, scratch_operands = 8 : i64, tpu.core_type = #tpu.core_type<sc_vector_subcore>, window_params = [{transform_indices = #map}, {transform_indices = #map1}, {transform_indices = #map2}, {transform_indices = #map}, {transform_indices = #map3}]} {
    %mul3A = arith.constant 640 : i32
    %mul3A_0 = arith.muli %arg1, %mul3A : i32
    %mul3A_1 = arith.constant 640 : i32
    %mul3A_2 = arith.muli %arg1, %mul3A_1 : i32
    "tpu.region"() ({
      %run_scoped3A = tpu.sem_alloc : memref<!tpu.dma_semaphore, #tpu.memory_space<semaphore_mem>>
      %dma_start3A_84 = arith.constant 0 : i32
      %dma_start3A_85 = tpu.memref_slice %arg10[%mul3A_2, %dma_start3A_84] : memref<10240x128xf32, #tpu.memory_space<vmem_shared>> -> memref<640x128xf32, #tpu.memory_space<vmem_shared>>
      %dma_start3A_86 = arith.constant 0 : i32
      %dma_start3A_87 = tpu.memref_slice %arg5[%mul3A_0, %dma_start3A_86] : memref<10240x128xf32, #tpu.memory_space<hbm>> -> memref<640x128xf32, #tpu.memory_space<hbm>>
      tpu.enqueue_dma source(%dma_start3A_87 : memref<640x128xf32, #tpu.memory_space<hbm>>) target(%dma_start3A_85 : memref<640x128xf32, #tpu.memory_space<vmem_shared>>) target_semaphore(%run_scoped3A : memref<!tpu.dma_semaphore, #tpu.memory_space<semaphore_mem>>)
      %dma_wait3A = arith.constant 0 : i32
      %dma_wait3A_88 = tpu.memref_slice %arg10[%mul3A_2, %dma_wait3A] : memref<10240x128xf32, #tpu.memory_space<vmem_shared>> -> memref<640x128xf32, #tpu.memory_space<vmem_shared>>
      %dma_wait3A_89 = arith.constant 0 : i32
      %dma_wait3A_90 = tpu.memref_slice %arg5[%mul3A_0, %dma_wait3A_89] : memref<10240x128xf32, #tpu.memory_space<hbm>> -> memref<640x128xf32, #tpu.memory_space<hbm>>
      tpu.wait_dma2 semaphore(%run_scoped3A : memref<!tpu.dma_semaphore, #tpu.memory_space<semaphore_mem>>) src(%dma_wait3A_90 : memref<640x128xf32, #tpu.memory_space<hbm>>) dst(%dma_wait3A_88 : memref<640x128xf32, #tpu.memory_space<vmem_shared>>)
      tpu.yield
    }) : () -> ()
    %dma_start3A = arith.constant 0 : i32
    %dma_start3A_3 = arith.constant 0 : i32
    %dma_start3A_4 = arith.constant 0 : i32
    %dma_start3A_5 = arith.constant 0 : i32
    %dma_start3A_6 = tpu.memref_slice %arg7[%dma_start3A_3, %dma_start3A_4, %dma_start3A_5] : memref<2x8x128xi32, #tpu.memory_space<vmem>> -> memref<1x8x128xi32, #tpu.memory_space<vmem>>
    %dma_start3A_7 = tpu.memref_squeeze %dma_start3A_6 : memref<1x8x128xi32, #tpu.memory_space<vmem>> -> memref<8x128xi32, #tpu.memory_space<vmem>>
    %dma_start3A_8 = arith.constant 0 : i32
    %dma_start3A_9 = arith.constant 0 : i32
    %dma_start3A_10 = tpu.memref_slice %arg3[%arg0, %arg1, %dma_start3A, %dma_start3A_8, %dma_start3A_9] : memref<2x16x20x8x128xi32, #tpu.memory_space<hbm>> -> memref<1x1x1x8x128xi32, #tpu.memory_space<hbm>>
    %dma_start3A_11 = tpu.memref_squeeze %dma_start3A_10 : memref<1x1x1x8x128xi32, #tpu.memory_space<hbm>> -> memref<8x128xi32, #tpu.memory_space<hbm>>
    %dma_start3A_12 = arith.constant 0 : i32
    %dma_start3A_13 = arith.constant 0 : i32
    %dma_start3A_14 = tpu.memref_slice %arg7[%dma_start3A_3, %dma_start3A_12, %dma_start3A_13] : memref<2x8x128xi32, #tpu.memory_space<vmem>> -> memref<1x8x128xi32, #tpu.memory_space<vmem>>
    %dma_start3A_15 = tpu.memref_squeeze %dma_start3A_14 : memref<1x8x128xi32, #tpu.memory_space<vmem>> -> memref<8x128xi32, #tpu.memory_space<vmem>>
    %dma_start3A_16 = arith.constant 0 : i32
    %dma_start3A_17 = arith.constant 0 : i32
    %dma_start3A_18 = tpu.memref_slice %arg3[%arg0, %arg1, %dma_start3A, %dma_start3A_16, %dma_start3A_17] : memref<2x16x20x8x128xi32, #tpu.memory_space<hbm>> -> memref<1x1x1x8x128xi32, #tpu.memory_space<hbm>>
    %dma_start3A_19 = tpu.memref_squeeze %dma_start3A_18 : memref<1x1x1x8x128xi32, #tpu.memory_space<hbm>> -> memref<8x128xi32, #tpu.memory_space<hbm>>
    tpu.enqueue_dma source(%dma_start3A_19 : memref<8x128xi32, #tpu.memory_space<hbm>>) target(%dma_start3A_15 : memref<8x128xi32, #tpu.memory_space<vmem>>) target_semaphore(%arg11 : memref<!tpu.dma_semaphore, #tpu.memory_space<semaphore_mem>>)
    %dma_start3A_20 = arith.constant 0 : i32
    %dma_start3A_21 = arith.constant 0 : i32
    %dma_start3A_22 = arith.constant 0 : i32
    %dma_start3A_23 = arith.constant 0 : i32
    %dma_start3A_24 = tpu.memref_slice %arg8[%dma_start3A_21, %dma_start3A_22, %dma_start3A_23] : memref<2x8x128xi32, #tpu.memory_space<vmem>> -> memref<1x8x128xi32, #tpu.memory_space<vmem>>
    %dma_start3A_25 = tpu.memref_squeeze %dma_start3A_24 : memref<1x8x128xi32, #tpu.memory_space<vmem>> -> memref<8x128xi32, #tpu.memory_space<vmem>>
    %dma_start3A_26 = arith.constant 0 : i32
    %dma_start3A_27 = arith.constant 0 : i32
    %dma_start3A_28 = tpu.memref_slice %arg4[%arg1, %dma_start3A_20, %dma_start3A_26, %dma_start3A_27] : memref<16x20x8x128xi32, #tpu.memory_space<hbm>> -> memref<1x1x8x128xi32, #tpu.memory_space<hbm>>
    %dma_start3A_29 = tpu.memref_squeeze %dma_start3A_28 : memref<1x1x8x128xi32, #tpu.memory_space<hbm>> -> memref<8x128xi32, #tpu.memory_space<hbm>>
    %dma_start3A_30 = arith.constant 0 : i32
    %dma_start3A_31 = arith.constant 0 : i32
    %dma_start3A_32 = tpu.memref_slice %arg8[%dma_start3A_21, %dma_start3A_30, %dma_start3A_31] : memref<2x8x128xi32, #tpu.memory_space<vmem>> -> memref<1x8x128xi32, #tpu.memory_space<vmem>>
    %dma_start3A_33 = tpu.memref_squeeze %dma_start3A_32 : memref<1x8x128xi32, #tpu.memory_space<vmem>> -> memref<8x128xi32, #tpu.memory_space<vmem>>
    %dma_start3A_34 = arith.constant 0 : i32
    %dma_start3A_35 = arith.constant 0 : i32
    %dma_start3A_36 = tpu.memref_slice %arg4[%arg1, %dma_start3A_20, %dma_start3A_34, %dma_start3A_35] : memref<16x20x8x128xi32, #tpu.memory_space<hbm>> -> memref<1x1x8x128xi32, #tpu.memory_space<hbm>>
    %dma_start3A_37 = tpu.memref_squeeze %dma_start3A_36 : memref<1x1x8x128xi32, #tpu.memory_space<hbm>> -> memref<8x128xi32, #tpu.memory_space<hbm>>
    tpu.enqueue_dma source(%dma_start3A_37 : memref<8x128xi32, #tpu.memory_space<hbm>>) target(%dma_start3A_33 : memref<8x128xi32, #tpu.memory_space<vmem>>) target_semaphore(%arg11 : memref<!tpu.dma_semaphore, #tpu.memory_space<semaphore_mem>>)
    %dma_start3A_38 = arith.constant 1 : i32
    %dma_start3A_39 = arith.constant 1 : i32
    %dma_start3A_40 = arith.constant 0 : i32
    %dma_start3A_41 = arith.constant 0 : i32
    %dma_start3A_42 = tpu.memref_slice %arg7[%dma_start3A_39, %dma_start3A_40, %dma_start3A_41] : memref<2x8x128xi32, #tpu.memory_space<vmem>> -> memref<1x8x128xi32, #tpu.memory_space<vmem>>
    %dma_start3A_43 = tpu.memref_squeeze %dma_start3A_42 : memref<1x8x128xi32, #tpu.memory_space<vmem>> -> memref<8x128xi32, #tpu.memory_space<vmem>>
    %dma_start3A_44 = arith.constant 0 : i32
    %dma_start3A_45 = arith.constant 0 : i32
    %dma_start3A_46 = tpu.memref_slice %arg3[%arg0, %arg1, %dma_start3A_38, %dma_start3A_44, %dma_start3A_45] : memref<2x16x20x8x128xi32, #tpu.memory_space<hbm>> -> memref<1x1x1x8x128xi32, #tpu.memory_space<hbm>>
    %dma_start3A_47 = tpu.memref_squeeze %dma_start3A_46 : memref<1x1x1x8x128xi32, #tpu.memory_space<hbm>> -> memref<8x128xi32, #tpu.memory_space<hbm>>
    %dma_start3A_48 = arith.constant 0 : i32
    %dma_start3A_49 = arith.constant 0 : i32
    %dma_start3A_50 = tpu.memref_slice %arg7[%dma_start3A_39, %dma_start3A_48, %dma_start3A_49] : memref<2x8x128xi32, #tpu.memory_space<vmem>> -> memref<1x8x128xi32, #tpu.memory_space<vmem>>
    %dma_start3A_51 = tpu.memref_squeeze %dma_start3A_50 : memref<1x8x128xi32, #tpu.memory_space<vmem>> -> memref<8x128xi32, #tpu.memory_space<vmem>>
    %dma_start3A_52 = arith.constant 0 : i32
    %dma_start3A_53 = arith.constant 0 : i32
    %dma_start3A_54 = tpu.memref_slice %arg3[%arg0, %arg1, %dma_start3A_38, %dma_start3A_52, %dma_start3A_53] : memref<2x16x20x8x128xi32, #tpu.memory_space<hbm>> -> memref<1x1x1x8x128xi32, #tpu.memory_space<hbm>>
    %dma_start3A_55 = tpu.memref_squeeze %dma_start3A_54 : memref<1x1x1x8x128xi32, #tpu.memory_space<hbm>> -> memref<8x128xi32, #tpu.memory_space<hbm>>
    tpu.enqueue_dma source(%dma_start3A_55 : memref<8x128xi32, #tpu.memory_space<hbm>>) target(%dma_start3A_51 : memref<8x128xi32, #tpu.memory_space<vmem>>) target_semaphore(%arg12 : memref<!tpu.dma_semaphore, #tpu.memory_space<semaphore_mem>>)
    %dma_start3A_56 = arith.constant 1 : i32
    %dma_start3A_57 = arith.constant 1 : i32
    %dma_start3A_58 = arith.constant 0 : i32
    %dma_start3A_59 = arith.constant 0 : i32
    %dma_start3A_60 = tpu.memref_slice %arg8[%dma_start3A_57, %dma_start3A_58, %dma_start3A_59] : memref<2x8x128xi32, #tpu.memory_space<vmem>> -> memref<1x8x128xi32, #tpu.memory_space<vmem>>
    %dma_start3A_61 = tpu.memref_squeeze %dma_start3A_60 : memref<1x8x128xi32, #tpu.memory_space<vmem>> -> memref<8x128xi32, #tpu.memory_space<vmem>>
    %dma_start3A_62 = arith.constant 0 : i32
    %dma_start3A_63 = arith.constant 0 : i32
    %dma_start3A_64 = tpu.memref_slice %arg4[%arg1, %dma_start3A_56, %dma_start3A_62, %dma_start3A_63] : memref<16x20x8x128xi32, #tpu.memory_space<hbm>> -> memref<1x1x8x128xi32, #tpu.memory_space<hbm>>
    %dma_start3A_65 = tpu.memref_squeeze %dma_start3A_64 : memref<1x1x8x128xi32, #tpu.memory_space<hbm>> -> memref<8x128xi32, #tpu.memory_space<hbm>>
    %dma_start3A_66 = arith.constant 0 : i32
    %dma_start3A_67 = arith.constant 0 : i32
    %dma_start3A_68 = tpu.memref_slice %arg8[%dma_start3A_57, %dma_start3A_66, %dma_start3A_67] : memref<2x8x128xi32, #tpu.memory_space<vmem>> -> memref<1x8x128xi32, #tpu.memory_space<vmem>>
    %dma_start3A_69 = tpu.memref_squeeze %dma_start3A_68 : memref<1x8x128xi32, #tpu.memory_space<vmem>> -> memref<8x128xi32, #tpu.memory_space<vmem>>
    %dma_start3A_70 = arith.constant 0 : i32
    %dma_start3A_71 = arith.constant 0 : i32
    %dma_start3A_72 = tpu.memref_slice %arg4[%arg1, %dma_start3A_56, %dma_start3A_70, %dma_start3A_71] : memref<16x20x8x128xi32, #tpu.memory_space<hbm>> -> memref<1x1x8x128xi32, #tpu.memory_space<hbm>>
    %dma_start3A_73 = tpu.memref_squeeze %dma_start3A_72 : memref<1x1x8x128xi32, #tpu.memory_space<hbm>> -> memref<8x128xi32, #tpu.memory_space<hbm>>
    tpu.enqueue_dma source(%dma_start3A_73 : memref<8x128xi32, #tpu.memory_space<hbm>>) target(%dma_start3A_69 : memref<8x128xi32, #tpu.memory_space<vmem>>) target_semaphore(%arg12 : memref<!tpu.dma_semaphore, #tpu.memory_space<semaphore_mem>>)
    %barrier3A = arith.constant 0 : index
    tpu.barrier barrier_id(%barrier3A)
    %scan3A = arith.constant 0 : i32
    %scan3A_74 = arith.constant 0 : i32
    %scan3A_75 = arith.constant 10 : i32
    %scan3A_76 = arith.addi %scan3A_74, %scan3A_75 : i32
    %scan3A_77 = arith.constant 1 : i32
    scf.for %scan3A_84 = %scan3A_74 to %scan3A_76 step %scan3A_77  : i32 {
      %mul3A_85 = arith.constant 2 : i32
      %mul3A_86 = arith.muli %mul3A_85, %scan3A_84 : i32
      %dma_wait3A = arith.constant 0 : i32
      %dma_wait3A_87 = arith.constant 0 : i32
      %dma_wait3A_88 = arith.constant 0 : i32
      %dma_wait3A_89 = tpu.memref_slice %arg7[%dma_wait3A, %dma_wait3A_87, %dma_wait3A_88] : memref<2x8x128xi32, #tpu.memory_space<vmem>> -> memref<1x8x128xi32, #tpu.memory_space<vmem>>
      %dma_wait3A_90 = tpu.memref_squeeze %dma_wait3A_89 : memref<1x8x128xi32, #tpu.memory_space<vmem>> -> memref<8x128xi32, #tpu.memory_space<vmem>>
      %dma_wait3A_91 = arith.constant 0 : i32
      %dma_wait3A_92 = arith.constant 0 : i32
      %dma_wait3A_93 = tpu.memref_slice %arg3[%arg0, %arg1, %mul3A_86, %dma_wait3A_91, %dma_wait3A_92] : memref<2x16x20x8x128xi32, #tpu.memory_space<hbm>> -> memref<1x1x1x8x128xi32, #tpu.memory_space<hbm>>
      %dma_wait3A_94 = tpu.memref_squeeze %dma_wait3A_93 : memref<1x1x1x8x128xi32, #tpu.memory_space<hbm>> -> memref<8x128xi32, #tpu.memory_space<hbm>>
      %dma_wait3A_95 = arith.constant 0 : i32
      %dma_wait3A_96 = arith.constant 0 : i32
      %dma_wait3A_97 = tpu.memref_slice %arg7[%dma_wait3A, %dma_wait3A_95, %dma_wait3A_96] : memref<2x8x128xi32, #tpu.memory_space<vmem>> -> memref<1x8x128xi32, #tpu.memory_space<vmem>>
      %dma_wait3A_98 = tpu.memref_squeeze %dma_wait3A_97 : memref<1x8x128xi32, #tpu.memory_space<vmem>> -> memref<8x128xi32, #tpu.memory_space<vmem>>
      %dma_wait3A_99 = arith.constant 0 : i32
      %dma_wait3A_100 = arith.constant 0 : i32
      %dma_wait3A_101 = tpu.memref_slice %arg3[%arg0, %arg1, %mul3A_86, %dma_wait3A_99, %dma_wait3A_100] : memref<2x16x20x8x128xi32, #tpu.memory_space<hbm>> -> memref<1x1x1x8x128xi32, #tpu.memory_space<hbm>>
      %dma_wait3A_102 = tpu.memref_squeeze %dma_wait3A_101 : memref<1x1x1x8x128xi32, #tpu.memory_space<hbm>> -> memref<8x128xi32, #tpu.memory_space<hbm>>
      tpu.wait_dma2 semaphore(%arg11 : memref<!tpu.dma_semaphore, #tpu.memory_space<semaphore_mem>>) src(%dma_wait3A_102 : memref<8x128xi32, #tpu.memory_space<hbm>>) dst(%dma_wait3A_98 : memref<8x128xi32, #tpu.memory_space<vmem>>)
      %dma_wait3A_103 = arith.constant 0 : i32
      %dma_wait3A_104 = arith.constant 0 : i32
      %dma_wait3A_105 = arith.constant 0 : i32
      %dma_wait3A_106 = tpu.memref_slice %arg8[%dma_wait3A_103, %dma_wait3A_104, %dma_wait3A_105] : memref<2x8x128xi32, #tpu.memory_space<vmem>> -> memref<1x8x128xi32, #tpu.memory_space<vmem>>
      %dma_wait3A_107 = tpu.memref_squeeze %dma_wait3A_106 : memref<1x8x128xi32, #tpu.memory_space<vmem>> -> memref<8x128xi32, #tpu.memory_space<vmem>>
      %dma_wait3A_108 = arith.constant 0 : i32
      %dma_wait3A_109 = arith.constant 0 : i32
      %dma_wait3A_110 = tpu.memref_slice %arg4[%arg1, %mul3A_86, %dma_wait3A_108, %dma_wait3A_109] : memref<16x20x8x128xi32, #tpu.memory_space<hbm>> -> memref<1x1x8x128xi32, #tpu.memory_space<hbm>>
      %dma_wait3A_111 = tpu.memref_squeeze %dma_wait3A_110 : memref<1x1x8x128xi32, #tpu.memory_space<hbm>> -> memref<8x128xi32, #tpu.memory_space<hbm>>
      %dma_wait3A_112 = arith.constant 0 : i32
      %dma_wait3A_113 = arith.constant 0 : i32
      %dma_wait3A_114 = tpu.memref_slice %arg8[%dma_wait3A_103, %dma_wait3A_112, %dma_wait3A_113] : memref<2x8x128xi32, #tpu.memory_space<vmem>> -> memref<1x8x128xi32, #tpu.memory_space<vmem>>
      %dma_wait3A_115 = tpu.memref_squeeze %dma_wait3A_114 : memref<1x8x128xi32, #tpu.memory_space<vmem>> -> memref<8x128xi32, #tpu.memory_space<vmem>>
      %dma_wait3A_116 = arith.constant 0 : i32
      %dma_wait3A_117 = arith.constant 0 : i32
      %dma_wait3A_118 = tpu.memref_slice %arg4[%arg1, %mul3A_86, %dma_wait3A_116, %dma_wait3A_117] : memref<16x20x8x128xi32, #tpu.memory_space<hbm>> -> memref<1x1x8x128xi32, #tpu.memory_space<hbm>>
      %dma_wait3A_119 = tpu.memref_squeeze %dma_wait3A_118 : memref<1x1x8x128xi32, #tpu.memory_space<hbm>> -> memref<8x128xi32, #tpu.memory_space<hbm>>
      tpu.wait_dma2 semaphore(%arg11 : memref<!tpu.dma_semaphore, #tpu.memory_space<semaphore_mem>>) src(%dma_wait3A_119 : memref<8x128xi32, #tpu.memory_space<hbm>>) dst(%dma_wait3A_115 : memref<8x128xi32, #tpu.memory_space<vmem>>)
      %dma_start3A_120 = arith.constant 0 : i32
      %dma_start3A_121 = arith.constant 0 : i32
      %dma_start3A_122 = arith.constant 0 : i32
      %dma_start3A_123 = arith.constant 0 : i32
      %dma_start3A_124 = arith.constant 0 : i32
      %dma_start3A_125 = tpu.memref_slice %arg9[%dma_start3A_122, %dma_start3A_123, %dma_start3A_124] : memref<2x128x128xf32, #tpu.memory_space<vmem>> -> memref<1x128x128xf32, #tpu.memory_space<vmem>>
      %dma_start3A_126 = tpu.memref_squeeze %dma_start3A_125 : memref<1x128x128xf32, #tpu.memory_space<vmem>> -> memref<128x128xf32, #tpu.memory_space<vmem>>
      %dma_start3A_127 = arith.constant 0 : i32
      %dma_start3A_128 = tpu.memref_slice %arg7[%dma_start3A_120, %dma_start3A_121, %dma_start3A_127] : memref<2x8x128xi32, #tpu.memory_space<vmem>> -> memref<1x1x128xi32, #tpu.memory_space<vmem>>
      %dma_start3A_129 = tpu.memref_squeeze %dma_start3A_128 : memref<1x1x128xi32, #tpu.memory_space<vmem>> -> memref<128xi32, #tpu.memory_space<vmem>>
      %dma_start3A_130 = arith.constant 0 : i32
      %dma_start3A_131 = arith.constant 0 : i32
      %dma_start3A_132 = tpu.memref_slice %arg2[%dma_start3A_130, %dma_start3A_131] : memref<20480x128xf32, #tpu.memory_space<hbm>> -> memref<20480x128xf32, #tpu.memory_space<hbm>>
      tpu.enqueue_indirect_dma source(%dma_start3A_132 : memref<20480x128xf32, #tpu.memory_space<hbm>>) target(%dma_start3A_126 : memref<128x128xf32, #tpu.memory_space<vmem>>) offsets(%dma_start3A_129 : memref<128xi32, #tpu.memory_space<vmem>>) semaphore(%arg13 : memref<!tpu.dma_semaphore, #tpu.memory_space<semaphore_mem>>)
      %dma_start3A_133 = arith.constant 0 : i32
      %dma_start3A_134 = arith.constant 1 : i32
      %dma_start3A_135 = arith.constant 1 : i32
      %dma_start3A_136 = arith.constant 0 : i32
      %dma_start3A_137 = arith.constant 0 : i32
      %dma_start3A_138 = tpu.memref_slice %arg9[%dma_start3A_135, %dma_start3A_136, %dma_start3A_137] : memref<2x128x128xf32, #tpu.memory_space<vmem>> -> memref<1x128x128xf32, #tpu.memory_space<vmem>>
      %dma_start3A_139 = tpu.memref_squeeze %dma_start3A_138 : memref<1x128x128xf32, #tpu.memory_space<vmem>> -> memref<128x128xf32, #tpu.memory_space<vmem>>
      %dma_start3A_140 = arith.constant 0 : i32
      %dma_start3A_141 = tpu.memref_slice %arg7[%dma_start3A_133, %dma_start3A_134, %dma_start3A_140] : memref<2x8x128xi32, #tpu.memory_space<vmem>> -> memref<1x1x128xi32, #tpu.memory_space<vmem>>
      %dma_start3A_142 = tpu.memref_squeeze %dma_start3A_141 : memref<1x1x128xi32, #tpu.memory_space<vmem>> -> memref<128xi32, #tpu.memory_space<vmem>>
      %dma_start3A_143 = arith.constant 0 : i32
      %dma_start3A_144 = arith.constant 0 : i32
      %dma_start3A_145 = tpu.memref_slice %arg2[%dma_start3A_143, %dma_start3A_144] : memref<20480x128xf32, #tpu.memory_space<hbm>> -> memref<20480x128xf32, #tpu.memory_space<hbm>>
      tpu.enqueue_indirect_dma source(%dma_start3A_145 : memref<20480x128xf32, #tpu.memory_space<hbm>>) target(%dma_start3A_139 : memref<128x128xf32, #tpu.memory_space<vmem>>) offsets(%dma_start3A_142 : memref<128xi32, #tpu.memory_space<vmem>>) semaphore(%arg14 : memref<!tpu.dma_semaphore, #tpu.memory_space<semaphore_mem>>)
      %dma_wait3A_146 = arith.constant 0 : i32
      %dma_wait3A_147 = arith.constant 0 : i32
      %dma_wait3A_148 = arith.constant 0 : i32
      %dma_wait3A_149 = arith.constant 0 : i32
      %dma_wait3A_150 = arith.constant 0 : i32
      %dma_wait3A_151 = tpu.memref_slice %arg9[%dma_wait3A_148, %dma_wait3A_149, %dma_wait3A_150] : memref<2x128x128xf32, #tpu.memory_space<vmem>> -> memref<1x128x128xf32, #tpu.memory_space<vmem>>
      %dma_wait3A_152 = tpu.memref_squeeze %dma_wait3A_151 : memref<1x128x128xf32, #tpu.memory_space<vmem>> -> memref<128x128xf32, #tpu.memory_space<vmem>>
      %dma_wait3A_153 = arith.constant 0 : i32
      %dma_wait3A_154 = tpu.memref_slice %arg7[%dma_wait3A_146, %dma_wait3A_147, %dma_wait3A_153] : memref<2x8x128xi32, #tpu.memory_space<vmem>> -> memref<1x1x128xi32, #tpu.memory_space<vmem>>
      %dma_wait3A_155 = tpu.memref_squeeze %dma_wait3A_154 : memref<1x1x128xi32, #tpu.memory_space<vmem>> -> memref<128xi32, #tpu.memory_space<vmem>>
      %dma_wait3A_156 = arith.constant 0 : i32
      %dma_wait3A_157 = arith.constant 0 : i32
      %dma_wait3A_158 = tpu.memref_slice %arg2[%dma_wait3A_156, %dma_wait3A_157] : memref<20480x128xf32, #tpu.memory_space<hbm>> -> memref<20480x128xf32, #tpu.memory_space<hbm>>
      tpu.wait_indirect_dma semaphore(%arg13 : memref<!tpu.dma_semaphore, #tpu.memory_space<semaphore_mem>>) src(%dma_wait3A_158 : memref<20480x128xf32, #tpu.memory_space<hbm>>) dst(%dma_wait3A_152 : memref<128x128xf32, #tpu.memory_space<vmem>>)
      %run_scoped3A = arith.constant 0 : i32
      %run_scoped3A_159 = arith.constant 0 : i32
      %run_scoped3A_160 = arith.constant 0 : i32
      "tpu.region"() ({
        %run_scoped3A_629 = tpu.sem_alloc : memref<!tpu.dma_semaphore, #tpu.memory_space<semaphore_mem>>
        %dma_start3A_630 = arith.constant 0 : i32
        %dma_start3A_631 = arith.constant 0 : i32
        %dma_start3A_632 = tpu.memref_slice %arg9[%run_scoped3A, %dma_start3A_630, %dma_start3A_631] : memref<2x128x128xf32, #tpu.memory_space<vmem>> -> memref<1x128x128xf32, #tpu.memory_space<vmem>>
        %dma_start3A_633 = tpu.memref_squeeze %dma_start3A_632 : memref<1x128x128xf32, #tpu.memory_space<vmem>> -> memref<128x128xf32, #tpu.memory_space<vmem>>
        %dma_start3A_634 = arith.constant 0 : i32
        %dma_start3A_635 = tpu.memref_slice %arg8[%run_scoped3A_159, %run_scoped3A_160, %dma_start3A_634] : memref<2x8x128xi32, #tpu.memory_space<vmem>> -> memref<1x1x128xi32, #tpu.memory_space<vmem>>
        %dma_start3A_636 = tpu.memref_squeeze %dma_start3A_635 : memref<1x1x128xi32, #tpu.memory_space<vmem>> -> memref<128xi32, #tpu.memory_space<vmem>>
        %dma_start3A_637 = arith.constant 0 : i32
        %dma_start3A_638 = arith.constant 0 : i32
        %dma_start3A_639 = tpu.memref_slice %arg10[%dma_start3A_637, %dma_start3A_638] : memref<10240x128xf32, #tpu.memory_space<vmem_shared>> -> memref<10240x128xf32, #tpu.memory_space<vmem_shared>>
        tpu.enqueue_indirect_dma source(%dma_start3A_633 : memref<128x128xf32, #tpu.memory_space<vmem>>) target(%dma_start3A_639 : memref<10240x128xf32, #tpu.memory_space<vmem_shared>>) offsets(%dma_start3A_636 : memref<128xi32, #tpu.memory_space<vmem>>) semaphore(%run_scoped3A_629 : memref<!tpu.dma_semaphore, #tpu.memory_space<semaphore_mem>>) {add = true}
        %dma_wait3A_640 = arith.constant 0 : i32
        %dma_wait3A_641 = arith.constant 0 : i32
        %dma_wait3A_642 = tpu.memref_slice %arg9[%run_scoped3A, %dma_wait3A_640, %dma_wait3A_641] : memref<2x128x128xf32, #tpu.memory_space<vmem>> -> memref<1x128x128xf32, #tpu.memory_space<vmem>>
        %dma_wait3A_643 = tpu.memref_squeeze %dma_wait3A_642 : memref<1x128x128xf32, #tpu.memory_space<vmem>> -> memref<128x128xf32, #tpu.memory_space<vmem>>
        %dma_wait3A_644 = arith.constant 0 : i32
        %dma_wait3A_645 = tpu.memref_slice %arg8[%run_scoped3A_159, %run_scoped3A_160, %dma_wait3A_644] : memref<2x8x128xi32, #tpu.memory_space<vmem>> -> memref<1x1x128xi32, #tpu.memory_space<vmem>>
        %dma_wait3A_646 = tpu.memref_squeeze %dma_wait3A_645 : memref<1x1x128xi32, #tpu.memory_space<vmem>> -> memref<128xi32, #tpu.memory_space<vmem>>
        %dma_wait3A_647 = arith.constant 0 : i32
        %dma_wait3A_648 = arith.constant 0 : i32
        %dma_wait3A_649 = tpu.memref_slice %arg10[%dma_wait3A_647, %dma_wait3A_648] : memref<10240x128xf32, #tpu.memory_space<vmem_shared>> -> memref<10240x128xf32, #tpu.memory_space<vmem_shared>>
        tpu.wait_indirect_dma semaphore(%run_scoped3A_629 : memref<!tpu.dma_semaphore, #tpu.memory_space<semaphore_mem>>) src(%dma_wait3A_643 : memref<128x128xf32, #tpu.memory_space<vmem>>) dst(%dma_wait3A_649 : memref<10240x128xf32, #tpu.memory_space<vmem_shared>>)
        tpu.yield
      }) : () -> ()
      %dma_start3A_161 = arith.constant 0 : i32
      %dma_start3A_162 = arith.constant 2 : i32
      %dma_start3A_163 = arith.constant 0 : i32
      %dma_start3A_164 = arith.constant 0 : i32
      %dma_start3A_165 = arith.constant 0 : i32
      %dma_start3A_166 = tpu.memref_slice %arg9[%dma_start3A_163, %dma_start3A_164, %dma_start3A_165] : memref<2x128x128xf32, #tpu.memory_space<vmem>> -> memref<1x128x128xf32, #tpu.memory_space<vmem>>
      %dma_start3A_167 = tpu.memref_squeeze %dma_start3A_166 : memref<1x128x128xf32, #tpu.memory_space<vmem>> -> memref<128x128xf32, #tpu.memory_space<vmem>>
      %dma_start3A_168 = arith.constant 0 : i32
      %dma_start3A_169 = tpu.memref_slice %arg7[%dma_start3A_161, %dma_start3A_162, %dma_start3A_168] : memref<2x8x128xi32, #tpu.memory_space<vmem>> -> memref<1x1x128xi32, #tpu.memory_space<vmem>>
      %dma_start3A_170 = tpu.memref_squeeze %dma_start3A_169 : memref<1x1x128xi32, #tpu.memory_space<vmem>> -> memref<128xi32, #tpu.memory_space<vmem>>
      %dma_start3A_171 = arith.constant 0 : i32
      %dma_start3A_172 = arith.constant 0 : i32
      %dma_start3A_173 = tpu.memref_slice %arg2[%dma_start3A_171, %dma_start3A_172] : memref<20480x128xf32, #tpu.memory_space<hbm>> -> memref<20480x128xf32, #tpu.memory_space<hbm>>
      tpu.enqueue_indirect_dma source(%dma_start3A_173 : memref<20480x128xf32, #tpu.memory_space<hbm>>) target(%dma_start3A_167 : memref<128x128xf32, #tpu.memory_space<vmem>>) offsets(%dma_start3A_170 : memref<128xi32, #tpu.memory_space<vmem>>) semaphore(%arg13 : memref<!tpu.dma_semaphore, #tpu.memory_space<semaphore_mem>>)
      %dma_wait3A_174 = arith.constant 0 : i32
      %dma_wait3A_175 = arith.constant 0 : i32
      %dma_wait3A_176 = arith.constant 1 : i32
      %dma_wait3A_177 = arith.constant 0 : i32
      %dma_wait3A_178 = arith.constant 0 : i32
      %dma_wait3A_179 = tpu.memref_slice %arg9[%dma_wait3A_176, %dma_wait3A_177, %dma_wait3A_178] : memref<2x128x128xf32, #tpu.memory_space<vmem>> -> memref<1x128x128xf32, #tpu.memory_space<vmem>>
      %dma_wait3A_180 = tpu.memref_squeeze %dma_wait3A_179 : memref<1x128x128xf32, #tpu.memory_space<vmem>> -> memref<128x128xf32, #tpu.memory_space<vmem>>
      %dma_wait3A_181 = arith.constant 0 : i32
      %dma_wait3A_182 = tpu.memref_slice %arg7[%dma_wait3A_174, %dma_wait3A_175, %dma_wait3A_181] : memref<2x8x128xi32, #tpu.memory_space<vmem>> -> memref<1x1x128xi32, #tpu.memory_space<vmem>>
      %dma_wait3A_183 = tpu.memref_squeeze %dma_wait3A_182 : memref<1x1x128xi32, #tpu.memory_space<vmem>> -> memref<128xi32, #tpu.memory_space<vmem>>
      %dma_wait3A_184 = arith.constant 0 : i32
      %dma_wait3A_185 = arith.constant 0 : i32
      %dma_wait3A_186 = tpu.memref_slice %arg2[%dma_wait3A_184, %dma_wait3A_185] : memref<20480x128xf32, #tpu.memory_space<hbm>> -> memref<20480x128xf32, #tpu.memory_space<hbm>>
      tpu.wait_indirect_dma semaphore(%arg14 : memref<!tpu.dma_semaphore, #tpu.memory_space<semaphore_mem>>) src(%dma_wait3A_186 : memref<20480x128xf32, #tpu.memory_space<hbm>>) dst(%dma_wait3A_180 : memref<128x128xf32, #tpu.memory_space<vmem>>)
      %run_scoped3A_187 = arith.constant 1 : i32
      %run_scoped3A_188 = arith.constant 0 : i32
      %run_scoped3A_189 = arith.constant 1 : i32
      "tpu.region"() ({
        %run_scoped3A_629 = tpu.sem_alloc : memref<!tpu.dma_semaphore, #tpu.memory_space<semaphore_mem>>
        %dma_start3A_630 = arith.constant 0 : i32
        %dma_start3A_631 = arith.constant 0 : i32
        %dma_start3A_632 = tpu.memref_slice %arg9[%run_scoped3A_187, %dma_start3A_630, %dma_start3A_631] : memref<2x128x128xf32, #tpu.memory_space<vmem>> -> memref<1x128x128xf32, #tpu.memory_space<vmem>>
        %dma_start3A_633 = tpu.memref_squeeze %dma_start3A_632 : memref<1x128x128xf32, #tpu.memory_space<vmem>> -> memref<128x128xf32, #tpu.memory_space<vmem>>
        %dma_start3A_634 = arith.constant 0 : i32
        %dma_start3A_635 = tpu.memref_slice %arg8[%run_scoped3A_188, %run_scoped3A_189, %dma_start3A_634] : memref<2x8x128xi32, #tpu.memory_space<vmem>> -> memref<1x1x128xi32, #tpu.memory_space<vmem>>
        %dma_start3A_636 = tpu.memref_squeeze %dma_start3A_635 : memref<1x1x128xi32, #tpu.memory_space<vmem>> -> memref<128xi32, #tpu.memory_space<vmem>>
        %dma_start3A_637 = arith.constant 0 : i32
        %dma_start3A_638 = arith.constant 0 : i32
        %dma_start3A_639 = tpu.memref_slice %arg10[%dma_start3A_637, %dma_start3A_638] : memref<10240x128xf32, #tpu.memory_space<vmem_shared>> -> memref<10240x128xf32, #tpu.memory_space<vmem_shared>>
        tpu.enqueue_indirect_dma source(%dma_start3A_633 : memref<128x128xf32, #tpu.memory_space<vmem>>) target(%dma_start3A_639 : memref<10240x128xf32, #tpu.memory_space<vmem_shared>>) offsets(%dma_start3A_636 : memref<128xi32, #tpu.memory_space<vmem>>) semaphore(%run_scoped3A_629 : memref<!tpu.dma_semaphore, #tpu.memory_space<semaphore_mem>>) {add = true}
        %dma_wait3A_640 = arith.constant 0 : i32
        %dma_wait3A_641 = arith.constant 0 : i32
        %dma_wait3A_642 = tpu.memref_slice %arg9[%run_scoped3A_187, %dma_wait3A_640, %dma_wait3A_641] : memref<2x128x128xf32, #tpu.memory_space<vmem>> -> memref<1x128x128xf32, #tpu.memory_space<vmem>>
        %dma_wait3A_643 = tpu.memref_squeeze %dma_wait3A_642 : memref<1x128x128xf32, #tpu.memory_space<vmem>> -> memref<128x128xf32, #tpu.memory_space<vmem>>
        %dma_wait3A_644 = arith.constant 0 : i32
        %dma_wait3A_645 = tpu.memref_slice %arg8[%run_scoped3A_188, %run_scoped3A_189, %dma_wait3A_644] : memref<2x8x128xi32, #tpu.memory_space<vmem>> -> memref<1x1x128xi32, #tpu.memory_space<vmem>>
        %dma_wait3A_646 = tpu.memref_squeeze %dma_wait3A_645 : memref<1x1x128xi32, #tpu.memory_space<vmem>> -> memref<128xi32, #tpu.memory_space<vmem>>
        %dma_wait3A_647 = arith.constant 0 : i32
        %dma_wait3A_648 = arith.constant 0 : i32
        %dma_wait3A_649 = tpu.memref_slice %arg10[%dma_wait3A_647, %dma_wait3A_648] : memref<10240x128xf32, #tpu.memory_space<vmem_shared>> -> memref<10240x128xf32, #tpu.memory_space<vmem_shared>>
        tpu.wait_indirect_dma semaphore(%run_scoped3A_629 : memref<!tpu.dma_semaphore, #tpu.memory_space<semaphore_mem>>) src(%dma_wait3A_643 : memref<128x128xf32, #tpu.memory_space<vmem>>) dst(%dma_wait3A_649 : memref<10240x128xf32, #tpu.memory_space<vmem_shared>>)
        tpu.yield
      }) : () -> ()
      %dma_start3A_190 = arith.constant 0 : i32
      %dma_start3A_191 = arith.constant 3 : i32
      %dma_start3A_192 = arith.constant 1 : i32
      %dma_start3A_193 = arith.constant 0 : i32
      %dma_start3A_194 = arith.constant 0 : i32
      %dma_start3A_195 = tpu.memref_slice %arg9[%dma_start3A_192, %dma_start3A_193, %dma_start3A_194] : memref<2x128x128xf32, #tpu.memory_space<vmem>> -> memref<1x128x128xf32, #tpu.memory_space<vmem>>
      %dma_start3A_196 = tpu.memref_squeeze %dma_start3A_195 : memref<1x128x128xf32, #tpu.memory_space<vmem>> -> memref<128x128xf32, #tpu.memory_space<vmem>>
      %dma_start3A_197 = arith.constant 0 : i32
      %dma_start3A_198 = tpu.memref_slice %arg7[%dma_start3A_190, %dma_start3A_191, %dma_start3A_197] : memref<2x8x128xi32, #tpu.memory_space<vmem>> -> memref<1x1x128xi32, #tpu.memory_space<vmem>>
      %dma_start3A_199 = tpu.memref_squeeze %dma_start3A_198 : memref<1x1x128xi32, #tpu.memory_space<vmem>> -> memref<128xi32, #tpu.memory_space<vmem>>
      %dma_start3A_200 = arith.constant 0 : i32
      %dma_start3A_201 = arith.constant 0 : i32
      %dma_start3A_202 = tpu.memref_slice %arg2[%dma_start3A_200, %dma_start3A_201] : memref<20480x128xf32, #tpu.memory_space<hbm>> -> memref<20480x128xf32, #tpu.memory_space<hbm>>
      tpu.enqueue_indirect_dma source(%dma_start3A_202 : memref<20480x128xf32, #tpu.memory_space<hbm>>) target(%dma_start3A_196 : memref<128x128xf32, #tpu.memory_space<vmem>>) offsets(%dma_start3A_199 : memref<128xi32, #tpu.memory_space<vmem>>) semaphore(%arg14 : memref<!tpu.dma_semaphore, #tpu.memory_space<semaphore_mem>>)
      %dma_wait3A_203 = arith.constant 0 : i32
      %dma_wait3A_204 = arith.constant 0 : i32
      %dma_wait3A_205 = arith.constant 0 : i32
      %dma_wait3A_206 = arith.constant 0 : i32
      %dma_wait3A_207 = arith.constant 0 : i32
      %dma_wait3A_208 = tpu.memref_slice %arg9[%dma_wait3A_205, %dma_wait3A_206, %dma_wait3A_207] : memref<2x128x128xf32, #tpu.memory_space<vmem>> -> memref<1x128x128xf32, #tpu.memory_space<vmem>>
      %dma_wait3A_209 = tpu.memref_squeeze %dma_wait3A_208 : memref<1x128x128xf32, #tpu.memory_space<vmem>> -> memref<128x128xf32, #tpu.memory_space<vmem>>
      %dma_wait3A_210 = arith.constant 0 : i32
      %dma_wait3A_211 = tpu.memref_slice %arg7[%dma_wait3A_203, %dma_wait3A_204, %dma_wait3A_210] : memref<2x8x128xi32, #tpu.memory_space<vmem>> -> memref<1x1x128xi32, #tpu.memory_space<vmem>>
      %dma_wait3A_212 = tpu.memref_squeeze %dma_wait3A_211 : memref<1x1x128xi32, #tpu.memory_space<vmem>> -> memref<128xi32, #tpu.memory_space<vmem>>
      %dma_wait3A_213 = arith.constant 0 : i32
      %dma_wait3A_214 = arith.constant 0 : i32
      %dma_wait3A_215 = tpu.memref_slice %arg2[%dma_wait3A_213, %dma_wait3A_214] : memref<20480x128xf32, #tpu.memory_space<hbm>> -> memref<20480x128xf32, #tpu.memory_space<hbm>>
      tpu.wait_indirect_dma semaphore(%arg13 : memref<!tpu.dma_semaphore, #tpu.memory_space<semaphore_mem>>) src(%dma_wait3A_215 : memref<20480x128xf32, #tpu.memory_space<hbm>>) dst(%dma_wait3A_209 : memref<128x128xf32, #tpu.memory_space<vmem>>)
      %run_scoped3A_216 = arith.constant 0 : i32
      %run_scoped3A_217 = arith.constant 0 : i32
      %run_scoped3A_218 = arith.constant 2 : i32
      "tpu.region"() ({
        %run_scoped3A_629 = tpu.sem_alloc : memref<!tpu.dma_semaphore, #tpu.memory_space<semaphore_mem>>
        %dma_start3A_630 = arith.constant 0 : i32
        %dma_start3A_631 = arith.constant 0 : i32
        %dma_start3A_632 = tpu.memref_slice %arg9[%run_scoped3A_216, %dma_start3A_630, %dma_start3A_631] : memref<2x128x128xf32, #tpu.memory_space<vmem>> -> memref<1x128x128xf32, #tpu.memory_space<vmem>>
        %dma_start3A_633 = tpu.memref_squeeze %dma_start3A_632 : memref<1x128x128xf32, #tpu.memory_space<vmem>> -> memref<128x128xf32, #tpu.memory_space<vmem>>
        %dma_start3A_634 = arith.constant 0 : i32
        %dma_start3A_635 = tpu.memref_slice %arg8[%run_scoped3A_217, %run_scoped3A_218, %dma_start3A_634] : memref<2x8x128xi32, #tpu.memory_space<vmem>> -> memref<1x1x128xi32, #tpu.memory_space<vmem>>
        %dma_start3A_636 = tpu.memref_squeeze %dma_start3A_635 : memref<1x1x128xi32, #tpu.memory_space<vmem>> -> memref<128xi32, #tpu.memory_space<vmem>>
        %dma_start3A_637 = arith.constant 0 : i32
        %dma_start3A_638 = arith.constant 0 : i32
        %dma_start3A_639 = tpu.memref_slice %arg10[%dma_start3A_637, %dma_start3A_638] : memref<10240x128xf32, #tpu.memory_space<vmem_shared>> -> memref<10240x128xf32, #tpu.memory_space<vmem_shared>>
        tpu.enqueue_indirect_dma source(%dma_start3A_633 : memref<128x128xf32, #tpu.memory_space<vmem>>) target(%dma_start3A_639 : memref<10240x128xf32, #tpu.memory_space<vmem_shared>>) offsets(%dma_start3A_636 : memref<128xi32, #tpu.memory_space<vmem>>) semaphore(%run_scoped3A_629 : memref<!tpu.dma_semaphore, #tpu.memory_space<semaphore_mem>>) {add = true}
        %dma_wait3A_640 = arith.constant 0 : i32
        %dma_wait3A_641 = arith.constant 0 : i32
        %dma_wait3A_642 = tpu.memref_slice %arg9[%run_scoped3A_216, %dma_wait3A_640, %dma_wait3A_641] : memref<2x128x128xf32, #tpu.memory_space<vmem>> -> memref<1x128x128xf32, #tpu.memory_space<vmem>>
        %dma_wait3A_643 = tpu.memref_squeeze %dma_wait3A_642 : memref<1x128x128xf32, #tpu.memory_space<vmem>> -> memref<128x128xf32, #tpu.memory_space<vmem>>
        %dma_wait3A_644 = arith.constant 0 : i32
        %dma_wait3A_645 = tpu.memref_slice %arg8[%run_scoped3A_217, %run_scoped3A_218, %dma_wait3A_644] : memref<2x8x128xi32, #tpu.memory_space<vmem>> -> memref<1x1x128xi32, #tpu.memory_space<vmem>>
        %dma_wait3A_646 = tpu.memref_squeeze %dma_wait3A_645 : memref<1x1x128xi32, #tpu.memory_space<vmem>> -> memref<128xi32, #tpu.memory_space<vmem>>
        %dma_wait3A_647 = arith.constant 0 : i32
        %dma_wait3A_648 = arith.constant 0 : i32
        %dma_wait3A_649 = tpu.memref_slice %arg10[%dma_wait3A_647, %dma_wait3A_648] : memref<10240x128xf32, #tpu.memory_space<vmem_shared>> -> memref<10240x128xf32, #tpu.memory_space<vmem_shared>>
        tpu.wait_indirect_dma semaphore(%run_scoped3A_629 : memref<!tpu.dma_semaphore, #tpu.memory_space<semaphore_mem>>) src(%dma_wait3A_643 : memref<128x128xf32, #tpu.memory_space<vmem>>) dst(%dma_wait3A_649 : memref<10240x128xf32, #tpu.memory_space<vmem_shared>>)
        tpu.yield
      }) : () -> ()
      %dma_start3A_219 = arith.constant 0 : i32
      %dma_start3A_220 = arith.constant 4 : i32
      %dma_start3A_221 = arith.constant 0 : i32
      %dma_start3A_222 = arith.constant 0 : i32
      %dma_start3A_223 = arith.constant 0 : i32
      %dma_start3A_224 = tpu.memref_slice %arg9[%dma_start3A_221, %dma_start3A_222, %dma_start3A_223] : memref<2x128x128xf32, #tpu.memory_space<vmem>> -> memref<1x128x128xf32, #tpu.memory_space<vmem>>
      %dma_start3A_225 = tpu.memref_squeeze %dma_start3A_224 : memref<1x128x128xf32, #tpu.memory_space<vmem>> -> memref<128x128xf32, #tpu.memory_space<vmem>>
      %dma_start3A_226 = arith.constant 0 : i32
      %dma_start3A_227 = tpu.memref_slice %arg7[%dma_start3A_219, %dma_start3A_220, %dma_start3A_226] : memref<2x8x128xi32, #tpu.memory_space<vmem>> -> memref<1x1x128xi32, #tpu.memory_space<vmem>>
      %dma_start3A_228 = tpu.memref_squeeze %dma_start3A_227 : memref<1x1x128xi32, #tpu.memory_space<vmem>> -> memref<128xi32, #tpu.memory_space<vmem>>
      %dma_start3A_229 = arith.constant 0 : i32
      %dma_start3A_230 = arith.constant 0 : i32
      %dma_start3A_231 = tpu.memref_slice %arg2[%dma_start3A_229, %dma_start3A_230] : memref<20480x128xf32, #tpu.memory_space<hbm>> -> memref<20480x128xf32, #tpu.memory_space<hbm>>
      tpu.enqueue_indirect_dma source(%dma_start3A_231 : memref<20480x128xf32, #tpu.memory_space<hbm>>) target(%dma_start3A_225 : memref<128x128xf32, #tpu.memory_space<vmem>>) offsets(%dma_start3A_228 : memref<128xi32, #tpu.memory_space<vmem>>) semaphore(%arg13 : memref<!tpu.dma_semaphore, #tpu.memory_space<semaphore_mem>>)
      %dma_wait3A_232 = arith.constant 0 : i32
      %dma_wait3A_233 = arith.constant 0 : i32
      %dma_wait3A_234 = arith.constant 1 : i32
      %dma_wait3A_235 = arith.constant 0 : i32
      %dma_wait3A_236 = arith.constant 0 : i32
      %dma_wait3A_237 = tpu.memref_slice %arg9[%dma_wait3A_234, %dma_wait3A_235, %dma_wait3A_236] : memref<2x128x128xf32, #tpu.memory_space<vmem>> -> memref<1x128x128xf32, #tpu.memory_space<vmem>>
      %dma_wait3A_238 = tpu.memref_squeeze %dma_wait3A_237 : memref<1x128x128xf32, #tpu.memory_space<vmem>> -> memref<128x128xf32, #tpu.memory_space<vmem>>
      %dma_wait3A_239 = arith.constant 0 : i32
      %dma_wait3A_240 = tpu.memref_slice %arg7[%dma_wait3A_232, %dma_wait3A_233, %dma_wait3A_239] : memref<2x8x128xi32, #tpu.memory_space<vmem>> -> memref<1x1x128xi32, #tpu.memory_space<vmem>>
      %dma_wait3A_241 = tpu.memref_squeeze %dma_wait3A_240 : memref<1x1x128xi32, #tpu.memory_space<vmem>> -> memref<128xi32, #tpu.memory_space<vmem>>
      %dma_wait3A_242 = arith.constant 0 : i32
      %dma_wait3A_243 = arith.constant 0 : i32
      %dma_wait3A_244 = tpu.memref_slice %arg2[%dma_wait3A_242, %dma_wait3A_243] : memref<20480x128xf32, #tpu.memory_space<hbm>> -> memref<20480x128xf32, #tpu.memory_space<hbm>>
      tpu.wait_indirect_dma semaphore(%arg14 : memref<!tpu.dma_semaphore, #tpu.memory_space<semaphore_mem>>) src(%dma_wait3A_244 : memref<20480x128xf32, #tpu.memory_space<hbm>>) dst(%dma_wait3A_238 : memref<128x128xf32, #tpu.memory_space<vmem>>)
      %run_scoped3A_245 = arith.constant 1 : i32
      %run_scoped3A_246 = arith.constant 0 : i32
      %run_scoped3A_247 = arith.constant 3 : i32
      "tpu.region"() ({
        %run_scoped3A_629 = tpu.sem_alloc : memref<!tpu.dma_semaphore, #tpu.memory_space<semaphore_mem>>
        %dma_start3A_630 = arith.constant 0 : i32
        %dma_start3A_631 = arith.constant 0 : i32
        %dma_start3A_632 = tpu.memref_slice %arg9[%run_scoped3A_245, %dma_start3A_630, %dma_start3A_631] : memref<2x128x128xf32, #tpu.memory_space<vmem>> -> memref<1x128x128xf32, #tpu.memory_space<vmem>>
        %dma_start3A_633 = tpu.memref_squeeze %dma_start3A_632 : memref<1x128x128xf32, #tpu.memory_space<vmem>> -> memref<128x128xf32, #tpu.memory_space<vmem>>
        %dma_start3A_634 = arith.constant 0 : i32
        %dma_start3A_635 = tpu.memref_slice %arg8[%run_scoped3A_246, %run_scoped3A_247, %dma_start3A_634] : memref<2x8x128xi32, #tpu.memory_space<vmem>> -> memref<1x1x128xi32, #tpu.memory_space<vmem>>
        %dma_start3A_636 = tpu.memref_squeeze %dma_start3A_635 : memref<1x1x128xi32, #tpu.memory_space<vmem>> -> memref<128xi32, #tpu.memory_space<vmem>>
        %dma_start3A_637 = arith.constant 0 : i32
        %dma_start3A_638 = arith.constant 0 : i32
        %dma_start3A_639 = tpu.memref_slice %arg10[%dma_start3A_637, %dma_start3A_638] : memref<10240x128xf32, #tpu.memory_space<vmem_shared>> -> memref<10240x128xf32, #tpu.memory_space<vmem_shared>>
        tpu.enqueue_indirect_dma source(%dma_start3A_633 : memref<128x128xf32, #tpu.memory_space<vmem>>) target(%dma_start3A_639 : memref<10240x128xf32, #tpu.memory_space<vmem_shared>>) offsets(%dma_start3A_636 : memref<128xi32, #tpu.memory_space<vmem>>) semaphore(%run_scoped3A_629 : memref<!tpu.dma_semaphore, #tpu.memory_space<semaphore_mem>>) {add = true}
        %dma_wait3A_640 = arith.constant 0 : i32
        %dma_wait3A_641 = arith.constant 0 : i32
        %dma_wait3A_642 = tpu.memref_slice %arg9[%run_scoped3A_245, %dma_wait3A_640, %dma_wait3A_641] : memref<2x128x128xf32, #tpu.memory_space<vmem>> -> memref<1x128x128xf32, #tpu.memory_space<vmem>>
        %dma_wait3A_643 = tpu.memref_squeeze %dma_wait3A_642 : memref<1x128x128xf32, #tpu.memory_space<vmem>> -> memref<128x128xf32, #tpu.memory_space<vmem>>
        %dma_wait3A_644 = arith.constant 0 : i32
        %dma_wait3A_645 = tpu.memref_slice %arg8[%run_scoped3A_246, %run_scoped3A_247, %dma_wait3A_644] : memref<2x8x128xi32, #tpu.memory_space<vmem>> -> memref<1x1x128xi32, #tpu.memory_space<vmem>>
        %dma_wait3A_646 = tpu.memref_squeeze %dma_wait3A_645 : memref<1x1x128xi32, #tpu.memory_space<vmem>> -> memref<128xi32, #tpu.memory_space<vmem>>
        %dma_wait3A_647 = arith.constant 0 : i32
        %dma_wait3A_648 = arith.constant 0 : i32
        %dma_wait3A_649 = tpu.memref_slice %arg10[%dma_wait3A_647, %dma_wait3A_648] : memref<10240x128xf32, #tpu.memory_space<vmem_shared>> -> memref<10240x128xf32, #tpu.memory_space<vmem_shared>>
        tpu.wait_indirect_dma semaphore(%run_scoped3A_629 : memref<!tpu.dma_semaphore, #tpu.memory_space<semaphore_mem>>) src(%dma_wait3A_643 : memref<128x128xf32, #tpu.memory_space<vmem>>) dst(%dma_wait3A_649 : memref<10240x128xf32, #tpu.memory_space<vmem_shared>>)
        tpu.yield
      }) : () -> ()
      %dma_start3A_248 = arith.constant 0 : i32
      %dma_start3A_249 = arith.constant 5 : i32
      %dma_start3A_250 = arith.constant 1 : i32
      %dma_start3A_251 = arith.constant 0 : i32
      %dma_start3A_252 = arith.constant 0 : i32
      %dma_start3A_253 = tpu.memref_slice %arg9[%dma_start3A_250, %dma_start3A_251, %dma_start3A_252] : memref<2x128x128xf32, #tpu.memory_space<vmem>> -> memref<1x128x128xf32, #tpu.memory_space<vmem>>
      %dma_start3A_254 = tpu.memref_squeeze %dma_start3A_253 : memref<1x128x128xf32, #tpu.memory_space<vmem>> -> memref<128x128xf32, #tpu.memory_space<vmem>>
      %dma_start3A_255 = arith.constant 0 : i32
      %dma_start3A_256 = tpu.memref_slice %arg7[%dma_start3A_248, %dma_start3A_249, %dma_start3A_255] : memref<2x8x128xi32, #tpu.memory_space<vmem>> -> memref<1x1x128xi32, #tpu.memory_space<vmem>>
      %dma_start3A_257 = tpu.memref_squeeze %dma_start3A_256 : memref<1x1x128xi32, #tpu.memory_space<vmem>> -> memref<128xi32, #tpu.memory_space<vmem>>
      %dma_start3A_258 = arith.constant 0 : i32
      %dma_start3A_259 = arith.constant 0 : i32
      %dma_start3A_260 = tpu.memref_slice %arg2[%dma_start3A_258, %dma_start3A_259] : memref<20480x128xf32, #tpu.memory_space<hbm>> -> memref<20480x128xf32, #tpu.memory_space<hbm>>
      tpu.enqueue_indirect_dma source(%dma_start3A_260 : memref<20480x128xf32, #tpu.memory_space<hbm>>) target(%dma_start3A_254 : memref<128x128xf32, #tpu.memory_space<vmem>>) offsets(%dma_start3A_257 : memref<128xi32, #tpu.memory_space<vmem>>) semaphore(%arg14 : memref<!tpu.dma_semaphore, #tpu.memory_space<semaphore_mem>>)
      %dma_wait3A_261 = arith.constant 0 : i32
      %dma_wait3A_262 = arith.constant 0 : i32
      %dma_wait3A_263 = arith.constant 0 : i32
      %dma_wait3A_264 = arith.constant 0 : i32
      %dma_wait3A_265 = arith.constant 0 : i32
      %dma_wait3A_266 = tpu.memref_slice %arg9[%dma_wait3A_263, %dma_wait3A_264, %dma_wait3A_265] : memref<2x128x128xf32, #tpu.memory_space<vmem>> -> memref<1x128x128xf32, #tpu.memory_space<vmem>>
      %dma_wait3A_267 = tpu.memref_squeeze %dma_wait3A_266 : memref<1x128x128xf32, #tpu.memory_space<vmem>> -> memref<128x128xf32, #tpu.memory_space<vmem>>
      %dma_wait3A_268 = arith.constant 0 : i32
      %dma_wait3A_269 = tpu.memref_slice %arg7[%dma_wait3A_261, %dma_wait3A_262, %dma_wait3A_268] : memref<2x8x128xi32, #tpu.memory_space<vmem>> -> memref<1x1x128xi32, #tpu.memory_space<vmem>>
      %dma_wait3A_270 = tpu.memref_squeeze %dma_wait3A_269 : memref<1x1x128xi32, #tpu.memory_space<vmem>> -> memref<128xi32, #tpu.memory_space<vmem>>
      %dma_wait3A_271 = arith.constant 0 : i32
      %dma_wait3A_272 = arith.constant 0 : i32
      %dma_wait3A_273 = tpu.memref_slice %arg2[%dma_wait3A_271, %dma_wait3A_272] : memref<20480x128xf32, #tpu.memory_space<hbm>> -> memref<20480x128xf32, #tpu.memory_space<hbm>>
      tpu.wait_indirect_dma semaphore(%arg13 : memref<!tpu.dma_semaphore, #tpu.memory_space<semaphore_mem>>) src(%dma_wait3A_273 : memref<20480x128xf32, #tpu.memory_space<hbm>>) dst(%dma_wait3A_267 : memref<128x128xf32, #tpu.memory_space<vmem>>)
      %run_scoped3A_274 = arith.constant 0 : i32
      %run_scoped3A_275 = arith.constant 0 : i32
      %run_scoped3A_276 = arith.constant 4 : i32
      "tpu.region"() ({
        %run_scoped3A_629 = tpu.sem_alloc : memref<!tpu.dma_semaphore, #tpu.memory_space<semaphore_mem>>
        %dma_start3A_630 = arith.constant 0 : i32
        %dma_start3A_631 = arith.constant 0 : i32
        %dma_start3A_632 = tpu.memref_slice %arg9[%run_scoped3A_274, %dma_start3A_630, %dma_start3A_631] : memref<2x128x128xf32, #tpu.memory_space<vmem>> -> memref<1x128x128xf32, #tpu.memory_space<vmem>>
        %dma_start3A_633 = tpu.memref_squeeze %dma_start3A_632 : memref<1x128x128xf32, #tpu.memory_space<vmem>> -> memref<128x128xf32, #tpu.memory_space<vmem>>
        %dma_start3A_634 = arith.constant 0 : i32
        %dma_start3A_635 = tpu.memref_slice %arg8[%run_scoped3A_275, %run_scoped3A_276, %dma_start3A_634] : memref<2x8x128xi32, #tpu.memory_space<vmem>> -> memref<1x1x128xi32, #tpu.memory_space<vmem>>
        %dma_start3A_636 = tpu.memref_squeeze %dma_start3A_635 : memref<1x1x128xi32, #tpu.memory_space<vmem>> -> memref<128xi32, #tpu.memory_space<vmem>>
        %dma_start3A_637 = arith.constant 0 : i32
        %dma_start3A_638 = arith.constant 0 : i32
        %dma_start3A_639 = tpu.memref_slice %arg10[%dma_start3A_637, %dma_start3A_638] : memref<10240x128xf32, #tpu.memory_space<vmem_shared>> -> memref<10240x128xf32, #tpu.memory_space<vmem_shared>>
        tpu.enqueue_indirect_dma source(%dma_start3A_633 : memref<128x128xf32, #tpu.memory_space<vmem>>) target(%dma_start3A_639 : memref<10240x128xf32, #tpu.memory_space<vmem_shared>>) offsets(%dma_start3A_636 : memref<128xi32, #tpu.memory_space<vmem>>) semaphore(%run_scoped3A_629 : memref<!tpu.dma_semaphore, #tpu.memory_space<semaphore_mem>>) {add = true}
        %dma_wait3A_640 = arith.constant 0 : i32
        %dma_wait3A_641 = arith.constant 0 : i32
        %dma_wait3A_642 = tpu.memref_slice %arg9[%run_scoped3A_274, %dma_wait3A_640, %dma_wait3A_641] : memref<2x128x128xf32, #tpu.memory_space<vmem>> -> memref<1x128x128xf32, #tpu.memory_space<vmem>>
        %dma_wait3A_643 = tpu.memref_squeeze %dma_wait3A_642 : memref<1x128x128xf32, #tpu.memory_space<vmem>> -> memref<128x128xf32, #tpu.memory_space<vmem>>
        %dma_wait3A_644 = arith.constant 0 : i32
        %dma_wait3A_645 = tpu.memref_slice %arg8[%run_scoped3A_275, %run_scoped3A_276, %dma_wait3A_644] : memref<2x8x128xi32, #tpu.memory_space<vmem>> -> memref<1x1x128xi32, #tpu.memory_space<vmem>>
        %dma_wait3A_646 = tpu.memref_squeeze %dma_wait3A_645 : memref<1x1x128xi32, #tpu.memory_space<vmem>> -> memref<128xi32, #tpu.memory_space<vmem>>
        %dma_wait3A_647 = arith.constant 0 : i32
        %dma_wait3A_648 = arith.constant 0 : i32
        %dma_wait3A_649 = tpu.memref_slice %arg10[%dma_wait3A_647, %dma_wait3A_648] : memref<10240x128xf32, #tpu.memory_space<vmem_shared>> -> memref<10240x128xf32, #tpu.memory_space<vmem_shared>>
        tpu.wait_indirect_dma semaphore(%run_scoped3A_629 : memref<!tpu.dma_semaphore, #tpu.memory_space<semaphore_mem>>) src(%dma_wait3A_643 : memref<128x128xf32, #tpu.memory_space<vmem>>) dst(%dma_wait3A_649 : memref<10240x128xf32, #tpu.memory_space<vmem_shared>>)
        tpu.yield
      }) : () -> ()
      %dma_start3A_277 = arith.constant 0 : i32
      %dma_start3A_278 = arith.constant 6 : i32
      %dma_start3A_279 = arith.constant 0 : i32
      %dma_start3A_280 = arith.constant 0 : i32
      %dma_start3A_281 = arith.constant 0 : i32
      %dma_start3A_282 = tpu.memref_slice %arg9[%dma_start3A_279, %dma_start3A_280, %dma_start3A_281] : memref<2x128x128xf32, #tpu.memory_space<vmem>> -> memref<1x128x128xf32, #tpu.memory_space<vmem>>
      %dma_start3A_283 = tpu.memref_squeeze %dma_start3A_282 : memref<1x128x128xf32, #tpu.memory_space<vmem>> -> memref<128x128xf32, #tpu.memory_space<vmem>>
      %dma_start3A_284 = arith.constant 0 : i32
      %dma_start3A_285 = tpu.memref_slice %arg7[%dma_start3A_277, %dma_start3A_278, %dma_start3A_284] : memref<2x8x128xi32, #tpu.memory_space<vmem>> -> memref<1x1x128xi32, #tpu.memory_space<vmem>>
      %dma_start3A_286 = tpu.memref_squeeze %dma_start3A_285 : memref<1x1x128xi32, #tpu.memory_space<vmem>> -> memref<128xi32, #tpu.memory_space<vmem>>
      %dma_start3A_287 = arith.constant 0 : i32
      %dma_start3A_288 = arith.constant 0 : i32
      %dma_start3A_289 = tpu.memref_slice %arg2[%dma_start3A_287, %dma_start3A_288] : memref<20480x128xf32, #tpu.memory_space<hbm>> -> memref<20480x128xf32, #tpu.memory_space<hbm>>
      tpu.enqueue_indirect_dma source(%dma_start3A_289 : memref<20480x128xf32, #tpu.memory_space<hbm>>) target(%dma_start3A_283 : memref<128x128xf32, #tpu.memory_space<vmem>>) offsets(%dma_start3A_286 : memref<128xi32, #tpu.memory_space<vmem>>) semaphore(%arg13 : memref<!tpu.dma_semaphore, #tpu.memory_space<semaphore_mem>>)
      %dma_wait3A_290 = arith.constant 0 : i32
      %dma_wait3A_291 = arith.constant 0 : i32
      %dma_wait3A_292 = arith.constant 1 : i32
      %dma_wait3A_293 = arith.constant 0 : i32
      %dma_wait3A_294 = arith.constant 0 : i32
      %dma_wait3A_295 = tpu.memref_slice %arg9[%dma_wait3A_292, %dma_wait3A_293, %dma_wait3A_294] : memref<2x128x128xf32, #tpu.memory_space<vmem>> -> memref<1x128x128xf32, #tpu.memory_space<vmem>>
      %dma_wait3A_296 = tpu.memref_squeeze %dma_wait3A_295 : memref<1x128x128xf32, #tpu.memory_space<vmem>> -> memref<128x128xf32, #tpu.memory_space<vmem>>
      %dma_wait3A_297 = arith.constant 0 : i32
      %dma_wait3A_298 = tpu.memref_slice %arg7[%dma_wait3A_290, %dma_wait3A_291, %dma_wait3A_297] : memref<2x8x128xi32, #tpu.memory_space<vmem>> -> memref<1x1x128xi32, #tpu.memory_space<vmem>>
      %dma_wait3A_299 = tpu.memref_squeeze %dma_wait3A_298 : memref<1x1x128xi32, #tpu.memory_space<vmem>> -> memref<128xi32, #tpu.memory_space<vmem>>
      %dma_wait3A_300 = arith.constant 0 : i32
      %dma_wait3A_301 = arith.constant 0 : i32
      %dma_wait3A_302 = tpu.memref_slice %arg2[%dma_wait3A_300, %dma_wait3A_301] : memref<20480x128xf32, #tpu.memory_space<hbm>> -> memref<20480x128xf32, #tpu.memory_space<hbm>>
      tpu.wait_indirect_dma semaphore(%arg14 : memref<!tpu.dma_semaphore, #tpu.memory_space<semaphore_mem>>) src(%dma_wait3A_302 : memref<20480x128xf32, #tpu.memory_space<hbm>>) dst(%dma_wait3A_296 : memref<128x128xf32, #tpu.memory_space<vmem>>)
      %run_scoped3A_303 = arith.constant 1 : i32
      %run_scoped3A_304 = arith.constant 0 : i32
      %run_scoped3A_305 = arith.constant 5 : i32
      "tpu.region"() ({
        %run_scoped3A_629 = tpu.sem_alloc : memref<!tpu.dma_semaphore, #tpu.memory_space<semaphore_mem>>
        %dma_start3A_630 = arith.constant 0 : i32
        %dma_start3A_631 = arith.constant 0 : i32
        %dma_start3A_632 = tpu.memref_slice %arg9[%run_scoped3A_303, %dma_start3A_630, %dma_start3A_631] : memref<2x128x128xf32, #tpu.memory_space<vmem>> -> memref<1x128x128xf32, #tpu.memory_space<vmem>>
        %dma_start3A_633 = tpu.memref_squeeze %dma_start3A_632 : memref<1x128x128xf32, #tpu.memory_space<vmem>> -> memref<128x128xf32, #tpu.memory_space<vmem>>
        %dma_start3A_634 = arith.constant 0 : i32
        %dma_start3A_635 = tpu.memref_slice %arg8[%run_scoped3A_304, %run_scoped3A_305, %dma_start3A_634] : memref<2x8x128xi32, #tpu.memory_space<vmem>> -> memref<1x1x128xi32, #tpu.memory_space<vmem>>
        %dma_start3A_636 = tpu.memref_squeeze %dma_start3A_635 : memref<1x1x128xi32, #tpu.memory_space<vmem>> -> memref<128xi32, #tpu.memory_space<vmem>>
        %dma_start3A_637 = arith.constant 0 : i32
        %dma_start3A_638 = arith.constant 0 : i32
        %dma_start3A_639 = tpu.memref_slice %arg10[%dma_start3A_637, %dma_start3A_638] : memref<10240x128xf32, #tpu.memory_space<vmem_shared>> -> memref<10240x128xf32, #tpu.memory_space<vmem_shared>>
        tpu.enqueue_indirect_dma source(%dma_start3A_633 : memref<128x128xf32, #tpu.memory_space<vmem>>) target(%dma_start3A_639 : memref<10240x128xf32, #tpu.memory_space<vmem_shared>>) offsets(%dma_start3A_636 : memref<128xi32, #tpu.memory_space<vmem>>) semaphore(%run_scoped3A_629 : memref<!tpu.dma_semaphore, #tpu.memory_space<semaphore_mem>>) {add = true}
        %dma_wait3A_640 = arith.constant 0 : i32
        %dma_wait3A_641 = arith.constant 0 : i32
        %dma_wait3A_642 = tpu.memref_slice %arg9[%run_scoped3A_303, %dma_wait3A_640, %dma_wait3A_641] : memref<2x128x128xf32, #tpu.memory_space<vmem>> -> memref<1x128x128xf32, #tpu.memory_space<vmem>>
        %dma_wait3A_643 = tpu.memref_squeeze %dma_wait3A_642 : memref<1x128x128xf32, #tpu.memory_space<vmem>> -> memref<128x128xf32, #tpu.memory_space<vmem>>
        %dma_wait3A_644 = arith.constant 0 : i32
        %dma_wait3A_645 = tpu.memref_slice %arg8[%run_scoped3A_304, %run_scoped3A_305, %dma_wait3A_644] : memref<2x8x128xi32, #tpu.memory_space<vmem>> -> memref<1x1x128xi32, #tpu.memory_space<vmem>>
        %dma_wait3A_646 = tpu.memref_squeeze %dma_wait3A_645 : memref<1x1x128xi32, #tpu.memory_space<vmem>> -> memref<128xi32, #tpu.memory_space<vmem>>
        %dma_wait3A_647 = arith.constant 0 : i32
        %dma_wait3A_648 = arith.constant 0 : i32
        %dma_wait3A_649 = tpu.memref_slice %arg10[%dma_wait3A_647, %dma_wait3A_648] : memref<10240x128xf32, #tpu.memory_space<vmem_shared>> -> memref<10240x128xf32, #tpu.memory_space<vmem_shared>>
        tpu.wait_indirect_dma semaphore(%run_scoped3A_629 : memref<!tpu.dma_semaphore, #tpu.memory_space<semaphore_mem>>) src(%dma_wait3A_643 : memref<128x128xf32, #tpu.memory_space<vmem>>) dst(%dma_wait3A_649 : memref<10240x128xf32, #tpu.memory_space<vmem_shared>>)
        tpu.yield
      }) : () -> ()
      %dma_start3A_306 = arith.constant 0 : i32
      %dma_start3A_307 = arith.constant 7 : i32
      %dma_start3A_308 = arith.constant 1 : i32
      %dma_start3A_309 = arith.constant 0 : i32
      %dma_start3A_310 = arith.constant 0 : i32
      %dma_start3A_311 = tpu.memref_slice %arg9[%dma_start3A_308, %dma_start3A_309, %dma_start3A_310] : memref<2x128x128xf32, #tpu.memory_space<vmem>> -> memref<1x128x128xf32, #tpu.memory_space<vmem>>
      %dma_start3A_312 = tpu.memref_squeeze %dma_start3A_311 : memref<1x128x128xf32, #tpu.memory_space<vmem>> -> memref<128x128xf32, #tpu.memory_space<vmem>>
      %dma_start3A_313 = arith.constant 0 : i32
      %dma_start3A_314 = tpu.memref_slice %arg7[%dma_start3A_306, %dma_start3A_307, %dma_start3A_313] : memref<2x8x128xi32, #tpu.memory_space<vmem>> -> memref<1x1x128xi32, #tpu.memory_space<vmem>>
      %dma_start3A_315 = tpu.memref_squeeze %dma_start3A_314 : memref<1x1x128xi32, #tpu.memory_space<vmem>> -> memref<128xi32, #tpu.memory_space<vmem>>
      %dma_start3A_316 = arith.constant 0 : i32
      %dma_start3A_317 = arith.constant 0 : i32
      %dma_start3A_318 = tpu.memref_slice %arg2[%dma_start3A_316, %dma_start3A_317] : memref<20480x128xf32, #tpu.memory_space<hbm>> -> memref<20480x128xf32, #tpu.memory_space<hbm>>
      tpu.enqueue_indirect_dma source(%dma_start3A_318 : memref<20480x128xf32, #tpu.memory_space<hbm>>) target(%dma_start3A_312 : memref<128x128xf32, #tpu.memory_space<vmem>>) offsets(%dma_start3A_315 : memref<128xi32, #tpu.memory_space<vmem>>) semaphore(%arg14 : memref<!tpu.dma_semaphore, #tpu.memory_space<semaphore_mem>>)
      %dma_wait3A_319 = arith.constant 0 : i32
      %dma_wait3A_320 = arith.constant 0 : i32
      %dma_wait3A_321 = arith.constant 0 : i32
      %dma_wait3A_322 = arith.constant 0 : i32
      %dma_wait3A_323 = arith.constant 0 : i32
      %dma_wait3A_324 = tpu.memref_slice %arg9[%dma_wait3A_321, %dma_wait3A_322, %dma_wait3A_323] : memref<2x128x128xf32, #tpu.memory_space<vmem>> -> memref<1x128x128xf32, #tpu.memory_space<vmem>>
      %dma_wait3A_325 = tpu.memref_squeeze %dma_wait3A_324 : memref<1x128x128xf32, #tpu.memory_space<vmem>> -> memref<128x128xf32, #tpu.memory_space<vmem>>
      %dma_wait3A_326 = arith.constant 0 : i32
      %dma_wait3A_327 = tpu.memref_slice %arg7[%dma_wait3A_319, %dma_wait3A_320, %dma_wait3A_326] : memref<2x8x128xi32, #tpu.memory_space<vmem>> -> memref<1x1x128xi32, #tpu.memory_space<vmem>>
      %dma_wait3A_328 = tpu.memref_squeeze %dma_wait3A_327 : memref<1x1x128xi32, #tpu.memory_space<vmem>> -> memref<128xi32, #tpu.memory_space<vmem>>
      %dma_wait3A_329 = arith.constant 0 : i32
      %dma_wait3A_330 = arith.constant 0 : i32
      %dma_wait3A_331 = tpu.memref_slice %arg2[%dma_wait3A_329, %dma_wait3A_330] : memref<20480x128xf32, #tpu.memory_space<hbm>> -> memref<20480x128xf32, #tpu.memory_space<hbm>>
      tpu.wait_indirect_dma semaphore(%arg13 : memref<!tpu.dma_semaphore, #tpu.memory_space<semaphore_mem>>) src(%dma_wait3A_331 : memref<20480x128xf32, #tpu.memory_space<hbm>>) dst(%dma_wait3A_325 : memref<128x128xf32, #tpu.memory_space<vmem>>)
      %run_scoped3A_332 = arith.constant 0 : i32
      %run_scoped3A_333 = arith.constant 0 : i32
      %run_scoped3A_334 = arith.constant 6 : i32
      "tpu.region"() ({
        %run_scoped3A_629 = tpu.sem_alloc : memref<!tpu.dma_semaphore, #tpu.memory_space<semaphore_mem>>
        %dma_start3A_630 = arith.constant 0 : i32
        %dma_start3A_631 = arith.constant 0 : i32
        %dma_start3A_632 = tpu.memref_slice %arg9[%run_scoped3A_332, %dma_start3A_630, %dma_start3A_631] : memref<2x128x128xf32, #tpu.memory_space<vmem>> -> memref<1x128x128xf32, #tpu.memory_space<vmem>>
        %dma_start3A_633 = tpu.memref_squeeze %dma_start3A_632 : memref<1x128x128xf32, #tpu.memory_space<vmem>> -> memref<128x128xf32, #tpu.memory_space<vmem>>
        %dma_start3A_634 = arith.constant 0 : i32
        %dma_start3A_635 = tpu.memref_slice %arg8[%run_scoped3A_333, %run_scoped3A_334, %dma_start3A_634] : memref<2x8x128xi32, #tpu.memory_space<vmem>> -> memref<1x1x128xi32, #tpu.memory_space<vmem>>
        %dma_start3A_636 = tpu.memref_squeeze %dma_start3A_635 : memref<1x1x128xi32, #tpu.memory_space<vmem>> -> memref<128xi32, #tpu.memory_space<vmem>>
        %dma_start3A_637 = arith.constant 0 : i32
        %dma_start3A_638 = arith.constant 0 : i32
        %dma_start3A_639 = tpu.memref_slice %arg10[%dma_start3A_637, %dma_start3A_638] : memref<10240x128xf32, #tpu.memory_space<vmem_shared>> -> memref<10240x128xf32, #tpu.memory_space<vmem_shared>>
        tpu.enqueue_indirect_dma source(%dma_start3A_633 : memref<128x128xf32, #tpu.memory_space<vmem>>) target(%dma_start3A_639 : memref<10240x128xf32, #tpu.memory_space<vmem_shared>>) offsets(%dma_start3A_636 : memref<128xi32, #tpu.memory_space<vmem>>) semaphore(%run_scoped3A_629 : memref<!tpu.dma_semaphore, #tpu.memory_space<semaphore_mem>>) {add = true}
        %dma_wait3A_640 = arith.constant 0 : i32
        %dma_wait3A_641 = arith.constant 0 : i32
        %dma_wait3A_642 = tpu.memref_slice %arg9[%run_scoped3A_332, %dma_wait3A_640, %dma_wait3A_641] : memref<2x128x128xf32, #tpu.memory_space<vmem>> -> memref<1x128x128xf32, #tpu.memory_space<vmem>>
        %dma_wait3A_643 = tpu.memref_squeeze %dma_wait3A_642 : memref<1x128x128xf32, #tpu.memory_space<vmem>> -> memref<128x128xf32, #tpu.memory_space<vmem>>
        %dma_wait3A_644 = arith.constant 0 : i32
        %dma_wait3A_645 = tpu.memref_slice %arg8[%run_scoped3A_333, %run_scoped3A_334, %dma_wait3A_644] : memref<2x8x128xi32, #tpu.memory_space<vmem>> -> memref<1x1x128xi32, #tpu.memory_space<vmem>>
        %dma_wait3A_646 = tpu.memref_squeeze %dma_wait3A_645 : memref<1x1x128xi32, #tpu.memory_space<vmem>> -> memref<128xi32, #tpu.memory_space<vmem>>
        %dma_wait3A_647 = arith.constant 0 : i32
        %dma_wait3A_648 = arith.constant 0 : i32
        %dma_wait3A_649 = tpu.memref_slice %arg10[%dma_wait3A_647, %dma_wait3A_648] : memref<10240x128xf32, #tpu.memory_space<vmem_shared>> -> memref<10240x128xf32, #tpu.memory_space<vmem_shared>>
        tpu.wait_indirect_dma semaphore(%run_scoped3A_629 : memref<!tpu.dma_semaphore, #tpu.memory_space<semaphore_mem>>) src(%dma_wait3A_643 : memref<128x128xf32, #tpu.memory_space<vmem>>) dst(%dma_wait3A_649 : memref<10240x128xf32, #tpu.memory_space<vmem_shared>>)
        tpu.yield
      }) : () -> ()
      %dma_wait3A_335 = arith.constant 0 : i32
      %dma_wait3A_336 = arith.constant 0 : i32
      %dma_wait3A_337 = arith.constant 1 : i32
      %dma_wait3A_338 = arith.constant 0 : i32
      %dma_wait3A_339 = arith.constant 0 : i32
      %dma_wait3A_340 = tpu.memref_slice %arg9[%dma_wait3A_337, %dma_wait3A_338, %dma_wait3A_339] : memref<2x128x128xf32, #tpu.memory_space<vmem>> -> memref<1x128x128xf32, #tpu.memory_space<vmem>>
      %dma_wait3A_341 = tpu.memref_squeeze %dma_wait3A_340 : memref<1x128x128xf32, #tpu.memory_space<vmem>> -> memref<128x128xf32, #tpu.memory_space<vmem>>
      %dma_wait3A_342 = arith.constant 0 : i32
      %dma_wait3A_343 = tpu.memref_slice %arg7[%dma_wait3A_335, %dma_wait3A_336, %dma_wait3A_342] : memref<2x8x128xi32, #tpu.memory_space<vmem>> -> memref<1x1x128xi32, #tpu.memory_space<vmem>>
      %dma_wait3A_344 = tpu.memref_squeeze %dma_wait3A_343 : memref<1x1x128xi32, #tpu.memory_space<vmem>> -> memref<128xi32, #tpu.memory_space<vmem>>
      %dma_wait3A_345 = arith.constant 0 : i32
      %dma_wait3A_346 = arith.constant 0 : i32
      %dma_wait3A_347 = tpu.memref_slice %arg2[%dma_wait3A_345, %dma_wait3A_346] : memref<20480x128xf32, #tpu.memory_space<hbm>> -> memref<20480x128xf32, #tpu.memory_space<hbm>>
      tpu.wait_indirect_dma semaphore(%arg14 : memref<!tpu.dma_semaphore, #tpu.memory_space<semaphore_mem>>) src(%dma_wait3A_347 : memref<20480x128xf32, #tpu.memory_space<hbm>>) dst(%dma_wait3A_341 : memref<128x128xf32, #tpu.memory_space<vmem>>)
      %run_scoped3A_348 = arith.constant 1 : i32
      %run_scoped3A_349 = arith.constant 0 : i32
      %run_scoped3A_350 = arith.constant 7 : i32
      "tpu.region"() ({
        %run_scoped3A_629 = tpu.sem_alloc : memref<!tpu.dma_semaphore, #tpu.memory_space<semaphore_mem>>
        %dma_start3A_630 = arith.constant 0 : i32
        %dma_start3A_631 = arith.constant 0 : i32
        %dma_start3A_632 = tpu.memref_slice %arg9[%run_scoped3A_348, %dma_start3A_630, %dma_start3A_631] : memref<2x128x128xf32, #tpu.memory_space<vmem>> -> memref<1x128x128xf32, #tpu.memory_space<vmem>>
        %dma_start3A_633 = tpu.memref_squeeze %dma_start3A_632 : memref<1x128x128xf32, #tpu.memory_space<vmem>> -> memref<128x128xf32, #tpu.memory_space<vmem>>
        %dma_start3A_634 = arith.constant 0 : i32
        %dma_start3A_635 = tpu.memref_slice %arg8[%run_scoped3A_349, %run_scoped3A_350, %dma_start3A_634] : memref<2x8x128xi32, #tpu.memory_space<vmem>> -> memref<1x1x128xi32, #tpu.memory_space<vmem>>
        %dma_start3A_636 = tpu.memref_squeeze %dma_start3A_635 : memref<1x1x128xi32, #tpu.memory_space<vmem>> -> memref<128xi32, #tpu.memory_space<vmem>>
        %dma_start3A_637 = arith.constant 0 : i32
        %dma_start3A_638 = arith.constant 0 : i32
        %dma_start3A_639 = tpu.memref_slice %arg10[%dma_start3A_637, %dma_start3A_638] : memref<10240x128xf32, #tpu.memory_space<vmem_shared>> -> memref<10240x128xf32, #tpu.memory_space<vmem_shared>>
        tpu.enqueue_indirect_dma source(%dma_start3A_633 : memref<128x128xf32, #tpu.memory_space<vmem>>) target(%dma_start3A_639 : memref<10240x128xf32, #tpu.memory_space<vmem_shared>>) offsets(%dma_start3A_636 : memref<128xi32, #tpu.memory_space<vmem>>) semaphore(%run_scoped3A_629 : memref<!tpu.dma_semaphore, #tpu.memory_space<semaphore_mem>>) {add = true}
        %dma_wait3A_640 = arith.constant 0 : i32
        %dma_wait3A_641 = arith.constant 0 : i32
        %dma_wait3A_642 = tpu.memref_slice %arg9[%run_scoped3A_348, %dma_wait3A_640, %dma_wait3A_641] : memref<2x128x128xf32, #tpu.memory_space<vmem>> -> memref<1x128x128xf32, #tpu.memory_space<vmem>>
        %dma_wait3A_643 = tpu.memref_squeeze %dma_wait3A_642 : memref<1x128x128xf32, #tpu.memory_space<vmem>> -> memref<128x128xf32, #tpu.memory_space<vmem>>
        %dma_wait3A_644 = arith.constant 0 : i32
        %dma_wait3A_645 = tpu.memref_slice %arg8[%run_scoped3A_349, %run_scoped3A_350, %dma_wait3A_644] : memref<2x8x128xi32, #tpu.memory_space<vmem>> -> memref<1x1x128xi32, #tpu.memory_space<vmem>>
        %dma_wait3A_646 = tpu.memref_squeeze %dma_wait3A_645 : memref<1x1x128xi32, #tpu.memory_space<vmem>> -> memref<128xi32, #tpu.memory_space<vmem>>
        %dma_wait3A_647 = arith.constant 0 : i32
        %dma_wait3A_648 = arith.constant 0 : i32
        %dma_wait3A_649 = tpu.memref_slice %arg10[%dma_wait3A_647, %dma_wait3A_648] : memref<10240x128xf32, #tpu.memory_space<vmem_shared>> -> memref<10240x128xf32, #tpu.memory_space<vmem_shared>>
        tpu.wait_indirect_dma semaphore(%run_scoped3A_629 : memref<!tpu.dma_semaphore, #tpu.memory_space<semaphore_mem>>) src(%dma_wait3A_643 : memref<128x128xf32, #tpu.memory_space<vmem>>) dst(%dma_wait3A_649 : memref<10240x128xf32, #tpu.memory_space<vmem_shared>>)
        tpu.yield
      }) : () -> ()
      %add3A = arith.constant 2 : i32
      %add3A_351 = arith.addi %mul3A_86, %add3A : i32
      %lt3A = arith.constant 20 : i32
      %lt3A_352 = arith.cmpi slt, %add3A_351, %lt3A : i32
      %convert_element_type3A = arith.extui %lt3A_352 : i1 to i32
      %cond3A = arith.constant 0 : i32
      %cond3A_353 = arith.cmpi ne, %convert_element_type3A, %cond3A : i32
      scf.if %cond3A_353 {
        %add3A_629 = arith.constant 2 : i32
        %add3A_630 = arith.addi %mul3A_86, %add3A_629 : i32
        %dma_start3A_631 = arith.constant 0 : i32
        %dma_start3A_632 = arith.constant 0 : i32
        %dma_start3A_633 = arith.constant 0 : i32
        %dma_start3A_634 = tpu.memref_slice %arg7[%dma_start3A_631, %dma_start3A_632, %dma_start3A_633] : memref<2x8x128xi32, #tpu.memory_space<vmem>> -> memref<1x8x128xi32, #tpu.memory_space<vmem>>
        %dma_start3A_635 = tpu.memref_squeeze %dma_start3A_634 : memref<1x8x128xi32, #tpu.memory_space<vmem>> -> memref<8x128xi32, #tpu.memory_space<vmem>>
        %dma_start3A_636 = arith.constant 0 : i32
        %dma_start3A_637 = arith.constant 0 : i32
        %dma_start3A_638 = tpu.memref_slice %arg3[%arg0, %arg1, %add3A_630, %dma_start3A_636, %dma_start3A_637] : memref<2x16x20x8x128xi32, #tpu.memory_space<hbm>> -> memref<1x1x1x8x128xi32, #tpu.memory_space<hbm>>
        %dma_start3A_639 = tpu.memref_squeeze %dma_start3A_638 : memref<1x1x1x8x128xi32, #tpu.memory_space<hbm>> -> memref<8x128xi32, #tpu.memory_space<hbm>>
        %dma_start3A_640 = arith.constant 0 : i32
        %dma_start3A_641 = arith.constant 0 : i32
        %dma_start3A_642 = tpu.memref_slice %arg7[%dma_start3A_631, %dma_start3A_640, %dma_start3A_641] : memref<2x8x128xi32, #tpu.memory_space<vmem>> -> memref<1x8x128xi32, #tpu.memory_space<vmem>>
        %dma_start3A_643 = tpu.memref_squeeze %dma_start3A_642 : memref<1x8x128xi32, #tpu.memory_space<vmem>> -> memref<8x128xi32, #tpu.memory_space<vmem>>
        %dma_start3A_644 = arith.constant 0 : i32
        %dma_start3A_645 = arith.constant 0 : i32
        %dma_start3A_646 = tpu.memref_slice %arg3[%arg0, %arg1, %add3A_630, %dma_start3A_644, %dma_start3A_645] : memref<2x16x20x8x128xi32, #tpu.memory_space<hbm>> -> memref<1x1x1x8x128xi32, #tpu.memory_space<hbm>>
        %dma_start3A_647 = tpu.memref_squeeze %dma_start3A_646 : memref<1x1x1x8x128xi32, #tpu.memory_space<hbm>> -> memref<8x128xi32, #tpu.memory_space<hbm>>
        tpu.enqueue_dma source(%dma_start3A_647 : memref<8x128xi32, #tpu.memory_space<hbm>>) target(%dma_start3A_643 : memref<8x128xi32, #tpu.memory_space<vmem>>) target_semaphore(%arg11 : memref<!tpu.dma_semaphore, #tpu.memory_space<semaphore_mem>>)
        %dma_start3A_648 = arith.constant 0 : i32
        %dma_start3A_649 = arith.constant 0 : i32
        %dma_start3A_650 = arith.constant 0 : i32
        %dma_start3A_651 = tpu.memref_slice %arg8[%dma_start3A_648, %dma_start3A_649, %dma_start3A_650] : memref<2x8x128xi32, #tpu.memory_space<vmem>> -> memref<1x8x128xi32, #tpu.memory_space<vmem>>
        %dma_start3A_652 = tpu.memref_squeeze %dma_start3A_651 : memref<1x8x128xi32, #tpu.memory_space<vmem>> -> memref<8x128xi32, #tpu.memory_space<vmem>>
        %dma_start3A_653 = arith.constant 0 : i32
        %dma_start3A_654 = arith.constant 0 : i32
        %dma_start3A_655 = tpu.memref_slice %arg4[%arg1, %add3A_630, %dma_start3A_653, %dma_start3A_654] : memref<16x20x8x128xi32, #tpu.memory_space<hbm>> -> memref<1x1x8x128xi32, #tpu.memory_space<hbm>>
        %dma_start3A_656 = tpu.memref_squeeze %dma_start3A_655 : memref<1x1x8x128xi32, #tpu.memory_space<hbm>> -> memref<8x128xi32, #tpu.memory_space<hbm>>
        %dma_start3A_657 = arith.constant 0 : i32
        %dma_start3A_658 = arith.constant 0 : i32
        %dma_start3A_659 = tpu.memref_slice %arg8[%dma_start3A_648, %dma_start3A_657, %dma_start3A_658] : memref<2x8x128xi32, #tpu.memory_space<vmem>> -> memref<1x8x128xi32, #tpu.memory_space<vmem>>
        %dma_start3A_660 = tpu.memref_squeeze %dma_start3A_659 : memref<1x8x128xi32, #tpu.memory_space<vmem>> -> memref<8x128xi32, #tpu.memory_space<vmem>>
        %dma_start3A_661 = arith.constant 0 : i32
        %dma_start3A_662 = arith.constant 0 : i32
        %dma_start3A_663 = tpu.memref_slice %arg4[%arg1, %add3A_630, %dma_start3A_661, %dma_start3A_662] : memref<16x20x8x128xi32, #tpu.memory_space<hbm>> -> memref<1x1x8x128xi32, #tpu.memory_space<hbm>>
        %dma_start3A_664 = tpu.memref_squeeze %dma_start3A_663 : memref<1x1x8x128xi32, #tpu.memory_space<hbm>> -> memref<8x128xi32, #tpu.memory_space<hbm>>
        tpu.enqueue_dma source(%dma_start3A_664 : memref<8x128xi32, #tpu.memory_space<hbm>>) target(%dma_start3A_660 : memref<8x128xi32, #tpu.memory_space<vmem>>) target_semaphore(%arg11 : memref<!tpu.dma_semaphore, #tpu.memory_space<semaphore_mem>>)
      } else {
      }
      %add3A_354 = arith.constant 1 : i32
      %add3A_355 = arith.addi %mul3A_86, %add3A_354 : i32
      %dma_wait3A_356 = arith.constant 1 : i32
      %dma_wait3A_357 = arith.constant 0 : i32
      %dma_wait3A_358 = arith.constant 0 : i32
      %dma_wait3A_359 = tpu.memref_slice %arg7[%dma_wait3A_356, %dma_wait3A_357, %dma_wait3A_358] : memref<2x8x128xi32, #tpu.memory_space<vmem>> -> memref<1x8x128xi32, #tpu.memory_space<vmem>>
      %dma_wait3A_360 = tpu.memref_squeeze %dma_wait3A_359 : memref<1x8x128xi32, #tpu.memory_space<vmem>> -> memref<8x128xi32, #tpu.memory_space<vmem>>
      %dma_wait3A_361 = arith.constant 0 : i32
      %dma_wait3A_362 = arith.constant 0 : i32
      %dma_wait3A_363 = tpu.memref_slice %arg3[%arg0, %arg1, %add3A_355, %dma_wait3A_361, %dma_wait3A_362] : memref<2x16x20x8x128xi32, #tpu.memory_space<hbm>> -> memref<1x1x1x8x128xi32, #tpu.memory_space<hbm>>
      %dma_wait3A_364 = tpu.memref_squeeze %dma_wait3A_363 : memref<1x1x1x8x128xi32, #tpu.memory_space<hbm>> -> memref<8x128xi32, #tpu.memory_space<hbm>>
      %dma_wait3A_365 = arith.constant 0 : i32
      %dma_wait3A_366 = arith.constant 0 : i32
      %dma_wait3A_367 = tpu.memref_slice %arg7[%dma_wait3A_356, %dma_wait3A_365, %dma_wait3A_366] : memref<2x8x128xi32, #tpu.memory_space<vmem>> -> memref<1x8x128xi32, #tpu.memory_space<vmem>>
      %dma_wait3A_368 = tpu.memref_squeeze %dma_wait3A_367 : memref<1x8x128xi32, #tpu.memory_space<vmem>> -> memref<8x128xi32, #tpu.memory_space<vmem>>
      %dma_wait3A_369 = arith.constant 0 : i32
      %dma_wait3A_370 = arith.constant 0 : i32
      %dma_wait3A_371 = tpu.memref_slice %arg3[%arg0, %arg1, %add3A_355, %dma_wait3A_369, %dma_wait3A_370] : memref<2x16x20x8x128xi32, #tpu.memory_space<hbm>> -> memref<1x1x1x8x128xi32, #tpu.memory_space<hbm>>
      %dma_wait3A_372 = tpu.memref_squeeze %dma_wait3A_371 : memref<1x1x1x8x128xi32, #tpu.memory_space<hbm>> -> memref<8x128xi32, #tpu.memory_space<hbm>>
      tpu.wait_dma2 semaphore(%arg12 : memref<!tpu.dma_semaphore, #tpu.memory_space<semaphore_mem>>) src(%dma_wait3A_372 : memref<8x128xi32, #tpu.memory_space<hbm>>) dst(%dma_wait3A_368 : memref<8x128xi32, #tpu.memory_space<vmem>>)
      %dma_wait3A_373 = arith.constant 1 : i32
      %dma_wait3A_374 = arith.constant 0 : i32
      %dma_wait3A_375 = arith.constant 0 : i32
      %dma_wait3A_376 = tpu.memref_slice %arg8[%dma_wait3A_373, %dma_wait3A_374, %dma_wait3A_375] : memref<2x8x128xi32, #tpu.memory_space<vmem>> -> memref<1x8x128xi32, #tpu.memory_space<vmem>>
      %dma_wait3A_377 = tpu.memref_squeeze %dma_wait3A_376 : memref<1x8x128xi32, #tpu.memory_space<vmem>> -> memref<8x128xi32, #tpu.memory_space<vmem>>
      %dma_wait3A_378 = arith.constant 0 : i32
      %dma_wait3A_379 = arith.constant 0 : i32
      %dma_wait3A_380 = tpu.memref_slice %arg4[%arg1, %add3A_355, %dma_wait3A_378, %dma_wait3A_379] : memref<16x20x8x128xi32, #tpu.memory_space<hbm>> -> memref<1x1x8x128xi32, #tpu.memory_space<hbm>>
      %dma_wait3A_381 = tpu.memref_squeeze %dma_wait3A_380 : memref<1x1x8x128xi32, #tpu.memory_space<hbm>> -> memref<8x128xi32, #tpu.memory_space<hbm>>
      %dma_wait3A_382 = arith.constant 0 : i32
      %dma_wait3A_383 = arith.constant 0 : i32
      %dma_wait3A_384 = tpu.memref_slice %arg8[%dma_wait3A_373, %dma_wait3A_382, %dma_wait3A_383] : memref<2x8x128xi32, #tpu.memory_space<vmem>> -> memref<1x8x128xi32, #tpu.memory_space<vmem>>
      %dma_wait3A_385 = tpu.memref_squeeze %dma_wait3A_384 : memref<1x8x128xi32, #tpu.memory_space<vmem>> -> memref<8x128xi32, #tpu.memory_space<vmem>>
      %dma_wait3A_386 = arith.constant 0 : i32
      %dma_wait3A_387 = arith.constant 0 : i32
      %dma_wait3A_388 = tpu.memref_slice %arg4[%arg1, %add3A_355, %dma_wait3A_386, %dma_wait3A_387] : memref<16x20x8x128xi32, #tpu.memory_space<hbm>> -> memref<1x1x8x128xi32, #tpu.memory_space<hbm>>
      %dma_wait3A_389 = tpu.memref_squeeze %dma_wait3A_388 : memref<1x1x8x128xi32, #tpu.memory_space<hbm>> -> memref<8x128xi32, #tpu.memory_space<hbm>>
      tpu.wait_dma2 semaphore(%arg12 : memref<!tpu.dma_semaphore, #tpu.memory_space<semaphore_mem>>) src(%dma_wait3A_389 : memref<8x128xi32, #tpu.memory_space<hbm>>) dst(%dma_wait3A_385 : memref<8x128xi32, #tpu.memory_space<vmem>>)
      %dma_start3A_390 = arith.constant 1 : i32
      %dma_start3A_391 = arith.constant 0 : i32
      %dma_start3A_392 = arith.constant 0 : i32
      %dma_start3A_393 = arith.constant 0 : i32
      %dma_start3A_394 = arith.constant 0 : i32
      %dma_start3A_395 = tpu.memref_slice %arg9[%dma_start3A_392, %dma_start3A_393, %dma_start3A_394] : memref<2x128x128xf32, #tpu.memory_space<vmem>> -> memref<1x128x128xf32, #tpu.memory_space<vmem>>
      %dma_start3A_396 = tpu.memref_squeeze %dma_start3A_395 : memref<1x128x128xf32, #tpu.memory_space<vmem>> -> memref<128x128xf32, #tpu.memory_space<vmem>>
      %dma_start3A_397 = arith.constant 0 : i32
      %dma_start3A_398 = tpu.memref_slice %arg7[%dma_start3A_390, %dma_start3A_391, %dma_start3A_397] : memref<2x8x128xi32, #tpu.memory_space<vmem>> -> memref<1x1x128xi32, #tpu.memory_space<vmem>>
      %dma_start3A_399 = tpu.memref_squeeze %dma_start3A_398 : memref<1x1x128xi32, #tpu.memory_space<vmem>> -> memref<128xi32, #tpu.memory_space<vmem>>
      %dma_start3A_400 = arith.constant 0 : i32
      %dma_start3A_401 = arith.constant 0 : i32
      %dma_start3A_402 = tpu.memref_slice %arg2[%dma_start3A_400, %dma_start3A_401] : memref<20480x128xf32, #tpu.memory_space<hbm>> -> memref<20480x128xf32, #tpu.memory_space<hbm>>
      tpu.enqueue_indirect_dma source(%dma_start3A_402 : memref<20480x128xf32, #tpu.memory_space<hbm>>) target(%dma_start3A_396 : memref<128x128xf32, #tpu.memory_space<vmem>>) offsets(%dma_start3A_399 : memref<128xi32, #tpu.memory_space<vmem>>) semaphore(%arg13 : memref<!tpu.dma_semaphore, #tpu.memory_space<semaphore_mem>>)
      %dma_start3A_403 = arith.constant 1 : i32
      %dma_start3A_404 = arith.constant 1 : i32
      %dma_start3A_405 = arith.constant 1 : i32
      %dma_start3A_406 = arith.constant 0 : i32
      %dma_start3A_407 = arith.constant 0 : i32
      %dma_start3A_408 = tpu.memref_slice %arg9[%dma_start3A_405, %dma_start3A_406, %dma_start3A_407] : memref<2x128x128xf32, #tpu.memory_space<vmem>> -> memref<1x128x128xf32, #tpu.memory_space<vmem>>
      %dma_start3A_409 = tpu.memref_squeeze %dma_start3A_408 : memref<1x128x128xf32, #tpu.memory_space<vmem>> -> memref<128x128xf32, #tpu.memory_space<vmem>>
      %dma_start3A_410 = arith.constant 0 : i32
      %dma_start3A_411 = tpu.memref_slice %arg7[%dma_start3A_403, %dma_start3A_404, %dma_start3A_410] : memref<2x8x128xi32, #tpu.memory_space<vmem>> -> memref<1x1x128xi32, #tpu.memory_space<vmem>>
      %dma_start3A_412 = tpu.memref_squeeze %dma_start3A_411 : memref<1x1x128xi32, #tpu.memory_space<vmem>> -> memref<128xi32, #tpu.memory_space<vmem>>
      %dma_start3A_413 = arith.constant 0 : i32
      %dma_start3A_414 = arith.constant 0 : i32
      %dma_start3A_415 = tpu.memref_slice %arg2[%dma_start3A_413, %dma_start3A_414] : memref<20480x128xf32, #tpu.memory_space<hbm>> -> memref<20480x128xf32, #tpu.memory_space<hbm>>
      tpu.enqueue_indirect_dma source(%dma_start3A_415 : memref<20480x128xf32, #tpu.memory_space<hbm>>) target(%dma_start3A_409 : memref<128x128xf32, #tpu.memory_space<vmem>>) offsets(%dma_start3A_412 : memref<128xi32, #tpu.memory_space<vmem>>) semaphore(%arg14 : memref<!tpu.dma_semaphore, #tpu.memory_space<semaphore_mem>>)
      %dma_wait3A_416 = arith.constant 0 : i32
      %dma_wait3A_417 = arith.constant 0 : i32
      %dma_wait3A_418 = arith.constant 0 : i32
      %dma_wait3A_419 = arith.constant 0 : i32
      %dma_wait3A_420 = arith.constant 0 : i32
      %dma_wait3A_421 = tpu.memref_slice %arg9[%dma_wait3A_418, %dma_wait3A_419, %dma_wait3A_420] : memref<2x128x128xf32, #tpu.memory_space<vmem>> -> memref<1x128x128xf32, #tpu.memory_space<vmem>>
      %dma_wait3A_422 = tpu.memref_squeeze %dma_wait3A_421 : memref<1x128x128xf32, #tpu.memory_space<vmem>> -> memref<128x128xf32, #tpu.memory_space<vmem>>
      %dma_wait3A_423 = arith.constant 0 : i32
      %dma_wait3A_424 = tpu.memref_slice %arg7[%dma_wait3A_416, %dma_wait3A_417, %dma_wait3A_423] : memref<2x8x128xi32, #tpu.memory_space<vmem>> -> memref<1x1x128xi32, #tpu.memory_space<vmem>>
      %dma_wait3A_425 = tpu.memref_squeeze %dma_wait3A_424 : memref<1x1x128xi32, #tpu.memory_space<vmem>> -> memref<128xi32, #tpu.memory_space<vmem>>
      %dma_wait3A_426 = arith.constant 0 : i32
      %dma_wait3A_427 = arith.constant 0 : i32
      %dma_wait3A_428 = tpu.memref_slice %arg2[%dma_wait3A_426, %dma_wait3A_427] : memref<20480x128xf32, #tpu.memory_space<hbm>> -> memref<20480x128xf32, #tpu.memory_space<hbm>>
      tpu.wait_indirect_dma semaphore(%arg13 : memref<!tpu.dma_semaphore, #tpu.memory_space<semaphore_mem>>) src(%dma_wait3A_428 : memref<20480x128xf32, #tpu.memory_space<hbm>>) dst(%dma_wait3A_422 : memref<128x128xf32, #tpu.memory_space<vmem>>)
      %run_scoped3A_429 = arith.constant 0 : i32
      %run_scoped3A_430 = arith.constant 1 : i32
      %run_scoped3A_431 = arith.constant 0 : i32
      "tpu.region"() ({
        %run_scoped3A_629 = tpu.sem_alloc : memref<!tpu.dma_semaphore, #tpu.memory_space<semaphore_mem>>
        %dma_start3A_630 = arith.constant 0 : i32
        %dma_start3A_631 = arith.constant 0 : i32
        %dma_start3A_632 = tpu.memref_slice %arg9[%run_scoped3A_429, %dma_start3A_630, %dma_start3A_631] : memref<2x128x128xf32, #tpu.memory_space<vmem>> -> memref<1x128x128xf32, #tpu.memory_space<vmem>>
        %dma_start3A_633 = tpu.memref_squeeze %dma_start3A_632 : memref<1x128x128xf32, #tpu.memory_space<vmem>> -> memref<128x128xf32, #tpu.memory_space<vmem>>
        %dma_start3A_634 = arith.constant 0 : i32
        %dma_start3A_635 = tpu.memref_slice %arg8[%run_scoped3A_430, %run_scoped3A_431, %dma_start3A_634] : memref<2x8x128xi32, #tpu.memory_space<vmem>> -> memref<1x1x128xi32, #tpu.memory_space<vmem>>
        %dma_start3A_636 = tpu.memref_squeeze %dma_start3A_635 : memref<1x1x128xi32, #tpu.memory_space<vmem>> -> memref<128xi32, #tpu.memory_space<vmem>>
        %dma_start3A_637 = arith.constant 0 : i32
        %dma_start3A_638 = arith.constant 0 : i32
        %dma_start3A_639 = tpu.memref_slice %arg10[%dma_start3A_637, %dma_start3A_638] : memref<10240x128xf32, #tpu.memory_space<vmem_shared>> -> memref<10240x128xf32, #tpu.memory_space<vmem_shared>>
        tpu.enqueue_indirect_dma source(%dma_start3A_633 : memref<128x128xf32, #tpu.memory_space<vmem>>) target(%dma_start3A_639 : memref<10240x128xf32, #tpu.memory_space<vmem_shared>>) offsets(%dma_start3A_636 : memref<128xi32, #tpu.memory_space<vmem>>) semaphore(%run_scoped3A_629 : memref<!tpu.dma_semaphore, #tpu.memory_space<semaphore_mem>>) {add = true}
        %dma_wait3A_640 = arith.constant 0 : i32
        %dma_wait3A_641 = arith.constant 0 : i32
        %dma_wait3A_642 = tpu.memref_slice %arg9[%run_scoped3A_429, %dma_wait3A_640, %dma_wait3A_641] : memref<2x128x128xf32, #tpu.memory_space<vmem>> -> memref<1x128x128xf32, #tpu.memory_space<vmem>>
        %dma_wait3A_643 = tpu.memref_squeeze %dma_wait3A_642 : memref<1x128x128xf32, #tpu.memory_space<vmem>> -> memref<128x128xf32, #tpu.memory_space<vmem>>
        %dma_wait3A_644 = arith.constant 0 : i32
        %dma_wait3A_645 = tpu.memref_slice %arg8[%run_scoped3A_430, %run_scoped3A_431, %dma_wait3A_644] : memref<2x8x128xi32, #tpu.memory_space<vmem>> -> memref<1x1x128xi32, #tpu.memory_space<vmem>>
        %dma_wait3A_646 = tpu.memref_squeeze %dma_wait3A_645 : memref<1x1x128xi32, #tpu.memory_space<vmem>> -> memref<128xi32, #tpu.memory_space<vmem>>
        %dma_wait3A_647 = arith.constant 0 : i32
        %dma_wait3A_648 = arith.constant 0 : i32
        %dma_wait3A_649 = tpu.memref_slice %arg10[%dma_wait3A_647, %dma_wait3A_648] : memref<10240x128xf32, #tpu.memory_space<vmem_shared>> -> memref<10240x128xf32, #tpu.memory_space<vmem_shared>>
        tpu.wait_indirect_dma semaphore(%run_scoped3A_629 : memref<!tpu.dma_semaphore, #tpu.memory_space<semaphore_mem>>) src(%dma_wait3A_643 : memref<128x128xf32, #tpu.memory_space<vmem>>) dst(%dma_wait3A_649 : memref<10240x128xf32, #tpu.memory_space<vmem_shared>>)
        tpu.yield
      }) : () -> ()
      %dma_start3A_432 = arith.constant 1 : i32
      %dma_start3A_433 = arith.constant 2 : i32
      %dma_start3A_434 = arith.constant 0 : i32
      %dma_start3A_435 = arith.constant 0 : i32
      %dma_start3A_436 = arith.constant 0 : i32
      %dma_start3A_437 = tpu.memref_slice %arg9[%dma_start3A_434, %dma_start3A_435, %dma_start3A_436] : memref<2x128x128xf32, #tpu.memory_space<vmem>> -> memref<1x128x128xf32, #tpu.memory_space<vmem>>
      %dma_start3A_438 = tpu.memref_squeeze %dma_start3A_437 : memref<1x128x128xf32, #tpu.memory_space<vmem>> -> memref<128x128xf32, #tpu.memory_space<vmem>>
      %dma_start3A_439 = arith.constant 0 : i32
      %dma_start3A_440 = tpu.memref_slice %arg7[%dma_start3A_432, %dma_start3A_433, %dma_start3A_439] : memref<2x8x128xi32, #tpu.memory_space<vmem>> -> memref<1x1x128xi32, #tpu.memory_space<vmem>>
      %dma_start3A_441 = tpu.memref_squeeze %dma_start3A_440 : memref<1x1x128xi32, #tpu.memory_space<vmem>> -> memref<128xi32, #tpu.memory_space<vmem>>
      %dma_start3A_442 = arith.constant 0 : i32
      %dma_start3A_443 = arith.constant 0 : i32
      %dma_start3A_444 = tpu.memref_slice %arg2[%dma_start3A_442, %dma_start3A_443] : memref<20480x128xf32, #tpu.memory_space<hbm>> -> memref<20480x128xf32, #tpu.memory_space<hbm>>
      tpu.enqueue_indirect_dma source(%dma_start3A_444 : memref<20480x128xf32, #tpu.memory_space<hbm>>) target(%dma_start3A_438 : memref<128x128xf32, #tpu.memory_space<vmem>>) offsets(%dma_start3A_441 : memref<128xi32, #tpu.memory_space<vmem>>) semaphore(%arg13 : memref<!tpu.dma_semaphore, #tpu.memory_space<semaphore_mem>>)
      %dma_wait3A_445 = arith.constant 0 : i32
      %dma_wait3A_446 = arith.constant 0 : i32
      %dma_wait3A_447 = arith.constant 1 : i32
      %dma_wait3A_448 = arith.constant 0 : i32
      %dma_wait3A_449 = arith.constant 0 : i32
      %dma_wait3A_450 = tpu.memref_slice %arg9[%dma_wait3A_447, %dma_wait3A_448, %dma_wait3A_449] : memref<2x128x128xf32, #tpu.memory_space<vmem>> -> memref<1x128x128xf32, #tpu.memory_space<vmem>>
      %dma_wait3A_451 = tpu.memref_squeeze %dma_wait3A_450 : memref<1x128x128xf32, #tpu.memory_space<vmem>> -> memref<128x128xf32, #tpu.memory_space<vmem>>
      %dma_wait3A_452 = arith.constant 0 : i32
      %dma_wait3A_453 = tpu.memref_slice %arg7[%dma_wait3A_445, %dma_wait3A_446, %dma_wait3A_452] : memref<2x8x128xi32, #tpu.memory_space<vmem>> -> memref<1x1x128xi32, #tpu.memory_space<vmem>>
      %dma_wait3A_454 = tpu.memref_squeeze %dma_wait3A_453 : memref<1x1x128xi32, #tpu.memory_space<vmem>> -> memref<128xi32, #tpu.memory_space<vmem>>
      %dma_wait3A_455 = arith.constant 0 : i32
      %dma_wait3A_456 = arith.constant 0 : i32
      %dma_wait3A_457 = tpu.memref_slice %arg2[%dma_wait3A_455, %dma_wait3A_456] : memref<20480x128xf32, #tpu.memory_space<hbm>> -> memref<20480x128xf32, #tpu.memory_space<hbm>>
      tpu.wait_indirect_dma semaphore(%arg14 : memref<!tpu.dma_semaphore, #tpu.memory_space<semaphore_mem>>) src(%dma_wait3A_457 : memref<20480x128xf32, #tpu.memory_space<hbm>>) dst(%dma_wait3A_451 : memref<128x128xf32, #tpu.memory_space<vmem>>)
      %run_scoped3A_458 = arith.constant 1 : i32
      %run_scoped3A_459 = arith.constant 1 : i32
      %run_scoped3A_460 = arith.constant 1 : i32
      "tpu.region"() ({
        %run_scoped3A_629 = tpu.sem_alloc : memref<!tpu.dma_semaphore, #tpu.memory_space<semaphore_mem>>
        %dma_start3A_630 = arith.constant 0 : i32
        %dma_start3A_631 = arith.constant 0 : i32
        %dma_start3A_632 = tpu.memref_slice %arg9[%run_scoped3A_458, %dma_start3A_630, %dma_start3A_631] : memref<2x128x128xf32, #tpu.memory_space<vmem>> -> memref<1x128x128xf32, #tpu.memory_space<vmem>>
        %dma_start3A_633 = tpu.memref_squeeze %dma_start3A_632 : memref<1x128x128xf32, #tpu.memory_space<vmem>> -> memref<128x128xf32, #tpu.memory_space<vmem>>
        %dma_start3A_634 = arith.constant 0 : i32
        %dma_start3A_635 = tpu.memref_slice %arg8[%run_scoped3A_459, %run_scoped3A_460, %dma_start3A_634] : memref<2x8x128xi32, #tpu.memory_space<vmem>> -> memref<1x1x128xi32, #tpu.memory_space<vmem>>
        %dma_start3A_636 = tpu.memref_squeeze %dma_start3A_635 : memref<1x1x128xi32, #tpu.memory_space<vmem>> -> memref<128xi32, #tpu.memory_space<vmem>>
        %dma_start3A_637 = arith.constant 0 : i32
        %dma_start3A_638 = arith.constant 0 : i32
        %dma_start3A_639 = tpu.memref_slice %arg10[%dma_start3A_637, %dma_start3A_638] : memref<10240x128xf32, #tpu.memory_space<vmem_shared>> -> memref<10240x128xf32, #tpu.memory_space<vmem_shared>>
        tpu.enqueue_indirect_dma source(%dma_start3A_633 : memref<128x128xf32, #tpu.memory_space<vmem>>) target(%dma_start3A_639 : memref<10240x128xf32, #tpu.memory_space<vmem_shared>>) offsets(%dma_start3A_636 : memref<128xi32, #tpu.memory_space<vmem>>) semaphore(%run_scoped3A_629 : memref<!tpu.dma_semaphore, #tpu.memory_space<semaphore_mem>>) {add = true}
        %dma_wait3A_640 = arith.constant 0 : i32
        %dma_wait3A_641 = arith.constant 0 : i32
        %dma_wait3A_642 = tpu.memref_slice %arg9[%run_scoped3A_458, %dma_wait3A_640, %dma_wait3A_641] : memref<2x128x128xf32, #tpu.memory_space<vmem>> -> memref<1x128x128xf32, #tpu.memory_space<vmem>>
        %dma_wait3A_643 = tpu.memref_squeeze %dma_wait3A_642 : memref<1x128x128xf32, #tpu.memory_space<vmem>> -> memref<128x128xf32, #tpu.memory_space<vmem>>
        %dma_wait3A_644 = arith.constant 0 : i32
        %dma_wait3A_645 = tpu.memref_slice %arg8[%run_scoped3A_459, %run_scoped3A_460, %dma_wait3A_644] : memref<2x8x128xi32, #tpu.memory_space<vmem>> -> memref<1x1x128xi32, #tpu.memory_space<vmem>>
        %dma_wait3A_646 = tpu.memref_squeeze %dma_wait3A_645 : memref<1x1x128xi32, #tpu.memory_space<vmem>> -> memref<128xi32, #tpu.memory_space<vmem>>
        %dma_wait3A_647 = arith.constant 0 : i32
        %dma_wait3A_648 = arith.constant 0 : i32
        %dma_wait3A_649 = tpu.memref_slice %arg10[%dma_wait3A_647, %dma_wait3A_648] : memref<10240x128xf32, #tpu.memory_space<vmem_shared>> -> memref<10240x128xf32, #tpu.memory_space<vmem_shared>>
        tpu.wait_indirect_dma semaphore(%run_scoped3A_629 : memref<!tpu.dma_semaphore, #tpu.memory_space<semaphore_mem>>) src(%dma_wait3A_643 : memref<128x128xf32, #tpu.memory_space<vmem>>) dst(%dma_wait3A_649 : memref<10240x128xf32, #tpu.memory_space<vmem_shared>>)
        tpu.yield
      }) : () -> ()
      %dma_start3A_461 = arith.constant 1 : i32
      %dma_start3A_462 = arith.constant 3 : i32
      %dma_start3A_463 = arith.constant 1 : i32
      %dma_start3A_464 = arith.constant 0 : i32
      %dma_start3A_465 = arith.constant 0 : i32
      %dma_start3A_466 = tpu.memref_slice %arg9[%dma_start3A_463, %dma_start3A_464, %dma_start3A_465] : memref<2x128x128xf32, #tpu.memory_space<vmem>> -> memref<1x128x128xf32, #tpu.memory_space<vmem>>
      %dma_start3A_467 = tpu.memref_squeeze %dma_start3A_466 : memref<1x128x128xf32, #tpu.memory_space<vmem>> -> memref<128x128xf32, #tpu.memory_space<vmem>>
      %dma_start3A_468 = arith.constant 0 : i32
      %dma_start3A_469 = tpu.memref_slice %arg7[%dma_start3A_461, %dma_start3A_462, %dma_start3A_468] : memref<2x8x128xi32, #tpu.memory_space<vmem>> -> memref<1x1x128xi32, #tpu.memory_space<vmem>>
      %dma_start3A_470 = tpu.memref_squeeze %dma_start3A_469 : memref<1x1x128xi32, #tpu.memory_space<vmem>> -> memref<128xi32, #tpu.memory_space<vmem>>
      %dma_start3A_471 = arith.constant 0 : i32
      %dma_start3A_472 = arith.constant 0 : i32
      %dma_start3A_473 = tpu.memref_slice %arg2[%dma_start3A_471, %dma_start3A_472] : memref<20480x128xf32, #tpu.memory_space<hbm>> -> memref<20480x128xf32, #tpu.memory_space<hbm>>
      tpu.enqueue_indirect_dma source(%dma_start3A_473 : memref<20480x128xf32, #tpu.memory_space<hbm>>) target(%dma_start3A_467 : memref<128x128xf32, #tpu.memory_space<vmem>>) offsets(%dma_start3A_470 : memref<128xi32, #tpu.memory_space<vmem>>) semaphore(%arg14 : memref<!tpu.dma_semaphore, #tpu.memory_space<semaphore_mem>>)
      %dma_wait3A_474 = arith.constant 0 : i32
      %dma_wait3A_475 = arith.constant 0 : i32
      %dma_wait3A_476 = arith.constant 0 : i32
      %dma_wait3A_477 = arith.constant 0 : i32
      %dma_wait3A_478 = arith.constant 0 : i32
      %dma_wait3A_479 = tpu.memref_slice %arg9[%dma_wait3A_476, %dma_wait3A_477, %dma_wait3A_478] : memref<2x128x128xf32, #tpu.memory_space<vmem>> -> memref<1x128x128xf32, #tpu.memory_space<vmem>>
      %dma_wait3A_480 = tpu.memref_squeeze %dma_wait3A_479 : memref<1x128x128xf32, #tpu.memory_space<vmem>> -> memref<128x128xf32, #tpu.memory_space<vmem>>
      %dma_wait3A_481 = arith.constant 0 : i32
      %dma_wait3A_482 = tpu.memref_slice %arg7[%dma_wait3A_474, %dma_wait3A_475, %dma_wait3A_481] : memref<2x8x128xi32, #tpu.memory_space<vmem>> -> memref<1x1x128xi32, #tpu.memory_space<vmem>>
      %dma_wait3A_483 = tpu.memref_squeeze %dma_wait3A_482 : memref<1x1x128xi32, #tpu.memory_space<vmem>> -> memref<128xi32, #tpu.memory_space<vmem>>
      %dma_wait3A_484 = arith.constant 0 : i32
      %dma_wait3A_485 = arith.constant 0 : i32
      %dma_wait3A_486 = tpu.memref_slice %arg2[%dma_wait3A_484, %dma_wait3A_485] : memref<20480x128xf32, #tpu.memory_space<hbm>> -> memref<20480x128xf32, #tpu.memory_space<hbm>>
      tpu.wait_indirect_dma semaphore(%arg13 : memref<!tpu.dma_semaphore, #tpu.memory_space<semaphore_mem>>) src(%dma_wait3A_486 : memref<20480x128xf32, #tpu.memory_space<hbm>>) dst(%dma_wait3A_480 : memref<128x128xf32, #tpu.memory_space<vmem>>)
      %run_scoped3A_487 = arith.constant 0 : i32
      %run_scoped3A_488 = arith.constant 1 : i32
      %run_scoped3A_489 = arith.constant 2 : i32
      "tpu.region"() ({
        %run_scoped3A_629 = tpu.sem_alloc : memref<!tpu.dma_semaphore, #tpu.memory_space<semaphore_mem>>
        %dma_start3A_630 = arith.constant 0 : i32
        %dma_start3A_631 = arith.constant 0 : i32
        %dma_start3A_632 = tpu.memref_slice %arg9[%run_scoped3A_487, %dma_start3A_630, %dma_start3A_631] : memref<2x128x128xf32, #tpu.memory_space<vmem>> -> memref<1x128x128xf32, #tpu.memory_space<vmem>>
        %dma_start3A_633 = tpu.memref_squeeze %dma_start3A_632 : memref<1x128x128xf32, #tpu.memory_space<vmem>> -> memref<128x128xf32, #tpu.memory_space<vmem>>
        %dma_start3A_634 = arith.constant 0 : i32
        %dma_start3A_635 = tpu.memref_slice %arg8[%run_scoped3A_488, %run_scoped3A_489, %dma_start3A_634] : memref<2x8x128xi32, #tpu.memory_space<vmem>> -> memref<1x1x128xi32, #tpu.memory_space<vmem>>
        %dma_start3A_636 = tpu.memref_squeeze %dma_start3A_635 : memref<1x1x128xi32, #tpu.memory_space<vmem>> -> memref<128xi32, #tpu.memory_space<vmem>>
        %dma_start3A_637 = arith.constant 0 : i32
        %dma_start3A_638 = arith.constant 0 : i32
        %dma_start3A_639 = tpu.memref_slice %arg10[%dma_start3A_637, %dma_start3A_638] : memref<10240x128xf32, #tpu.memory_space<vmem_shared>> -> memref<10240x128xf32, #tpu.memory_space<vmem_shared>>
        tpu.enqueue_indirect_dma source(%dma_start3A_633 : memref<128x128xf32, #tpu.memory_space<vmem>>) target(%dma_start3A_639 : memref<10240x128xf32, #tpu.memory_space<vmem_shared>>) offsets(%dma_start3A_636 : memref<128xi32, #tpu.memory_space<vmem>>) semaphore(%run_scoped3A_629 : memref<!tpu.dma_semaphore, #tpu.memory_space<semaphore_mem>>) {add = true}
        %dma_wait3A_640 = arith.constant 0 : i32
        %dma_wait3A_641 = arith.constant 0 : i32
        %dma_wait3A_642 = tpu.memref_slice %arg9[%run_scoped3A_487, %dma_wait3A_640, %dma_wait3A_641] : memref<2x128x128xf32, #tpu.memory_space<vmem>> -> memref<1x128x128xf32, #tpu.memory_space<vmem>>
        %dma_wait3A_643 = tpu.memref_squeeze %dma_wait3A_642 : memref<1x128x128xf32, #tpu.memory_space<vmem>> -> memref<128x128xf32, #tpu.memory_space<vmem>>
        %dma_wait3A_644 = arith.constant 0 : i32
        %dma_wait3A_645 = tpu.memref_slice %arg8[%run_scoped3A_488, %run_scoped3A_489, %dma_wait3A_644] : memref<2x8x128xi32, #tpu.memory_space<vmem>> -> memref<1x1x128xi32, #tpu.memory_space<vmem>>
        %dma_wait3A_646 = tpu.memref_squeeze %dma_wait3A_645 : memref<1x1x128xi32, #tpu.memory_space<vmem>> -> memref<128xi32, #tpu.memory_space<vmem>>
        %dma_wait3A_647 = arith.constant 0 : i32
        %dma_wait3A_648 = arith.constant 0 : i32
        %dma_wait3A_649 = tpu.memref_slice %arg10[%dma_wait3A_647, %dma_wait3A_648] : memref<10240x128xf32, #tpu.memory_space<vmem_shared>> -> memref<10240x128xf32, #tpu.memory_space<vmem_shared>>
        tpu.wait_indirect_dma semaphore(%run_scoped3A_629 : memref<!tpu.dma_semaphore, #tpu.memory_space<semaphore_mem>>) src(%dma_wait3A_643 : memref<128x128xf32, #tpu.memory_space<vmem>>) dst(%dma_wait3A_649 : memref<10240x128xf32, #tpu.memory_space<vmem_shared>>)
        tpu.yield
      }) : () -> ()
      %dma_start3A_490 = arith.constant 1 : i32
      %dma_start3A_491 = arith.constant 4 : i32
      %dma_start3A_492 = arith.constant 0 : i32
      %dma_start3A_493 = arith.constant 0 : i32
      %dma_start3A_494 = arith.constant 0 : i32
      %dma_start3A_495 = tpu.memref_slice %arg9[%dma_start3A_492, %dma_start3A_493, %dma_start3A_494] : memref<2x128x128xf32, #tpu.memory_space<vmem>> -> memref<1x128x128xf32, #tpu.memory_space<vmem>>
      %dma_start3A_496 = tpu.memref_squeeze %dma_start3A_495 : memref<1x128x128xf32, #tpu.memory_space<vmem>> -> memref<128x128xf32, #tpu.memory_space<vmem>>
      %dma_start3A_497 = arith.constant 0 : i32
      %dma_start3A_498 = tpu.memref_slice %arg7[%dma_start3A_490, %dma_start3A_491, %dma_start3A_497] : memref<2x8x128xi32, #tpu.memory_space<vmem>> -> memref<1x1x128xi32, #tpu.memory_space<vmem>>
      %dma_start3A_499 = tpu.memref_squeeze %dma_start3A_498 : memref<1x1x128xi32, #tpu.memory_space<vmem>> -> memref<128xi32, #tpu.memory_space<vmem>>
      %dma_start3A_500 = arith.constant 0 : i32
      %dma_start3A_501 = arith.constant 0 : i32
      %dma_start3A_502 = tpu.memref_slice %arg2[%dma_start3A_500, %dma_start3A_501] : memref<20480x128xf32, #tpu.memory_space<hbm>> -> memref<20480x128xf32, #tpu.memory_space<hbm>>
      tpu.enqueue_indirect_dma source(%dma_start3A_502 : memref<20480x128xf32, #tpu.memory_space<hbm>>) target(%dma_start3A_496 : memref<128x128xf32, #tpu.memory_space<vmem>>) offsets(%dma_start3A_499 : memref<128xi32, #tpu.memory_space<vmem>>) semaphore(%arg13 : memref<!tpu.dma_semaphore, #tpu.memory_space<semaphore_mem>>)
      %dma_wait3A_503 = arith.constant 0 : i32
      %dma_wait3A_504 = arith.constant 0 : i32
      %dma_wait3A_505 = arith.constant 1 : i32
      %dma_wait3A_506 = arith.constant 0 : i32
      %dma_wait3A_507 = arith.constant 0 : i32
      %dma_wait3A_508 = tpu.memref_slice %arg9[%dma_wait3A_505, %dma_wait3A_506, %dma_wait3A_507] : memref<2x128x128xf32, #tpu.memory_space<vmem>> -> memref<1x128x128xf32, #tpu.memory_space<vmem>>
      %dma_wait3A_509 = tpu.memref_squeeze %dma_wait3A_508 : memref<1x128x128xf32, #tpu.memory_space<vmem>> -> memref<128x128xf32, #tpu.memory_space<vmem>>
      %dma_wait3A_510 = arith.constant 0 : i32
      %dma_wait3A_511 = tpu.memref_slice %arg7[%dma_wait3A_503, %dma_wait3A_504, %dma_wait3A_510] : memref<2x8x128xi32, #tpu.memory_space<vmem>> -> memref<1x1x128xi32, #tpu.memory_space<vmem>>
      %dma_wait3A_512 = tpu.memref_squeeze %dma_wait3A_511 : memref<1x1x128xi32, #tpu.memory_space<vmem>> -> memref<128xi32, #tpu.memory_space<vmem>>
      %dma_wait3A_513 = arith.constant 0 : i32
      %dma_wait3A_514 = arith.constant 0 : i32
      %dma_wait3A_515 = tpu.memref_slice %arg2[%dma_wait3A_513, %dma_wait3A_514] : memref<20480x128xf32, #tpu.memory_space<hbm>> -> memref<20480x128xf32, #tpu.memory_space<hbm>>
      tpu.wait_indirect_dma semaphore(%arg14 : memref<!tpu.dma_semaphore, #tpu.memory_space<semaphore_mem>>) src(%dma_wait3A_515 : memref<20480x128xf32, #tpu.memory_space<hbm>>) dst(%dma_wait3A_509 : memref<128x128xf32, #tpu.memory_space<vmem>>)
      %run_scoped3A_516 = arith.constant 1 : i32
      %run_scoped3A_517 = arith.constant 1 : i32
      %run_scoped3A_518 = arith.constant 3 : i32
      "tpu.region"() ({
        %run_scoped3A_629 = tpu.sem_alloc : memref<!tpu.dma_semaphore, #tpu.memory_space<semaphore_mem>>
        %dma_start3A_630 = arith.constant 0 : i32
        %dma_start3A_631 = arith.constant 0 : i32
        %dma_start3A_632 = tpu.memref_slice %arg9[%run_scoped3A_516, %dma_start3A_630, %dma_start3A_631] : memref<2x128x128xf32, #tpu.memory_space<vmem>> -> memref<1x128x128xf32, #tpu.memory_space<vmem>>
        %dma_start3A_633 = tpu.memref_squeeze %dma_start3A_632 : memref<1x128x128xf32, #tpu.memory_space<vmem>> -> memref<128x128xf32, #tpu.memory_space<vmem>>
        %dma_start3A_634 = arith.constant 0 : i32
        %dma_start3A_635 = tpu.memref_slice %arg8[%run_scoped3A_517, %run_scoped3A_518, %dma_start3A_634] : memref<2x8x128xi32, #tpu.memory_space<vmem>> -> memref<1x1x128xi32, #tpu.memory_space<vmem>>
        %dma_start3A_636 = tpu.memref_squeeze %dma_start3A_635 : memref<1x1x128xi32, #tpu.memory_space<vmem>> -> memref<128xi32, #tpu.memory_space<vmem>>
        %dma_start3A_637 = arith.constant 0 : i32
        %dma_start3A_638 = arith.constant 0 : i32
        %dma_start3A_639 = tpu.memref_slice %arg10[%dma_start3A_637, %dma_start3A_638] : memref<10240x128xf32, #tpu.memory_space<vmem_shared>> -> memref<10240x128xf32, #tpu.memory_space<vmem_shared>>
        tpu.enqueue_indirect_dma source(%dma_start3A_633 : memref<128x128xf32, #tpu.memory_space<vmem>>) target(%dma_start3A_639 : memref<10240x128xf32, #tpu.memory_space<vmem_shared>>) offsets(%dma_start3A_636 : memref<128xi32, #tpu.memory_space<vmem>>) semaphore(%run_scoped3A_629 : memref<!tpu.dma_semaphore, #tpu.memory_space<semaphore_mem>>) {add = true}
        %dma_wait3A_640 = arith.constant 0 : i32
        %dma_wait3A_641 = arith.constant 0 : i32
        %dma_wait3A_642 = tpu.memref_slice %arg9[%run_scoped3A_516, %dma_wait3A_640, %dma_wait3A_641] : memref<2x128x128xf32, #tpu.memory_space<vmem>> -> memref<1x128x128xf32, #tpu.memory_space<vmem>>
        %dma_wait3A_643 = tpu.memref_squeeze %dma_wait3A_642 : memref<1x128x128xf32, #tpu.memory_space<vmem>> -> memref<128x128xf32, #tpu.memory_space<vmem>>
        %dma_wait3A_644 = arith.constant 0 : i32
        %dma_wait3A_645 = tpu.memref_slice %arg8[%run_scoped3A_517, %run_scoped3A_518, %dma_wait3A_644] : memref<2x8x128xi32, #tpu.memory_space<vmem>> -> memref<1x1x128xi32, #tpu.memory_space<vmem>>
        %dma_wait3A_646 = tpu.memref_squeeze %dma_wait3A_645 : memref<1x1x128xi32, #tpu.memory_space<vmem>> -> memref<128xi32, #tpu.memory_space<vmem>>
        %dma_wait3A_647 = arith.constant 0 : i32
        %dma_wait3A_648 = arith.constant 0 : i32
        %dma_wait3A_649 = tpu.memref_slice %arg10[%dma_wait3A_647, %dma_wait3A_648] : memref<10240x128xf32, #tpu.memory_space<vmem_shared>> -> memref<10240x128xf32, #tpu.memory_space<vmem_shared>>
        tpu.wait_indirect_dma semaphore(%run_scoped3A_629 : memref<!tpu.dma_semaphore, #tpu.memory_space<semaphore_mem>>) src(%dma_wait3A_643 : memref<128x128xf32, #tpu.memory_space<vmem>>) dst(%dma_wait3A_649 : memref<10240x128xf32, #tpu.memory_space<vmem_shared>>)
        tpu.yield
      }) : () -> ()
      %dma_start3A_519 = arith.constant 1 : i32
      %dma_start3A_520 = arith.constant 5 : i32
      %dma_start3A_521 = arith.constant 1 : i32
      %dma_start3A_522 = arith.constant 0 : i32
      %dma_start3A_523 = arith.constant 0 : i32
      %dma_start3A_524 = tpu.memref_slice %arg9[%dma_start3A_521, %dma_start3A_522, %dma_start3A_523] : memref<2x128x128xf32, #tpu.memory_space<vmem>> -> memref<1x128x128xf32, #tpu.memory_space<vmem>>
      %dma_start3A_525 = tpu.memref_squeeze %dma_start3A_524 : memref<1x128x128xf32, #tpu.memory_space<vmem>> -> memref<128x128xf32, #tpu.memory_space<vmem>>
      %dma_start3A_526 = arith.constant 0 : i32
      %dma_start3A_527 = tpu.memref_slice %arg7[%dma_start3A_519, %dma_start3A_520, %dma_start3A_526] : memref<2x8x128xi32, #tpu.memory_space<vmem>> -> memref<1x1x128xi32, #tpu.memory_space<vmem>>
      %dma_start3A_528 = tpu.memref_squeeze %dma_start3A_527 : memref<1x1x128xi32, #tpu.memory_space<vmem>> -> memref<128xi32, #tpu.memory_space<vmem>>
      %dma_start3A_529 = arith.constant 0 : i32
      %dma_start3A_530 = arith.constant 0 : i32
      %dma_start3A_531 = tpu.memref_slice %arg2[%dma_start3A_529, %dma_start3A_530] : memref<20480x128xf32, #tpu.memory_space<hbm>> -> memref<20480x128xf32, #tpu.memory_space<hbm>>
      tpu.enqueue_indirect_dma source(%dma_start3A_531 : memref<20480x128xf32, #tpu.memory_space<hbm>>) target(%dma_start3A_525 : memref<128x128xf32, #tpu.memory_space<vmem>>) offsets(%dma_start3A_528 : memref<128xi32, #tpu.memory_space<vmem>>) semaphore(%arg14 : memref<!tpu.dma_semaphore, #tpu.memory_space<semaphore_mem>>)
      %dma_wait3A_532 = arith.constant 0 : i32
      %dma_wait3A_533 = arith.constant 0 : i32
      %dma_wait3A_534 = arith.constant 0 : i32
      %dma_wait3A_535 = arith.constant 0 : i32
      %dma_wait3A_536 = arith.constant 0 : i32
      %dma_wait3A_537 = tpu.memref_slice %arg9[%dma_wait3A_534, %dma_wait3A_535, %dma_wait3A_536] : memref<2x128x128xf32, #tpu.memory_space<vmem>> -> memref<1x128x128xf32, #tpu.memory_space<vmem>>
      %dma_wait3A_538 = tpu.memref_squeeze %dma_wait3A_537 : memref<1x128x128xf32, #tpu.memory_space<vmem>> -> memref<128x128xf32, #tpu.memory_space<vmem>>
      %dma_wait3A_539 = arith.constant 0 : i32
      %dma_wait3A_540 = tpu.memref_slice %arg7[%dma_wait3A_532, %dma_wait3A_533, %dma_wait3A_539] : memref<2x8x128xi32, #tpu.memory_space<vmem>> -> memref<1x1x128xi32, #tpu.memory_space<vmem>>
      %dma_wait3A_541 = tpu.memref_squeeze %dma_wait3A_540 : memref<1x1x128xi32, #tpu.memory_space<vmem>> -> memref<128xi32, #tpu.memory_space<vmem>>
      %dma_wait3A_542 = arith.constant 0 : i32
      %dma_wait3A_543 = arith.constant 0 : i32
      %dma_wait3A_544 = tpu.memref_slice %arg2[%dma_wait3A_542, %dma_wait3A_543] : memref<20480x128xf32, #tpu.memory_space<hbm>> -> memref<20480x128xf32, #tpu.memory_space<hbm>>
      tpu.wait_indirect_dma semaphore(%arg13 : memref<!tpu.dma_semaphore, #tpu.memory_space<semaphore_mem>>) src(%dma_wait3A_544 : memref<20480x128xf32, #tpu.memory_space<hbm>>) dst(%dma_wait3A_538 : memref<128x128xf32, #tpu.memory_space<vmem>>)
      %run_scoped3A_545 = arith.constant 0 : i32
      %run_scoped3A_546 = arith.constant 1 : i32
      %run_scoped3A_547 = arith.constant 4 : i32
      "tpu.region"() ({
        %run_scoped3A_629 = tpu.sem_alloc : memref<!tpu.dma_semaphore, #tpu.memory_space<semaphore_mem>>
        %dma_start3A_630 = arith.constant 0 : i32
        %dma_start3A_631 = arith.constant 0 : i32
        %dma_start3A_632 = tpu.memref_slice %arg9[%run_scoped3A_545, %dma_start3A_630, %dma_start3A_631] : memref<2x128x128xf32, #tpu.memory_space<vmem>> -> memref<1x128x128xf32, #tpu.memory_space<vmem>>
        %dma_start3A_633 = tpu.memref_squeeze %dma_start3A_632 : memref<1x128x128xf32, #tpu.memory_space<vmem>> -> memref<128x128xf32, #tpu.memory_space<vmem>>
        %dma_start3A_634 = arith.constant 0 : i32
        %dma_start3A_635 = tpu.memref_slice %arg8[%run_scoped3A_546, %run_scoped3A_547, %dma_start3A_634] : memref<2x8x128xi32, #tpu.memory_space<vmem>> -> memref<1x1x128xi32, #tpu.memory_space<vmem>>
        %dma_start3A_636 = tpu.memref_squeeze %dma_start3A_635 : memref<1x1x128xi32, #tpu.memory_space<vmem>> -> memref<128xi32, #tpu.memory_space<vmem>>
        %dma_start3A_637 = arith.constant 0 : i32
        %dma_start3A_638 = arith.constant 0 : i32
        %dma_start3A_639 = tpu.memref_slice %arg10[%dma_start3A_637, %dma_start3A_638] : memref<10240x128xf32, #tpu.memory_space<vmem_shared>> -> memref<10240x128xf32, #tpu.memory_space<vmem_shared>>
        tpu.enqueue_indirect_dma source(%dma_start3A_633 : memref<128x128xf32, #tpu.memory_space<vmem>>) target(%dma_start3A_639 : memref<10240x128xf32, #tpu.memory_space<vmem_shared>>) offsets(%dma_start3A_636 : memref<128xi32, #tpu.memory_space<vmem>>) semaphore(%run_scoped3A_629 : memref<!tpu.dma_semaphore, #tpu.memory_space<semaphore_mem>>) {add = true}
        %dma_wait3A_640 = arith.constant 0 : i32
        %dma_wait3A_641 = arith.constant 0 : i32
        %dma_wait3A_642 = tpu.memref_slice %arg9[%run_scoped3A_545, %dma_wait3A_640, %dma_wait3A_641] : memref<2x128x128xf32, #tpu.memory_space<vmem>> -> memref<1x128x128xf32, #tpu.memory_space<vmem>>
        %dma_wait3A_643 = tpu.memref_squeeze %dma_wait3A_642 : memref<1x128x128xf32, #tpu.memory_space<vmem>> -> memref<128x128xf32, #tpu.memory_space<vmem>>
        %dma_wait3A_644 = arith.constant 0 : i32
        %dma_wait3A_645 = tpu.memref_slice %arg8[%run_scoped3A_546, %run_scoped3A_547, %dma_wait3A_644] : memref<2x8x128xi32, #tpu.memory_space<vmem>> -> memref<1x1x128xi32, #tpu.memory_space<vmem>>
        %dma_wait3A_646 = tpu.memref_squeeze %dma_wait3A_645 : memref<1x1x128xi32, #tpu.memory_space<vmem>> -> memref<128xi32, #tpu.memory_space<vmem>>
        %dma_wait3A_647 = arith.constant 0 : i32
        %dma_wait3A_648 = arith.constant 0 : i32
        %dma_wait3A_649 = tpu.memref_slice %arg10[%dma_wait3A_647, %dma_wait3A_648] : memref<10240x128xf32, #tpu.memory_space<vmem_shared>> -> memref<10240x128xf32, #tpu.memory_space<vmem_shared>>
        tpu.wait_indirect_dma semaphore(%run_scoped3A_629 : memref<!tpu.dma_semaphore, #tpu.memory_space<semaphore_mem>>) src(%dma_wait3A_643 : memref<128x128xf32, #tpu.memory_space<vmem>>) dst(%dma_wait3A_649 : memref<10240x128xf32, #tpu.memory_space<vmem_shared>>)
        tpu.yield
      }) : () -> ()
      %dma_start3A_548 = arith.constant 1 : i32
      %dma_start3A_549 = arith.constant 6 : i32
      %dma_start3A_550 = arith.constant 0 : i32
      %dma_start3A_551 = arith.constant 0 : i32
      %dma_start3A_552 = arith.constant 0 : i32
      %dma_start3A_553 = tpu.memref_slice %arg9[%dma_start3A_550, %dma_start3A_551, %dma_start3A_552] : memref<2x128x128xf32, #tpu.memory_space<vmem>> -> memref<1x128x128xf32, #tpu.memory_space<vmem>>
      %dma_start3A_554 = tpu.memref_squeeze %dma_start3A_553 : memref<1x128x128xf32, #tpu.memory_space<vmem>> -> memref<128x128xf32, #tpu.memory_space<vmem>>
      %dma_start3A_555 = arith.constant 0 : i32
      %dma_start3A_556 = tpu.memref_slice %arg7[%dma_start3A_548, %dma_start3A_549, %dma_start3A_555] : memref<2x8x128xi32, #tpu.memory_space<vmem>> -> memref<1x1x128xi32, #tpu.memory_space<vmem>>
      %dma_start3A_557 = tpu.memref_squeeze %dma_start3A_556 : memref<1x1x128xi32, #tpu.memory_space<vmem>> -> memref<128xi32, #tpu.memory_space<vmem>>
      %dma_start3A_558 = arith.constant 0 : i32
      %dma_start3A_559 = arith.constant 0 : i32
      %dma_start3A_560 = tpu.memref_slice %arg2[%dma_start3A_558, %dma_start3A_559] : memref<20480x128xf32, #tpu.memory_space<hbm>> -> memref<20480x128xf32, #tpu.memory_space<hbm>>
      tpu.enqueue_indirect_dma source(%dma_start3A_560 : memref<20480x128xf32, #tpu.memory_space<hbm>>) target(%dma_start3A_554 : memref<128x128xf32, #tpu.memory_space<vmem>>) offsets(%dma_start3A_557 : memref<128xi32, #tpu.memory_space<vmem>>) semaphore(%arg13 : memref<!tpu.dma_semaphore, #tpu.memory_space<semaphore_mem>>)
      %dma_wait3A_561 = arith.constant 0 : i32
      %dma_wait3A_562 = arith.constant 0 : i32
      %dma_wait3A_563 = arith.constant 1 : i32
      %dma_wait3A_564 = arith.constant 0 : i32
      %dma_wait3A_565 = arith.constant 0 : i32
      %dma_wait3A_566 = tpu.memref_slice %arg9[%dma_wait3A_563, %dma_wait3A_564, %dma_wait3A_565] : memref<2x128x128xf32, #tpu.memory_space<vmem>> -> memref<1x128x128xf32, #tpu.memory_space<vmem>>
      %dma_wait3A_567 = tpu.memref_squeeze %dma_wait3A_566 : memref<1x128x128xf32, #tpu.memory_space<vmem>> -> memref<128x128xf32, #tpu.memory_space<vmem>>
      %dma_wait3A_568 = arith.constant 0 : i32
      %dma_wait3A_569 = tpu.memref_slice %arg7[%dma_wait3A_561, %dma_wait3A_562, %dma_wait3A_568] : memref<2x8x128xi32, #tpu.memory_space<vmem>> -> memref<1x1x128xi32, #tpu.memory_space<vmem>>
      %dma_wait3A_570 = tpu.memref_squeeze %dma_wait3A_569 : memref<1x1x128xi32, #tpu.memory_space<vmem>> -> memref<128xi32, #tpu.memory_space<vmem>>
      %dma_wait3A_571 = arith.constant 0 : i32
      %dma_wait3A_572 = arith.constant 0 : i32
      %dma_wait3A_573 = tpu.memref_slice %arg2[%dma_wait3A_571, %dma_wait3A_572] : memref<20480x128xf32, #tpu.memory_space<hbm>> -> memref<20480x128xf32, #tpu.memory_space<hbm>>
      tpu.wait_indirect_dma semaphore(%arg14 : memref<!tpu.dma_semaphore, #tpu.memory_space<semaphore_mem>>) src(%dma_wait3A_573 : memref<20480x128xf32, #tpu.memory_space<hbm>>) dst(%dma_wait3A_567 : memref<128x128xf32, #tpu.memory_space<vmem>>)
      %run_scoped3A_574 = arith.constant 1 : i32
      %run_scoped3A_575 = arith.constant 1 : i32
      %run_scoped3A_576 = arith.constant 5 : i32
      "tpu.region"() ({
        %run_scoped3A_629 = tpu.sem_alloc : memref<!tpu.dma_semaphore, #tpu.memory_space<semaphore_mem>>
        %dma_start3A_630 = arith.constant 0 : i32
        %dma_start3A_631 = arith.constant 0 : i32
        %dma_start3A_632 = tpu.memref_slice %arg9[%run_scoped3A_574, %dma_start3A_630, %dma_start3A_631] : memref<2x128x128xf32, #tpu.memory_space<vmem>> -> memref<1x128x128xf32, #tpu.memory_space<vmem>>
        %dma_start3A_633 = tpu.memref_squeeze %dma_start3A_632 : memref<1x128x128xf32, #tpu.memory_space<vmem>> -> memref<128x128xf32, #tpu.memory_space<vmem>>
        %dma_start3A_634 = arith.constant 0 : i32
        %dma_start3A_635 = tpu.memref_slice %arg8[%run_scoped3A_575, %run_scoped3A_576, %dma_start3A_634] : memref<2x8x128xi32, #tpu.memory_space<vmem>> -> memref<1x1x128xi32, #tpu.memory_space<vmem>>
        %dma_start3A_636 = tpu.memref_squeeze %dma_start3A_635 : memref<1x1x128xi32, #tpu.memory_space<vmem>> -> memref<128xi32, #tpu.memory_space<vmem>>
        %dma_start3A_637 = arith.constant 0 : i32
        %dma_start3A_638 = arith.constant 0 : i32
        %dma_start3A_639 = tpu.memref_slice %arg10[%dma_start3A_637, %dma_start3A_638] : memref<10240x128xf32, #tpu.memory_space<vmem_shared>> -> memref<10240x128xf32, #tpu.memory_space<vmem_shared>>
        tpu.enqueue_indirect_dma source(%dma_start3A_633 : memref<128x128xf32, #tpu.memory_space<vmem>>) target(%dma_start3A_639 : memref<10240x128xf32, #tpu.memory_space<vmem_shared>>) offsets(%dma_start3A_636 : memref<128xi32, #tpu.memory_space<vmem>>) semaphore(%run_scoped3A_629 : memref<!tpu.dma_semaphore, #tpu.memory_space<semaphore_mem>>) {add = true}
        %dma_wait3A_640 = arith.constant 0 : i32
        %dma_wait3A_641 = arith.constant 0 : i32
        %dma_wait3A_642 = tpu.memref_slice %arg9[%run_scoped3A_574, %dma_wait3A_640, %dma_wait3A_641] : memref<2x128x128xf32, #tpu.memory_space<vmem>> -> memref<1x128x128xf32, #tpu.memory_space<vmem>>
        %dma_wait3A_643 = tpu.memref_squeeze %dma_wait3A_642 : memref<1x128x128xf32, #tpu.memory_space<vmem>> -> memref<128x128xf32, #tpu.memory_space<vmem>>
        %dma_wait3A_644 = arith.constant 0 : i32
        %dma_wait3A_645 = tpu.memref_slice %arg8[%run_scoped3A_575, %run_scoped3A_576, %dma_wait3A_644] : memref<2x8x128xi32, #tpu.memory_space<vmem>> -> memref<1x1x128xi32, #tpu.memory_space<vmem>>
        %dma_wait3A_646 = tpu.memref_squeeze %dma_wait3A_645 : memref<1x1x128xi32, #tpu.memory_space<vmem>> -> memref<128xi32, #tpu.memory_space<vmem>>
        %dma_wait3A_647 = arith.constant 0 : i32
        %dma_wait3A_648 = arith.constant 0 : i32
        %dma_wait3A_649 = tpu.memref_slice %arg10[%dma_wait3A_647, %dma_wait3A_648] : memref<10240x128xf32, #tpu.memory_space<vmem_shared>> -> memref<10240x128xf32, #tpu.memory_space<vmem_shared>>
        tpu.wait_indirect_dma semaphore(%run_scoped3A_629 : memref<!tpu.dma_semaphore, #tpu.memory_space<semaphore_mem>>) src(%dma_wait3A_643 : memref<128x128xf32, #tpu.memory_space<vmem>>) dst(%dma_wait3A_649 : memref<10240x128xf32, #tpu.memory_space<vmem_shared>>)
        tpu.yield
      }) : () -> ()
      %dma_start3A_577 = arith.constant 1 : i32
      %dma_start3A_578 = arith.constant 7 : i32
      %dma_start3A_579 = arith.constant 1 : i32
      %dma_start3A_580 = arith.constant 0 : i32
      %dma_start3A_581 = arith.constant 0 : i32
      %dma_start3A_582 = tpu.memref_slice %arg9[%dma_start3A_579, %dma_start3A_580, %dma_start3A_581] : memref<2x128x128xf32, #tpu.memory_space<vmem>> -> memref<1x128x128xf32, #tpu.memory_space<vmem>>
      %dma_start3A_583 = tpu.memref_squeeze %dma_start3A_582 : memref<1x128x128xf32, #tpu.memory_space<vmem>> -> memref<128x128xf32, #tpu.memory_space<vmem>>
      %dma_start3A_584 = arith.constant 0 : i32
      %dma_start3A_585 = tpu.memref_slice %arg7[%dma_start3A_577, %dma_start3A_578, %dma_start3A_584] : memref<2x8x128xi32, #tpu.memory_space<vmem>> -> memref<1x1x128xi32, #tpu.memory_space<vmem>>
      %dma_start3A_586 = tpu.memref_squeeze %dma_start3A_585 : memref<1x1x128xi32, #tpu.memory_space<vmem>> -> memref<128xi32, #tpu.memory_space<vmem>>
      %dma_start3A_587 = arith.constant 0 : i32
      %dma_start3A_588 = arith.constant 0 : i32
      %dma_start3A_589 = tpu.memref_slice %arg2[%dma_start3A_587, %dma_start3A_588] : memref<20480x128xf32, #tpu.memory_space<hbm>> -> memref<20480x128xf32, #tpu.memory_space<hbm>>
      tpu.enqueue_indirect_dma source(%dma_start3A_589 : memref<20480x128xf32, #tpu.memory_space<hbm>>) target(%dma_start3A_583 : memref<128x128xf32, #tpu.memory_space<vmem>>) offsets(%dma_start3A_586 : memref<128xi32, #tpu.memory_space<vmem>>) semaphore(%arg14 : memref<!tpu.dma_semaphore, #tpu.memory_space<semaphore_mem>>)
      %dma_wait3A_590 = arith.constant 0 : i32
      %dma_wait3A_591 = arith.constant 0 : i32
      %dma_wait3A_592 = arith.constant 0 : i32
      %dma_wait3A_593 = arith.constant 0 : i32
      %dma_wait3A_594 = arith.constant 0 : i32
      %dma_wait3A_595 = tpu.memref_slice %arg9[%dma_wait3A_592, %dma_wait3A_593, %dma_wait3A_594] : memref<2x128x128xf32, #tpu.memory_space<vmem>> -> memref<1x128x128xf32, #tpu.memory_space<vmem>>
      %dma_wait3A_596 = tpu.memref_squeeze %dma_wait3A_595 : memref<1x128x128xf32, #tpu.memory_space<vmem>> -> memref<128x128xf32, #tpu.memory_space<vmem>>
      %dma_wait3A_597 = arith.constant 0 : i32
      %dma_wait3A_598 = tpu.memref_slice %arg7[%dma_wait3A_590, %dma_wait3A_591, %dma_wait3A_597] : memref<2x8x128xi32, #tpu.memory_space<vmem>> -> memref<1x1x128xi32, #tpu.memory_space<vmem>>
      %dma_wait3A_599 = tpu.memref_squeeze %dma_wait3A_598 : memref<1x1x128xi32, #tpu.memory_space<vmem>> -> memref<128xi32, #tpu.memory_space<vmem>>
      %dma_wait3A_600 = arith.constant 0 : i32
      %dma_wait3A_601 = arith.constant 0 : i32
      %dma_wait3A_602 = tpu.memref_slice %arg2[%dma_wait3A_600, %dma_wait3A_601] : memref<20480x128xf32, #tpu.memory_space<hbm>> -> memref<20480x128xf32, #tpu.memory_space<hbm>>
      tpu.wait_indirect_dma semaphore(%arg13 : memref<!tpu.dma_semaphore, #tpu.memory_space<semaphore_mem>>) src(%dma_wait3A_602 : memref<20480x128xf32, #tpu.memory_space<hbm>>) dst(%dma_wait3A_596 : memref<128x128xf32, #tpu.memory_space<vmem>>)
      %run_scoped3A_603 = arith.constant 0 : i32
      %run_scoped3A_604 = arith.constant 1 : i32
      %run_scoped3A_605 = arith.constant 6 : i32
      "tpu.region"() ({
        %run_scoped3A_629 = tpu.sem_alloc : memref<!tpu.dma_semaphore, #tpu.memory_space<semaphore_mem>>
        %dma_start3A_630 = arith.constant 0 : i32
        %dma_start3A_631 = arith.constant 0 : i32
        %dma_start3A_632 = tpu.memref_slice %arg9[%run_scoped3A_603, %dma_start3A_630, %dma_start3A_631] : memref<2x128x128xf32, #tpu.memory_space<vmem>> -> memref<1x128x128xf32, #tpu.memory_space<vmem>>
        %dma_start3A_633 = tpu.memref_squeeze %dma_start3A_632 : memref<1x128x128xf32, #tpu.memory_space<vmem>> -> memref<128x128xf32, #tpu.memory_space<vmem>>
        %dma_start3A_634 = arith.constant 0 : i32
        %dma_start3A_635 = tpu.memref_slice %arg8[%run_scoped3A_604, %run_scoped3A_605, %dma_start3A_634] : memref<2x8x128xi32, #tpu.memory_space<vmem>> -> memref<1x1x128xi32, #tpu.memory_space<vmem>>
        %dma_start3A_636 = tpu.memref_squeeze %dma_start3A_635 : memref<1x1x128xi32, #tpu.memory_space<vmem>> -> memref<128xi32, #tpu.memory_space<vmem>>
        %dma_start3A_637 = arith.constant 0 : i32
        %dma_start3A_638 = arith.constant 0 : i32
        %dma_start3A_639 = tpu.memref_slice %arg10[%dma_start3A_637, %dma_start3A_638] : memref<10240x128xf32, #tpu.memory_space<vmem_shared>> -> memref<10240x128xf32, #tpu.memory_space<vmem_shared>>
        tpu.enqueue_indirect_dma source(%dma_start3A_633 : memref<128x128xf32, #tpu.memory_space<vmem>>) target(%dma_start3A_639 : memref<10240x128xf32, #tpu.memory_space<vmem_shared>>) offsets(%dma_start3A_636 : memref<128xi32, #tpu.memory_space<vmem>>) semaphore(%run_scoped3A_629 : memref<!tpu.dma_semaphore, #tpu.memory_space<semaphore_mem>>) {add = true}
        %dma_wait3A_640 = arith.constant 0 : i32
        %dma_wait3A_641 = arith.constant 0 : i32
        %dma_wait3A_642 = tpu.memref_slice %arg9[%run_scoped3A_603, %dma_wait3A_640, %dma_wait3A_641] : memref<2x128x128xf32, #tpu.memory_space<vmem>> -> memref<1x128x128xf32, #tpu.memory_space<vmem>>
        %dma_wait3A_643 = tpu.memref_squeeze %dma_wait3A_642 : memref<1x128x128xf32, #tpu.memory_space<vmem>> -> memref<128x128xf32, #tpu.memory_space<vmem>>
        %dma_wait3A_644 = arith.constant 0 : i32
        %dma_wait3A_645 = tpu.memref_slice %arg8[%run_scoped3A_604, %run_scoped3A_605, %dma_wait3A_644] : memref<2x8x128xi32, #tpu.memory_space<vmem>> -> memref<1x1x128xi32, #tpu.memory_space<vmem>>
        %dma_wait3A_646 = tpu.memref_squeeze %dma_wait3A_645 : memref<1x1x128xi32, #tpu.memory_space<vmem>> -> memref<128xi32, #tpu.memory_space<vmem>>
        %dma_wait3A_647 = arith.constant 0 : i32
        %dma_wait3A_648 = arith.constant 0 : i32
        %dma_wait3A_649 = tpu.memref_slice %arg10[%dma_wait3A_647, %dma_wait3A_648] : memref<10240x128xf32, #tpu.memory_space<vmem_shared>> -> memref<10240x128xf32, #tpu.memory_space<vmem_shared>>
        tpu.wait_indirect_dma semaphore(%run_scoped3A_629 : memref<!tpu.dma_semaphore, #tpu.memory_space<semaphore_mem>>) src(%dma_wait3A_643 : memref<128x128xf32, #tpu.memory_space<vmem>>) dst(%dma_wait3A_649 : memref<10240x128xf32, #tpu.memory_space<vmem_shared>>)
        tpu.yield
      }) : () -> ()
      %dma_wait3A_606 = arith.constant 0 : i32
      %dma_wait3A_607 = arith.constant 0 : i32
      %dma_wait3A_608 = arith.constant 1 : i32
      %dma_wait3A_609 = arith.constant 0 : i32
      %dma_wait3A_610 = arith.constant 0 : i32
      %dma_wait3A_611 = tpu.memref_slice %arg9[%dma_wait3A_608, %dma_wait3A_609, %dma_wait3A_610] : memref<2x128x128xf32, #tpu.memory_space<vmem>> -> memref<1x128x128xf32, #tpu.memory_space<vmem>>
      %dma_wait3A_612 = tpu.memref_squeeze %dma_wait3A_611 : memref<1x128x128xf32, #tpu.memory_space<vmem>> -> memref<128x128xf32, #tpu.memory_space<vmem>>
      %dma_wait3A_613 = arith.constant 0 : i32
      %dma_wait3A_614 = tpu.memref_slice %arg7[%dma_wait3A_606, %dma_wait3A_607, %dma_wait3A_613] : memref<2x8x128xi32, #tpu.memory_space<vmem>> -> memref<1x1x128xi32, #tpu.memory_space<vmem>>
      %dma_wait3A_615 = tpu.memref_squeeze %dma_wait3A_614 : memref<1x1x128xi32, #tpu.memory_space<vmem>> -> memref<128xi32, #tpu.memory_space<vmem>>
      %dma_wait3A_616 = arith.constant 0 : i32
      %dma_wait3A_617 = arith.constant 0 : i32
      %dma_wait3A_618 = tpu.memref_slice %arg2[%dma_wait3A_616, %dma_wait3A_617] : memref<20480x128xf32, #tpu.memory_space<hbm>> -> memref<20480x128xf32, #tpu.memory_space<hbm>>
      tpu.wait_indirect_dma semaphore(%arg14 : memref<!tpu.dma_semaphore, #tpu.memory_space<semaphore_mem>>) src(%dma_wait3A_618 : memref<20480x128xf32, #tpu.memory_space<hbm>>) dst(%dma_wait3A_612 : memref<128x128xf32, #tpu.memory_space<vmem>>)
      %run_scoped3A_619 = arith.constant 1 : i32
      %run_scoped3A_620 = arith.constant 1 : i32
      %run_scoped3A_621 = arith.constant 7 : i32
      "tpu.region"() ({
        %run_scoped3A_629 = tpu.sem_alloc : memref<!tpu.dma_semaphore, #tpu.memory_space<semaphore_mem>>
        %dma_start3A_630 = arith.constant 0 : i32
        %dma_start3A_631 = arith.constant 0 : i32
        %dma_start3A_632 = tpu.memref_slice %arg9[%run_scoped3A_619, %dma_start3A_630, %dma_start3A_631] : memref<2x128x128xf32, #tpu.memory_space<vmem>> -> memref<1x128x128xf32, #tpu.memory_space<vmem>>
        %dma_start3A_633 = tpu.memref_squeeze %dma_start3A_632 : memref<1x128x128xf32, #tpu.memory_space<vmem>> -> memref<128x128xf32, #tpu.memory_space<vmem>>
        %dma_start3A_634 = arith.constant 0 : i32
        %dma_start3A_635 = tpu.memref_slice %arg8[%run_scoped3A_620, %run_scoped3A_621, %dma_start3A_634] : memref<2x8x128xi32, #tpu.memory_space<vmem>> -> memref<1x1x128xi32, #tpu.memory_space<vmem>>
        %dma_start3A_636 = tpu.memref_squeeze %dma_start3A_635 : memref<1x1x128xi32, #tpu.memory_space<vmem>> -> memref<128xi32, #tpu.memory_space<vmem>>
        %dma_start3A_637 = arith.constant 0 : i32
        %dma_start3A_638 = arith.constant 0 : i32
        %dma_start3A_639 = tpu.memref_slice %arg10[%dma_start3A_637, %dma_start3A_638] : memref<10240x128xf32, #tpu.memory_space<vmem_shared>> -> memref<10240x128xf32, #tpu.memory_space<vmem_shared>>
        tpu.enqueue_indirect_dma source(%dma_start3A_633 : memref<128x128xf32, #tpu.memory_space<vmem>>) target(%dma_start3A_639 : memref<10240x128xf32, #tpu.memory_space<vmem_shared>>) offsets(%dma_start3A_636 : memref<128xi32, #tpu.memory_space<vmem>>) semaphore(%run_scoped3A_629 : memref<!tpu.dma_semaphore, #tpu.memory_space<semaphore_mem>>) {add = true}
        %dma_wait3A_640 = arith.constant 0 : i32
        %dma_wait3A_641 = arith.constant 0 : i32
        %dma_wait3A_642 = tpu.memref_slice %arg9[%run_scoped3A_619, %dma_wait3A_640, %dma_wait3A_641] : memref<2x128x128xf32, #tpu.memory_space<vmem>> -> memref<1x128x128xf32, #tpu.memory_space<vmem>>
        %dma_wait3A_643 = tpu.memref_squeeze %dma_wait3A_642 : memref<1x128x128xf32, #tpu.memory_space<vmem>> -> memref<128x128xf32, #tpu.memory_space<vmem>>
        %dma_wait3A_644 = arith.constant 0 : i32
        %dma_wait3A_645 = tpu.memref_slice %arg8[%run_scoped3A_620, %run_scoped3A_621, %dma_wait3A_644] : memref<2x8x128xi32, #tpu.memory_space<vmem>> -> memref<1x1x128xi32, #tpu.memory_space<vmem>>
        %dma_wait3A_646 = tpu.memref_squeeze %dma_wait3A_645 : memref<1x1x128xi32, #tpu.memory_space<vmem>> -> memref<128xi32, #tpu.memory_space<vmem>>
        %dma_wait3A_647 = arith.constant 0 : i32
        %dma_wait3A_648 = arith.constant 0 : i32
        %dma_wait3A_649 = tpu.memref_slice %arg10[%dma_wait3A_647, %dma_wait3A_648] : memref<10240x128xf32, #tpu.memory_space<vmem_shared>> -> memref<10240x128xf32, #tpu.memory_space<vmem_shared>>
        tpu.wait_indirect_dma semaphore(%run_scoped3A_629 : memref<!tpu.dma_semaphore, #tpu.memory_space<semaphore_mem>>) src(%dma_wait3A_643 : memref<128x128xf32, #tpu.memory_space<vmem>>) dst(%dma_wait3A_649 : memref<10240x128xf32, #tpu.memory_space<vmem_shared>>)
        tpu.yield
      }) : () -> ()
      %add3A_622 = arith.constant 3 : i32
      %add3A_623 = arith.addi %mul3A_86, %add3A_622 : i32
      %lt3A_624 = arith.constant 20 : i32
      %lt3A_625 = arith.cmpi slt, %add3A_623, %lt3A_624 : i32
      %convert_element_type3A_626 = arith.extui %lt3A_625 : i1 to i32
      %cond3A_627 = arith.constant 0 : i32
      %cond3A_628 = arith.cmpi ne, %convert_element_type3A_626, %cond3A_627 : i32
      scf.if %cond3A_628 {
        %add3A_629 = arith.constant 3 : i32
        %add3A_630 = arith.addi %mul3A_86, %add3A_629 : i32
        %dma_start3A_631 = arith.constant 1 : i32
        %dma_start3A_632 = arith.constant 0 : i32
        %dma_start3A_633 = arith.constant 0 : i32
        %dma_start3A_634 = tpu.memref_slice %arg7[%dma_start3A_631, %dma_start3A_632, %dma_start3A_633] : memref<2x8x128xi32, #tpu.memory_space<vmem>> -> memref<1x8x128xi32, #tpu.memory_space<vmem>>
        %dma_start3A_635 = tpu.memref_squeeze %dma_start3A_634 : memref<1x8x128xi32, #tpu.memory_space<vmem>> -> memref<8x128xi32, #tpu.memory_space<vmem>>
        %dma_start3A_636 = arith.constant 0 : i32
        %dma_start3A_637 = arith.constant 0 : i32
        %dma_start3A_638 = tpu.memref_slice %arg3[%arg0, %arg1, %add3A_630, %dma_start3A_636, %dma_start3A_637] : memref<2x16x20x8x128xi32, #tpu.memory_space<hbm>> -> memref<1x1x1x8x128xi32, #tpu.memory_space<hbm>>
        %dma_start3A_639 = tpu.memref_squeeze %dma_start3A_638 : memref<1x1x1x8x128xi32, #tpu.memory_space<hbm>> -> memref<8x128xi32, #tpu.memory_space<hbm>>
        %dma_start3A_640 = arith.constant 0 : i32
        %dma_start3A_641 = arith.constant 0 : i32
        %dma_start3A_642 = tpu.memref_slice %arg7[%dma_start3A_631, %dma_start3A_640, %dma_start3A_641] : memref<2x8x128xi32, #tpu.memory_space<vmem>> -> memref<1x8x128xi32, #tpu.memory_space<vmem>>
        %dma_start3A_643 = tpu.memref_squeeze %dma_start3A_642 : memref<1x8x128xi32, #tpu.memory_space<vmem>> -> memref<8x128xi32, #tpu.memory_space<vmem>>
        %dma_start3A_644 = arith.constant 0 : i32
        %dma_start3A_645 = arith.constant 0 : i32
        %dma_start3A_646 = tpu.memref_slice %arg3[%arg0, %arg1, %add3A_630, %dma_start3A_644, %dma_start3A_645] : memref<2x16x20x8x128xi32, #tpu.memory_space<hbm>> -> memref<1x1x1x8x128xi32, #tpu.memory_space<hbm>>
        %dma_start3A_647 = tpu.memref_squeeze %dma_start3A_646 : memref<1x1x1x8x128xi32, #tpu.memory_space<hbm>> -> memref<8x128xi32, #tpu.memory_space<hbm>>
        tpu.enqueue_dma source(%dma_start3A_647 : memref<8x128xi32, #tpu.memory_space<hbm>>) target(%dma_start3A_643 : memref<8x128xi32, #tpu.memory_space<vmem>>) target_semaphore(%arg12 : memref<!tpu.dma_semaphore, #tpu.memory_space<semaphore_mem>>)
        %dma_start3A_648 = arith.constant 1 : i32
        %dma_start3A_649 = arith.constant 0 : i32
        %dma_start3A_650 = arith.constant 0 : i32
        %dma_start3A_651 = tpu.memref_slice %arg8[%dma_start3A_648, %dma_start3A_649, %dma_start3A_650] : memref<2x8x128xi32, #tpu.memory_space<vmem>> -> memref<1x8x128xi32, #tpu.memory_space<vmem>>
        %dma_start3A_652 = tpu.memref_squeeze %dma_start3A_651 : memref<1x8x128xi32, #tpu.memory_space<vmem>> -> memref<8x128xi32, #tpu.memory_space<vmem>>
        %dma_start3A_653 = arith.constant 0 : i32
        %dma_start3A_654 = arith.constant 0 : i32
        %dma_start3A_655 = tpu.memref_slice %arg4[%arg1, %add3A_630, %dma_start3A_653, %dma_start3A_654] : memref<16x20x8x128xi32, #tpu.memory_space<hbm>> -> memref<1x1x8x128xi32, #tpu.memory_space<hbm>>
        %dma_start3A_656 = tpu.memref_squeeze %dma_start3A_655 : memref<1x1x8x128xi32, #tpu.memory_space<hbm>> -> memref<8x128xi32, #tpu.memory_space<hbm>>
        %dma_start3A_657 = arith.constant 0 : i32
        %dma_start3A_658 = arith.constant 0 : i32
        %dma_start3A_659 = tpu.memref_slice %arg8[%dma_start3A_648, %dma_start3A_657, %dma_start3A_658] : memref<2x8x128xi32, #tpu.memory_space<vmem>> -> memref<1x8x128xi32, #tpu.memory_space<vmem>>
        %dma_start3A_660 = tpu.memref_squeeze %dma_start3A_659 : memref<1x8x128xi32, #tpu.memory_space<vmem>> -> memref<8x128xi32, #tpu.memory_space<vmem>>
        %dma_start3A_661 = arith.constant 0 : i32
        %dma_start3A_662 = arith.constant 0 : i32
        %dma_start3A_663 = tpu.memref_slice %arg4[%arg1, %add3A_630, %dma_start3A_661, %dma_start3A_662] : memref<16x20x8x128xi32, #tpu.memory_space<hbm>> -> memref<1x1x8x128xi32, #tpu.memory_space<hbm>>
        %dma_start3A_664 = tpu.memref_squeeze %dma_start3A_663 : memref<1x1x8x128xi32, #tpu.memory_space<hbm>> -> memref<8x128xi32, #tpu.memory_space<hbm>>
        tpu.enqueue_dma source(%dma_start3A_664 : memref<8x128xi32, #tpu.memory_space<hbm>>) target(%dma_start3A_660 : memref<8x128xi32, #tpu.memory_space<vmem>>) target_semaphore(%arg12 : memref<!tpu.dma_semaphore, #tpu.memory_space<semaphore_mem>>)
      } else {
      }
    }
    %scan3A_78 = arith.constant 10 : i32
    %barrier3A_79 = arith.constant 0 : index
    tpu.barrier barrier_id(%barrier3A_79)
    %mul3A_80 = arith.constant 640 : i32
    %mul3A_81 = arith.muli %arg1, %mul3A_80 : i32
    %mul3A_82 = arith.constant 640 : i32
    %mul3A_83 = arith.muli %arg1, %mul3A_82 : i32
    "tpu.region"() ({
      %run_scoped3A = tpu.sem_alloc : memref<!tpu.dma_semaphore, #tpu.memory_space<semaphore_mem>>
      %dma_start3A_84 = arith.constant 0 : i32
      %dma_start3A_85 = tpu.memref_slice %arg6[%arg0, %mul3A_83, %dma_start3A_84] : memref<2x10240x128xf32, #tpu.memory_space<hbm>> -> memref<1x640x128xf32, #tpu.memory_space<hbm>>
      %dma_start3A_86 = tpu.memref_squeeze %dma_start3A_85 : memref<1x640x128xf32, #tpu.memory_space<hbm>> -> memref<640x128xf32, #tpu.memory_space<hbm>>
      %dma_start3A_87 = arith.constant 0 : i32
      %dma_start3A_88 = tpu.memref_slice %arg10[%mul3A_81, %dma_start3A_87] : memref<10240x128xf32, #tpu.memory_space<vmem_shared>> -> memref<640x128xf32, #tpu.memory_space<vmem_shared>>
      tpu.enqueue_dma source(%dma_start3A_88 : memref<640x128xf32, #tpu.memory_space<vmem_shared>>) target(%dma_start3A_86 : memref<640x128xf32, #tpu.memory_space<hbm>>) target_semaphore(%run_scoped3A : memref<!tpu.dma_semaphore, #tpu.memory_space<semaphore_mem>>)
      %dma_wait3A = arith.constant 0 : i32
      %dma_wait3A_89 = tpu.memref_slice %arg6[%arg0, %mul3A_83, %dma_wait3A] : memref<2x10240x128xf32, #tpu.memory_space<hbm>> -> memref<1x640x128xf32, #tpu.memory_space<hbm>>
      %dma_wait3A_90 = tpu.memref_squeeze %dma_wait3A_89 : memref<1x640x128xf32, #tpu.memory_space<hbm>> -> memref<640x128xf32, #tpu.memory_space<hbm>>
      %dma_wait3A_91 = arith.constant 0 : i32
      %dma_wait3A_92 = tpu.memref_slice %arg10[%mul3A_81, %dma_wait3A_91] : memref<10240x128xf32, #tpu.memory_space<vmem_shared>> -> memref<640x128xf32, #tpu.memory_space<vmem_shared>>
      tpu.wait_dma2 semaphore(%run_scoped3A : memref<!tpu.dma_semaphore, #tpu.memory_space<semaphore_mem>>) src(%dma_wait3A_92 : memref<640x128xf32, #tpu.memory_space<vmem_shared>>) dst(%dma_wait3A_90 : memref<640x128xf32, #tpu.memory_space<hbm>>)
      tpu.yield
    }) : () -> ()
    return
  }
}

module attributes {stable_mosaic.version = 14 : i64} {
  func.func @body(%arg0: i32, %arg1: i32, %arg2: memref<512x128xf32, #tpu.memory_space<vmem>>, %arg3: memref<128x128xf32, #tpu.memory_space<vmem>>, %arg4: memref<512x1xf32, #tpu.memory_space<vmem>>, %arg5: memref<512x1xf32, #tpu.memory_space<vmem>>, %arg6: memref<512x128xf32, #tpu.memory_space<vmem>>, %arg7: memref<512x1xf32, #tpu.memory_space<vmem>>) attributes {dimension_semantics = [#tpu.dimension_semantics<arbitrary>, #tpu.dimension_semantics<arbitrary>], iteration_bounds = array<i64: 2, 20>, scalar_prefetch = 0 : i64, scratch_operands = 0 : i64, tpu.core_type = #tpu.core_type<tc>, window_params = [{transform_indices = @transform_0, window_bounds = array<i64: 512, 128>}, {transform_indices = @transform_1, window_bounds = array<i64: 128, 128>}, {transform_indices = @transform_2, window_bounds = array<i64: 512, 1>}, {transform_indices = @transform_3, window_bounds = array<i64: 512, 1>}, {transform_indices = @transform_4, window_bounds = array<i64: 512, 128>}, {transform_indices = @transform_5, window_bounds = array<i64: 512, 1>}]} {
    %get3A = arith.constant 0 : index
    %get3A_0 = arith.constant 0 : index
    %get3A_1 = vector.load %arg4[%get3A, %get3A_0] : memref<512x1xf32, #tpu.memory_space<vmem>>, vector<512x1xf32>
    %get3A_2 = arith.constant 0 : index
    %get3A_3 = arith.constant 0 : index
    %get3A_4 = vector.load %arg5[%get3A_2, %get3A_3] : memref<512x1xf32, #tpu.memory_space<vmem>>, vector<512x1xf32>
    %add3A = arith.addf %get3A_1, %get3A_4 : vector<512x1xf32>
    %add3A_5 = arith.constant 1.000000e+00 : f32
    %add3A_6 = vector.broadcast %add3A_5 : f32 to vector<512x1xf32>
    %add3A_7 = arith.addf %add3A, %add3A_6 : vector<512x1xf32>
    %rsqrt3A = math.rsqrt %add3A_7 : vector<512x1xf32>
    %get3A_8 = arith.constant 0 : index
    %get3A_9 = arith.constant 0 : index
    %get3A_10 = vector.load %arg2[%get3A_8, %get3A_9] : memref<512x128xf32, #tpu.memory_space<vmem>>, vector<512x128xf32>
    %get3A_11 = arith.constant 0 : index
    %get3A_12 = arith.constant 0 : index
    %get3A_13 = vector.load %arg3[%get3A_11, %get3A_12] : memref<128x128xf32, #tpu.memory_space<vmem>>, vector<128x128xf32>
    %dot_general3A = arith.constant dense<0.000000e+00> : vector<512x128xf32>
    %dot_general3A_14 = tpu.matmul %get3A_10, %get3A_13, %dot_general3A {dimension_numbers = #tpu.dot_dimension_numbers<[1], [1], [0], [0], [0, 0, 1, 0], [], []>, transpose_lhs_hint = false} : vector<512x128xf32>, vector<128x128xf32>, vector<512x128xf32> -> vector<512x128xf32>
    %mul3A = vector.broadcast %rsqrt3A : vector<512x1xf32> to vector<512x128xf32>
    %mul3A_15 = arith.mulf %mul3A, %dot_general3A_14 : vector<512x128xf32>
    %swap3A = arith.constant 0 : index
    %swap3A_16 = arith.constant 0 : index
    %swap3A_17 = vector.load %arg6[%swap3A, %swap3A_16] : memref<512x128xf32, #tpu.memory_space<vmem>>, vector<512x128xf32>
    tpu.vector_store %arg6[%swap3A, %swap3A_16], %mul3A_15 {strides = array<i32>} : memref<512x128xf32, #tpu.memory_space<vmem>>, vector<512x128xf32>,
    %swap3A_18 = arith.constant 0 : index
    %swap3A_19 = arith.constant 0 : index
    %swap3A_20 = vector.load %arg7[%swap3A_18, %swap3A_19] : memref<512x1xf32, #tpu.memory_space<vmem>>, vector<512x1xf32>
    tpu.vector_store %arg7[%swap3A_18, %swap3A_19], %rsqrt3A {strides = array<i32>} : memref<512x1xf32, #tpu.memory_space<vmem>>, vector<512x1xf32>,
    return
  }
  func.func @transform_0(%arg0: i32, %arg1: i32) -> (i32, i32) {
    %c0_i32 = arith.constant 0 : i32
    %c0_i32_0 = arith.constant 0 : i32
    return %arg1, %c0_i32 : i32, i32
  }
  func.func @transform_1(%arg0: i32, %arg1: i32) -> (i32, i32) {
    %c0_i32 = arith.constant 0 : i32
    %c0_i32_0 = arith.constant 0 : i32
    return %arg0, %c0_i32 : i32, i32
  }
  func.func @transform_2(%arg0: i32, %arg1: i32) -> (i32, i32) {
    %c0_i32 = arith.constant 0 : i32
    %c0_i32_0 = arith.constant 0 : i32
    return %arg1, %c0_i32 : i32, i32
  }
  func.func @transform_3(%arg0: i32, %arg1: i32) -> (i32, i32) {
    %c0_i32 = arith.constant 0 : i32
    %c0_i32_0 = arith.constant 0 : i32
    return %arg1, %c0_i32 : i32, i32
  }
  func.func @transform_4(%arg0: i32, %arg1: i32) -> (i32, i32) {
    %mul3A = arith.constant 20 : i32
    %mul3A_0 = arith.muli %arg0, %mul3A : i32
    %add3A = arith.addi %mul3A_0, %arg1 : i32
    %c0_i32 = arith.constant 0 : i32
    %c0_i32_1 = arith.constant 0 : i32
    return %add3A, %c0_i32 : i32, i32
  }
  func.func @transform_5(%arg0: i32, %arg1: i32) -> (i32, i32) {
    %c0_i32 = arith.constant 0 : i32
    %c0_i32_0 = arith.constant 0 : i32
    return %arg1, %c0_i32 : i32, i32
  }
}

module attributes {stable_mosaic.version = 14 : i64} {
  func.func @body(%arg0: i32, %arg1: i32, %arg2: memref<512x128xf32, #tpu.memory_space<vmem>>, %arg3: memref<512x128xf32, #tpu.memory_space<vmem>>, %arg4: memref<512x128xf32, #tpu.memory_space<vmem>>, %arg5: memref<512x128xf32, #tpu.memory_space<vmem>>, %arg6: memref<512x1xf32, #tpu.memory_space<vmem>>, %arg7: memref<128x256xf32, #tpu.memory_space<vmem>>, %arg8: memref<512x128xf32, #tpu.memory_space<vmem>>) attributes {dimension_semantics = [#tpu.dimension_semantics<arbitrary>, #tpu.dimension_semantics<arbitrary>], iteration_bounds = array<i64: 2, 20>, scalar_prefetch = 0 : i64, scratch_operands = 0 : i64, tpu.core_type = #tpu.core_type<tc>, window_params = [{transform_indices = @transform_0, window_bounds = array<i64: 512, 128>}, {transform_indices = @transform_1, window_bounds = array<i64: 512, 128>}, {transform_indices = @transform_2, window_bounds = array<i64: 512, 128>}, {transform_indices = @transform_3, window_bounds = array<i64: 512, 128>}, {transform_indices = @transform_4, window_bounds = array<i64: 512, 1>}, {transform_indices = @transform_5, window_bounds = array<i64: 128, 256>}, {transform_indices = @transform_6, window_bounds = array<i64: 512, 128>}]} {
    %get3A = arith.constant 0 : index
    %get3A_0 = arith.constant 0 : index
    %get3A_1 = vector.load %arg6[%get3A, %get3A_0] : memref<512x1xf32, #tpu.memory_space<vmem>>, vector<512x1xf32>
    %get3A_2 = arith.constant 0 : index
    %get3A_3 = arith.constant 0 : index
    %get3A_4 = vector.load %arg2[%get3A_2, %get3A_3] : memref<512x128xf32, #tpu.memory_space<vmem>>, vector<512x128xf32>
    %get3A_5 = arith.constant 0 : index
    %get3A_6 = arith.constant 0 : index
    %get3A_7 = vector.load %arg4[%get3A_5, %get3A_6] : memref<512x128xf32, #tpu.memory_space<vmem>>, vector<512x128xf32>
    %add3A = arith.addf %get3A_4, %get3A_7 : vector<512x128xf32>
    %mul3A = vector.broadcast %get3A_1 : vector<512x1xf32> to vector<512x128xf32>
    %mul3A_8 = arith.mulf %mul3A, %add3A : vector<512x128xf32>
    %max3A = arith.constant 0.000000e+00 : f32
    %max3A_9 = vector.broadcast %max3A : f32 to vector<512x128xf32>
    %max3A_10 = arith.maximumf %mul3A_8, %max3A_9 : vector<512x128xf32>
    %get3A_11 = arith.constant 0 : index
    %get3A_12 = arith.constant 0 : index
    %get3A_13 = vector.load %arg3[%get3A_11, %get3A_12] : memref<512x128xf32, #tpu.memory_space<vmem>>, vector<512x128xf32>
    %get3A_14 = arith.constant 0 : index
    %get3A_15 = arith.constant 0 : index
    %get3A_16 = vector.load %arg5[%get3A_14, %get3A_15] : memref<512x128xf32, #tpu.memory_space<vmem>>, vector<512x128xf32>
    %add3A_17 = arith.addf %get3A_13, %get3A_16 : vector<512x128xf32>
    %mul3A_18 = vector.broadcast %get3A_1 : vector<512x1xf32> to vector<512x128xf32>
    %mul3A_19 = arith.mulf %mul3A_18, %add3A_17 : vector<512x128xf32>
    %max3A_20 = arith.constant 0.000000e+00 : f32
    %max3A_21 = vector.broadcast %max3A_20 : f32 to vector<512x128xf32>
    %max3A_22 = arith.maximumf %mul3A_19, %max3A_21 : vector<512x128xf32>
    %concatenate3A = tpu.concatenate %max3A_10, %max3A_22 in 1 : vector<512x128xf32>, vector<512x128xf32> -> vector<512x256xf32>
    %get3A_23 = arith.constant 0 : index
    %get3A_24 = arith.constant 0 : index
    %get3A_25 = vector.load %arg7[%get3A_23, %get3A_24] : memref<128x256xf32, #tpu.memory_space<vmem>>, vector<128x256xf32>
    %dot_general3A = arith.constant dense<0.000000e+00> : vector<512x128xf32>
    %dot_general3A_26 = tpu.matmul %concatenate3A, %get3A_25, %dot_general3A {dimension_numbers = #tpu.dot_dimension_numbers<[1], [1], [0], [0], [0, 0, 1, 0], [], []>, transpose_lhs_hint = false} : vector<512x256xf32>, vector<128x256xf32>, vector<512x128xf32> -> vector<512x128xf32>
    %mul3A_27 = vector.broadcast %get3A_1 : vector<512x1xf32> to vector<512x128xf32>
    %mul3A_28 = arith.mulf %mul3A_27, %dot_general3A_26 : vector<512x128xf32>
    %swap3A = arith.constant 0 : index
    %swap3A_29 = arith.constant 0 : index
    %swap3A_30 = vector.load %arg8[%swap3A, %swap3A_29] : memref<512x128xf32, #tpu.memory_space<vmem>>, vector<512x128xf32>
    tpu.vector_store %arg8[%swap3A, %swap3A_29], %mul3A_28 {strides = array<i32>} : memref<512x128xf32, #tpu.memory_space<vmem>>, vector<512x128xf32>,
    return
  }
  func.func @transform_0(%arg0: i32, %arg1: i32) -> (i32, i32) {
    %c0_i32 = arith.constant 0 : i32
    %c0_i32_0 = arith.constant 0 : i32
    return %arg1, %c0_i32 : i32, i32
  }
  func.func @transform_1(%arg0: i32, %arg1: i32) -> (i32, i32) {
    %c0_i32 = arith.constant 0 : i32
    %c0_i32_0 = arith.constant 0 : i32
    return %arg1, %c0_i32 : i32, i32
  }
  func.func @transform_2(%arg0: i32, %arg1: i32) -> (i32, i32) {
    %c0_i32 = arith.constant 0 : i32
    %c0_i32_0 = arith.constant 0 : i32
    return %arg1, %c0_i32 : i32, i32
  }
  func.func @transform_3(%arg0: i32, %arg1: i32) -> (i32, i32) {
    %c0_i32 = arith.constant 0 : i32
    %c0_i32_0 = arith.constant 0 : i32
    return %arg1, %c0_i32 : i32, i32
  }
  func.func @transform_4(%arg0: i32, %arg1: i32) -> (i32, i32) {
    %c0_i32 = arith.constant 0 : i32
    %c0_i32_0 = arith.constant 0 : i32
    return %arg1, %c0_i32 : i32, i32
  }
  func.func @transform_5(%arg0: i32, %arg1: i32) -> (i32, i32) {
    %c0_i32 = arith.constant 0 : i32
    %c0_i32_0 = arith.constant 0 : i32
    return %arg0, %c0_i32 : i32, i32
  }
  func.func @transform_6(%arg0: i32, %arg1: i32) -> (i32, i32) {
    %mul3A = arith.constant 20 : i32
    %mul3A_0 = arith.muli %arg0, %mul3A : i32
    %add3A = arith.addi %mul3A_0, %arg1 : i32
    %c0_i32 = arith.constant 0 : i32
    %c0_i32_1 = arith.constant 0 : i32
    return %add3A, %c0_i32 : i32, i32
  }
}

module attributes {stable_mosaic.version = 14 : i64} {
  func.func @body(%arg0: i32, %arg1: memref<512x128xf32, #tpu.memory_space<vmem>>, %arg2: memref<512x128xf32, #tpu.memory_space<vmem>>, %arg3: memref<512x128xf32, #tpu.memory_space<vmem>>, %arg4: memref<512x128xf32, #tpu.memory_space<vmem>>, %arg5: memref<512x1xf32, #tpu.memory_space<vmem>>, %arg6: memref<512x256xf32, #tpu.memory_space<vmem>>) attributes {dimension_semantics = [#tpu.dimension_semantics<arbitrary>], iteration_bounds = array<i64: 20>, scalar_prefetch = 0 : i64, scratch_operands = 0 : i64, tpu.core_type = #tpu.core_type<tc>, window_params = [{transform_indices = @transform_0, window_bounds = array<i64: 512, 128>}, {transform_indices = @transform_1, window_bounds = array<i64: 512, 128>}, {transform_indices = @transform_2, window_bounds = array<i64: 512, 128>}, {transform_indices = @transform_3, window_bounds = array<i64: 512, 128>}, {transform_indices = @transform_4, window_bounds = array<i64: 512, 1>}, {transform_indices = @transform_5, window_bounds = array<i64: 512, 256>}]} {
    %get3A = arith.constant 0 : index
    %get3A_0 = arith.constant 0 : index
    %get3A_1 = vector.load %arg5[%get3A, %get3A_0] : memref<512x1xf32, #tpu.memory_space<vmem>>, vector<512x1xf32>
    %get3A_2 = arith.constant 0 : index
    %get3A_3 = arith.constant 0 : index
    %get3A_4 = vector.load %arg1[%get3A_2, %get3A_3] : memref<512x128xf32, #tpu.memory_space<vmem>>, vector<512x128xf32>
    %get3A_5 = arith.constant 0 : index
    %get3A_6 = arith.constant 0 : index
    %get3A_7 = vector.load %arg3[%get3A_5, %get3A_6] : memref<512x128xf32, #tpu.memory_space<vmem>>, vector<512x128xf32>
    %add3A = arith.addf %get3A_4, %get3A_7 : vector<512x128xf32>
    %mul3A = vector.broadcast %get3A_1 : vector<512x1xf32> to vector<512x128xf32>
    %mul3A_8 = arith.mulf %mul3A, %add3A : vector<512x128xf32>
    %get3A_9 = arith.constant 0 : index
    %get3A_10 = arith.constant 0 : index
    %get3A_11 = vector.load %arg2[%get3A_9, %get3A_10] : memref<512x128xf32, #tpu.memory_space<vmem>>, vector<512x128xf32>
    %get3A_12 = arith.constant 0 : index
    %get3A_13 = arith.constant 0 : index
    %get3A_14 = vector.load %arg4[%get3A_12, %get3A_13] : memref<512x128xf32, #tpu.memory_space<vmem>>, vector<512x128xf32>
    %add3A_15 = arith.addf %get3A_11, %get3A_14 : vector<512x128xf32>
    %mul3A_16 = vector.broadcast %get3A_1 : vector<512x1xf32> to vector<512x128xf32>
    %mul3A_17 = arith.mulf %mul3A_16, %add3A_15 : vector<512x128xf32>
    %concatenate3A = tpu.concatenate %mul3A_8, %mul3A_17 in 1 : vector<512x128xf32>, vector<512x128xf32> -> vector<512x256xf32>
    %swap3A = arith.constant 0 : index
    %swap3A_18 = arith.constant 0 : index
    %swap3A_19 = vector.load %arg6[%swap3A, %swap3A_18] : memref<512x256xf32, #tpu.memory_space<vmem>>, vector<512x256xf32>
    tpu.vector_store %arg6[%swap3A, %swap3A_18], %concatenate3A {strides = array<i32>} : memref<512x256xf32, #tpu.memory_space<vmem>>, vector<512x256xf32>,
    return
  }
  func.func @transform_0(%arg0: i32) -> (i32, i32) {
    %c0_i32 = arith.constant 0 : i32
    %c0_i32_0 = arith.constant 0 : i32
    return %arg0, %c0_i32 : i32, i32
  }
  func.func @transform_1(%arg0: i32) -> (i32, i32) {
    %c0_i32 = arith.constant 0 : i32
    %c0_i32_0 = arith.constant 0 : i32
    return %arg0, %c0_i32 : i32, i32
  }
  func.func @transform_2(%arg0: i32) -> (i32, i32) {
    %c0_i32 = arith.constant 0 : i32
    %c0_i32_0 = arith.constant 0 : i32
    return %arg0, %c0_i32 : i32, i32
  }
  func.func @transform_3(%arg0: i32) -> (i32, i32) {
    %c0_i32 = arith.constant 0 : i32
    %c0_i32_0 = arith.constant 0 : i32
    return %arg0, %c0_i32 : i32, i32
  }
  func.func @transform_4(%arg0: i32) -> (i32, i32) {
    %c0_i32 = arith.constant 0 : i32
    %c0_i32_0 = arith.constant 0 : i32
    return %arg0, %c0_i32 : i32, i32
  }
  func.func @transform_5(%arg0: i32) -> (i32, i32) {
    %c0_i32 = arith.constant 0 : i32
    %c0_i32_0 = arith.constant 0 : i32
    return %arg0, %c0_i32 : i32, i32
  }
}

</mosaic_0001>

<sc_bundles>
// kernel: kernel.10.cloned.1.call-start
scs
__scs_entry_jumppad:
0x0: {  	(pc) =	sbr.rel $0x88, $3  }
0x1: {  	(tag) =	ssettag $0x0;
	lr =	simm.s32 $0x1  }
0x2: {  	[smem:$0x3F9C] =	sst lr;
	_ =	strace $0xD0000000  }
0x3: {  	_ = 	snop  }
0x4: {  	_ = 	snop  }
0x5: {  	_ = 	snop  }
0x6: {  	_ = 	snop  }
0x7: {  	_ = 	snop  }
__scs_overlays_trampoline_lowered:
0x8: {  	[smem:$0x3FAB] =	sst s0  }
0x9: {  	[smem:$0x3FAC] =	sst s1  }
0xa: {  	[smem:$0x3FAD] =	sst s2  }
0xb: {  	[smem:$0x3FAE] =	sst s3  }
0xc: {  	[smem:$0x3FAF] =	sst s4  }
0xd: {  	[smem:$0x3FB0] =	sst s5  }
0xe: {  	[smem:$0x3FB1] =	sst s6  }
0xf: {  	[smem:$0x3FB2] =	sst s7  }
0x10: {  	[smem:$0x3FB3] =	sst s8  }
0x11: {  	[smem:$0x3FB4] =	sst s9;
	s0 =	simm.s32 @!p0 $0x0  }
0x12: {  	s1 =	sld [smem:$0x3F9A];
	s0 =	simm.s32 @p0 $0x1  }
0x13: {  	[smem:$0x3FB5] =	sst s0;
	s0 =	simm.s32 @!p1 $0x0  }
0x14: {  	s2 =	sld [smem:$0x3F99];
	s0 =	simm.s32 @p1 $0x1  }
0x15: {  	[smem:$0x3FB6] =	sst s0;
	s0 =	simm.s32 @!p2 $0x0  }
0x16: {  	s3 =	sld [smem:$0x3FDB];
	s0 =	simm.s32 @p2 $0x1  }
0x17: {  	s4 =	simm.s32 $0x1BF5;
	[smem:$0x3FB8] =	sst s0  }
0x18: {  	s0 =	sld [smem:$0x3F9B];
	_ =	swait.ge [sflag:s4], $0x0  }
0x19: {  	s7 =	sld [smem:$0x3F9C]  }
0x1a: {  	s8 =	sadd.s32 $0xFFFFE003, lr  }
0x1b: {  	s9 =	sadd.s32 $0xFFFFFEF7, lr;
	s5 =	simm.s32 $0xFFFFFFFF;
	p2 =	slt.u32 s8, $0xFFFFF086  }
0x1c: {  	p1 =	slt.u32 s9, $0xF7A;
	s5 =	simm.s32 @!p2 $0x0  }
0x1d: {  	s5 =	simm.s32 @p1 $0x1;
	p0 =	seq.s32 s7, s2  }
0x1e: {  	s7 =	smul.u32 @!p0 $0xF7A, s2;
	p2 =	seq.s32 @!p0 s5, $0x0  }
0x1f: {  	s9 =	smul.u32 $0xF7A, s1;
	s8 =	simm.s32 @!p0 $0x1BF5;
	p2 =	por !p2, p0  }
0x20: {  	[sflag:s8] =	ssyncset.s32 @!p0 $0xFFFFF086;
	s6 =	sadd.s32 @!p0 s3, s7;
	s7 =	simm.s32 @!p0 $0x108  }
0x21: {  	s3 =	sadd.s32 s3, s9;
	s6 =	sadd.s32 @!p0 $0x88, s6;
	s7 =	simm.s32 @p2 $0x1082  }
0x22: {  	[simem:s7], [sflag:s8] =	dma.local @!p0 [hbm:s6], $0xF7A  }
0x23: {  	s9 =	sor.u32 $0xD0000000, s2;
	s6 =	simm.s32 $0x108;
	_ =	swait.ge @!p0 [sflag:s8], $0x0  }
0x24: {  	s3 =	sadd.s32 $0x88, s3;
	s6 =	simm.s32 @!p1 $0x1082;
	[sflag:s4] =	ssyncset.s32 $0xFFFFF086  }
0x25: {  	[simem:s6], [sflag:s4] =	dma.local [hbm:s3], $0xF7A  }
0x26: {  	[smem:$0x3F9C] =	sst s1;
	(tag) =	ssettag s2;
	_ =	strace s9  }
0x27: {  	s1 =	sld [smem:$0x3FAC]  }
0x28: {  	s2 =	sld [smem:$0x3FAD]  }
0x29: {  	s4 =	sld [smem:$0x3FAF]  }
0x2a: {  	p0 =	seq.s32 s5, $0x0;
	s5 =	sld [smem:$0x3FB0]  }
0x2b: {  	s6 =	sld [smem:$0x3FB1]  }
0x2c: {  	s7 =	sld [smem:$0x3FB2]  }
0x2d: {  	s3 =	simm.s32 $0x108;
	s8 =	sld [smem:$0x3FB3]  }
0x2e: {  	s3 =	simm.s32 @!p0 $0x1082;
	s9 =	sld [smem:$0x3FB4]  }
0x2f: {  	lr =	sadd.s32 s0, s3;
	s0 =	sld [smem:$0x3FAB]  }
0x30: {  	s3 =	sld [smem:$0x3FAE]  }
0x31: {  	[smem:$0x3FB7] =	sst s10  }
0x32: {  	s10 =	sld [smem:$0x3FB5];
	_ =	sdelay $0x3  }
0x33: {  	p0 =	seq.s32 s10, $0x1;
	s10 =	sld [smem:$0x3FB7];
	_ =	sdelay $0x3  }
0x34: {  	[smem:$0x3FB7] =	sst s10  }
0x35: {  	s10 =	sld [smem:$0x3FB6];
	_ =	sdelay $0x3  }
0x36: {  	p1 =	seq.s32 s10, $0x1;
	s10 =	sld [smem:$0x3FB7];
	_ =	sdelay $0x3  }
0x37: {  	[smem:$0x3FB7] =	sst s10  }
0x38: {  	s10 =	sld [smem:$0x3FB8]  }
0x39: {  	_ = 	snop;
	(pc) =	sbr.ind lr, $3  }
0x3a: {  	_ = 	snop  }
0x3b: {  	_ = 	snop  }
0x3c: {  	p2 =	seq.s32 s10, $0x1;
	s10 =	sld [smem:$0x3FB7]  }
0x3d: {  	_ =	shalt  }
0x3e: {  	_ =	shalt  }
0x3f: {  	_ =	shalt  }
0x40: {  	_ =	shalt  }
0x41: {  	_ =	shalt  }
0x42: {  	_ =	shalt  }
0x43: {  	_ =	shalt  }
0x44: {  	_ =	shalt  }
0x45: {  	_ =	shalt  }
0x46: {  	_ =	shalt  }
0x47: {  	_ =	shalt  }
0x48: {  	_ =	shalt  }
0x49: {  	_ =	shalt  }
0x4a: {  	_ =	shalt  }
0x4b: {  	_ =	shalt  }
0x4c: {  	_ =	shalt  }
0x4d: {  	_ =	shalt  }
0x4e: {  	_ =	shalt  }
0x4f: {  	_ =	shalt  }
0x50: {  	_ =	shalt  }
0x51: {  	_ =	shalt  }
0x52: {  	_ =	shalt  }
0x53: {  	_ =	shalt  }
0x54: {  	_ =	shalt  }
0x55: {  	_ =	shalt  }
0x56: {  	_ =	shalt  }
0x57: {  	_ =	shalt  }
0x58: {  	_ =	shalt  }
0x59: {  	_ =	shalt  }
0x5a: {  	_ =	shalt  }
0x5b: {  	_ =	shalt  }
0x5c: {  	_ =	shalt  }
0x5d: {  	_ =	shalt  }
0x5e: {  	_ =	shalt  }
0x5f: {  	_ =	shalt  }
0x60: {  	_ =	shalt  }
0x61: {  	_ =	shalt  }
0x62: {  	_ =	shalt  }
0x63: {  	_ =	shalt  }
0x64: {  	_ =	shalt  }
0x65: {  	_ =	shalt  }
0x66: {  	_ =	shalt  }
0x67: {  	_ =	shalt  }
0x68: {  	_ =	shalt  }
0x69: {  	_ =	shalt  }
0x6a: {  	_ =	shalt  }
0x6b: {  	_ =	shalt  }
0x6c: {  	_ =	shalt  }
0x6d: {  	_ =	shalt  }
0x6e: {  	_ =	shalt  }
0x6f: {  	_ =	shalt  }
0x70: {  	_ =	shalt  }
0x71: {  	_ =	shalt  }
0x72: {  	_ =	shalt  }
0x73: {  	_ =	shalt  }
0x74: {  	_ =	shalt  }
0x75: {  	_ =	shalt  }
0x76: {  	_ =	shalt  }
0x77: {  	_ =	shalt  }
0x78: {  	_ =	shalt  }
0x79: {  	_ =	shalt  }
0x7a: {  	_ =	shalt  }
0x7b: {  	_ =	shalt  }
0x7c: {  	_ =	shalt  }
0x7d: {  	_ =	shalt  }
0x7e: {  	_ =	shalt  }
0x7f: {  	_ =	shalt  }
0x80: {  	_ =	shalt  }
0x81: {  	_ =	shalt  }
0x82: {  	_ =	shalt  }
0x83: {  	_ =	shalt  }
0x84: {  	_ =	shalt  }
0x85: {  	_ =	shalt  }
0x86: {  	_ =	shalt  }
0x87: {  	_ =	shalt  }
.Lfunc_end0:
.L_simem_size_0:
called_computation_lowered:
.L_overlay_start_0:
0x88: {  	s2 =	sld [smem:$0x3FD9]  }
0x89: {  	s3 =	sld [smem:$0x3FFE];
	_ =	sdelay $0x1  }
0x8a: {  	s1 =	srdreg.scid  }
0x8b: {  	s0 =	sand.u32 $0x1, s1  }
0x8c: {  	s17 =	sshll.u32 s0, $0xA;
	s2 =	sadd.s32 s3, s2  }
0x8d: {  	s2 =	sadd.s32 s2, s17  }
0x8e: {  	[smem:$0x3FC3] =	sst s2  }
0x8f: {  	_ = 	snop  }
0x90: {  	s2 =	sld [smem:$0x3FD0];
	(tm) =	ssettm $0x1  }
0x91: {  	s18 =	sld [smem:$0x3FFB];
	_ =	sdelay $0x3  }
0x92: {  	_ =	strace s18  }
0x93: {  	s3 =	sld [smem:$0x3FFC];
	_ =	sdelay $0x3  }
0x94: {  	_ =	strace s3  }
0x95: {  	s3 =	sld [smem:$0x3FFD];
	_ =	sdelay $0x3  }
0x96: {  	_ =	strace s3  }
0x97: {  	_ =	strace $0x8FFFFFFF  }
0x98: {  	s19 =	sld [smem:$0x3FDB];
	_ =	sdelay $0x1  }
0x99: {  	s4 =	simm.s32 $_scs_section_size  }
0x9a: {  	s5 =	simm.s32 $_size__tile_overlayer_lowered;
	s6 =	simm.s32 $_tile_overlayer_lowered  }
0x9b: {  	s22 =	simm.s32 $0x1BFF;
	s21 =	sshll.u32 s6, $0x1;
	s3 =	sadd.s32 s4, s19  }
0x9c: {  	s7 =	simm.s32 $0x0;
	s20 =	sshll.u32 s5, $0x1;
	s5 =	sadd.s32 s21, s3  }
0x9d: {  	[timem:s7], [sflag:s22] =	dma.local [hbm:s5], s20  }
0x9e: {  	_ =	swait.ge [sflag:s22], s20  }
0x9f: {  	s4 =	ssub.s32 $0x0, s20;
	[sflag:s22] =	ssyncset.done $0x0  }
0xa0: {  	[sflag:s22] =	ssyncadd.s32 s4;
	_ =	sdelay $0x1  }
0xa1: {  	s23 =	simm.s32 $0x1B8B  }
0xa2: {  	_ =	swait.ge [sflag:s23], $0x1  }
0xa3: {  	[sflag:s23] =	ssyncset.done $0x0  }
0xa4: {  	s25 =	simm.s32 $0x1B8E;
	s24 =	sld [smem:$0x3FFE];
	[sflag:s23] =	ssyncadd.s32 $0xFFFFFFFF  }
0xa5: {  	s26 =	simm.s32 $execute0_lowered;
	[smem:$0x3FD2] =	sst s25  }
0xa6: {  	s5 =	sshll.u32 s26, $0x1;
	_ =	strace $0x80000046;
	[dreg:$0x1] =	wrdreg $0xFFFFFFFF  }
0xa7: {  	s28 =	simm.s32 $_size_execute0_lowered;
	s3 =	sadd.s32 s3, s5;
	[dreg:$0x0] =	wrdreg $0x0  }
0xa8: {  	s5 =	sshll.u32 s28, $0x1;
	[dreg:$0x2] =	wrdreg s3  }
0xa9: {  	[dreg:$0x3] =	wrdreg s5  }
0xaa: {  	[dreg:$0x4] =	wrdreg $0xC0  }
0xab: {  	_ =	task [dreg:s7], $0x5FFFF  }
0xac: {  	[dreg:$0x1] =	wrdreg $0xFFFFFFFF  }
0xad: {  	[dreg:$0x0] =	wrdreg $0x60  }
0xae: {  	[dreg:$0x2] =	wrdreg s24  }
0xaf: {  	[dreg:$0x3] =	wrdreg s2  }
0xb0: {  	[dreg:$0x4] =	wrdreg $0x68800  }
0xb1: {  	[dreg:$0x5] =	wrdreg $0x9  }
0xb2: {  	_ =	task.clear_ibuf [dreg:s7], $0x6FFFF;
	_ =	strace $0x90000046  }
0xb3: {  	s29 =	simm.s32 $0x9;
	_ =	strace $0x80000048  }
0xb4: {  	_ =	swait.ge [sflag:s29], $0x1  }
0xb5: {  	[sflag:s29] =	ssyncadd.s32 $0xFFFFFFFF  }
0xb6: {  	_ =	strace $0x90000048  }
0xb7: {  	_ =	sfence  }
0xb8: {  	s30 =	sld [smem:$0x0];
	_ =	sdelay $0x2  }
0xb9: {  	s31 =	sshll.u32 s1, $0xD;
	s1 =	sshrl.u32 s1, $0x2  }
0xba: {  	s3 =	sand.u32 $0x4000, s31;
	s1 =	sadd.s32 s1, s30  }
0xbb: {  	s0 =	sor.u32 s3, s0;
	s1 =	sshll.u32 s1, $0x11  }
0xbc: {  	s0 =	sor.u32 s1, s0  }
0xbd: {  	s0 =	sadd.s32 $0x8F2B, s0  }
0xbe: {  	[sflag:s0] =	ssyncadd.remote.s32 $0x1  }
0xbf: {  	_ =	sfence.sel $0xFFFF  }
0xc0: {  	[dreg:$0x0] =	wrdreg $0xFFFFFFFF;
	(pc) =	sbr.abs _section_cstart, $3  }
0xc1: {  	[dreg:$0x1] =	wrdreg $0xFFFFFFFF  }
0xc2: {  	_ =	task.clear_ibuf [dreg:s7], $0x2FFFF;
	_ =	strace $0x9FFFFFFF  }
0xc3: {  	(tm) =	ssettm $0x7FFFFFFF  }
tec
execute0_lowered:
.L_overlay_start_1:
0x0: {  	(tag) =	ssettag $0x1  }
0x1: {  	s6 =	rddreg [dreg:$0x0]  }
0x2: {  	s7 =	rddreg [dreg:$0x1]  }
0x3: {  	s0 =	srdreg.scid;
	s2 =	rddreg [dreg:$0x2]  }
0x4: {  	s1 =	rddreg [dreg:$0x3];
	s3 =	simm.s32 $0x0;
	s5 =	sand.u32 $0x1, s0  }
0x5: {  	s15 =	simm.s32 $0x80;
	s0 =	stileid.u32;
	s4 =	smul.u32 $0x28000, s5  }
0x6: {  	s16 =	simm.s32 $0x1;
	s17 =	simm.s32 $0x2;
	s8 =	smul.u32 $0x2800, s0  }
0x7: {  	s18 =	simm.s32 $0x0;
	[smem:$0x7FF] =	sst s3;
	s9 =	smul.u32 $0x14000, s0  }
0x8: {  	s30 =	smul.u32 $0x140000, s5;
	_ =	strace $0x80000047;
	s11 =	ssub.s32 $0x2, s5  }
0x9: {  	s12 =	smul.u32 $0x50000, s0;
	s5 =	sadd.s32 $0xD800, s6;
	s13 =	sshll.u32 s0, $0x6  }
0xa: {  	s31 =	sshrl.u32 s11, $0x1;
	s13 =	sor.u32 $0x1C03, s13;
	s4 =	sadd.s32 s8, s4  }
0xb: {  	s8 =	sadd.s32 s9, s30;
	s11 =	ssub.s32 s11, s31;
	s12 =	sshrl.u32 s12, $0x2  }
0xc: {  	s9 =	sshrl.u32 s9, $0x3;
	s4 =	sshrl.u32 s4, $0x3;
	s8 =	sshrl.u32 s8, $0x3  }
0xd: {  	s14 =	sadd.s32 s12, s2;
	s7 =	sadd.s32 s7, s9;
	s9 =	smax.u32 s11, $0x1  }
0xe: {  	s11 =	simm.s32 $0x3;
	s12 =	simm.s32 $0x6800;
	s10 =	sadd.s32 s4, s6  }
0xf: {  	s4 =	sadd.s32 $0xD000, s6;
	s8 =	sadd.s32 s8, s6;
	s14 =	sshrl.u32 s14, $0x3  }
0x10: {  	s6 =	sadd.s32 $0x3000, s10;
	s8 =	sadd.s32 $0xDA00, s8;
	s10 =	simm.s32 $0x2800  }
.LBB2_1:
0x11: {  	[tilespmem:s10], [sflag:$0x3] =	stream.linear.gather [hbm4b:s4+s3], $0x4000, $0x38;
	[tilespmem:$0x1A880] =	vst v63  }
0x12: {  	_ =	swait.ge [sflag:s11], $0x4000  }
0x13: {  	[sflag:s11] =	ssyncset.done $0x0  }
0x14: {  	[sflag:s11] =	ssyncadd.s32 $0xFFFFC000  }
0x15: {  	[tilespmem:s12], [sflag:$0x3] =	stream.linear.gather [hbm4b:s5+s3], $0x80, $0x38;
	[tilespmem:$0x1A880] =	vst v63  }
0x16: {  	_ =	swait.ge [sflag:s11], $0x80  }
0x17: {  	[sflag:s11] =	ssyncset.done $0x0  }
0x18: {  	[sflag:s11] =	ssyncadd.s32 $0xFFFFFF80  }
0x19: {  	[tilespmem:s3], [sflag:$0x3] =	stream.linear.gather [hbm4b:s6+s3], $0x2800, $0x38;
	[tilespmem:$0x1A880] =	vst v63  }
0x1a: {  	_ =	swait.ge [sflag:s11], $0x2800  }
0x1b: {  	[sflag:s11] =	ssyncset.done $0x0  }
0x1c: {  	[sflag:s11] =	ssyncadd.s32 $0xFFFFD800  }
0x1d: {  	[spmem:s14], [sflag:s13] =	dma.local [hbm:s7], $0x2800  }
0x1e: {  	_ =	swait.ge [sflag:s11], $0x2800  }
0x1f: {  	[sflag:s11] =	ssyncset.done $0x0  }
0x20: {  	[sflag:s11] =	ssyncadd.s32 $0xFFFFD800  }
0x21: {  	[bflag:$0x0] =	sbarrier.arrive $0xFFFF  }
0x22: {  	[spmem:s2] =	stream.indirect.scatter.add.f32 [tilespmem:s10], [sflag:$0x1], $0x80, s12, s15, $0xb8;
	[tilespmem:$0x1A880] =	vst v63  }
0x23: {  	_ = 	snop  }
0x24: {  	[spmem:s2] =	stream.indirect.scatter.add.f32 [tilespmem:s10], [sflag:$0x2], $0x80, s12, s15, $0xb8;
	[tilespmem:$0x1A880] =	vst v63  }
0x25: {  	_ =	swait.ge [sflag:s16], $0x4000  }
0x26: {  	[sflag:s16] =	ssyncset.done $0x0  }
0x27: {  	s19 =	simm.s32 $0x0;
	[sflag:s16] =	ssyncadd.s32 $0xFFFFC000  }
0x28: {  	[spmem:s2] =	stream.indirect.scatter.add.f32 [tilespmem:s10], [sflag:$0x1], $0x80, s19, s15, $0xb8;
	[tilespmem:$0x1A880] =	vst v63  }
0x29: {  	_ =	swait.ge [sflag:s17], $0x4000  }
0x2a: {  	[sflag:s17] =	ssyncset.done $0x0  }
0x2b: {  	s20 =	simm.s32 $0x80;
	s19 =	simm.s32 $0x400;
	[sflag:s17] =	ssyncadd.s32 $0xFFFFC000  }
.LBB2_2:
0x2c: {  	[spmem:s2] =	stream.indirect.scatter.add.f32 [tilespmem:s10], [sflag:$0x2], $0x80, s20, s15, $0xb8;
	[tilespmem:$0x1A880] =	vst v63  }
0x2d: {  	s20 =	smov.u32 s19  }
0x2e: {  	p0 =	sne.s32 s19, $0x9C00;
	s19 =	sadd.s32 $0x400, s19;
	_ =	swait.ge [sflag:s16], $0x4000  }
0x2f: {  	[sflag:s16] =	ssyncset.done $0x0  }
.Ltmp0:
0x30: {  	s20 =	sshra.s32 s20, $0x2;
	[sflag:s16] =	ssyncadd.s32 $0xFFFFC000;
	(pc) =	sbr.rel @p0 .LBB2_2-.Ltmp0, $4  }
0x31: {  	[spmem:s2] =	stream.indirect.scatter.add.f32 [tilespmem:s10], [sflag:$0x1], $0x80, s20, s15, $0xb8;
	[tilespmem:$0x1A880] =	vst v63  }
0x32: {  	_ =	swait.ge [sflag:s17], $0x4000  }
0x33: {  	[sflag:s17] =	ssyncset.done $0x0  }
0x34: {  	s20 =	sadd.s32 $0x80, s20;
	[sflag:s17] =	ssyncadd.s32 $0xFFFFC000  }
0x35: {  	[spmem:s2] =	stream.indirect.scatter.add.f32 [tilespmem:s10], [sflag:$0x2], $0x80, s20, s15, $0xb8;
	[tilespmem:$0x1A880] =	vst v63  }
0x36: {  	_ =	swait.ge [sflag:s16], $0x4000  }
0x37: {  	[sflag:s16] =	ssyncset.done $0x0  }
0x38: {  	[sflag:s16] =	ssyncadd.s32 $0xFFFFC000  }
0x39: {  	_ =	swait.ge [sflag:s17], $0x4000  }
0x3a: {  	s18 =	sadd.s32 $0x1, s18;
	[sflag:s17] =	ssyncset.done $0x0  }
0x3b: {  	p0 =	sne.s32 s18, s9;
	[sflag:s17] =	ssyncadd.s32 $0xFFFFC000  }
.Ltmp1:
0x3c: {  	[bflag:$0x0] =	sbarrier.arrive $0xFFFF;
	(pc) =	sbr.rel @p0 .LBB2_1-.Ltmp1, $4  }
0x3d: {  	[hbm:s8], [sflag:s13] =	dma.local [spmem:s14], $0x2800  }
0x3e: {  	_ =	swait.ge [sflag:s11], $0x2800  }
0x3f: {  	[sflag:s11] =	ssyncset.done $0x0  }
0x40: {  	[sflag:s11] =	ssyncadd.s32 $0xFFFFD800  }
0x41: {  	_ =	sfence.sel $0x180000  }
0x42: {  	[bflag:$0x0] =	sbarrier.arrive $0xFFFF  }
0x43: {  	p0 =	sne.s32 s0, $0x0;
	_ =	strace $0x90000047  }
0x44: {  	s0 =	sadd.s32 @!p0 $0x100000, s1;
	[bflag:$0x2] =	sbarrier.arrive $0xFFFF  }
0x45: {  	[sflag:s0] =	ssyncadd.tile.s32 @!p0 $0x1;
	_ =	shalt  }
.Lfunc_end2:
_tile_overlayer_lowered:
.L_overlay_start_2:
0x46: {  	(tag) =	ssettag $0x2  }
0x47: {  	s0 =	rddreg [dreg:$0x0];
	s2 =	stileid.u32  }
0x48: {  	s1 =	rddreg [dreg:$0x1];
	p0 =	sne.s32 s2, $0x0  }
0x49: {  	s3 =	rddreg [dreg:$0x2];
	[bflag:$0x3] =	sbarrier.arrive $0xFFFF;
	s2 =	simm.s32 @!p0 $0x1C03  }
0x4a: {  	[timem:s3], [sflag:s2] =	dma.local @!p0 [hbm:s0], s1  }
0x4b: {  	s0 =	simm.s32 @!p0 $0x3  }
0x4c: {  	_ =	swait.ge @!p0 [sflag:s0], s1  }
0x4d: {  	s1 =	ssub.s32 @!p0 $0x0, s1;
	[sflag:s0] =	ssyncset.done @!p0 $0x0  }
0x4e: {  	[sflag:s0] =	ssyncadd.s32 @!p0 s1  }
0x4f: {  	[bflag:$0x3] =	sbarrier.arrive $0xFFFF  }
0x50: {  	_ =	shalt  }

// kernel: kernel.13.cloned.1.call-start
scs
__scs_entry_jumppad:
0x0: {  	(pc) =	sbr.rel $0x88, $3  }
0x1: {  	(tag) =	ssettag $0x0;
	lr =	simm.s32 $0x1  }
0x2: {  	[smem:$0x3F9C] =	sst lr;
	_ =	strace $0xD0000000  }
0x3: {  	_ = 	snop  }
0x4: {  	_ = 	snop  }
0x5: {  	_ = 	snop  }
0x6: {  	_ = 	snop  }
0x7: {  	_ = 	snop  }
__scs_overlays_trampoline_lowered:
0x8: {  	[smem:$0x3FAB] =	sst s0  }
0x9: {  	[smem:$0x3FAC] =	sst s1  }
0xa: {  	[smem:$0x3FAD] =	sst s2  }
0xb: {  	[smem:$0x3FAE] =	sst s3  }
0xc: {  	[smem:$0x3FAF] =	sst s4  }
0xd: {  	[smem:$0x3FB0] =	sst s5  }
0xe: {  	[smem:$0x3FB1] =	sst s6  }
0xf: {  	[smem:$0x3FB2] =	sst s7  }
0x10: {  	[smem:$0x3FB3] =	sst s8  }
0x11: {  	[smem:$0x3FB4] =	sst s9;
	s0 =	simm.s32 @!p0 $0x0  }
0x12: {  	s1 =	sld [smem:$0x3F9A];
	s0 =	simm.s32 @p0 $0x1  }
0x13: {  	[smem:$0x3FB5] =	sst s0;
	s0 =	simm.s32 @!p1 $0x0  }
0x14: {  	s2 =	sld [smem:$0x3F99];
	s0 =	simm.s32 @p1 $0x1  }
0x15: {  	[smem:$0x3FB6] =	sst s0;
	s0 =	simm.s32 @!p2 $0x0  }
0x16: {  	s3 =	sld [smem:$0x3FDB];
	s0 =	simm.s32 @p2 $0x1  }
0x17: {  	s4 =	simm.s32 $0x1BF5;
	[smem:$0x3FB8] =	sst s0  }
0x18: {  	s0 =	sld [smem:$0x3F9B];
	_ =	swait.ge [sflag:s4], $0x0  }
0x19: {  	s7 =	sld [smem:$0x3F9C]  }
0x1a: {  	s8 =	sadd.s32 $0xFFFFE003, lr  }
0x1b: {  	s9 =	sadd.s32 $0xFFFFFEF7, lr;
	s5 =	simm.s32 $0xFFFFFFFF;
	p2 =	slt.u32 s8, $0xFFFFF086  }
0x1c: {  	p1 =	slt.u32 s9, $0xF7A;
	s5 =	simm.s32 @!p2 $0x0  }
0x1d: {  	s5 =	simm.s32 @p1 $0x1;
	p0 =	seq.s32 s7, s2  }
0x1e: {  	s7 =	smul.u32 @!p0 $0xF7A, s2;
	p2 =	seq.s32 @!p0 s5, $0x0  }
0x1f: {  	s9 =	smul.u32 $0xF7A, s1;
	s8 =	simm.s32 @!p0 $0x1BF5;
	p2 =	por !p2, p0  }
0x20: {  	[sflag:s8] =	ssyncset.s32 @!p0 $0xFFFFF086;
	s6 =	sadd.s32 @!p0 s3, s7;
	s7 =	simm.s32 @!p0 $0x108  }
0x21: {  	s3 =	sadd.s32 s3, s9;
	s6 =	sadd.s32 @!p0 $0x88, s6;
	s7 =	simm.s32 @p2 $0x1082  }
0x22: {  	[simem:s7], [sflag:s8] =	dma.local @!p0 [hbm:s6], $0xF7A  }
0x23: {  	s9 =	sor.u32 $0xD0000000, s2;
	s6 =	simm.s32 $0x108;
	_ =	swait.ge @!p0 [sflag:s8], $0x0  }
0x24: {  	s3 =	sadd.s32 $0x88, s3;
	s6 =	simm.s32 @!p1 $0x1082;
	[sflag:s4] =	ssyncset.s32 $0xFFFFF086  }
0x25: {  	[simem:s6], [sflag:s4] =	dma.local [hbm:s3], $0xF7A  }
0x26: {  	[smem:$0x3F9C] =	sst s1;
	(tag) =	ssettag s2;
	_ =	strace s9  }
0x27: {  	s1 =	sld [smem:$0x3FAC]  }
0x28: {  	s2 =	sld [smem:$0x3FAD]  }
0x29: {  	s4 =	sld [smem:$0x3FAF]  }
0x2a: {  	p0 =	seq.s32 s5, $0x0;
	s5 =	sld [smem:$0x3FB0]  }
0x2b: {  	s6 =	sld [smem:$0x3FB1]  }
0x2c: {  	s7 =	sld [smem:$0x3FB2]  }
0x2d: {  	s3 =	simm.s32 $0x108;
	s8 =	sld [smem:$0x3FB3]  }
0x2e: {  	s3 =	simm.s32 @!p0 $0x1082;
	s9 =	sld [smem:$0x3FB4]  }
0x2f: {  	lr =	sadd.s32 s0, s3;
	s0 =	sld [smem:$0x3FAB]  }
0x30: {  	s3 =	sld [smem:$0x3FAE]  }
0x31: {  	[smem:$0x3FB7] =	sst s10  }
0x32: {  	s10 =	sld [smem:$0x3FB5];
	_ =	sdelay $0x3  }
0x33: {  	p0 =	seq.s32 s10, $0x1;
	s10 =	sld [smem:$0x3FB7];
	_ =	sdelay $0x3  }
0x34: {  	[smem:$0x3FB7] =	sst s10  }
0x35: {  	s10 =	sld [smem:$0x3FB6];
	_ =	sdelay $0x3  }
0x36: {  	p1 =	seq.s32 s10, $0x1;
	s10 =	sld [smem:$0x3FB7];
	_ =	sdelay $0x3  }
0x37: {  	[smem:$0x3FB7] =	sst s10  }
0x38: {  	s10 =	sld [smem:$0x3FB8]  }
0x39: {  	_ = 	snop;
	(pc) =	sbr.ind lr, $3  }
0x3a: {  	_ = 	snop  }
0x3b: {  	_ = 	snop  }
0x3c: {  	p2 =	seq.s32 s10, $0x1;
	s10 =	sld [smem:$0x3FB7]  }
0x3d: {  	_ =	shalt  }
0x3e: {  	_ =	shalt  }
0x3f: {  	_ =	shalt  }
0x40: {  	_ =	shalt  }
0x41: {  	_ =	shalt  }
0x42: {  	_ =	shalt  }
0x43: {  	_ =	shalt  }
0x44: {  	_ =	shalt  }
0x45: {  	_ =	shalt  }
0x46: {  	_ =	shalt  }
0x47: {  	_ =	shalt  }
0x48: {  	_ =	shalt  }
0x49: {  	_ =	shalt  }
0x4a: {  	_ =	shalt  }
0x4b: {  	_ =	shalt  }
0x4c: {  	_ =	shalt  }
0x4d: {  	_ =	shalt  }
0x4e: {  	_ =	shalt  }
0x4f: {  	_ =	shalt  }
0x50: {  	_ =	shalt  }
0x51: {  	_ =	shalt  }
0x52: {  	_ =	shalt  }
0x53: {  	_ =	shalt  }
0x54: {  	_ =	shalt  }
0x55: {  	_ =	shalt  }
0x56: {  	_ =	shalt  }
0x57: {  	_ =	shalt  }
0x58: {  	_ =	shalt  }
0x59: {  	_ =	shalt  }
0x5a: {  	_ =	shalt  }
0x5b: {  	_ =	shalt  }
0x5c: {  	_ =	shalt  }
0x5d: {  	_ =	shalt  }
0x5e: {  	_ =	shalt  }
0x5f: {  	_ =	shalt  }
0x60: {  	_ =	shalt  }
0x61: {  	_ =	shalt  }
0x62: {  	_ =	shalt  }
0x63: {  	_ =	shalt  }
0x64: {  	_ =	shalt  }
0x65: {  	_ =	shalt  }
0x66: {  	_ =	shalt  }
0x67: {  	_ =	shalt  }
0x68: {  	_ =	shalt  }
0x69: {  	_ =	shalt  }
0x6a: {  	_ =	shalt  }
0x6b: {  	_ =	shalt  }
0x6c: {  	_ =	shalt  }
0x6d: {  	_ =	shalt  }
0x6e: {  	_ =	shalt  }
0x6f: {  	_ =	shalt  }
0x70: {  	_ =	shalt  }
0x71: {  	_ =	shalt  }
0x72: {  	_ =	shalt  }
0x73: {  	_ =	shalt  }
0x74: {  	_ =	shalt  }
0x75: {  	_ =	shalt  }
0x76: {  	_ =	shalt  }
0x77: {  	_ =	shalt  }
0x78: {  	_ =	shalt  }
0x79: {  	_ =	shalt  }
0x7a: {  	_ =	shalt  }
0x7b: {  	_ =	shalt  }
0x7c: {  	_ =	shalt  }
0x7d: {  	_ =	shalt  }
0x7e: {  	_ =	shalt  }
0x7f: {  	_ =	shalt  }
0x80: {  	_ =	shalt  }
0x81: {  	_ =	shalt  }
0x82: {  	_ =	shalt  }
0x83: {  	_ =	shalt  }
0x84: {  	_ =	shalt  }
0x85: {  	_ =	shalt  }
0x86: {  	_ =	shalt  }
0x87: {  	_ =	shalt  }
.Lfunc_end0:
.L_simem_size_0:
called_computation.1_lowered:
.L_overlay_start_0:
0x88: {  	s2 =	sld [smem:$0x3FD9]  }
0x89: {  	s3 =	sld [smem:$0x3FFE];
	_ =	sdelay $0x1  }
0x8a: {  	s1 =	srdreg.scid  }
0x8b: {  	s0 =	sand.u32 $0x1, s1  }
0x8c: {  	s17 =	sshll.u32 s0, $0xA;
	s2 =	sadd.s32 s3, s2  }
0x8d: {  	s2 =	sadd.s32 s2, s17  }
0x8e: {  	[smem:$0x3FC3] =	sst s2  }
0x8f: {  	_ = 	snop  }
0x90: {  	s2 =	sld [smem:$0x3FD0];
	(tm) =	ssettm $0x1  }
0x91: {  	s18 =	sld [smem:$0x3FFB];
	_ =	sdelay $0x3  }
0x92: {  	_ =	strace s18  }
0x93: {  	s3 =	sld [smem:$0x3FFC];
	_ =	sdelay $0x3  }
0x94: {  	_ =	strace s3  }
0x95: {  	s3 =	sld [smem:$0x3FFD];
	_ =	sdelay $0x3  }
0x96: {  	_ =	strace s3  }
0x97: {  	_ =	strace $0x8FFFFFFF  }
0x98: {  	s19 =	sld [smem:$0x3FDB];
	_ =	sdelay $0x1  }
0x99: {  	s4 =	simm.s32 $_scs_section_size  }
0x9a: {  	s5 =	simm.s32 $_size__tile_overlayer_lowered;
	s6 =	simm.s32 $_tile_overlayer_lowered  }
0x9b: {  	s22 =	simm.s32 $0x1BFF;
	s21 =	sshll.u32 s6, $0x1;
	s3 =	sadd.s32 s4, s19  }
0x9c: {  	s7 =	simm.s32 $0x0;
	s20 =	sshll.u32 s5, $0x1;
	s5 =	sadd.s32 s21, s3  }
0x9d: {  	[timem:s7], [sflag:s22] =	dma.local [hbm:s5], s20  }
0x9e: {  	_ =	swait.ge [sflag:s22], s20  }
0x9f: {  	s4 =	ssub.s32 $0x0, s20;
	[sflag:s22] =	ssyncset.done $0x0  }
0xa0: {  	[sflag:s22] =	ssyncadd.s32 s4;
	_ =	sdelay $0x1  }
0xa1: {  	s23 =	simm.s32 $0x1B8B  }
0xa2: {  	_ =	swait.ge [sflag:s23], $0x1  }
0xa3: {  	[sflag:s23] =	ssyncset.done $0x0  }
0xa4: {  	s25 =	simm.s32 $0x1B8E;
	s24 =	sld [smem:$0x3FFE];
	[sflag:s23] =	ssyncadd.s32 $0xFFFFFFFF  }
0xa5: {  	s26 =	simm.s32 $execute0_lowered;
	[smem:$0x3FD2] =	sst s25  }
0xa6: {  	s5 =	sshll.u32 s26, $0x1;
	_ =	strace $0x80000049;
	[dreg:$0x1] =	wrdreg $0xFFFFFFFF  }
0xa7: {  	s28 =	simm.s32 $_size_execute0_lowered;
	s3 =	sadd.s32 s3, s5;
	[dreg:$0x0] =	wrdreg $0x0  }
0xa8: {  	s5 =	sshll.u32 s28, $0x1;
	[dreg:$0x2] =	wrdreg s3  }
0xa9: {  	[dreg:$0x3] =	wrdreg s5  }
0xaa: {  	[dreg:$0x4] =	wrdreg $0xC0  }
0xab: {  	_ =	task [dreg:s7], $0x5FFFF  }
0xac: {  	[dreg:$0x1] =	wrdreg $0xFFFFFFFF  }
0xad: {  	[dreg:$0x0] =	wrdreg $0x60  }
0xae: {  	[dreg:$0x2] =	wrdreg s24  }
0xaf: {  	[dreg:$0x3] =	wrdreg s2  }
0xb0: {  	[dreg:$0x4] =	wrdreg $0x90000  }
0xb1: {  	[dreg:$0x5] =	wrdreg $0x9  }
0xb2: {  	_ =	task.clear_ibuf [dreg:s7], $0x6FFFF;
	_ =	strace $0x90000049  }
0xb3: {  	s29 =	simm.s32 $0x9;
	_ =	strace $0x8000004B  }
0xb4: {  	_ =	swait.ge [sflag:s29], $0x1  }
0xb5: {  	[sflag:s29] =	ssyncadd.s32 $0xFFFFFFFF  }
0xb6: {  	_ =	strace $0x9000004B  }
0xb7: {  	_ =	sfence  }
0xb8: {  	s30 =	sld [smem:$0x0];
	_ =	sdelay $0x2  }
0xb9: {  	s31 =	sshll.u32 s1, $0xD;
	s1 =	sshrl.u32 s1, $0x2  }
0xba: {  	s3 =	sand.u32 $0x4000, s31;
	s1 =	sadd.s32 s1, s30  }
0xbb: {  	s0 =	sor.u32 s3, s0;
	s1 =	sshll.u32 s1, $0x11  }
0xbc: {  	s0 =	sor.u32 s1, s0  }
0xbd: {  	s0 =	sadd.s32 $0x8F2B, s0  }
0xbe: {  	[sflag:s0] =	ssyncadd.remote.s32 $0x1  }
0xbf: {  	_ =	sfence.sel $0xFFFF  }
0xc0: {  	[dreg:$0x0] =	wrdreg $0xFFFFFFFF;
	(pc) =	sbr.abs _section_cstart, $3  }
0xc1: {  	[dreg:$0x1] =	wrdreg $0xFFFFFFFF  }
0xc2: {  	_ =	task.clear_ibuf [dreg:s7], $0x2FFFF;
	_ =	strace $0x9FFFFFFF  }
0xc3: {  	(tm) =	ssettm $0x7FFFFFFF  }
tec
execute0_lowered:
.L_overlay_start_1:
0x0: {  	(tag) =	ssettag $0x1  }
0x1: {  	s0 =	rddreg [dreg:$0x0]  }
0x2: {  	s1 =	rddreg [dreg:$0x1]  }
0x3: {  	s2 =	rddreg [dreg:$0x2];
	s3 =	simm.s32 $0x0  }
0x4: {  	s4 =	srdreg.scid;
	s14 =	stileid.u32;
	s28 =	simm.s32 $0x4  }
0x5: {  	s29 =	simm.s32 $0x580;
	s30 =	simm.s32 $0xD00;
	s6 =	smul.u32 $0x14000, s14  }
0x6: {  	s31 =	simm.s32 $0x600;
	[smem:$0x7FF] =	sst s3;
	s9 =	smul.u32 $0x50000, s14  }
0x7: {  	s5 =	sand.u32 $0x1, s4;
	s4 =	sadd.s32 $0xD000, s0;
	s12 =	smul.u32 $0x5000, s14  }
0x8: {  	s8 =	sadd.s32 $0x5DA00, s0;
	s13 =	sadd.s32 $0x3000, s0;
	s22 =	smul.u32 $0xA00, s14  }
0x9: {  	s18 =	sshll.u32 s14, $0x6;
	_ =	strace $0x8000004A;
	s7 =	smul.u32 $0x140000, s5  }
0xa: {  	s10 =	ssub.s32 $0x2, s5;
	s5 =	smul.u32 $0x50000, s5;
	s16 =	sor.u32 $0x1C05, s18  }
0xb: {  	s11 =	sshrl.u32 s10, $0x1;
	s9 =	sshrl.u32 s9, $0x2;
	s20 =	sshrl.u32 s12, $0x3  }
0xc: {  	[dreg:$0x6] =	wrdreg s16;
	s7 =	sadd.s32 s6, s7;
	s15 =	ssub.s32 s10, s11  }
0xd: {  	s6 =	sshrl.u32 s6, $0x3;
	s5 =	sadd.s32 s12, s5;
	s9 =	sadd.s32 s9, s2  }
0xe: {  	s10 =	simm.s32 $0xE80;
	s11 =	simm.s32 $0x780;
	s12 =	simm.s32 $0xF80  }
0xf: {  	s7 =	sshrl.u32 s7, $0x3;
	s1 =	sadd.s32 s1, s6;
	s17 =	sshrl.u32 s5, $0x3  }
0x10: {  	s23 =	smax.u32 s15, $0x1;
	s24 =	sor.u32 $0x800, s5;
	s5 =	sor.u32 $0xC00, s5  }
0x11: {  	s18 =	sshrl.u32 s9, $0x3;
	s9 =	simm.s32 $0x700;
	s6 =	simm.s32 $0xF00  }
0x12: {  	s0 =	sadd.s32 s7, s0;
	[dreg:$0x4] =	wrdreg s1;
	s19 =	sadd.s32 s8, s17  }
0x13: {  	s1 =	sadd.s32 s13, s20;
	[dreg:$0xb] =	wrdreg s23;
	s13 =	sadd.s32 s22, s13  }
0x14: {  	s25 =	sshrl.u32 s24, $0x3;
	s26 =	sshrl.u32 s5, $0x3;
	s17 =	simm.s32 $0x5  }
0x15: {  	s20 =	simm.s32 $0xC00;
	s22 =	simm.s32 $0x80;
	s23 =	simm.s32 $0x1000  }
0x16: {  	s24 =	simm.s32 $0x5000;
	s7 =	simm.s32 $0x2;
	[dreg:$0xc] =	wrdreg s18  }
0x17: {  	s5 =	simm.s32 $0xE00;
	[dreg:$0x5] =	wrdreg s19;
	s21 =	sadd.s32 $0x80, s19  }
.Ltmp0:
0x18: {  	[dreg:$0x7] =	wrdreg s1;
	s1 =	sadd.s32 $0x80, s1;
	(pc) =	sbr.rel .LBB2_1-.Ltmp0, $4  }
0x19: {  	s0 =	sadd.s32 $0x99A00, s0;
	s14 =	sadd.s32 s25, s8;
	[dreg:$0x8] =	wrdreg s21  }
0x1a: {  	s15 =	sadd.s32 s26, s8;
	s19 =	simm.s32 $0x400;
	[dreg:$0x9] =	wrdreg s1  }
0x1b: {  	s25 =	simm.s32 $0x3;
	s26 =	simm.s32 $0x0;
	[dreg:$0xa] =	wrdreg s0  }
0x1c: {  	s21 =	simm.s32 $0x1;
	s0 =	simm.s32 $0xD80;
	s1 =	simm.s32 $0x680  }
.LBB2_4:
0x1d: {  	[bflag:$0x0] =	sbarrier.arrive $0xFFFF  }
0x1e: {  	s16 =	rddreg [dreg:$0x6]  }
0x1f: {  	s8 =	rddreg [dreg:$0xa]  }
0x20: {  	s18 =	rddreg [dreg:$0xc]  }
0x21: {  	[hbm:s8], [sflag:s16] =	dma.local [spmem:s18], $0x2800  }
0x22: {  	_ =	swait.ge [sflag:s17], $0x2800  }
0x23: {  	s26 =	rddreg [dreg:$0xd]  }
0x24: {  	s8 =	rddreg [dreg:$0xb];
	s26 =	sadd.s32 $0x1, s26  }
0x25: {  	p0 =	sne.s32 s26, s8  }
.Ltmp1:
0x26: {  	_ = 	snop;
	(pc) =	sbr.rel @!p0 .LBB2_5-.Ltmp1, $3  }
0x27: {  	_ =	sdelay $0x1  }
0x28: {  	[sflag:s17] =	ssyncset.done $0x0  }
0x29: {  	[sflag:s17] =	ssyncadd.s32 $0xFFFFD800  }
.LBB2_1:
0x2a: {  	[dreg:$0xd] =	wrdreg s26  }
0x2b: {  	s8 =	rddreg [dreg:$0x4]  }
0x2c: {  	[spmem:s18], [sflag:s16] =	dma.local [hbm:s8], $0x2800  }
0x2d: {  	_ =	swait.ge [sflag:s17], $0x2800  }
0x2e: {  	[sflag:s17] =	ssyncset.done $0x0  }
0x2f: {  	s16 =	rddreg [dreg:$0x5];
	[sflag:s17] =	ssyncadd.s32 $0xFFFFD800  }
0x30: {  	[tilespmem:s3], [sflag:$0x1] =	stream.linear.gather [hbm4b:s16+s3], $0x400, $0x38;
	[tilespmem:$0x1D000] =	vst v63  }
0x31: {  	s26 =	simm.s32 $0x800;
	s18 =	rddreg [dreg:$0x7]  }
0x32: {  	[tilespmem:s26], [sflag:$0x1] =	stream.linear.gather [hbm4b:s18+s3], $0x400, $0x38;
	[tilespmem:$0x1D000] =	vst v63  }
0x33: {  	s18 =	rddreg [dreg:$0x8]  }
0x34: {  	[tilespmem:s19], [sflag:$0x2] =	stream.linear.gather [hbm4b:s18+s3], $0x400, $0x38;
	[tilespmem:$0x1D000] =	vst v63  }
0x35: {  	s26 =	rddreg [dreg:$0x9]  }
0x36: {  	[tilespmem:s20], [sflag:$0x2] =	stream.linear.gather [hbm4b:s26+s3], $0x400, $0x38;
	[tilespmem:$0x1D000] =	vst v63  }
0x37: {  	s8 =	simm.s32 $0x0;
	[bflag:$0x0] =	sbarrier.arrive $0xFFFF  }
.LBB2_2:
0x38: {  	_ =	swait.ge [sflag:s21], $0x400  }
0x39: {  	[sflag:s21] =	ssyncset.done $0x0  }
0x3a: {  	[sflag:s21] =	ssyncadd.s32 $0xFFFFFC00  }
0x3b: {  	_ =	swait.ge [sflag:s21], $0x400  }
0x3c: {  	[sflag:s21] =	ssyncset.done $0x0  }
0x3d: {  	[sflag:s21] =	ssyncadd.s32 $0xFFFFFC00  }
0x3e: {  	[tilespmem:s23], [sflag:$0x3] =	stream.indirect.gather [hbm4b:s4+s22], $0x80, s3, s22, $0xb8;
	[tilespmem:$0x1D000] =	vst v63  }
0x3f: {  	_ = 	snop  }
0x40: {  	[tilespmem:s24], [sflag:$0x4] =	stream.indirect.gather [hbm4b:s4+s22], $0x80, s22, s22, $0xb8;
	[tilespmem:$0x1D000] =	vst v63  }
0x41: {  	_ =	swait.ge [sflag:s25], $0x4000  }
0x42: {  	[sflag:s25] =	ssyncset.done $0x0  }
0x43: {  	s16 =	simm.s32 $0x800;
	[sflag:s25] =	ssyncadd.s32 $0xFFFFC000  }
0x44: {  	[spmem:s2] =	stream.indirect.scatter.add.f32 [tilespmem:s23], [sflag:$0x5], $0x80, s16, s22, $0xb8;
	[tilespmem:$0x1D000] =	vst v63  }
0x45: {  	_ =	swait.ge [sflag:s17], $0x4000  }
0x46: {  	[sflag:s17] =	ssyncset.done $0x0  }
0x47: {  	s18 =	simm.s32 $0x100;
	[sflag:s17] =	ssyncadd.s32 $0xFFFFC000  }
0x48: {  	[tilespmem:s23], [sflag:$0x3] =	stream.indirect.gather [hbm4b:s4+s22], $0x80, s18, s22, $0xb8;
	[tilespmem:$0x1D000] =	vst v63  }
0x49: {  	_ =	swait.ge [sflag:s28], $0x4000  }
0x4a: {  	[sflag:s28] =	ssyncset.done $0x0  }
0x4b: {  	s26 =	simm.s32 $0x880;
	[sflag:s28] =	ssyncadd.s32 $0xFFFFC000  }
0x4c: {  	[spmem:s2] =	stream.indirect.scatter.add.f32 [tilespmem:s24], [sflag:$0x5], $0x80, s26, s22, $0xb8;
	[tilespmem:$0x1D000] =	vst v63  }
0x4d: {  	_ =	swait.ge [sflag:s17], $0x4000  }
0x4e: {  	[sflag:s17] =	ssyncset.done $0x0  }
0x4f: {  	s18 =	simm.s32 $0x180;
	[sflag:s17] =	ssyncadd.s32 $0xFFFFC000  }
0x50: {  	[tilespmem:s24], [sflag:$0x4] =	stream.indirect.gather [hbm4b:s4+s22], $0x80, s18, s22, $0xb8;
	[tilespmem:$0x1D000] =	vst v63  }
0x51: {  	_ =	swait.ge [sflag:s25], $0x4000  }
0x52: {  	[sflag:s25] =	ssyncset.done $0x0  }
0x53: {  	s26 =	simm.s32 $0x900;
	[sflag:s25] =	ssyncadd.s32 $0xFFFFC000  }
0x54: {  	[spmem:s2] =	stream.indirect.scatter.add.f32 [tilespmem:s23], [sflag:$0x5], $0x80, s26, s22, $0xb8;
	[tilespmem:$0x1D000] =	vst v63  }
0x55: {  	_ =	swait.ge [sflag:s17], $0x4000  }
0x56: {  	[sflag:s17] =	ssyncset.done $0x0  }
0x57: {  	s18 =	simm.s32 $0x200;
	[sflag:s17] =	ssyncadd.s32 $0xFFFFC000  }
0x58: {  	[tilespmem:s23], [sflag:$0x3] =	stream.indirect.gather [hbm4b:s4+s22], $0x80, s18, s22, $0xb8;
	[tilespmem:$0x1D000] =	vst v63  }
0x59: {  	_ =	swait.ge [sflag:s28], $0x4000  }
0x5a: {  	[sflag:s28] =	ssyncset.done $0x0  }
0x5b: {  	s26 =	simm.s32 $0x980;
	[sflag:s28] =	ssyncadd.s32 $0xFFFFC000  }
0x5c: {  	[spmem:s2] =	stream.indirect.scatter.add.f32 [tilespmem:s24], [sflag:$0x5], $0x80, s26, s22, $0xb8;
	[tilespmem:$0x1D000] =	vst v63  }
0x5d: {  	_ =	swait.ge [sflag:s17], $0x4000  }
0x5e: {  	[sflag:s17] =	ssyncset.done $0x0  }
0x5f: {  	s18 =	simm.s32 $0x280;
	[sflag:s17] =	ssyncadd.s32 $0xFFFFC000  }
0x60: {  	[tilespmem:s24], [sflag:$0x4] =	stream.indirect.gather [hbm4b:s4+s22], $0x80, s18, s22, $0xb8;
	[tilespmem:$0x1D000] =	vst v63  }
0x61: {  	_ =	swait.ge [sflag:s25], $0x4000  }
0x62: {  	[sflag:s25] =	ssyncset.done $0x0  }
0x63: {  	s26 =	simm.s32 $0xA00;
	[sflag:s25] =	ssyncadd.s32 $0xFFFFC000  }
0x64: {  	[spmem:s2] =	stream.indirect.scatter.add.f32 [tilespmem:s23], [sflag:$0x5], $0x80, s26, s22, $0xb8;
	[tilespmem:$0x1D000] =	vst v63  }
0x65: {  	_ =	swait.ge [sflag:s17], $0x4000  }
0x66: {  	[sflag:s17] =	ssyncset.done $0x0  }
0x67: {  	s18 =	simm.s32 $0x300;
	[sflag:s17] =	ssyncadd.s32 $0xFFFFC000  }
0x68: {  	[tilespmem:s23], [sflag:$0x3] =	stream.indirect.gather [hbm4b:s4+s22], $0x80, s18, s22, $0xb8;
	[tilespmem:$0x1D000] =	vst v63  }
0x69: {  	_ =	swait.ge [sflag:s28], $0x4000  }
0x6a: {  	[sflag:s28] =	ssyncset.done $0x0  }
0x6b: {  	s26 =	simm.s32 $0xA80;
	[sflag:s28] =	ssyncadd.s32 $0xFFFFC000  }
0x6c: {  	[spmem:s2] =	stream.indirect.scatter.add.f32 [tilespmem:s24], [sflag:$0x5], $0x80, s26, s22, $0xb8;
	[tilespmem:$0x1D000] =	vst v63  }
0x6d: {  	_ =	swait.ge [sflag:s17], $0x4000  }
0x6e: {  	[sflag:s17] =	ssyncset.done $0x0  }
0x6f: {  	s18 =	simm.s32 $0x380;
	[sflag:s17] =	ssyncadd.s32 $0xFFFFC000  }
0x70: {  	[tilespmem:s24], [sflag:$0x4] =	stream.indirect.gather [hbm4b:s4+s22], $0x80, s18, s22, $0xb8;
	[tilespmem:$0x1D000] =	vst v63  }
0x71: {  	_ =	swait.ge [sflag:s25], $0x4000  }
0x72: {  	[sflag:s25] =	ssyncset.done $0x0  }
0x73: {  	s26 =	simm.s32 $0xB00;
	[sflag:s25] =	ssyncadd.s32 $0xFFFFC000  }
0x74: {  	[spmem:s2] =	stream.indirect.scatter.add.f32 [tilespmem:s23], [sflag:$0x5], $0x80, s26, s22, $0xb8;
	[tilespmem:$0x1D000] =	vst v63  }
0x75: {  	_ =	swait.ge [sflag:s17], $0x4000  }
0x76: {  	[sflag:s17] =	ssyncset.done $0x0  }
0x77: {  	[sflag:s17] =	ssyncadd.s32 $0xFFFFC000  }
0x78: {  	_ =	swait.ge [sflag:s28], $0x4000  }
0x79: {  	[sflag:s28] =	ssyncset.done $0x0  }
0x7a: {  	s18 =	simm.s32 $0xB80;
	[sflag:s28] =	ssyncadd.s32 $0xFFFFC000  }
0x7b: {  	[spmem:s2] =	stream.indirect.scatter.add.f32 [tilespmem:s24], [sflag:$0x5], $0x80, s18, s22, $0xb8;
	[tilespmem:$0x1D000] =	vst v63  }
0x7c: {  	_ =	swait.ge [sflag:s17], $0x4000  }
0x7d: {  	p0 =	seq.s32 s8, $0x900;
	[sflag:s17] =	ssyncset.done $0x0  }
0x7e: {  	s16 =	sadd.s32 @!p0 s8, s14;
	s18 =	simm.s32 @!p0 $0x0;
	[sflag:s17] =	ssyncadd.s32 $0xFFFFC000  }
0x7f: {  	[tilespmem:s18], [sflag:$0x1] =	stream.linear.gather @!p0 [hbm4b:s16+s18], $0x400, $0x38;
	[tilespmem:$0x1D000] =	vst v63  }
0x80: {  	s16 =	sadd.s32 @!p0 s8, s13  }
0x81: {  	s26 =	simm.s32 @!p0 $0x800;
	s16 =	sadd.s32 @!p0 $0x100, s16  }
0x82: {  	[tilespmem:s26], [sflag:$0x1] =	stream.linear.gather @!p0 [hbm4b:s16+s18], $0x400, $0x38;
	[tilespmem:$0x1D000] =	vst v63  }
0x83: {  	_ =	swait.ge [sflag:s7], $0x400  }
0x84: {  	[sflag:s7] =	ssyncset.done $0x0  }
0x85: {  	[sflag:s7] =	ssyncadd.s32 $0xFFFFFC00  }
0x86: {  	_ =	swait.ge [sflag:s7], $0x400  }
0x87: {  	[sflag:s7] =	ssyncset.done $0x0  }
0x88: {  	[sflag:s7] =	ssyncadd.s32 $0xFFFFFC00  }
0x89: {  	[tilespmem:s23], [sflag:$0x3] =	stream.indirect.gather [hbm4b:s4+s22], $0x80, s19, s22, $0xb8;
	[tilespmem:$0x1D000] =	vst v63  }
0x8a: {  	s26 =	simm.s32 $0x480  }
0x8b: {  	[tilespmem:s24], [sflag:$0x4] =	stream.indirect.gather [hbm4b:s4+s22], $0x80, s26, s22, $0xb8;
	[tilespmem:$0x1D000] =	vst v63  }
0x8c: {  	_ =	swait.ge [sflag:s25], $0x4000  }
0x8d: {  	[sflag:s25] =	ssyncset.done $0x0  }
0x8e: {  	[sflag:s25] =	ssyncadd.s32 $0xFFFFC000  }
0x8f: {  	[spmem:s2] =	stream.indirect.scatter.add.f32 [tilespmem:s23], [sflag:$0x5], $0x80, s20, s22, $0xb8;
	[tilespmem:$0x1D000] =	vst v63  }
0x90: {  	_ =	swait.ge [sflag:s17], $0x4000  }
0x91: {  	[sflag:s17] =	ssyncset.done $0x0  }
0x92: {  	s18 =	simm.s32 $0x500;
	[sflag:s17] =	ssyncadd.s32 $0xFFFFC000  }
0x93: {  	[tilespmem:s23], [sflag:$0x3] =	stream.indirect.gather [hbm4b:s4+s22], $0x80, s18, s22, $0xb8;
	[tilespmem:$0x1D000] =	vst v63  }
0x94: {  	_ =	swait.ge [sflag:s28], $0x4000  }
0x95: {  	[sflag:s28] =	ssyncset.done $0x0  }
0x96: {  	s26 =	simm.s32 $0xC80;
	[sflag:s28] =	ssyncadd.s32 $0xFFFFC000  }
0x97: {  	[spmem:s2] =	stream.indirect.scatter.add.f32 [tilespmem:s24], [sflag:$0x5], $0x80, s26, s22, $0xb8;
	[tilespmem:$0x1D000] =	vst v63  }
0x98: {  	_ =	swait.ge [sflag:s17], $0x4000  }
0x99: {  	[sflag:s17] =	ssyncset.done $0x0  }
0x9a: {  	[sflag:s17] =	ssyncadd.s32 $0xFFFFC000  }
0x9b: {  	[tilespmem:s24], [sflag:$0x4] =	stream.indirect.gather [hbm4b:s4+s22], $0x80, s29, s22, $0xb8;
	[tilespmem:$0x1D000] =	vst v63  }
0x9c: {  	_ =	swait.ge [sflag:s25], $0x4000  }
0x9d: {  	[sflag:s25] =	ssyncset.done $0x0  }
0x9e: {  	[sflag:s25] =	ssyncadd.s32 $0xFFFFC000  }
0x9f: {  	[spmem:s2] =	stream.indirect.scatter.add.f32 [tilespmem:s23], [sflag:$0x5], $0x80, s30, s22, $0xb8;
	[tilespmem:$0x1D000] =	vst v63  }
0xa0: {  	_ =	swait.ge [sflag:s17], $0x4000  }
0xa1: {  	[sflag:s17] =	ssyncset.done $0x0  }
0xa2: {  	[sflag:s17] =	ssyncadd.s32 $0xFFFFC000  }
0xa3: {  	[tilespmem:s23], [sflag:$0x3] =	stream.indirect.gather [hbm4b:s4+s22], $0x80, s31, s22, $0xb8;
	[tilespmem:$0x1D000] =	vst v63  }
0xa4: {  	_ =	swait.ge [sflag:s28], $0x4000  }
0xa5: {  	[sflag:s28] =	ssyncset.done $0x0  }
0xa6: {  	[sflag:s28] =	ssyncadd.s32 $0xFFFFC000  }
0xa7: {  	[spmem:s2] =	stream.indirect.scatter.add.f32 [tilespmem:s24], [sflag:$0x5], $0x80, s0, s22, $0xb8;
	[tilespmem:$0x1D000] =	vst v63  }
0xa8: {  	_ =	swait.ge [sflag:s17], $0x4000  }
0xa9: {  	[sflag:s17] =	ssyncset.done $0x0  }
0xaa: {  	[sflag:s17] =	ssyncadd.s32 $0xFFFFC000  }
0xab: {  	[tilespmem:s24], [sflag:$0x4] =	stream.indirect.gather [hbm4b:s4+s22], $0x80, s1, s22, $0xb8;
	[tilespmem:$0x1D000] =	vst v63  }
0xac: {  	_ =	swait.ge [sflag:s25], $0x4000  }
0xad: {  	[sflag:s25] =	ssyncset.done $0x0  }
0xae: {  	[sflag:s25] =	ssyncadd.s32 $0xFFFFC000  }
0xaf: {  	[spmem:s2] =	stream.indirect.scatter.add.f32 [tilespmem:s23], [sflag:$0x5], $0x80, s5, s22, $0xb8;
	[tilespmem:$0x1D000] =	vst v63  }
0xb0: {  	_ =	swait.ge [sflag:s17], $0x4000  }
0xb1: {  	[sflag:s17] =	ssyncset.done $0x0  }
0xb2: {  	[sflag:s17] =	ssyncadd.s32 $0xFFFFC000  }
0xb3: {  	[tilespmem:s23], [sflag:$0x3] =	stream.indirect.gather [hbm4b:s4+s22], $0x80, s9, s22, $0xb8;
	[tilespmem:$0x1D000] =	vst v63  }
0xb4: {  	_ =	swait.ge [sflag:s28], $0x4000  }
0xb5: {  	[sflag:s28] =	ssyncset.done $0x0  }
0xb6: {  	[sflag:s28] =	ssyncadd.s32 $0xFFFFC000  }
0xb7: {  	[spmem:s2] =	stream.indirect.scatter.add.f32 [tilespmem:s24], [sflag:$0x5], $0x80, s10, s22, $0xb8;
	[tilespmem:$0x1D000] =	vst v63  }
0xb8: {  	_ =	swait.ge [sflag:s17], $0x4000  }
0xb9: {  	[sflag:s17] =	ssyncset.done $0x0  }
0xba: {  	[sflag:s17] =	ssyncadd.s32 $0xFFFFC000  }
0xbb: {  	[tilespmem:s24], [sflag:$0x4] =	stream.indirect.gather [hbm4b:s4+s22], $0x80, s11, s22, $0xb8;
	[tilespmem:$0x1D000] =	vst v63  }
0xbc: {  	_ =	swait.ge [sflag:s25], $0x4000  }
0xbd: {  	[sflag:s25] =	ssyncset.done $0x0  }
0xbe: {  	[sflag:s25] =	ssyncadd.s32 $0xFFFFC000  }
0xbf: {  	[spmem:s2] =	stream.indirect.scatter.add.f32 [tilespmem:s23], [sflag:$0x5], $0x80, s6, s22, $0xb8;
	[tilespmem:$0x1D000] =	vst v63  }
0xc0: {  	_ =	swait.ge [sflag:s17], $0x4000  }
0xc1: {  	[sflag:s17] =	ssyncset.done $0x0  }
0xc2: {  	[sflag:s17] =	ssyncadd.s32 $0xFFFFC000  }
0xc3: {  	_ =	swait.ge [sflag:s28], $0x4000  }
0xc4: {  	[sflag:s28] =	ssyncset.done $0x0  }
.Ltmp2:
0xc5: {  	[sflag:s28] =	ssyncadd.s32 $0xFFFFC000;
	(pc) =	sbr.rel @p0 .LBB2_4-.Ltmp2, $4  }
0xc6: {  	[spmem:s2] =	stream.indirect.scatter.add.f32 [tilespmem:s24], [sflag:$0x5], $0x80, s12, s22, $0xb8;
	[tilespmem:$0x1D000] =	vst v63  }
0xc7: {  	_ =	swait.ge [sflag:s17], $0x4000  }
0xc8: {  	[sflag:s17] =	ssyncset.done $0x0  }
0xc9: {  	[sflag:s17] =	ssyncadd.s32 $0xFFFFC000  }
.Ltmp3:
0xca: {  	(pc) =	sbr.rel .LBB2_2-.Ltmp3, $4  }
0xcb: {  	s16 =	sadd.s32 s8, s15;
	s26 =	sadd.s32 s8, s13  }
0xcc: {  	[tilespmem:s19], [sflag:$0x2] =	stream.linear.gather [hbm4b:s16+s3], $0x400, $0x38;
	[tilespmem:$0x1D000] =	vst v63  }
0xcd: {  	s8 =	sadd.s32 $0x100, s8;
	s16 =	sadd.s32 $0x180, s26  }
0xce: {  	[tilespmem:s20], [sflag:$0x2] =	stream.linear.gather [hbm4b:s16+s3], $0x400, $0x38;
	[tilespmem:$0x1D000] =	vst v63  }
.LBB2_5:
0xcf: {  	_ =	sfence.sel $0x180000  }
0xd0: {  	[bflag:$0x0] =	sbarrier.arrive $0xFFFF  }
0xd1: {  	_ =	strace $0x9000004A  }
0xd2: {  	s0 =	stileid.u32;
	[bflag:$0x2] =	sbarrier.arrive $0xFFFF  }
0xd3: {  	p0 =	sne.s32 s0, $0x0;
	s0 =	rddreg [dreg:$0x3]  }
0xd4: {  	s0 =	sadd.s32 @!p0 $0x100000, s0  }
0xd5: {  	[sflag:s0] =	ssyncadd.tile.s32 @!p0 $0x1;
	_ =	shalt  }
.Lfunc_end2:
_tile_overlayer_lowered:
.L_overlay_start_2:
0xd6: {  	(tag) =	ssettag $0x2  }
0xd7: {  	s0 =	rddreg [dreg:$0x0];
	s2 =	stileid.u32  }
0xd8: {  	s1 =	rddreg [dreg:$0x1];
	p0 =	sne.s32 s2, $0x0  }
0xd9: {  	s3 =	rddreg [dreg:$0x2];
	[bflag:$0x3] =	sbarrier.arrive $0xFFFF;
	s2 =	simm.s32 @!p0 $0x1C05  }
0xda: {  	[timem:s3], [sflag:s2] =	dma.local @!p0 [hbm:s0], s1  }
0xdb: {  	s0 =	simm.s32 @!p0 $0x5  }
0xdc: {  	_ =	swait.ge @!p0 [sflag:s0], s1  }
0xdd: {  	s1 =	ssub.s32 @!p0 $0x0, s1;
	[sflag:s0] =	ssyncset.done @!p0 $0x0  }
0xde: {  	[sflag:s0] =	ssyncadd.s32 @!p0 s1  }
0xdf: {  	[bflag:$0x3] =	sbarrier.arrive $0xFFFF  }
0xe0: {  	_ =	shalt  }

// kernel: kernel.16.cloned.1.call-start
scs
__scs_entry_jumppad:
0x0: {  	(pc) =	sbr.rel $0x88, $3  }
0x1: {  	(tag) =	ssettag $0x0;
	lr =	simm.s32 $0x1  }
0x2: {  	[smem:$0x3F9C] =	sst lr;
	_ =	strace $0xD0000000  }
0x3: {  	_ = 	snop  }
0x4: {  	_ = 	snop  }
0x5: {  	_ = 	snop  }
0x6: {  	_ = 	snop  }
0x7: {  	_ = 	snop  }
__scs_overlays_trampoline_lowered:
0x8: {  	[smem:$0x3FAB] =	sst s0  }
0x9: {  	[smem:$0x3FAC] =	sst s1  }
0xa: {  	[smem:$0x3FAD] =	sst s2  }
0xb: {  	[smem:$0x3FAE] =	sst s3  }
0xc: {  	[smem:$0x3FAF] =	sst s4  }
0xd: {  	[smem:$0x3FB0] =	sst s5  }
0xe: {  	[smem:$0x3FB1] =	sst s6  }
0xf: {  	[smem:$0x3FB2] =	sst s7  }
0x10: {  	[smem:$0x3FB3] =	sst s8  }
0x11: {  	[smem:$0x3FB4] =	sst s9;
	s0 =	simm.s32 @!p0 $0x0  }
0x12: {  	s1 =	sld [smem:$0x3F9A];
	s0 =	simm.s32 @p0 $0x1  }
0x13: {  	[smem:$0x3FB5] =	sst s0;
	s0 =	simm.s32 @!p1 $0x0  }
0x14: {  	s2 =	sld [smem:$0x3F99];
	s0 =	simm.s32 @p1 $0x1  }
0x15: {  	[smem:$0x3FB6] =	sst s0;
	s0 =	simm.s32 @!p2 $0x0  }
0x16: {  	s3 =	sld [smem:$0x3FDB];
	s0 =	simm.s32 @p2 $0x1  }
0x17: {  	s4 =	simm.s32 $0x1BF5;
	[smem:$0x3FB8] =	sst s0  }
0x18: {  	s0 =	sld [smem:$0x3F9B];
	_ =	swait.ge [sflag:s4], $0x0  }
0x19: {  	s7 =	sld [smem:$0x3F9C]  }
0x1a: {  	s8 =	sadd.s32 $0xFFFFE003, lr  }
0x1b: {  	s9 =	sadd.s32 $0xFFFFFEF7, lr;
	s5 =	simm.s32 $0xFFFFFFFF;
	p2 =	slt.u32 s8, $0xFFFFF086  }
0x1c: {  	p1 =	slt.u32 s9, $0xF7A;
	s5 =	simm.s32 @!p2 $0x0  }
0x1d: {  	s5 =	simm.s32 @p1 $0x1;
	p0 =	seq.s32 s7, s2  }
0x1e: {  	s7 =	smul.u32 @!p0 $0xF7A, s2;
	p2 =	seq.s32 @!p0 s5, $0x0  }
0x1f: {  	s9 =	smul.u32 $0xF7A, s1;
	s8 =	simm.s32 @!p0 $0x1BF5;
	p2 =	por !p2, p0  }
0x20: {  	[sflag:s8] =	ssyncset.s32 @!p0 $0xFFFFF086;
	s6 =	sadd.s32 @!p0 s3, s7;
	s7 =	simm.s32 @!p0 $0x108  }
0x21: {  	s3 =	sadd.s32 s3, s9;
	s6 =	sadd.s32 @!p0 $0x88, s6;
	s7 =	simm.s32 @p2 $0x1082  }
0x22: {  	[simem:s7], [sflag:s8] =	dma.local @!p0 [hbm:s6], $0xF7A  }
0x23: {  	s9 =	sor.u32 $0xD0000000, s2;
	s6 =	simm.s32 $0x108;
	_ =	swait.ge @!p0 [sflag:s8], $0x0  }
0x24: {  	s3 =	sadd.s32 $0x88, s3;
	s6 =	simm.s32 @!p1 $0x1082;
	[sflag:s4] =	ssyncset.s32 $0xFFFFF086  }
0x25: {  	[simem:s6], [sflag:s4] =	dma.local [hbm:s3], $0xF7A  }
0x26: {  	[smem:$0x3F9C] =	sst s1;
	(tag) =	ssettag s2;
	_ =	strace s9  }
0x27: {  	s1 =	sld [smem:$0x3FAC]  }
0x28: {  	s2 =	sld [smem:$0x3FAD]  }
0x29: {  	s4 =	sld [smem:$0x3FAF]  }
0x2a: {  	p0 =	seq.s32 s5, $0x0;
	s5 =	sld [smem:$0x3FB0]  }
0x2b: {  	s6 =	sld [smem:$0x3FB1]  }
0x2c: {  	s7 =	sld [smem:$0x3FB2]  }
0x2d: {  	s3 =	simm.s32 $0x108;
	s8 =	sld [smem:$0x3FB3]  }
0x2e: {  	s3 =	simm.s32 @!p0 $0x1082;
	s9 =	sld [smem:$0x3FB4]  }
0x2f: {  	lr =	sadd.s32 s0, s3;
	s0 =	sld [smem:$0x3FAB]  }
0x30: {  	s3 =	sld [smem:$0x3FAE]  }
0x31: {  	[smem:$0x3FB7] =	sst s10  }
0x32: {  	s10 =	sld [smem:$0x3FB5];
	_ =	sdelay $0x3  }
0x33: {  	p0 =	seq.s32 s10, $0x1;
	s10 =	sld [smem:$0x3FB7];
	_ =	sdelay $0x3  }
0x34: {  	[smem:$0x3FB7] =	sst s10  }
0x35: {  	s10 =	sld [smem:$0x3FB6];
	_ =	sdelay $0x3  }
0x36: {  	p1 =	seq.s32 s10, $0x1;
	s10 =	sld [smem:$0x3FB7];
	_ =	sdelay $0x3  }
0x37: {  	[smem:$0x3FB7] =	sst s10  }
0x38: {  	s10 =	sld [smem:$0x3FB8]  }
0x39: {  	_ = 	snop;
	(pc) =	sbr.ind lr, $3  }
0x3a: {  	_ = 	snop  }
0x3b: {  	_ = 	snop  }
0x3c: {  	p2 =	seq.s32 s10, $0x1;
	s10 =	sld [smem:$0x3FB7]  }
0x3d: {  	_ =	shalt  }
0x3e: {  	_ =	shalt  }
0x3f: {  	_ =	shalt  }
0x40: {  	_ =	shalt  }
0x41: {  	_ =	shalt  }
0x42: {  	_ =	shalt  }
0x43: {  	_ =	shalt  }
0x44: {  	_ =	shalt  }
0x45: {  	_ =	shalt  }
0x46: {  	_ =	shalt  }
0x47: {  	_ =	shalt  }
0x48: {  	_ =	shalt  }
0x49: {  	_ =	shalt  }
0x4a: {  	_ =	shalt  }
0x4b: {  	_ =	shalt  }
0x4c: {  	_ =	shalt  }
0x4d: {  	_ =	shalt  }
0x4e: {  	_ =	shalt  }
0x4f: {  	_ =	shalt  }
0x50: {  	_ =	shalt  }
0x51: {  	_ =	shalt  }
0x52: {  	_ =	shalt  }
0x53: {  	_ =	shalt  }
0x54: {  	_ =	shalt  }
0x55: {  	_ =	shalt  }
0x56: {  	_ =	shalt  }
0x57: {  	_ =	shalt  }
0x58: {  	_ =	shalt  }
0x59: {  	_ =	shalt  }
0x5a: {  	_ =	shalt  }
0x5b: {  	_ =	shalt  }
0x5c: {  	_ =	shalt  }
0x5d: {  	_ =	shalt  }
0x5e: {  	_ =	shalt  }
0x5f: {  	_ =	shalt  }
0x60: {  	_ =	shalt  }
0x61: {  	_ =	shalt  }
0x62: {  	_ =	shalt  }
0x63: {  	_ =	shalt  }
0x64: {  	_ =	shalt  }
0x65: {  	_ =	shalt  }
0x66: {  	_ =	shalt  }
0x67: {  	_ =	shalt  }
0x68: {  	_ =	shalt  }
0x69: {  	_ =	shalt  }
0x6a: {  	_ =	shalt  }
0x6b: {  	_ =	shalt  }
0x6c: {  	_ =	shalt  }
0x6d: {  	_ =	shalt  }
0x6e: {  	_ =	shalt  }
0x6f: {  	_ =	shalt  }
0x70: {  	_ =	shalt  }
0x71: {  	_ =	shalt  }
0x72: {  	_ =	shalt  }
0x73: {  	_ =	shalt  }
0x74: {  	_ =	shalt  }
0x75: {  	_ =	shalt  }
0x76: {  	_ =	shalt  }
0x77: {  	_ =	shalt  }
0x78: {  	_ =	shalt  }
0x79: {  	_ =	shalt  }
0x7a: {  	_ =	shalt  }
0x7b: {  	_ =	shalt  }
0x7c: {  	_ =	shalt  }
0x7d: {  	_ =	shalt  }
0x7e: {  	_ =	shalt  }
0x7f: {  	_ =	shalt  }
0x80: {  	_ =	shalt  }
0x81: {  	_ =	shalt  }
0x82: {  	_ =	shalt  }
0x83: {  	_ =	shalt  }
0x84: {  	_ =	shalt  }
0x85: {  	_ =	shalt  }
0x86: {  	_ =	shalt  }
0x87: {  	_ =	shalt  }
.Lfunc_end0:
.L_simem_size_0:
called_computation.2_lowered:
.L_overlay_start_0:
0x88: {  	s2 =	sld [smem:$0x3FD9]  }
0x89: {  	s3 =	sld [smem:$0x3FFE];
	_ =	sdelay $0x1  }
0x8a: {  	s1 =	srdreg.scid  }
0x8b: {  	s0 =	sand.u32 $0x1, s1  }
0x8c: {  	s17 =	sshll.u32 s0, $0xA;
	s2 =	sadd.s32 s3, s2  }
0x8d: {  	s2 =	sadd.s32 s2, s17  }
0x8e: {  	[smem:$0x3FC3] =	sst s2  }
0x8f: {  	_ = 	snop  }
0x90: {  	s2 =	sld [smem:$0x3FD0];
	(tm) =	ssettm $0x1  }
0x91: {  	s18 =	sld [smem:$0x3FFB];
	_ =	sdelay $0x3  }
0x92: {  	_ =	strace s18  }
0x93: {  	s3 =	sld [smem:$0x3FFC];
	_ =	sdelay $0x3  }
0x94: {  	_ =	strace s3  }
0x95: {  	s3 =	sld [smem:$0x3FFD];
	_ =	sdelay $0x3  }
0x96: {  	_ =	strace s3  }
0x97: {  	_ =	strace $0x8FFFFFFF  }
0x98: {  	s19 =	sld [smem:$0x3FDB];
	_ =	sdelay $0x1  }
0x99: {  	s4 =	simm.s32 $_scs_section_size  }
0x9a: {  	s5 =	simm.s32 $_size__tile_overlayer_lowered;
	s6 =	simm.s32 $_tile_overlayer_lowered  }
0x9b: {  	s22 =	simm.s32 $0x1BFF;
	s21 =	sshll.u32 s6, $0x1;
	s3 =	sadd.s32 s4, s19  }
0x9c: {  	s7 =	simm.s32 $0x0;
	s20 =	sshll.u32 s5, $0x1;
	s5 =	sadd.s32 s21, s3  }
0x9d: {  	[timem:s7], [sflag:s22] =	dma.local [hbm:s5], s20  }
0x9e: {  	_ =	swait.ge [sflag:s22], s20  }
0x9f: {  	s4 =	ssub.s32 $0x0, s20;
	[sflag:s22] =	ssyncset.done $0x0  }
0xa0: {  	[sflag:s22] =	ssyncadd.s32 s4;
	_ =	sdelay $0x1  }
0xa1: {  	s23 =	simm.s32 $0x1B8B  }
0xa2: {  	_ =	swait.ge [sflag:s23], $0x1  }
0xa3: {  	[sflag:s23] =	ssyncset.done $0x0  }
0xa4: {  	s25 =	simm.s32 $0x1B8E;
	s24 =	sld [smem:$0x3FFE];
	[sflag:s23] =	ssyncadd.s32 $0xFFFFFFFF  }
0xa5: {  	s26 =	simm.s32 $execute0_lowered;
	[smem:$0x3FD2] =	sst s25  }
0xa6: {  	s5 =	sshll.u32 s26, $0x1;
	_ =	strace $0x8000004C;
	[dreg:$0x1] =	wrdreg $0xFFFFFFFF  }
0xa7: {  	s28 =	simm.s32 $_size_execute0_lowered;
	s3 =	sadd.s32 s3, s5;
	[dreg:$0x0] =	wrdreg $0x0  }
0xa8: {  	s5 =	sshll.u32 s28, $0x1;
	[dreg:$0x2] =	wrdreg s3  }
0xa9: {  	[dreg:$0x3] =	wrdreg s5  }
0xaa: {  	[dreg:$0x4] =	wrdreg $0xC0  }
0xab: {  	_ =	task [dreg:s7], $0x5FFFF  }
0xac: {  	[dreg:$0x1] =	wrdreg $0xFFFFFFFF  }
0xad: {  	[dreg:$0x0] =	wrdreg $0x60  }
0xae: {  	[dreg:$0x2] =	wrdreg s24  }
0xaf: {  	[dreg:$0x3] =	wrdreg s2  }
0xb0: {  	[dreg:$0x4] =	wrdreg $0x90000  }
0xb1: {  	[dreg:$0x5] =	wrdreg $0x9  }
0xb2: {  	_ =	task.clear_ibuf [dreg:s7], $0x6FFFF;
	_ =	strace $0x9000004C  }
0xb3: {  	s29 =	simm.s32 $0x9;
	_ =	strace $0x8000004E  }
0xb4: {  	_ =	swait.ge [sflag:s29], $0x1  }
0xb5: {  	[sflag:s29] =	ssyncadd.s32 $0xFFFFFFFF  }
0xb6: {  	_ =	strace $0x9000004E  }
0xb7: {  	_ =	sfence  }
0xb8: {  	s30 =	sld [smem:$0x0];
	_ =	sdelay $0x2  }
0xb9: {  	s31 =	sshll.u32 s1, $0xD;
	s1 =	sshrl.u32 s1, $0x2  }
0xba: {  	s3 =	sand.u32 $0x4000, s31;
	s1 =	sadd.s32 s1, s30  }
0xbb: {  	s0 =	sor.u32 s3, s0;
	s1 =	sshll.u32 s1, $0x11  }
0xbc: {  	s0 =	sor.u32 s1, s0  }
0xbd: {  	s0 =	sadd.s32 $0x8F2B, s0  }
0xbe: {  	[sflag:s0] =	ssyncadd.remote.s32 $0x1  }
0xbf: {  	_ =	sfence.sel $0xFFFF  }
0xc0: {  	[dreg:$0x0] =	wrdreg $0xFFFFFFFF;
	(pc) =	sbr.abs _section_cstart, $3  }
0xc1: {  	[dreg:$0x1] =	wrdreg $0xFFFFFFFF  }
0xc2: {  	_ =	task.clear_ibuf [dreg:s7], $0x2FFFF;
	_ =	strace $0x9FFFFFFF  }
0xc3: {  	(tm) =	ssettm $0x7FFFFFFF  }
tec
execute0_lowered:
.L_overlay_start_1:
0x0: {  	(tag) =	ssettag $0x1  }
0x1: {  	s0 =	rddreg [dreg:$0x0]  }
0x2: {  	s1 =	rddreg [dreg:$0x1]  }
0x3: {  	s2 =	rddreg [dreg:$0x2];
	s3 =	simm.s32 $0x0  }
0x4: {  	s4 =	srdreg.scid;
	s14 =	stileid.u32;
	s28 =	simm.s32 $0x4  }
0x5: {  	s29 =	simm.s32 $0x580;
	s30 =	simm.s32 $0xD00;
	s6 =	smul.u32 $0x14000, s14  }
0x6: {  	s31 =	simm.s32 $0x600;
	[smem:$0x7FF] =	sst s3;
	s9 =	smul.u32 $0x50000, s14  }
0x7: {  	s5 =	sand.u32 $0x1, s4;
	s4 =	sadd.s32 $0xD000, s0;
	s12 =	smul.u32 $0x5000, s14  }
0x8: {  	s8 =	sadd.s32 $0x5DA00, s0;
	s13 =	sadd.s32 $0x3000, s0;
	s22 =	smul.u32 $0xA00, s14  }
0x9: {  	s18 =	sshll.u32 s14, $0x6;
	_ =	strace $0x8000004D;
	s7 =	smul.u32 $0x140000, s5  }
0xa: {  	s10 =	ssub.s32 $0x2, s5;
	s5 =	smul.u32 $0x50000, s5;
	s16 =	sor.u32 $0x1C05, s18  }
0xb: {  	s11 =	sshrl.u32 s10, $0x1;
	s9 =	sshrl.u32 s9, $0x2;
	s20 =	sshrl.u32 s12, $0x3  }
0xc: {  	[dreg:$0x6] =	wrdreg s16;
	s7 =	sadd.s32 s6, s7;
	s15 =	ssub.s32 s10, s11  }
0xd: {  	s6 =	sshrl.u32 s6, $0x3;
	s5 =	sadd.s32 s12, s5;
	s9 =	sadd.s32 s9, s2  }
0xe: {  	s10 =	simm.s32 $0xE80;
	s11 =	simm.s32 $0x780;
	s12 =	simm.s32 $0xF80  }
0xf: {  	s7 =	sshrl.u32 s7, $0x3;
	s1 =	sadd.s32 s1, s6;
	s17 =	sshrl.u32 s5, $0x3  }
0x10: {  	s23 =	smax.u32 s15, $0x1;
	s24 =	sor.u32 $0x800, s5;
	s5 =	sor.u32 $0xC00, s5  }
0x11: {  	s18 =	sshrl.u32 s9, $0x3;
	s9 =	simm.s32 $0x700;
	s6 =	simm.s32 $0xF00  }
0x12: {  	s0 =	sadd.s32 s7, s0;
	[dreg:$0x4] =	wrdreg s1;
	s19 =	sadd.s32 s8, s17  }
0x13: {  	s1 =	sadd.s32 s13, s20;
	[dreg:$0xb] =	wrdreg s23;
	s13 =	sadd.s32 s22, s13  }
0x14: {  	s25 =	sshrl.u32 s24, $0x3;
	s26 =	sshrl.u32 s5, $0x3;
	s17 =	simm.s32 $0x5  }
0x15: {  	s20 =	simm.s32 $0xC00;
	s22 =	simm.s32 $0x80;
	s23 =	simm.s32 $0x1000  }
0x16: {  	s24 =	simm.s32 $0x5000;
	s7 =	simm.s32 $0x2;
	[dreg:$0xc] =	wrdreg s18  }
0x17: {  	s5 =	simm.s32 $0xE00;
	[dreg:$0x5] =	wrdreg s19;
	s21 =	sadd.s32 $0x80, s19  }
.Ltmp0:
0x18: {  	[dreg:$0x7] =	wrdreg s1;
	s1 =	sadd.s32 $0x80, s1;
	(pc) =	sbr.rel .LBB2_1-.Ltmp0, $4  }
0x19: {  	s0 =	sadd.s32 $0x99A00, s0;
	s14 =	sadd.s32 s25, s8;
	[dreg:$0x8] =	wrdreg s21  }
0x1a: {  	s15 =	sadd.s32 s26, s8;
	s19 =	simm.s32 $0x400;
	[dreg:$0x9] =	wrdreg s1  }
0x1b: {  	s25 =	simm.s32 $0x3;
	s26 =	simm.s32 $0x0;
	[dreg:$0xa] =	wrdreg s0  }
0x1c: {  	s21 =	simm.s32 $0x1;
	s0 =	simm.s32 $0xD80;
	s1 =	simm.s32 $0x680  }
.LBB2_4:
0x1d: {  	[bflag:$0x0] =	sbarrier.arrive $0xFFFF  }
0x1e: {  	s16 =	rddreg [dreg:$0x6]  }
0x1f: {  	s8 =	rddreg [dreg:$0xa]  }
0x20: {  	s18 =	rddreg [dreg:$0xc]  }
0x21: {  	[hbm:s8], [sflag:s16] =	dma.local [spmem:s18], $0x2800  }
0x22: {  	_ =	swait.ge [sflag:s17], $0x2800  }
0x23: {  	s26 =	rddreg [dreg:$0xd]  }
0x24: {  	s8 =	rddreg [dreg:$0xb];
	s26 =	sadd.s32 $0x1, s26  }
0x25: {  	p0 =	sne.s32 s26, s8  }
.Ltmp1:
0x26: {  	_ = 	snop;
	(pc) =	sbr.rel @!p0 .LBB2_5-.Ltmp1, $3  }
0x27: {  	_ =	sdelay $0x1  }
0x28: {  	[sflag:s17] =	ssyncset.done $0x0  }
0x29: {  	[sflag:s17] =	ssyncadd.s32 $0xFFFFD800  }
.LBB2_1:
0x2a: {  	[dreg:$0xd] =	wrdreg s26  }
0x2b: {  	s8 =	rddreg [dreg:$0x4]  }
0x2c: {  	[spmem:s18], [sflag:s16] =	dma.local [hbm:s8], $0x2800  }
0x2d: {  	_ =	swait.ge [sflag:s17], $0x2800  }
0x2e: {  	[sflag:s17] =	ssyncset.done $0x0  }
0x2f: {  	s16 =	rddreg [dreg:$0x5];
	[sflag:s17] =	ssyncadd.s32 $0xFFFFD800  }
0x30: {  	[tilespmem:s3], [sflag:$0x1] =	stream.linear.gather [hbm4b:s16+s3], $0x400, $0x38;
	[tilespmem:$0x1D000] =	vst v63  }
0x31: {  	s26 =	simm.s32 $0x800;
	s18 =	rddreg [dreg:$0x7]  }
0x32: {  	[tilespmem:s26], [sflag:$0x1] =	stream.linear.gather [hbm4b:s18+s3], $0x400, $0x38;
	[tilespmem:$0x1D000] =	vst v63  }
0x33: {  	s18 =	rddreg [dreg:$0x8]  }
0x34: {  	[tilespmem:s19], [sflag:$0x2] =	stream.linear.gather [hbm4b:s18+s3], $0x400, $0x38;
	[tilespmem:$0x1D000] =	vst v63  }
0x35: {  	s26 =	rddreg [dreg:$0x9]  }
0x36: {  	[tilespmem:s20], [sflag:$0x2] =	stream.linear.gather [hbm4b:s26+s3], $0x400, $0x38;
	[tilespmem:$0x1D000] =	vst v63  }
0x37: {  	s8 =	simm.s32 $0x0;
	[bflag:$0x0] =	sbarrier.arrive $0xFFFF  }
.LBB2_2:
0x38: {  	_ =	swait.ge [sflag:s21], $0x400  }
0x39: {  	[sflag:s21] =	ssyncset.done $0x0  }
0x3a: {  	[sflag:s21] =	ssyncadd.s32 $0xFFFFFC00  }
0x3b: {  	_ =	swait.ge [sflag:s21], $0x400  }
0x3c: {  	[sflag:s21] =	ssyncset.done $0x0  }
0x3d: {  	[sflag:s21] =	ssyncadd.s32 $0xFFFFFC00  }
0x3e: {  	[tilespmem:s23], [sflag:$0x3] =	stream.indirect.gather [hbm4b:s4+s22], $0x80, s3, s22, $0xb8;
	[tilespmem:$0x1D000] =	vst v63  }
0x3f: {  	_ = 	snop  }
0x40: {  	[tilespmem:s24], [sflag:$0x4] =	stream.indirect.gather [hbm4b:s4+s22], $0x80, s22, s22, $0xb8;
	[tilespmem:$0x1D000] =	vst v63  }
0x41: {  	_ =	swait.ge [sflag:s25], $0x4000  }
0x42: {  	[sflag:s25] =	ssyncset.done $0x0  }
0x43: {  	s16 =	simm.s32 $0x800;
	[sflag:s25] =	ssyncadd.s32 $0xFFFFC000  }
0x44: {  	[spmem:s2] =	stream.indirect.scatter.add.f32 [tilespmem:s23], [sflag:$0x5], $0x80, s16, s22, $0xb8;
	[tilespmem:$0x1D000] =	vst v63  }
0x45: {  	_ =	swait.ge [sflag:s17], $0x4000  }
0x46: {  	[sflag:s17] =	ssyncset.done $0x0  }
0x47: {  	s18 =	simm.s32 $0x100;
	[sflag:s17] =	ssyncadd.s32 $0xFFFFC000  }
0x48: {  	[tilespmem:s23], [sflag:$0x3] =	stream.indirect.gather [hbm4b:s4+s22], $0x80, s18, s22, $0xb8;
	[tilespmem:$0x1D000] =	vst v63  }
0x49: {  	_ =	swait.ge [sflag:s28], $0x4000  }
0x4a: {  	[sflag:s28] =	ssyncset.done $0x0  }
0x4b: {  	s26 =	simm.s32 $0x880;
	[sflag:s28] =	ssyncadd.s32 $0xFFFFC000  }
0x4c: {  	[spmem:s2] =	stream.indirect.scatter.add.f32 [tilespmem:s24], [sflag:$0x5], $0x80, s26, s22, $0xb8;
	[tilespmem:$0x1D000] =	vst v63  }
0x4d: {  	_ =	swait.ge [sflag:s17], $0x4000  }
0x4e: {  	[sflag:s17] =	ssyncset.done $0x0  }
0x4f: {  	s18 =	simm.s32 $0x180;
	[sflag:s17] =	ssyncadd.s32 $0xFFFFC000  }
0x50: {  	[tilespmem:s24], [sflag:$0x4] =	stream.indirect.gather [hbm4b:s4+s22], $0x80, s18, s22, $0xb8;
	[tilespmem:$0x1D000] =	vst v63  }
0x51: {  	_ =	swait.ge [sflag:s25], $0x4000  }
0x52: {  	[sflag:s25] =	ssyncset.done $0x0  }
0x53: {  	s26 =	simm.s32 $0x900;
	[sflag:s25] =	ssyncadd.s32 $0xFFFFC000  }
0x54: {  	[spmem:s2] =	stream.indirect.scatter.add.f32 [tilespmem:s23], [sflag:$0x5], $0x80, s26, s22, $0xb8;
	[tilespmem:$0x1D000] =	vst v63  }
0x55: {  	_ =	swait.ge [sflag:s17], $0x4000  }
0x56: {  	[sflag:s17] =	ssyncset.done $0x0  }
0x57: {  	s18 =	simm.s32 $0x200;
	[sflag:s17] =	ssyncadd.s32 $0xFFFFC000  }
0x58: {  	[tilespmem:s23], [sflag:$0x3] =	stream.indirect.gather [hbm4b:s4+s22], $0x80, s18, s22, $0xb8;
	[tilespmem:$0x1D000] =	vst v63  }
0x59: {  	_ =	swait.ge [sflag:s28], $0x4000  }
0x5a: {  	[sflag:s28] =	ssyncset.done $0x0  }
0x5b: {  	s26 =	simm.s32 $0x980;
	[sflag:s28] =	ssyncadd.s32 $0xFFFFC000  }
0x5c: {  	[spmem:s2] =	stream.indirect.scatter.add.f32 [tilespmem:s24], [sflag:$0x5], $0x80, s26, s22, $0xb8;
	[tilespmem:$0x1D000] =	vst v63  }
0x5d: {  	_ =	swait.ge [sflag:s17], $0x4000  }
0x5e: {  	[sflag:s17] =	ssyncset.done $0x0  }
0x5f: {  	s18 =	simm.s32 $0x280;
	[sflag:s17] =	ssyncadd.s32 $0xFFFFC000  }
0x60: {  	[tilespmem:s24], [sflag:$0x4] =	stream.indirect.gather [hbm4b:s4+s22], $0x80, s18, s22, $0xb8;
	[tilespmem:$0x1D000] =	vst v63  }
0x61: {  	_ =	swait.ge [sflag:s25], $0x4000  }
0x62: {  	[sflag:s25] =	ssyncset.done $0x0  }
0x63: {  	s26 =	simm.s32 $0xA00;
	[sflag:s25] =	ssyncadd.s32 $0xFFFFC000  }
0x64: {  	[spmem:s2] =	stream.indirect.scatter.add.f32 [tilespmem:s23], [sflag:$0x5], $0x80, s26, s22, $0xb8;
	[tilespmem:$0x1D000] =	vst v63  }
0x65: {  	_ =	swait.ge [sflag:s17], $0x4000  }
0x66: {  	[sflag:s17] =	ssyncset.done $0x0  }
0x67: {  	s18 =	simm.s32 $0x300;
	[sflag:s17] =	ssyncadd.s32 $0xFFFFC000  }
0x68: {  	[tilespmem:s23], [sflag:$0x3] =	stream.indirect.gather [hbm4b:s4+s22], $0x80, s18, s22, $0xb8;
	[tilespmem:$0x1D000] =	vst v63  }
0x69: {  	_ =	swait.ge [sflag:s28], $0x4000  }
0x6a: {  	[sflag:s28] =	ssyncset.done $0x0  }
0x6b: {  	s26 =	simm.s32 $0xA80;
	[sflag:s28] =	ssyncadd.s32 $0xFFFFC000  }
0x6c: {  	[spmem:s2] =	stream.indirect.scatter.add.f32 [tilespmem:s24], [sflag:$0x5], $0x80, s26, s22, $0xb8;
	[tilespmem:$0x1D000] =	vst v63  }
0x6d: {  	_ =	swait.ge [sflag:s17], $0x4000  }
0x6e: {  	[sflag:s17] =	ssyncset.done $0x0  }
0x6f: {  	s18 =	simm.s32 $0x380;
	[sflag:s17] =	ssyncadd.s32 $0xFFFFC000  }
0x70: {  	[tilespmem:s24], [sflag:$0x4] =	stream.indirect.gather [hbm4b:s4+s22], $0x80, s18, s22, $0xb8;
	[tilespmem:$0x1D000] =	vst v63  }
0x71: {  	_ =	swait.ge [sflag:s25], $0x4000  }
0x72: {  	[sflag:s25] =	ssyncset.done $0x0  }
0x73: {  	s26 =	simm.s32 $0xB00;
	[sflag:s25] =	ssyncadd.s32 $0xFFFFC000  }
0x74: {  	[spmem:s2] =	stream.indirect.scatter.add.f32 [tilespmem:s23], [sflag:$0x5], $0x80, s26, s22, $0xb8;
	[tilespmem:$0x1D000] =	vst v63  }
0x75: {  	_ =	swait.ge [sflag:s17], $0x4000  }
0x76: {  	[sflag:s17] =	ssyncset.done $0x0  }
0x77: {  	[sflag:s17] =	ssyncadd.s32 $0xFFFFC000  }
0x78: {  	_ =	swait.ge [sflag:s28], $0x4000  }
0x79: {  	[sflag:s28] =	ssyncset.done $0x0  }
0x7a: {  	s18 =	simm.s32 $0xB80;
	[sflag:s28] =	ssyncadd.s32 $0xFFFFC000  }
0x7b: {  	[spmem:s2] =	stream.indirect.scatter.add.f32 [tilespmem:s24], [sflag:$0x5], $0x80, s18, s22, $0xb8;
	[tilespmem:$0x1D000] =	vst v63  }
0x7c: {  	_ =	swait.ge [sflag:s17], $0x4000  }
0x7d: {  	p0 =	seq.s32 s8, $0x900;
	[sflag:s17] =	ssyncset.done $0x0  }
0x7e: {  	s16 =	sadd.s32 @!p0 s8, s14;
	s18 =	simm.s32 @!p0 $0x0;
	[sflag:s17] =	ssyncadd.s32 $0xFFFFC000  }
0x7f: {  	[tilespmem:s18], [sflag:$0x1] =	stream.linear.gather @!p0 [hbm4b:s16+s18], $0x400, $0x38;
	[tilespmem:$0x1D000] =	vst v63  }
0x80: {  	s16 =	sadd.s32 @!p0 s8, s13  }
0x81: {  	s26 =	simm.s32 @!p0 $0x800;
	s16 =	sadd.s32 @!p0 $0x100, s16  }
0x82: {  	[tilespmem:s26], [sflag:$0x1] =	stream.linear.gather @!p0 [hbm4b:s16+s18], $0x400, $0x38;
	[tilespmem:$0x1D000] =	vst v63  }
0x83: {  	_ =	swait.ge [sflag:s7], $0x400  }
0x84: {  	[sflag:s7] =	ssyncset.done $0x0  }
0x85: {  	[sflag:s7] =	ssyncadd.s32 $0xFFFFFC00  }
0x86: {  	_ =	swait.ge [sflag:s7], $0x400  }
0x87: {  	[sflag:s7] =	ssyncset.done $0x0  }
0x88: {  	[sflag:s7] =	ssyncadd.s32 $0xFFFFFC00  }
0x89: {  	[tilespmem:s23], [sflag:$0x3] =	stream.indirect.gather [hbm4b:s4+s22], $0x80, s19, s22, $0xb8;
	[tilespmem:$0x1D000] =	vst v63  }
0x8a: {  	s26 =	simm.s32 $0x480  }
0x8b: {  	[tilespmem:s24], [sflag:$0x4] =	stream.indirect.gather [hbm4b:s4+s22], $0x80, s26, s22, $0xb8;
	[tilespmem:$0x1D000] =	vst v63  }
0x8c: {  	_ =	swait.ge [sflag:s25], $0x4000  }
0x8d: {  	[sflag:s25] =	ssyncset.done $0x0  }
0x8e: {  	[sflag:s25] =	ssyncadd.s32 $0xFFFFC000  }
0x8f: {  	[spmem:s2] =	stream.indirect.scatter.add.f32 [tilespmem:s23], [sflag:$0x5], $0x80, s20, s22, $0xb8;
	[tilespmem:$0x1D000] =	vst v63  }
0x90: {  	_ =	swait.ge [sflag:s17], $0x4000  }
0x91: {  	[sflag:s17] =	ssyncset.done $0x0  }
0x92: {  	s18 =	simm.s32 $0x500;
	[sflag:s17] =	ssyncadd.s32 $0xFFFFC000  }
0x93: {  	[tilespmem:s23], [sflag:$0x3] =	stream.indirect.gather [hbm4b:s4+s22], $0x80, s18, s22, $0xb8;
	[tilespmem:$0x1D000] =	vst v63  }
0x94: {  	_ =	swait.ge [sflag:s28], $0x4000  }
0x95: {  	[sflag:s28] =	ssyncset.done $0x0  }
0x96: {  	s26 =	simm.s32 $0xC80;
	[sflag:s28] =	ssyncadd.s32 $0xFFFFC000  }
0x97: {  	[spmem:s2] =	stream.indirect.scatter.add.f32 [tilespmem:s24], [sflag:$0x5], $0x80, s26, s22, $0xb8;
	[tilespmem:$0x1D000] =	vst v63  }
0x98: {  	_ =	swait.ge [sflag:s17], $0x4000  }
0x99: {  	[sflag:s17] =	ssyncset.done $0x0  }
0x9a: {  	[sflag:s17] =	ssyncadd.s32 $0xFFFFC000  }
0x9b: {  	[tilespmem:s24], [sflag:$0x4] =	stream.indirect.gather [hbm4b:s4+s22], $0x80, s29, s22, $0xb8;
	[tilespmem:$0x1D000] =	vst v63  }
0x9c: {  	_ =	swait.ge [sflag:s25], $0x4000  }
0x9d: {  	[sflag:s25] =	ssyncset.done $0x0  }
0x9e: {  	[sflag:s25] =	ssyncadd.s32 $0xFFFFC000  }
0x9f: {  	[spmem:s2] =	stream.indirect.scatter.add.f32 [tilespmem:s23], [sflag:$0x5], $0x80, s30, s22, $0xb8;
	[tilespmem:$0x1D000] =	vst v63  }
0xa0: {  	_ =	swait.ge [sflag:s17], $0x4000  }
0xa1: {  	[sflag:s17] =	ssyncset.done $0x0  }
0xa2: {  	[sflag:s17] =	ssyncadd.s32 $0xFFFFC000  }
0xa3: {  	[tilespmem:s23], [sflag:$0x3] =	stream.indirect.gather [hbm4b:s4+s22], $0x80, s31, s22, $0xb8;
	[tilespmem:$0x1D000] =	vst v63  }
0xa4: {  	_ =	swait.ge [sflag:s28], $0x4000  }
0xa5: {  	[sflag:s28] =	ssyncset.done $0x0  }
0xa6: {  	[sflag:s28] =	ssyncadd.s32 $0xFFFFC000  }
0xa7: {  	[spmem:s2] =	stream.indirect.scatter.add.f32 [tilespmem:s24], [sflag:$0x5], $0x80, s0, s22, $0xb8;
	[tilespmem:$0x1D000] =	vst v63  }
0xa8: {  	_ =	swait.ge [sflag:s17], $0x4000  }
0xa9: {  	[sflag:s17] =	ssyncset.done $0x0  }
0xaa: {  	[sflag:s17] =	ssyncadd.s32 $0xFFFFC000  }
0xab: {  	[tilespmem:s24], [sflag:$0x4] =	stream.indirect.gather [hbm4b:s4+s22], $0x80, s1, s22, $0xb8;
	[tilespmem:$0x1D000] =	vst v63  }
0xac: {  	_ =	swait.ge [sflag:s25], $0x4000  }
0xad: {  	[sflag:s25] =	ssyncset.done $0x0  }
0xae: {  	[sflag:s25] =	ssyncadd.s32 $0xFFFFC000  }
0xaf: {  	[spmem:s2] =	stream.indirect.scatter.add.f32 [tilespmem:s23], [sflag:$0x5], $0x80, s5, s22, $0xb8;
	[tilespmem:$0x1D000] =	vst v63  }
0xb0: {  	_ =	swait.ge [sflag:s17], $0x4000  }
0xb1: {  	[sflag:s17] =	ssyncset.done $0x0  }
0xb2: {  	[sflag:s17] =	ssyncadd.s32 $0xFFFFC000  }
0xb3: {  	[tilespmem:s23], [sflag:$0x3] =	stream.indirect.gather [hbm4b:s4+s22], $0x80, s9, s22, $0xb8;
	[tilespmem:$0x1D000] =	vst v63  }
0xb4: {  	_ =	swait.ge [sflag:s28], $0x4000  }
0xb5: {  	[sflag:s28] =	ssyncset.done $0x0  }
0xb6: {  	[sflag:s28] =	ssyncadd.s32 $0xFFFFC000  }
0xb7: {  	[spmem:s2] =	stream.indirect.scatter.add.f32 [tilespmem:s24], [sflag:$0x5], $0x80, s10, s22, $0xb8;
	[tilespmem:$0x1D000] =	vst v63  }
0xb8: {  	_ =	swait.ge [sflag:s17], $0x4000  }
0xb9: {  	[sflag:s17] =	ssyncset.done $0x0  }
0xba: {  	[sflag:s17] =	ssyncadd.s32 $0xFFFFC000  }
0xbb: {  	[tilespmem:s24], [sflag:$0x4] =	stream.indirect.gather [hbm4b:s4+s22], $0x80, s11, s22, $0xb8;
	[tilespmem:$0x1D000] =	vst v63  }
0xbc: {  	_ =	swait.ge [sflag:s25], $0x4000  }
0xbd: {  	[sflag:s25] =	ssyncset.done $0x0  }
0xbe: {  	[sflag:s25] =	ssyncadd.s32 $0xFFFFC000  }
0xbf: {  	[spmem:s2] =	stream.indirect.scatter.add.f32 [tilespmem:s23], [sflag:$0x5], $0x80, s6, s22, $0xb8;
	[tilespmem:$0x1D000] =	vst v63  }
0xc0: {  	_ =	swait.ge [sflag:s17], $0x4000  }
0xc1: {  	[sflag:s17] =	ssyncset.done $0x0  }
0xc2: {  	[sflag:s17] =	ssyncadd.s32 $0xFFFFC000  }
0xc3: {  	_ =	swait.ge [sflag:s28], $0x4000  }
0xc4: {  	[sflag:s28] =	ssyncset.done $0x0  }
.Ltmp2:
0xc5: {  	[sflag:s28] =	ssyncadd.s32 $0xFFFFC000;
	(pc) =	sbr.rel @p0 .LBB2_4-.Ltmp2, $4  }
0xc6: {  	[spmem:s2] =	stream.indirect.scatter.add.f32 [tilespmem:s24], [sflag:$0x5], $0x80, s12, s22, $0xb8;
	[tilespmem:$0x1D000] =	vst v63  }
0xc7: {  	_ =	swait.ge [sflag:s17], $0x4000  }
0xc8: {  	[sflag:s17] =	ssyncset.done $0x0  }
0xc9: {  	[sflag:s17] =	ssyncadd.s32 $0xFFFFC000  }
.Ltmp3:
0xca: {  	(pc) =	sbr.rel .LBB2_2-.Ltmp3, $4  }
0xcb: {  	s16 =	sadd.s32 s8, s15;
	s26 =	sadd.s32 s8, s13  }
0xcc: {  	[tilespmem:s19], [sflag:$0x2] =	stream.linear.gather [hbm4b:s16+s3], $0x400, $0x38;
	[tilespmem:$0x1D000] =	vst v63  }
0xcd: {  	s8 =	sadd.s32 $0x100, s8;
	s16 =	sadd.s32 $0x180, s26  }
0xce: {  	[tilespmem:s20], [sflag:$0x2] =	stream.linear.gather [hbm4b:s16+s3], $0x400, $0x38;
	[tilespmem:$0x1D000] =	vst v63  }
.LBB2_5:
0xcf: {  	_ =	sfence.sel $0x180000  }
0xd0: {  	[bflag:$0x0] =	sbarrier.arrive $0xFFFF  }
0xd1: {  	_ =	strace $0x9000004D  }
0xd2: {  	s0 =	stileid.u32;
	[bflag:$0x2] =	sbarrier.arrive $0xFFFF  }
0xd3: {  	p0 =	sne.s32 s0, $0x0;
	s0 =	rddreg [dreg:$0x3]  }
0xd4: {  	s0 =	sadd.s32 @!p0 $0x100000, s0  }
0xd5: {  	[sflag:s0] =	ssyncadd.tile.s32 @!p0 $0x1;
	_ =	shalt  }
.Lfunc_end2:
_tile_overlayer_lowered:
.L_overlay_start_2:
0xd6: {  	(tag) =	ssettag $0x2  }
0xd7: {  	s0 =	rddreg [dreg:$0x0];
	s2 =	stileid.u32  }
0xd8: {  	s1 =	rddreg [dreg:$0x1];
	p0 =	sne.s32 s2, $0x0  }
0xd9: {  	s3 =	rddreg [dreg:$0x2];
	[bflag:$0x3] =	sbarrier.arrive $0xFFFF;
	s2 =	simm.s32 @!p0 $0x1C05  }
0xda: {  	[timem:s3], [sflag:s2] =	dma.local @!p0 [hbm:s0], s1  }
0xdb: {  	s0 =	simm.s32 @!p0 $0x5  }
0xdc: {  	_ =	swait.ge @!p0 [sflag:s0], s1  }
0xdd: {  	s1 =	ssub.s32 @!p0 $0x0, s1;
	[sflag:s0] =	ssyncset.done @!p0 $0x0  }
0xde: {  	[sflag:s0] =	ssyncadd.s32 @!p0 s1  }
0xdf: {  	[bflag:$0x3] =	sbarrier.arrive $0xFFFF  }
0xe0: {  	_ =	shalt  }

// kernel: kernel.19.cloned.1.call-start
scs
__scs_entry_jumppad:
0x0: {  	(pc) =	sbr.rel $0x88, $3  }
0x1: {  	(tag) =	ssettag $0x0;
	lr =	simm.s32 $0x1  }
0x2: {  	[smem:$0x3F9C] =	sst lr;
	_ =	strace $0xD0000000  }
0x3: {  	_ = 	snop  }
0x4: {  	_ = 	snop  }
0x5: {  	_ = 	snop  }
0x6: {  	_ = 	snop  }
0x7: {  	_ = 	snop  }
__scs_overlays_trampoline_lowered:
0x8: {  	[smem:$0x3FAB] =	sst s0  }
0x9: {  	[smem:$0x3FAC] =	sst s1  }
0xa: {  	[smem:$0x3FAD] =	sst s2  }
0xb: {  	[smem:$0x3FAE] =	sst s3  }
0xc: {  	[smem:$0x3FAF] =	sst s4  }
0xd: {  	[smem:$0x3FB0] =	sst s5  }
0xe: {  	[smem:$0x3FB1] =	sst s6  }
0xf: {  	[smem:$0x3FB2] =	sst s7  }
0x10: {  	[smem:$0x3FB3] =	sst s8  }
0x11: {  	[smem:$0x3FB4] =	sst s9;
	s0 =	simm.s32 @!p0 $0x0  }
0x12: {  	s1 =	sld [smem:$0x3F9A];
	s0 =	simm.s32 @p0 $0x1  }
0x13: {  	[smem:$0x3FB5] =	sst s0;
	s0 =	simm.s32 @!p1 $0x0  }
0x14: {  	s2 =	sld [smem:$0x3F99];
	s0 =	simm.s32 @p1 $0x1  }
0x15: {  	[smem:$0x3FB6] =	sst s0;
	s0 =	simm.s32 @!p2 $0x0  }
0x16: {  	s3 =	sld [smem:$0x3FDB];
	s0 =	simm.s32 @p2 $0x1  }
0x17: {  	s4 =	simm.s32 $0x1BF5;
	[smem:$0x3FB8] =	sst s0  }
0x18: {  	s0 =	sld [smem:$0x3F9B];
	_ =	swait.ge [sflag:s4], $0x0  }
0x19: {  	s7 =	sld [smem:$0x3F9C]  }
0x1a: {  	s8 =	sadd.s32 $0xFFFFE003, lr  }
0x1b: {  	s9 =	sadd.s32 $0xFFFFFEF7, lr;
	s5 =	simm.s32 $0xFFFFFFFF;
	p2 =	slt.u32 s8, $0xFFFFF086  }
0x1c: {  	p1 =	slt.u32 s9, $0xF7A;
	s5 =	simm.s32 @!p2 $0x0  }
0x1d: {  	s5 =	simm.s32 @p1 $0x1;
	p0 =	seq.s32 s7, s2  }
0x1e: {  	s7 =	smul.u32 @!p0 $0xF7A, s2;
	p2 =	seq.s32 @!p0 s5, $0x0  }
0x1f: {  	s9 =	smul.u32 $0xF7A, s1;
	s8 =	simm.s32 @!p0 $0x1BF5;
	p2 =	por !p2, p0  }
0x20: {  	[sflag:s8] =	ssyncset.s32 @!p0 $0xFFFFF086;
	s6 =	sadd.s32 @!p0 s3, s7;
	s7 =	simm.s32 @!p0 $0x108  }
0x21: {  	s3 =	sadd.s32 s3, s9;
	s6 =	sadd.s32 @!p0 $0x88, s6;
	s7 =	simm.s32 @p2 $0x1082  }
0x22: {  	[simem:s7], [sflag:s8] =	dma.local @!p0 [hbm:s6], $0xF7A  }
0x23: {  	s9 =	sor.u32 $0xD0000000, s2;
	s6 =	simm.s32 $0x108;
	_ =	swait.ge @!p0 [sflag:s8], $0x0  }
0x24: {  	s3 =	sadd.s32 $0x88, s3;
	s6 =	simm.s32 @!p1 $0x1082;
	[sflag:s4] =	ssyncset.s32 $0xFFFFF086  }
0x25: {  	[simem:s6], [sflag:s4] =	dma.local [hbm:s3], $0xF7A  }
0x26: {  	[smem:$0x3F9C] =	sst s1;
	(tag) =	ssettag s2;
	_ =	strace s9  }
0x27: {  	s1 =	sld [smem:$0x3FAC]  }
0x28: {  	s2 =	sld [smem:$0x3FAD]  }
0x29: {  	s4 =	sld [smem:$0x3FAF]  }
0x2a: {  	p0 =	seq.s32 s5, $0x0;
	s5 =	sld [smem:$0x3FB0]  }
0x2b: {  	s6 =	sld [smem:$0x3FB1]  }
0x2c: {  	s7 =	sld [smem:$0x3FB2]  }
0x2d: {  	s3 =	simm.s32 $0x108;
	s8 =	sld [smem:$0x3FB3]  }
0x2e: {  	s3 =	simm.s32 @!p0 $0x1082;
	s9 =	sld [smem:$0x3FB4]  }
0x2f: {  	lr =	sadd.s32 s0, s3;
	s0 =	sld [smem:$0x3FAB]  }
0x30: {  	s3 =	sld [smem:$0x3FAE]  }
0x31: {  	[smem:$0x3FB7] =	sst s10  }
0x32: {  	s10 =	sld [smem:$0x3FB5];
	_ =	sdelay $0x3  }
0x33: {  	p0 =	seq.s32 s10, $0x1;
	s10 =	sld [smem:$0x3FB7];
	_ =	sdelay $0x3  }
0x34: {  	[smem:$0x3FB7] =	sst s10  }
0x35: {  	s10 =	sld [smem:$0x3FB6];
	_ =	sdelay $0x3  }
0x36: {  	p1 =	seq.s32 s10, $0x1;
	s10 =	sld [smem:$0x3FB7];
	_ =	sdelay $0x3  }
0x37: {  	[smem:$0x3FB7] =	sst s10  }
0x38: {  	s10 =	sld [smem:$0x3FB8]  }
0x39: {  	_ = 	snop;
	(pc) =	sbr.ind lr, $3  }
0x3a: {  	_ = 	snop  }
0x3b: {  	_ = 	snop  }
0x3c: {  	p2 =	seq.s32 s10, $0x1;
	s10 =	sld [smem:$0x3FB7]  }
0x3d: {  	_ =	shalt  }
0x3e: {  	_ =	shalt  }
0x3f: {  	_ =	shalt  }
0x40: {  	_ =	shalt  }
0x41: {  	_ =	shalt  }
0x42: {  	_ =	shalt  }
0x43: {  	_ =	shalt  }
0x44: {  	_ =	shalt  }
0x45: {  	_ =	shalt  }
0x46: {  	_ =	shalt  }
0x47: {  	_ =	shalt  }
0x48: {  	_ =	shalt  }
0x49: {  	_ =	shalt  }
0x4a: {  	_ =	shalt  }
0x4b: {  	_ =	shalt  }
0x4c: {  	_ =	shalt  }
0x4d: {  	_ =	shalt  }
0x4e: {  	_ =	shalt  }
0x4f: {  	_ =	shalt  }
0x50: {  	_ =	shalt  }
0x51: {  	_ =	shalt  }
0x52: {  	_ =	shalt  }
0x53: {  	_ =	shalt  }
0x54: {  	_ =	shalt  }
0x55: {  	_ =	shalt  }
0x56: {  	_ =	shalt  }
0x57: {  	_ =	shalt  }
0x58: {  	_ =	shalt  }
0x59: {  	_ =	shalt  }
0x5a: {  	_ =	shalt  }
0x5b: {  	_ =	shalt  }
0x5c: {  	_ =	shalt  }
0x5d: {  	_ =	shalt  }
0x5e: {  	_ =	shalt  }
0x5f: {  	_ =	shalt  }
0x60: {  	_ =	shalt  }
0x61: {  	_ =	shalt  }
0x62: {  	_ =	shalt  }
0x63: {  	_ =	shalt  }
0x64: {  	_ =	shalt  }
0x65: {  	_ =	shalt  }
0x66: {  	_ =	shalt  }
0x67: {  	_ =	shalt  }
0x68: {  	_ =	shalt  }
0x69: {  	_ =	shalt  }
0x6a: {  	_ =	shalt  }
0x6b: {  	_ =	shalt  }
0x6c: {  	_ =	shalt  }
0x6d: {  	_ =	shalt  }
0x6e: {  	_ =	shalt  }
0x6f: {  	_ =	shalt  }
0x70: {  	_ =	shalt  }
0x71: {  	_ =	shalt  }
0x72: {  	_ =	shalt  }
0x73: {  	_ =	shalt  }
0x74: {  	_ =	shalt  }
0x75: {  	_ =	shalt  }
0x76: {  	_ =	shalt  }
0x77: {  	_ =	shalt  }
0x78: {  	_ =	shalt  }
0x79: {  	_ =	shalt  }
0x7a: {  	_ =	shalt  }
0x7b: {  	_ =	shalt  }
0x7c: {  	_ =	shalt  }
0x7d: {  	_ =	shalt  }
0x7e: {  	_ =	shalt  }
0x7f: {  	_ =	shalt  }
0x80: {  	_ =	shalt  }
0x81: {  	_ =	shalt  }
0x82: {  	_ =	shalt  }
0x83: {  	_ =	shalt  }
0x84: {  	_ =	shalt  }
0x85: {  	_ =	shalt  }
0x86: {  	_ =	shalt  }
0x87: {  	_ =	shalt  }
.Lfunc_end0:
.L_simem_size_0:
called_computation.3_lowered:
.L_overlay_start_0:
0x88: {  	s2 =	sld [smem:$0x3FD9]  }
0x89: {  	s3 =	sld [smem:$0x3FFE];
	_ =	sdelay $0x1  }
0x8a: {  	s1 =	srdreg.scid  }
0x8b: {  	s0 =	sand.u32 $0x1, s1  }
0x8c: {  	s17 =	sshll.u32 s0, $0xA;
	s2 =	sadd.s32 s3, s2  }
0x8d: {  	s2 =	sadd.s32 s2, s17  }
0x8e: {  	[smem:$0x3FC3] =	sst s2  }
0x8f: {  	_ = 	snop  }
0x90: {  	s2 =	sld [smem:$0x3FD0];
	(tm) =	ssettm $0x1  }
0x91: {  	s18 =	sld [smem:$0x3FFB];
	_ =	sdelay $0x3  }
0x92: {  	_ =	strace s18  }
0x93: {  	s3 =	sld [smem:$0x3FFC];
	_ =	sdelay $0x3  }
0x94: {  	_ =	strace s3  }
0x95: {  	s3 =	sld [smem:$0x3FFD];
	_ =	sdelay $0x3  }
0x96: {  	_ =	strace s3  }
0x97: {  	_ =	strace $0x8FFFFFFF  }
0x98: {  	s19 =	sld [smem:$0x3FDB];
	_ =	sdelay $0x1  }
0x99: {  	s4 =	simm.s32 $_scs_section_size  }
0x9a: {  	s5 =	simm.s32 $_size__tile_overlayer_lowered;
	s6 =	simm.s32 $_tile_overlayer_lowered  }
0x9b: {  	s22 =	simm.s32 $0x1BFF;
	s21 =	sshll.u32 s6, $0x1;
	s3 =	sadd.s32 s4, s19  }
0x9c: {  	s7 =	simm.s32 $0x0;
	s20 =	sshll.u32 s5, $0x1;
	s5 =	sadd.s32 s21, s3  }
0x9d: {  	[timem:s7], [sflag:s22] =	dma.local [hbm:s5], s20  }
0x9e: {  	_ =	swait.ge [sflag:s22], s20  }
0x9f: {  	s4 =	ssub.s32 $0x0, s20;
	[sflag:s22] =	ssyncset.done $0x0  }
0xa0: {  	[sflag:s22] =	ssyncadd.s32 s4;
	_ =	sdelay $0x1  }
0xa1: {  	s23 =	simm.s32 $0x1B8B  }
0xa2: {  	_ =	swait.ge [sflag:s23], $0x1  }
0xa3: {  	[sflag:s23] =	ssyncset.done $0x0  }
0xa4: {  	s25 =	simm.s32 $0x1B8E;
	s24 =	sld [smem:$0x3FFE];
	[sflag:s23] =	ssyncadd.s32 $0xFFFFFFFF  }
0xa5: {  	s26 =	simm.s32 $execute0_lowered;
	[smem:$0x3FD2] =	sst s25  }
0xa6: {  	s5 =	sshll.u32 s26, $0x1;
	_ =	strace $0x8000004F;
	[dreg:$0x1] =	wrdreg $0xFFFFFFFF  }
0xa7: {  	s28 =	simm.s32 $_size_execute0_lowered;
	s3 =	sadd.s32 s3, s5;
	[dreg:$0x0] =	wrdreg $0x0  }
0xa8: {  	s5 =	sshll.u32 s28, $0x1;
	[dreg:$0x2] =	wrdreg s3  }
0xa9: {  	[dreg:$0x3] =	wrdreg s5  }
0xaa: {  	[dreg:$0x4] =	wrdreg $0xC0  }
0xab: {  	_ =	task [dreg:s7], $0x5FFFF  }
0xac: {  	[dreg:$0x1] =	wrdreg $0xFFFFFFFF  }
0xad: {  	[dreg:$0x0] =	wrdreg $0x60  }
0xae: {  	[dreg:$0x2] =	wrdreg s24  }
0xaf: {  	[dreg:$0x3] =	wrdreg s2  }
0xb0: {  	[dreg:$0x4] =	wrdreg $0x90000  }
0xb1: {  	[dreg:$0x5] =	wrdreg $0x9  }
0xb2: {  	_ =	task.clear_ibuf [dreg:s7], $0x6FFFF;
	_ =	strace $0x9000004F  }
0xb3: {  	s29 =	simm.s32 $0x9;
	_ =	strace $0x80000051  }
0xb4: {  	_ =	swait.ge [sflag:s29], $0x1  }
0xb5: {  	[sflag:s29] =	ssyncadd.s32 $0xFFFFFFFF  }
0xb6: {  	_ =	strace $0x90000051  }
0xb7: {  	_ =	sfence  }
0xb8: {  	s30 =	sld [smem:$0x0];
	_ =	sdelay $0x2  }
0xb9: {  	s31 =	sshll.u32 s1, $0xD;
	s1 =	sshrl.u32 s1, $0x2  }
0xba: {  	s3 =	sand.u32 $0x4000, s31;
	s1 =	sadd.s32 s1, s30  }
0xbb: {  	s0 =	sor.u32 s3, s0;
	s1 =	sshll.u32 s1, $0x11  }
0xbc: {  	s0 =	sor.u32 s1, s0  }
0xbd: {  	s0 =	sadd.s32 $0x8F2B, s0  }
0xbe: {  	[sflag:s0] =	ssyncadd.remote.s32 $0x1  }
0xbf: {  	_ =	sfence.sel $0xFFFF  }
0xc0: {  	[dreg:$0x0] =	wrdreg $0xFFFFFFFF;
	(pc) =	sbr.abs _section_cstart, $3  }
0xc1: {  	[dreg:$0x1] =	wrdreg $0xFFFFFFFF  }
0xc2: {  	_ =	task.clear_ibuf [dreg:s7], $0x2FFFF;
	_ =	strace $0x9FFFFFFF  }
0xc3: {  	(tm) =	ssettm $0x7FFFFFFF  }
tec
execute0_lowered:
.L_overlay_start_1:
0x0: {  	(tag) =	ssettag $0x1  }
0x1: {  	s0 =	rddreg [dreg:$0x0]  }
0x2: {  	s1 =	rddreg [dreg:$0x1]  }
0x3: {  	s2 =	rddreg [dreg:$0x2];
	s3 =	simm.s32 $0x0  }
0x4: {  	s4 =	srdreg.scid;
	s14 =	stileid.u32;
	s28 =	simm.s32 $0x4  }
0x5: {  	s29 =	simm.s32 $0x580;
	s30 =	simm.s32 $0xD00;
	s6 =	smul.u32 $0x14000, s14  }
0x6: {  	s31 =	simm.s32 $0x600;
	[smem:$0x7FF] =	sst s3;
	s9 =	smul.u32 $0x50000, s14  }
0x7: {  	s5 =	sand.u32 $0x1, s4;
	s4 =	sadd.s32 $0xD000, s0;
	s12 =	smul.u32 $0x5000, s14  }
0x8: {  	s8 =	sadd.s32 $0x5DA00, s0;
	s13 =	sadd.s32 $0x3000, s0;
	s22 =	smul.u32 $0xA00, s14  }
0x9: {  	s18 =	sshll.u32 s14, $0x6;
	_ =	strace $0x80000050;
	s7 =	smul.u32 $0x140000, s5  }
0xa: {  	s10 =	ssub.s32 $0x2, s5;
	s5 =	smul.u32 $0x50000, s5;
	s16 =	sor.u32 $0x1C05, s18  }
0xb: {  	s11 =	sshrl.u32 s10, $0x1;
	s9 =	sshrl.u32 s9, $0x2;
	s20 =	sshrl.u32 s12, $0x3  }
0xc: {  	[dreg:$0x6] =	wrdreg s16;
	s7 =	sadd.s32 s6, s7;
	s15 =	ssub.s32 s10, s11  }
0xd: {  	s6 =	sshrl.u32 s6, $0x3;
	s5 =	sadd.s32 s12, s5;
	s9 =	sadd.s32 s9, s2  }
0xe: {  	s10 =	simm.s32 $0xE80;
	s11 =	simm.s32 $0x780;
	s12 =	simm.s32 $0xF80  }
0xf: {  	s7 =	sshrl.u32 s7, $0x3;
	s1 =	sadd.s32 s1, s6;
	s17 =	sshrl.u32 s5, $0x3  }
0x10: {  	s23 =	smax.u32 s15, $0x1;
	s24 =	sor.u32 $0x800, s5;
	s5 =	sor.u32 $0xC00, s5  }
0x11: {  	s18 =	sshrl.u32 s9, $0x3;
	s9 =	simm.s32 $0x700;
	s6 =	simm.s32 $0xF00  }
0x12: {  	s0 =	sadd.s32 s7, s0;
	[dreg:$0x4] =	wrdreg s1;
	s19 =	sadd.s32 s8, s17  }
0x13: {  	s1 =	sadd.s32 s13, s20;
	[dreg:$0xb] =	wrdreg s23;
	s13 =	sadd.s32 s22, s13  }
0x14: {  	s25 =	sshrl.u32 s24, $0x3;
	s26 =	sshrl.u32 s5, $0x3;
	s17 =	simm.s32 $0x5  }
0x15: {  	s20 =	simm.s32 $0xC00;
	s22 =	simm.s32 $0x80;
	s23 =	simm.s32 $0x1000  }
0x16: {  	s24 =	simm.s32 $0x5000;
	s7 =	simm.s32 $0x2;
	[dreg:$0xc] =	wrdreg s18  }
0x17: {  	s5 =	simm.s32 $0xE00;
	[dreg:$0x5] =	wrdreg s19;
	s21 =	sadd.s32 $0x80, s19  }
.Ltmp0:
0x18: {  	[dreg:$0x7] =	wrdreg s1;
	s1 =	sadd.s32 $0x80, s1;
	(pc) =	sbr.rel .LBB2_1-.Ltmp0, $4  }
0x19: {  	s0 =	sadd.s32 $0x99A00, s0;
	s14 =	sadd.s32 s25, s8;
	[dreg:$0x8] =	wrdreg s21  }
0x1a: {  	s15 =	sadd.s32 s26, s8;
	s19 =	simm.s32 $0x400;
	[dreg:$0x9] =	wrdreg s1  }
0x1b: {  	s25 =	simm.s32 $0x3;
	s26 =	simm.s32 $0x0;
	[dreg:$0xa] =	wrdreg s0  }
0x1c: {  	s21 =	simm.s32 $0x1;
	s0 =	simm.s32 $0xD80;
	s1 =	simm.s32 $0x680  }
.LBB2_4:
0x1d: {  	[bflag:$0x0] =	sbarrier.arrive $0xFFFF  }
0x1e: {  	s16 =	rddreg [dreg:$0x6]  }
0x1f: {  	s8 =	rddreg [dreg:$0xa]  }
0x20: {  	s18 =	rddreg [dreg:$0xc]  }
0x21: {  	[hbm:s8], [sflag:s16] =	dma.local [spmem:s18], $0x2800  }
0x22: {  	_ =	swait.ge [sflag:s17], $0x2800  }
0x23: {  	s26 =	rddreg [dreg:$0xd]  }
0x24: {  	s8 =	rddreg [dreg:$0xb];
	s26 =	sadd.s32 $0x1, s26  }
0x25: {  	p0 =	sne.s32 s26, s8  }
.Ltmp1:
0x26: {  	_ = 	snop;
	(pc) =	sbr.rel @!p0 .LBB2_5-.Ltmp1, $3  }
0x27: {  	_ =	sdelay $0x1  }
0x28: {  	[sflag:s17] =	ssyncset.done $0x0  }
0x29: {  	[sflag:s17] =	ssyncadd.s32 $0xFFFFD800  }
.LBB2_1:
0x2a: {  	[dreg:$0xd] =	wrdreg s26  }
0x2b: {  	s8 =	rddreg [dreg:$0x4]  }
0x2c: {  	[spmem:s18], [sflag:s16] =	dma.local [hbm:s8], $0x2800  }
0x2d: {  	_ =	swait.ge [sflag:s17], $0x2800  }
0x2e: {  	[sflag:s17] =	ssyncset.done $0x0  }
0x2f: {  	s16 =	rddreg [dreg:$0x5];
	[sflag:s17] =	ssyncadd.s32 $0xFFFFD800  }
0x30: {  	[tilespmem:s3], [sflag:$0x1] =	stream.linear.gather [hbm4b:s16+s3], $0x400, $0x38;
	[tilespmem:$0x1D000] =	vst v63  }
0x31: {  	s26 =	simm.s32 $0x800;
	s18 =	rddreg [dreg:$0x7]  }
0x32: {  	[tilespmem:s26], [sflag:$0x1] =	stream.linear.gather [hbm4b:s18+s3], $0x400, $0x38;
	[tilespmem:$0x1D000] =	vst v63  }
0x33: {  	s18 =	rddreg [dreg:$0x8]  }
0x34: {  	[tilespmem:s19], [sflag:$0x2] =	stream.linear.gather [hbm4b:s18+s3], $0x400, $0x38;
	[tilespmem:$0x1D000] =	vst v63  }
0x35: {  	s26 =	rddreg [dreg:$0x9]  }
0x36: {  	[tilespmem:s20], [sflag:$0x2] =	stream.linear.gather [hbm4b:s26+s3], $0x400, $0x38;
	[tilespmem:$0x1D000] =	vst v63  }
0x37: {  	s8 =	simm.s32 $0x0;
	[bflag:$0x0] =	sbarrier.arrive $0xFFFF  }
.LBB2_2:
0x38: {  	_ =	swait.ge [sflag:s21], $0x400  }
0x39: {  	[sflag:s21] =	ssyncset.done $0x0  }
0x3a: {  	[sflag:s21] =	ssyncadd.s32 $0xFFFFFC00  }
0x3b: {  	_ =	swait.ge [sflag:s21], $0x400  }
0x3c: {  	[sflag:s21] =	ssyncset.done $0x0  }
0x3d: {  	[sflag:s21] =	ssyncadd.s32 $0xFFFFFC00  }
0x3e: {  	[tilespmem:s23], [sflag:$0x3] =	stream.indirect.gather [hbm4b:s4+s22], $0x80, s3, s22, $0xb8;
	[tilespmem:$0x1D000] =	vst v63  }
0x3f: {  	_ = 	snop  }
0x40: {  	[tilespmem:s24], [sflag:$0x4] =	stream.indirect.gather [hbm4b:s4+s22], $0x80, s22, s22, $0xb8;
	[tilespmem:$0x1D000] =	vst v63  }
0x41: {  	_ =	swait.ge [sflag:s25], $0x4000  }
0x42: {  	[sflag:s25] =	ssyncset.done $0x0  }
0x43: {  	s16 =	simm.s32 $0x800;
	[sflag:s25] =	ssyncadd.s32 $0xFFFFC000  }
0x44: {  	[spmem:s2] =	stream.indirect.scatter.add.f32 [tilespmem:s23], [sflag:$0x5], $0x80, s16, s22, $0xb8;
	[tilespmem:$0x1D000] =	vst v63  }
0x45: {  	_ =	swait.ge [sflag:s17], $0x4000  }
0x46: {  	[sflag:s17] =	ssyncset.done $0x0  }
0x47: {  	s18 =	simm.s32 $0x100;
	[sflag:s17] =	ssyncadd.s32 $0xFFFFC000  }
0x48: {  	[tilespmem:s23], [sflag:$0x3] =	stream.indirect.gather [hbm4b:s4+s22], $0x80, s18, s22, $0xb8;
	[tilespmem:$0x1D000] =	vst v63  }
0x49: {  	_ =	swait.ge [sflag:s28], $0x4000  }
0x4a: {  	[sflag:s28] =	ssyncset.done $0x0  }
0x4b: {  	s26 =	simm.s32 $0x880;
	[sflag:s28] =	ssyncadd.s32 $0xFFFFC000  }
0x4c: {  	[spmem:s2] =	stream.indirect.scatter.add.f32 [tilespmem:s24], [sflag:$0x5], $0x80, s26, s22, $0xb8;
	[tilespmem:$0x1D000] =	vst v63  }
0x4d: {  	_ =	swait.ge [sflag:s17], $0x4000  }
0x4e: {  	[sflag:s17] =	ssyncset.done $0x0  }
0x4f: {  	s18 =	simm.s32 $0x180;
	[sflag:s17] =	ssyncadd.s32 $0xFFFFC000  }
0x50: {  	[tilespmem:s24], [sflag:$0x4] =	stream.indirect.gather [hbm4b:s4+s22], $0x80, s18, s22, $0xb8;
	[tilespmem:$0x1D000] =	vst v63  }
0x51: {  	_ =	swait.ge [sflag:s25], $0x4000  }
0x52: {  	[sflag:s25] =	ssyncset.done $0x0  }
0x53: {  	s26 =	simm.s32 $0x900;
	[sflag:s25] =	ssyncadd.s32 $0xFFFFC000  }
0x54: {  	[spmem:s2] =	stream.indirect.scatter.add.f32 [tilespmem:s23], [sflag:$0x5], $0x80, s26, s22, $0xb8;
	[tilespmem:$0x1D000] =	vst v63  }
0x55: {  	_ =	swait.ge [sflag:s17], $0x4000  }
0x56: {  	[sflag:s17] =	ssyncset.done $0x0  }
0x57: {  	s18 =	simm.s32 $0x200;
	[sflag:s17] =	ssyncadd.s32 $0xFFFFC000  }
0x58: {  	[tilespmem:s23], [sflag:$0x3] =	stream.indirect.gather [hbm4b:s4+s22], $0x80, s18, s22, $0xb8;
	[tilespmem:$0x1D000] =	vst v63  }
0x59: {  	_ =	swait.ge [sflag:s28], $0x4000  }
0x5a: {  	[sflag:s28] =	ssyncset.done $0x0  }
0x5b: {  	s26 =	simm.s32 $0x980;
	[sflag:s28] =	ssyncadd.s32 $0xFFFFC000  }
0x5c: {  	[spmem:s2] =	stream.indirect.scatter.add.f32 [tilespmem:s24], [sflag:$0x5], $0x80, s26, s22, $0xb8;
	[tilespmem:$0x1D000] =	vst v63  }
0x5d: {  	_ =	swait.ge [sflag:s17], $0x4000  }
0x5e: {  	[sflag:s17] =	ssyncset.done $0x0  }
0x5f: {  	s18 =	simm.s32 $0x280;
	[sflag:s17] =	ssyncadd.s32 $0xFFFFC000  }
0x60: {  	[tilespmem:s24], [sflag:$0x4] =	stream.indirect.gather [hbm4b:s4+s22], $0x80, s18, s22, $0xb8;
	[tilespmem:$0x1D000] =	vst v63  }
0x61: {  	_ =	swait.ge [sflag:s25], $0x4000  }
0x62: {  	[sflag:s25] =	ssyncset.done $0x0  }
0x63: {  	s26 =	simm.s32 $0xA00;
	[sflag:s25] =	ssyncadd.s32 $0xFFFFC000  }
0x64: {  	[spmem:s2] =	stream.indirect.scatter.add.f32 [tilespmem:s23], [sflag:$0x5], $0x80, s26, s22, $0xb8;
	[tilespmem:$0x1D000] =	vst v63  }
0x65: {  	_ =	swait.ge [sflag:s17], $0x4000  }
0x66: {  	[sflag:s17] =	ssyncset.done $0x0  }
0x67: {  	s18 =	simm.s32 $0x300;
	[sflag:s17] =	ssyncadd.s32 $0xFFFFC000  }
0x68: {  	[tilespmem:s23], [sflag:$0x3] =	stream.indirect.gather [hbm4b:s4+s22], $0x80, s18, s22, $0xb8;
	[tilespmem:$0x1D000] =	vst v63  }
0x69: {  	_ =	swait.ge [sflag:s28], $0x4000  }
0x6a: {  	[sflag:s28] =	ssyncset.done $0x0  }
0x6b: {  	s26 =	simm.s32 $0xA80;
	[sflag:s28] =	ssyncadd.s32 $0xFFFFC000  }
0x6c: {  	[spmem:s2] =	stream.indirect.scatter.add.f32 [tilespmem:s24], [sflag:$0x5], $0x80, s26, s22, $0xb8;
	[tilespmem:$0x1D000] =	vst v63  }
0x6d: {  	_ =	swait.ge [sflag:s17], $0x4000  }
0x6e: {  	[sflag:s17] =	ssyncset.done $0x0  }
0x6f: {  	s18 =	simm.s32 $0x380;
	[sflag:s17] =	ssyncadd.s32 $0xFFFFC000  }
0x70: {  	[tilespmem:s24], [sflag:$0x4] =	stream.indirect.gather [hbm4b:s4+s22], $0x80, s18, s22, $0xb8;
	[tilespmem:$0x1D000] =	vst v63  }
0x71: {  	_ =	swait.ge [sflag:s25], $0x4000  }
0x72: {  	[sflag:s25] =	ssyncset.done $0x0  }
0x73: {  	s26 =	simm.s32 $0xB00;
	[sflag:s25] =	ssyncadd.s32 $0xFFFFC000  }
0x74: {  	[spmem:s2] =	stream.indirect.scatter.add.f32 [tilespmem:s23], [sflag:$0x5], $0x80, s26, s22, $0xb8;
	[tilespmem:$0x1D000] =	vst v63  }
0x75: {  	_ =	swait.ge [sflag:s17], $0x4000  }
0x76: {  	[sflag:s17] =	ssyncset.done $0x0  }
0x77: {  	[sflag:s17] =	ssyncadd.s32 $0xFFFFC000  }
0x78: {  	_ =	swait.ge [sflag:s28], $0x4000  }
0x79: {  	[sflag:s28] =	ssyncset.done $0x0  }
0x7a: {  	s18 =	simm.s32 $0xB80;
	[sflag:s28] =	ssyncadd.s32 $0xFFFFC000  }
0x7b: {  	[spmem:s2] =	stream.indirect.scatter.add.f32 [tilespmem:s24], [sflag:$0x5], $0x80, s18, s22, $0xb8;
	[tilespmem:$0x1D000] =	vst v63  }
0x7c: {  	_ =	swait.ge [sflag:s17], $0x4000  }
0x7d: {  	p0 =	seq.s32 s8, $0x900;
	[sflag:s17] =	ssyncset.done $0x0  }
0x7e: {  	s16 =	sadd.s32 @!p0 s8, s14;
	s18 =	simm.s32 @!p0 $0x0;
	[sflag:s17] =	ssyncadd.s32 $0xFFFFC000  }
0x7f: {  	[tilespmem:s18], [sflag:$0x1] =	stream.linear.gather @!p0 [hbm4b:s16+s18], $0x400, $0x38;
	[tilespmem:$0x1D000] =	vst v63  }
0x80: {  	s16 =	sadd.s32 @!p0 s8, s13  }
0x81: {  	s26 =	simm.s32 @!p0 $0x800;
	s16 =	sadd.s32 @!p0 $0x100, s16  }
0x82: {  	[tilespmem:s26], [sflag:$0x1] =	stream.linear.gather @!p0 [hbm4b:s16+s18], $0x400, $0x38;
	[tilespmem:$0x1D000] =	vst v63  }
0x83: {  	_ =	swait.ge [sflag:s7], $0x400  }
0x84: {  	[sflag:s7] =	ssyncset.done $0x0  }
0x85: {  	[sflag:s7] =	ssyncadd.s32 $0xFFFFFC00  }
0x86: {  	_ =	swait.ge [sflag:s7], $0x400  }
0x87: {  	[sflag:s7] =	ssyncset.done $0x0  }
0x88: {  	[sflag:s7] =	ssyncadd.s32 $0xFFFFFC00  }
0x89: {  	[tilespmem:s23], [sflag:$0x3] =	stream.indirect.gather [hbm4b:s4+s22], $0x80, s19, s22, $0xb8;
	[tilespmem:$0x1D000] =	vst v63  }
0x8a: {  	s26 =	simm.s32 $0x480  }
0x8b: {  	[tilespmem:s24], [sflag:$0x4] =	stream.indirect.gather [hbm4b:s4+s22], $0x80, s26, s22, $0xb8;
	[tilespmem:$0x1D000] =	vst v63  }
0x8c: {  	_ =	swait.ge [sflag:s25], $0x4000  }
0x8d: {  	[sflag:s25] =	ssyncset.done $0x0  }
0x8e: {  	[sflag:s25] =	ssyncadd.s32 $0xFFFFC000  }
0x8f: {  	[spmem:s2] =	stream.indirect.scatter.add.f32 [tilespmem:s23], [sflag:$0x5], $0x80, s20, s22, $0xb8;
	[tilespmem:$0x1D000] =	vst v63  }
0x90: {  	_ =	swait.ge [sflag:s17], $0x4000  }
0x91: {  	[sflag:s17] =	ssyncset.done $0x0  }
0x92: {  	s18 =	simm.s32 $0x500;
	[sflag:s17] =	ssyncadd.s32 $0xFFFFC000  }
0x93: {  	[tilespmem:s23], [sflag:$0x3] =	stream.indirect.gather [hbm4b:s4+s22], $0x80, s18, s22, $0xb8;
	[tilespmem:$0x1D000] =	vst v63  }
0x94: {  	_ =	swait.ge [sflag:s28], $0x4000  }
0x95: {  	[sflag:s28] =	ssyncset.done $0x0  }
0x96: {  	s26 =	simm.s32 $0xC80;
	[sflag:s28] =	ssyncadd.s32 $0xFFFFC000  }
0x97: {  	[spmem:s2] =	stream.indirect.scatter.add.f32 [tilespmem:s24], [sflag:$0x5], $0x80, s26, s22, $0xb8;
	[tilespmem:$0x1D000] =	vst v63  }
0x98: {  	_ =	swait.ge [sflag:s17], $0x4000  }
0x99: {  	[sflag:s17] =	ssyncset.done $0x0  }
0x9a: {  	[sflag:s17] =	ssyncadd.s32 $0xFFFFC000  }
0x9b: {  	[tilespmem:s24], [sflag:$0x4] =	stream.indirect.gather [hbm4b:s4+s22], $0x80, s29, s22, $0xb8;
	[tilespmem:$0x1D000] =	vst v63  }
0x9c: {  	_ =	swait.ge [sflag:s25], $0x4000  }
0x9d: {  	[sflag:s25] =	ssyncset.done $0x0  }
0x9e: {  	[sflag:s25] =	ssyncadd.s32 $0xFFFFC000  }
0x9f: {  	[spmem:s2] =	stream.indirect.scatter.add.f32 [tilespmem:s23], [sflag:$0x5], $0x80, s30, s22, $0xb8;
	[tilespmem:$0x1D000] =	vst v63  }
0xa0: {  	_ =	swait.ge [sflag:s17], $0x4000  }
0xa1: {  	[sflag:s17] =	ssyncset.done $0x0  }
0xa2: {  	[sflag:s17] =	ssyncadd.s32 $0xFFFFC000  }
0xa3: {  	[tilespmem:s23], [sflag:$0x3] =	stream.indirect.gather [hbm4b:s4+s22], $0x80, s31, s22, $0xb8;
	[tilespmem:$0x1D000] =	vst v63  }
0xa4: {  	_ =	swait.ge [sflag:s28], $0x4000  }
0xa5: {  	[sflag:s28] =	ssyncset.done $0x0  }
0xa6: {  	[sflag:s28] =	ssyncadd.s32 $0xFFFFC000  }
0xa7: {  	[spmem:s2] =	stream.indirect.scatter.add.f32 [tilespmem:s24], [sflag:$0x5], $0x80, s0, s22, $0xb8;
	[tilespmem:$0x1D000] =	vst v63  }
0xa8: {  	_ =	swait.ge [sflag:s17], $0x4000  }
0xa9: {  	[sflag:s17] =	ssyncset.done $0x0  }
0xaa: {  	[sflag:s17] =	ssyncadd.s32 $0xFFFFC000  }
0xab: {  	[tilespmem:s24], [sflag:$0x4] =	stream.indirect.gather [hbm4b:s4+s22], $0x80, s1, s22, $0xb8;
	[tilespmem:$0x1D000] =	vst v63  }
0xac: {  	_ =	swait.ge [sflag:s25], $0x4000  }
0xad: {  	[sflag:s25] =	ssyncset.done $0x0  }
0xae: {  	[sflag:s25] =	ssyncadd.s32 $0xFFFFC000  }
0xaf: {  	[spmem:s2] =	stream.indirect.scatter.add.f32 [tilespmem:s23], [sflag:$0x5], $0x80, s5, s22, $0xb8;
	[tilespmem:$0x1D000] =	vst v63  }
0xb0: {  	_ =	swait.ge [sflag:s17], $0x4000  }
0xb1: {  	[sflag:s17] =	ssyncset.done $0x0  }
0xb2: {  	[sflag:s17] =	ssyncadd.s32 $0xFFFFC000  }
0xb3: {  	[tilespmem:s23], [sflag:$0x3] =	stream.indirect.gather [hbm4b:s4+s22], $0x80, s9, s22, $0xb8;
	[tilespmem:$0x1D000] =	vst v63  }
0xb4: {  	_ =	swait.ge [sflag:s28], $0x4000  }
0xb5: {  	[sflag:s28] =	ssyncset.done $0x0  }
0xb6: {  	[sflag:s28] =	ssyncadd.s32 $0xFFFFC000  }
0xb7: {  	[spmem:s2] =	stream.indirect.scatter.add.f32 [tilespmem:s24], [sflag:$0x5], $0x80, s10, s22, $0xb8;
	[tilespmem:$0x1D000] =	vst v63  }
0xb8: {  	_ =	swait.ge [sflag:s17], $0x4000  }
0xb9: {  	[sflag:s17] =	ssyncset.done $0x0  }
0xba: {  	[sflag:s17] =	ssyncadd.s32 $0xFFFFC000  }
0xbb: {  	[tilespmem:s24], [sflag:$0x4] =	stream.indirect.gather [hbm4b:s4+s22], $0x80, s11, s22, $0xb8;
	[tilespmem:$0x1D000] =	vst v63  }
0xbc: {  	_ =	swait.ge [sflag:s25], $0x4000  }
0xbd: {  	[sflag:s25] =	ssyncset.done $0x0  }
0xbe: {  	[sflag:s25] =	ssyncadd.s32 $0xFFFFC000  }
0xbf: {  	[spmem:s2] =	stream.indirect.scatter.add.f32 [tilespmem:s23], [sflag:$0x5], $0x80, s6, s22, $0xb8;
	[tilespmem:$0x1D000] =	vst v63  }
0xc0: {  	_ =	swait.ge [sflag:s17], $0x4000  }
0xc1: {  	[sflag:s17] =	ssyncset.done $0x0  }
0xc2: {  	[sflag:s17] =	ssyncadd.s32 $0xFFFFC000  }
0xc3: {  	_ =	swait.ge [sflag:s28], $0x4000  }
0xc4: {  	[sflag:s28] =	ssyncset.done $0x0  }
.Ltmp2:
0xc5: {  	[sflag:s28] =	ssyncadd.s32 $0xFFFFC000;
	(pc) =	sbr.rel @p0 .LBB2_4-.Ltmp2, $4  }
0xc6: {  	[spmem:s2] =	stream.indirect.scatter.add.f32 [tilespmem:s24], [sflag:$0x5], $0x80, s12, s22, $0xb8;
	[tilespmem:$0x1D000] =	vst v63  }
0xc7: {  	_ =	swait.ge [sflag:s17], $0x4000  }
0xc8: {  	[sflag:s17] =	ssyncset.done $0x0  }
0xc9: {  	[sflag:s17] =	ssyncadd.s32 $0xFFFFC000  }
.Ltmp3:
0xca: {  	(pc) =	sbr.rel .LBB2_2-.Ltmp3, $4  }
0xcb: {  	s16 =	sadd.s32 s8, s15;
	s26 =	sadd.s32 s8, s13  }
0xcc: {  	[tilespmem:s19], [sflag:$0x2] =	stream.linear.gather [hbm4b:s16+s3], $0x400, $0x38;
	[tilespmem:$0x1D000] =	vst v63  }
0xcd: {  	s8 =	sadd.s32 $0x100, s8;
	s16 =	sadd.s32 $0x180, s26  }
0xce: {  	[tilespmem:s20], [sflag:$0x2] =	stream.linear.gather [hbm4b:s16+s3], $0x400, $0x38;
	[tilespmem:$0x1D000] =	vst v63  }
.LBB2_5:
0xcf: {  	_ =	sfence.sel $0x180000  }
0xd0: {  	[bflag:$0x0] =	sbarrier.arrive $0xFFFF  }
0xd1: {  	_ =	strace $0x90000050  }
0xd2: {  	s0 =	stileid.u32;
	[bflag:$0x2] =	sbarrier.arrive $0xFFFF  }
0xd3: {  	p0 =	sne.s32 s0, $0x0;
	s0 =	rddreg [dreg:$0x3]  }
0xd4: {  	s0 =	sadd.s32 @!p0 $0x100000, s0  }
0xd5: {  	[sflag:s0] =	ssyncadd.tile.s32 @!p0 $0x1;
	_ =	shalt  }
.Lfunc_end2:
_tile_overlayer_lowered:
.L_overlay_start_2:
0xd6: {  	(tag) =	ssettag $0x2  }
0xd7: {  	s0 =	rddreg [dreg:$0x0];
	s2 =	stileid.u32  }
0xd8: {  	s1 =	rddreg [dreg:$0x1];
	p0 =	sne.s32 s2, $0x0  }
0xd9: {  	s3 =	rddreg [dreg:$0x2];
	[bflag:$0x3] =	sbarrier.arrive $0xFFFF;
	s2 =	simm.s32 @!p0 $0x1C05  }
0xda: {  	[timem:s3], [sflag:s2] =	dma.local @!p0 [hbm:s0], s1  }
0xdb: {  	s0 =	simm.s32 @!p0 $0x5  }
0xdc: {  	_ =	swait.ge @!p0 [sflag:s0], s1  }
0xdd: {  	s1 =	ssub.s32 @!p0 $0x0, s1;
	[sflag:s0] =	ssyncset.done @!p0 $0x0  }
0xde: {  	[sflag:s0] =	ssyncadd.s32 @!p0 s1  }
0xdf: {  	[bflag:$0x3] =	sbarrier.arrive $0xFFFF  }
0xe0: {  	_ =	shalt  }

</sc_bundles>
